<compile_context>
chip_gen: v7x
topology: tpu7x:2x2x1
jax: 0.10.2.dev20260603
libtpu: 0.0.44.dev20260713+nightly
codegen_flags: <defaults>
</compile_context>

<pallas_src>
import functools

import jax
import jax.numpy as jnp
import numpy as np
from jax import lax
from jax.experimental import pallas as pl
from jax.experimental.pallas import tpu as pltpu
from jax.experimental.pallas import tpu_sc as plsc

_NUM_WORKERS = 32
_CHUNK = 256
_K0 = 128
_BN = 4096
_SH = _BN.bit_length() - 1

def _tc_project_pack(tT, tail, ws2):
  H, V = tT.shape
  nblk = -(-V // (4 * _BN))
  vtail = V - (nblk - 1) * 4 * _BN
  hw = H // 2

  def body(t_ref, tail_ref, w_ref, o_ref):
    i = pl.program_id(0)

    def quarter(blk):
      t2 = lax.dot_general(blk, w_ref[...], (((0,), (0,)), ((), ())),
                           preferred_element_type=jnp.float32)
      lo_b = lax.bitcast_convert_type(
          t2[:, 0:32].astype(jnp.bfloat16), jnp.uint16).astype(jnp.int32)
      hi_b = lax.bitcast_convert_type(
          t2[:, 32:64].astype(jnp.bfloat16), jnp.uint16).astype(jnp.int32)
      return lax.bitcast_convert_type(lo_b | (hi_b << 16), jnp.float32)

    for q in range(4):
      o_ref[:, q * hw:(q + 1) * hw] = quarter(
          t_ref[:, q * _BN:(q + 1) * _BN])

    @pl.when(i == nblk - 1)
    def _():
      o_ref[0:vtail, 0:hw] = quarter(tail_ref[...])[_BN - vtail:_BN, :]

  return pl.pallas_call(
      body,
      grid=(nblk,),
      in_specs=[
          pl.BlockSpec((H, 4 * _BN), lambda i: (0, i)),
          pl.BlockSpec((H, _BN), lambda i: (0, 0)),
          pl.BlockSpec((H, H), lambda i: (0, 0)),
      ],
      out_specs=pl.BlockSpec((_BN, 2 * H), lambda i: (i, 0)),
      out_shape=jax.ShapeDtypeStruct((nblk * _BN, 2 * H), jnp.float32),
  )(tT, tail, ws2)


def _sc_gather_pool(x, t_lin, bias):
  B, L = x.shape
  _, HW = t_lin.shape
  H = 2 * HW
  bpw = B // _NUM_WORKERS
  n_chunks = bpw // _CHUNK
  k1 = L - _K0
  nw = HW // 16
  nc = H // 16
  nv = -(-L // 16)
  mesh = plsc.VectorSubcoreMesh(core_axis_name="c", subcore_axis_name="s")

  @functools.partial(
      pl.kernel,
      mesh=mesh,
      compiler_params=pltpu.CompilerParams(use_tc_tiling_on_sc=False,
                                           needs_layout_passes=False),
      out_type=jax.ShapeDtypeStruct((B, H), jnp.float32),
      scratch_types=[
          pltpu.VMEM((_CHUNK, L), jnp.int32),
          pltpu.VMEM((2, L), jnp.int32),
          pltpu.VMEM((2, L, HW), jnp.float32),
          pltpu.VMEM((_CHUNK, H), jnp.float32),
          pltpu.VMEM((H,), jnp.float32),
          pltpu.SemaphoreType.DMA,
          pltpu.SemaphoreType.DMA,
      ],
  )
  def sc_kernel(x_hbm, tab_hbm, b_hbm, out_hbm,
                idx_v, idx2_v, rows_v, acc_v, b_v, sem0, sem1):
    wid = lax.axis_index("s") * 2 + lax.axis_index("c")
    base = wid * bpw
    sems = (sem0, sem1)
    pltpu.sync_copy(b_hbm, b_v)
    bias_r = [b_v[pl.ds(c * 16, 16)] for c in range(nc)]
    himask = jnp.int32(-65536)

    def fire(g, slot):
      for v in range(nv):
        s = min(v * 16, L - 16)
        r = idx_v[g, pl.ds(s, 16)]
        j = ((r & ~jnp.int32(4 * _BN - 1))
             | ((r & jnp.int32(_BN - 1)) << 2)
             | ((r >> _SH) & jnp.int32(3)))
        idx2_v[slot, pl.ds(s, 16)] = j
      pltpu.async_copy(tab_hbm.at[idx2_v.at[slot, pl.ds(0, _K0)]],
                       rows_v.at[slot, pl.ds(0, _K0)], sems[slot])
      pltpu.async_copy(tab_hbm.at[idx2_v.at[slot, pl.ds(_K0, k1)]],
                       rows_v.at[slot, pl.ds(_K0, k1)], sems[slot])

    def drain(slot):
      pltpu.make_async_copy(tab_hbm.at[idx2_v.at[slot, pl.ds(0, _K0)]],
                            rows_v.at[slot, pl.ds(0, _K0)], sems[slot]).wait()
      pltpu.make_async_copy(tab_hbm.at[idx2_v.at[slot, pl.ds(_K0, k1)]],
                            rows_v.at[slot, pl.ds(_K0, k1)], sems[slot]).wait()

    for ch in range(n_chunks):
      cbase = base + ch * _CHUNK
      pltpu.sync_copy(x_hbm.at[pl.ds(cbase, _CHUNK)], idx_v)
      fire(0, 0)
      fire(1, 1)

      @pl.loop(0, _CHUNK, step=2)
      def _pair(g2):
        for slot in range(2):
          g = g2 + slot
          drain(slot)

          def body(gi, accs):
            rbase = gi * 8
            zb = jnp.zeros((2 * 16,), jnp.bfloat16)
            grp = [zb] * nw
            for t in range(8):
              for w in range(nw):
                grp[w] = grp[w] + plsc.bitcast(
                    rows_v[slot, rbase + t, pl.ds(w * 16, 16)],
                    jnp.bfloat16)
            accs = list(accs)
            for w in range(nw):
              word = plsc.bitcast(grp[w], jnp.int32)
              accs[w] = accs[w] + plsc.bitcast(word << 16, jnp.float32)
              accs[2 + w] = accs[2 + w] + plsc.bitcast(word & himask,
                                                       jnp.float32)
            return tuple(accs)

          accs = lax.fori_loop(0, L // 8, body, tuple(bias_r), unroll=2)
          for c in range(nc):
            acc_v[g, pl.ds(c * 16, 16)] = accs[c]

          @pl.when(g + 2 < _CHUNK)
          def _():
            fire(g + 2, slot)

      pltpu.sync_copy(acc_v, out_hbm.at[pl.ds(cbase, _CHUNK)])

  return sc_kernel(x, t_lin, bias)


def kernel(x, table, W, b):
  B, L = x.shape
  V, H = table.shape
  tT = table.T
  tail = lax.slice(tT, (0, V - _BN), (H, V))
  ws2 = W.T * (1.0 / L)
  packed = _tc_project_pack(tT, tail, ws2)
  t_lin = packed.reshape(-1, H // 2)
  return _sc_gather_pool(x.astype(jnp.int32), t_lin, b)

# --- scband reference (transcript-rebuilt; emitter-appended) ---
"""Pipeline reference for scband-framed-input-31293131719224 (READ-ONLY COPY).

The authoritative reference and input builder live on the scoring server;
editing this copy changes nothing except your own understanding.
"""

import jax, jax.numpy as jnp
import numpy as np

B = 16384
L = 200
VOCAB = 1000000
HID = 64

def setup_inputs(seed: int = 0) -> dict:
    key = jax.random.key(seed)
    k1, k2, k3 = jax.random.split(key, 3)
    x = jax.random.randint(k1, (B, L), 0, VOCAB, dtype=jnp.int64) if jax.config.jax_enable_x64 else jax.random.randint(k1, (B, L), 0, VOCAB, dtype=jnp.int32)
    # EmbeddingBag weight table
    table = jax.random.normal(k2, (VOCAB, HID), dtype=jnp.float32) * 0.02
    # Linear layer params (hidden_dim -> hidden_dim)
    kW, kb = jax.random.split(k3)
    W = jax.random.normal(kW, (HID, HID), dtype=jnp.float32) * 0.05
    b = jnp.zeros((HID,), dtype=jnp.float32)
    return {"x": x, "table": table, "W": W, "b": b}

def reference(x, table, W, b):
    # nn.EmbeddingBag with 2D input: each row is a bag; default mode='mean'
    emb = jnp.take(table, x, axis=0)          # [B, L, HID] gather
    bag = jnp.mean(emb, axis=1)               # [B, HID] mean-pool per bag
    # nn.Linear(hidden_dim, hidden_dim)
    out = bag @ W.T + b                       # [B, HID]
    return out

if __name__ == "__main__":
    import jax
    _d = setup_inputs()
    print(jax.jit(kernel)(*tuple(_d.values())))

</pallas_src>

<mosaic_0001>
#map = affine_map<(d0, d1) -> (0, 0)>
#map1 = affine_map<(d0, d1) -> (0)>
module attributes {stable_mosaic.version = 14 : i64} {
  func.func @sc_kernel(%arg0: i32, %arg1: i32, %arg2: memref<16384x200xi32, #tpu.memory_space<hbm>>, %arg3: memref<1015808x32xf32, #tpu.memory_space<hbm>>, %arg4: memref<64xf32, #tpu.memory_space<hbm>>, %arg5: memref<16384x64xf32, #tpu.memory_space<hbm>>, %arg6: memref<256x200xi32, #tpu.memory_space<vmem>>, %arg7: memref<2x200xi32, #tpu.memory_space<vmem>>, %arg8: memref<2x200x32xf32, #tpu.memory_space<vmem>>, %arg9: memref<256x64xf32, #tpu.memory_space<vmem>>, %arg10: memref<64xf32, #tpu.memory_space<vmem>>, %arg11: memref<!tpu.dma_semaphore, #tpu.memory_space<semaphore_mem>>, %arg12: memref<!tpu.dma_semaphore, #tpu.memory_space<semaphore_mem>>) attributes {dimension_semantics = [#tpu.dimension_semantics<core_parallel>, #tpu.dimension_semantics<subcore_parallel>], iteration_bounds = array<i64: 2, 16>, scalar_prefetch = 0 : i64, scratch_operands = 7 : i64, tpu.core_type = #tpu.core_type<sc_vector_subcore>, window_params = [{transform_indices = #map}, {transform_indices = #map}, {transform_indices = #map1}, {transform_indices = #map}]} {
    %mul3A = arith.constant 2 : i32
    %mul3A_0 = arith.muli %arg1, %mul3A : i32
    %add3A = arith.addi %mul3A_0, %arg0 : i32
    %mul3A_1 = arith.constant 512 : i32
    %mul3A_2 = arith.muli %add3A, %mul3A_1 : i32
    "tpu.region"() ({
      %run_scoped3A = tpu.sem_alloc : memref<!tpu.dma_semaphore, #tpu.memory_space<semaphore_mem>>
      tpu.enqueue_dma source(%arg4 : memref<64xf32, #tpu.memory_space<hbm>>) target(%arg10 : memref<64xf32, #tpu.memory_space<vmem>>) target_semaphore(%run_scoped3A : memref<!tpu.dma_semaphore, #tpu.memory_space<semaphore_mem>>)
      tpu.wait_dma2 semaphore(%run_scoped3A : memref<!tpu.dma_semaphore, #tpu.memory_space<semaphore_mem>>) src(%arg4 : memref<64xf32, #tpu.memory_space<hbm>>) dst(%arg10 : memref<64xf32, #tpu.memory_space<vmem>>)
      tpu.yield
    }) : () -> ()
    %get3A = arith.constant 0 : index
    %get3A_3 = tpu.vector_load %arg10[%get3A] {strides = array<i32>} : memref<64xf32, #tpu.memory_space<vmem>>, vector<16xf32>,
    %get3A_4 = arith.constant 16 : index
    %get3A_5 = tpu.vector_load %arg10[%get3A_4] {strides = array<i32>} : memref<64xf32, #tpu.memory_space<vmem>>, vector<16xf32>,
    %get3A_6 = arith.constant 32 : index
    %get3A_7 = tpu.vector_load %arg10[%get3A_6] {strides = array<i32>} : memref<64xf32, #tpu.memory_space<vmem>>, vector<16xf32>,
    %get3A_8 = arith.constant 48 : index
    %get3A_9 = tpu.vector_load %arg10[%get3A_8] {strides = array<i32>} : memref<64xf32, #tpu.memory_space<vmem>>, vector<16xf32>,
    %add3A_10 = arith.constant 0 : i32
    %add3A_11 = arith.addi %mul3A_2, %add3A_10 : i32
    "tpu.region"() ({
      %run_scoped3A = tpu.sem_alloc : memref<!tpu.dma_semaphore, #tpu.memory_space<semaphore_mem>>
      %dma_start3A_1518 = arith.constant 0 : i32
      %dma_start3A_1519 = tpu.memref_slice %arg2[%add3A_11, %dma_start3A_1518] : memref<16384x200xi32, #tpu.memory_space<hbm>> -> memref<256x200xi32, #tpu.memory_space<hbm>>
      %dma_start3A_1520 = arith.constant 0 : i32
      %dma_start3A_1521 = tpu.memref_slice %arg2[%add3A_11, %dma_start3A_1520] : memref<16384x200xi32, #tpu.memory_space<hbm>> -> memref<256x200xi32, #tpu.memory_space<hbm>>
      tpu.enqueue_dma source(%dma_start3A_1521 : memref<256x200xi32, #tpu.memory_space<hbm>>) target(%arg6 : memref<256x200xi32, #tpu.memory_space<vmem>>) target_semaphore(%run_scoped3A : memref<!tpu.dma_semaphore, #tpu.memory_space<semaphore_mem>>)
      %dma_wait3A = arith.constant 0 : i32
      %dma_wait3A_1522 = tpu.memref_slice %arg2[%add3A_11, %dma_wait3A] : memref<16384x200xi32, #tpu.memory_space<hbm>> -> memref<256x200xi32, #tpu.memory_space<hbm>>
      %dma_wait3A_1523 = arith.constant 0 : i32
      %dma_wait3A_1524 = tpu.memref_slice %arg2[%add3A_11, %dma_wait3A_1523] : memref<16384x200xi32, #tpu.memory_space<hbm>> -> memref<256x200xi32, #tpu.memory_space<hbm>>
      tpu.wait_dma2 semaphore(%run_scoped3A : memref<!tpu.dma_semaphore, #tpu.memory_space<semaphore_mem>>) src(%dma_wait3A_1524 : memref<256x200xi32, #tpu.memory_space<hbm>>) dst(%arg6 : memref<256x200xi32, #tpu.memory_space<vmem>>)
      tpu.yield
    }) : () -> ()
    %get3A_12 = arith.constant 0 : i32
    %get3A_13 = arith.index_cast %get3A_12 : i32 to index
    %get3A_14 = arith.constant 0 : index
    %get3A_15 = tpu.vector_load %arg6[%get3A_13, %get3A_14] {strides = array<i32>} : memref<256x200xi32, #tpu.memory_space<vmem>>, vector<16xi32>,
    %not3A = arith.constant 16383 : i32
    %not3A_16 = arith.constant -1 : i32
    %not3A_17 = arith.xori %not3A, %not3A_16 : i32
    %and3A = vector.broadcast %not3A_17 : i32 to vector<16xi32>
    %and3A_18 = arith.andi %get3A_15, %and3A : vector<16xi32>
    %and3A_19 = arith.constant 4095 : i32
    %and3A_20 = vector.broadcast %and3A_19 : i32 to vector<16xi32>
    %and3A_21 = arith.andi %get3A_15, %and3A_20 : vector<16xi32>
    %shift_left3A = arith.constant 2 : i32
    %shift_left3A_22 = vector.broadcast %shift_left3A : i32 to vector<16xi32>
    %shift_left3A_23 = arith.shli %and3A_21, %shift_left3A_22 : vector<16xi32>
    %or3A = arith.ori %and3A_18, %shift_left3A_23 : vector<16xi32>
    %shift_right_arithmetic3A = arith.constant 12 : i32
    %shift_right_arithmetic3A_24 = vector.broadcast %shift_right_arithmetic3A : i32 to vector<16xi32>
    %shift_right_arithmetic3A_25 = arith.shrsi %get3A_15, %shift_right_arithmetic3A_24 : vector<16xi32>
    %and3A_26 = arith.constant 3 : i32
    %and3A_27 = vector.broadcast %and3A_26 : i32 to vector<16xi32>
    %and3A_28 = arith.andi %shift_right_arithmetic3A_25, %and3A_27 : vector<16xi32>
    %or3A_29 = arith.ori %or3A, %and3A_28 : vector<16xi32>
    %swap3A = arith.constant 0 : i32
    %swap3A_30 = arith.index_cast %swap3A : i32 to index
    %swap3A_31 = arith.constant 0 : index
    %swap3A_32 = tpu.vector_load %arg7[%swap3A_30, %swap3A_31] {strides = array<i32>} : memref<2x200xi32, #tpu.memory_space<vmem>>, vector<16xi32>,
    tpu.vector_store %arg7[%swap3A_30, %swap3A_31], %or3A_29 {strides = array<i32>} : memref<2x200xi32, #tpu.memory_space<vmem>>, vector<16xi32>,
    %get3A_33 = arith.constant 0 : i32
    %get3A_34 = arith.index_cast %get3A_33 : i32 to index
    %get3A_35 = arith.constant 16 : index
    %get3A_36 = tpu.vector_load %arg6[%get3A_34, %get3A_35] {strides = array<i32>} : memref<256x200xi32, #tpu.memory_space<vmem>>, vector<16xi32>,
    %not3A_37 = arith.constant 16383 : i32
    %not3A_38 = arith.constant -1 : i32
    %not3A_39 = arith.xori %not3A_37, %not3A_38 : i32
    %and3A_40 = vector.broadcast %not3A_39 : i32 to vector<16xi32>
    %and3A_41 = arith.andi %get3A_36, %and3A_40 : vector<16xi32>
    %and3A_42 = arith.constant 4095 : i32
    %and3A_43 = vector.broadcast %and3A_42 : i32 to vector<16xi32>
    %and3A_44 = arith.andi %get3A_36, %and3A_43 : vector<16xi32>
    %shift_left3A_45 = arith.constant 2 : i32
    %shift_left3A_46 = vector.broadcast %shift_left3A_45 : i32 to vector<16xi32>
    %shift_left3A_47 = arith.shli %and3A_44, %shift_left3A_46 : vector<16xi32>
    %or3A_48 = arith.ori %and3A_41, %shift_left3A_47 : vector<16xi32>
    %shift_right_arithmetic3A_49 = arith.constant 12 : i32
    %shift_right_arithmetic3A_50 = vector.broadcast %shift_right_arithmetic3A_49 : i32 to vector<16xi32>
    %shift_right_arithmetic3A_51 = arith.shrsi %get3A_36, %shift_right_arithmetic3A_50 : vector<16xi32>
    %and3A_52 = arith.constant 3 : i32
    %and3A_53 = vector.broadcast %and3A_52 : i32 to vector<16xi32>
    %and3A_54 = arith.andi %shift_right_arithmetic3A_51, %and3A_53 : vector<16xi32>
    %or3A_55 = arith.ori %or3A_48, %and3A_54 : vector<16xi32>
    %swap3A_56 = arith.constant 0 : i32
    %swap3A_57 = arith.index_cast %swap3A_56 : i32 to index
    %swap3A_58 = arith.constant 16 : index
    %swap3A_59 = tpu.vector_load %arg7[%swap3A_57, %swap3A_58] {strides = array<i32>} : memref<2x200xi32, #tpu.memory_space<vmem>>, vector<16xi32>,
    tpu.vector_store %arg7[%swap3A_57, %swap3A_58], %or3A_55 {strides = array<i32>} : memref<2x200xi32, #tpu.memory_space<vmem>>, vector<16xi32>,
    %get3A_60 = arith.constant 0 : i32
    %get3A_61 = arith.index_cast %get3A_60 : i32 to index
    %get3A_62 = arith.constant 32 : index
    %get3A_63 = tpu.vector_load %arg6[%get3A_61, %get3A_62] {strides = array<i32>} : memref<256x200xi32, #tpu.memory_space<vmem>>, vector<16xi32>,
    %not3A_64 = arith.constant 16383 : i32
    %not3A_65 = arith.constant -1 : i32
    %not3A_66 = arith.xori %not3A_64, %not3A_65 : i32
    %and3A_67 = vector.broadcast %not3A_66 : i32 to vector<16xi32>
    %and3A_68 = arith.andi %get3A_63, %and3A_67 : vector<16xi32>
    %and3A_69 = arith.constant 4095 : i32
    %and3A_70 = vector.broadcast %and3A_69 : i32 to vector<16xi32>
    %and3A_71 = arith.andi %get3A_63, %and3A_70 : vector<16xi32>
    %shift_left3A_72 = arith.constant 2 : i32
    %shift_left3A_73 = vector.broadcast %shift_left3A_72 : i32 to vector<16xi32>
    %shift_left3A_74 = arith.shli %and3A_71, %shift_left3A_73 : vector<16xi32>
    %or3A_75 = arith.ori %and3A_68, %shift_left3A_74 : vector<16xi32>
    %shift_right_arithmetic3A_76 = arith.constant 12 : i32
    %shift_right_arithmetic3A_77 = vector.broadcast %shift_right_arithmetic3A_76 : i32 to vector<16xi32>
    %shift_right_arithmetic3A_78 = arith.shrsi %get3A_63, %shift_right_arithmetic3A_77 : vector<16xi32>
    %and3A_79 = arith.constant 3 : i32
    %and3A_80 = vector.broadcast %and3A_79 : i32 to vector<16xi32>
    %and3A_81 = arith.andi %shift_right_arithmetic3A_78, %and3A_80 : vector<16xi32>
    %or3A_82 = arith.ori %or3A_75, %and3A_81 : vector<16xi32>
    %swap3A_83 = arith.constant 0 : i32
    %swap3A_84 = arith.index_cast %swap3A_83 : i32 to index
    %swap3A_85 = arith.constant 32 : index
    %swap3A_86 = tpu.vector_load %arg7[%swap3A_84, %swap3A_85] {strides = array<i32>} : memref<2x200xi32, #tpu.memory_space<vmem>>, vector<16xi32>,
    tpu.vector_store %arg7[%swap3A_84, %swap3A_85], %or3A_82 {strides = array<i32>} : memref<2x200xi32, #tpu.memory_space<vmem>>, vector<16xi32>,
    %get3A_87 = arith.constant 0 : i32
    %get3A_88 = arith.index_cast %get3A_87 : i32 to index
    %get3A_89 = arith.constant 48 : index
    %get3A_90 = tpu.vector_load %arg6[%get3A_88, %get3A_89] {strides = array<i32>} : memref<256x200xi32, #tpu.memory_space<vmem>>, vector<16xi32>,
    %not3A_91 = arith.constant 16383 : i32
    %not3A_92 = arith.constant -1 : i32
    %not3A_93 = arith.xori %not3A_91, %not3A_92 : i32
    %and3A_94 = vector.broadcast %not3A_93 : i32 to vector<16xi32>
    %and3A_95 = arith.andi %get3A_90, %and3A_94 : vector<16xi32>
    %and3A_96 = arith.constant 4095 : i32
    %and3A_97 = vector.broadcast %and3A_96 : i32 to vector<16xi32>
    %and3A_98 = arith.andi %get3A_90, %and3A_97 : vector<16xi32>
    %shift_left3A_99 = arith.constant 2 : i32
    %shift_left3A_100 = vector.broadcast %shift_left3A_99 : i32 to vector<16xi32>
    %shift_left3A_101 = arith.shli %and3A_98, %shift_left3A_100 : vector<16xi32>
    %or3A_102 = arith.ori %and3A_95, %shift_left3A_101 : vector<16xi32>
    %shift_right_arithmetic3A_103 = arith.constant 12 : i32
    %shift_right_arithmetic3A_104 = vector.broadcast %shift_right_arithmetic3A_103 : i32 to vector<16xi32>
    %shift_right_arithmetic3A_105 = arith.shrsi %get3A_90, %shift_right_arithmetic3A_104 : vector<16xi32>
    %and3A_106 = arith.constant 3 : i32
    %and3A_107 = vector.broadcast %and3A_106 : i32 to vector<16xi32>
    %and3A_108 = arith.andi %shift_right_arithmetic3A_105, %and3A_107 : vector<16xi32>
    %or3A_109 = arith.ori %or3A_102, %and3A_108 : vector<16xi32>
    %swap3A_110 = arith.constant 0 : i32
    %swap3A_111 = arith.index_cast %swap3A_110 : i32 to index
    %swap3A_112 = arith.constant 48 : index
    %swap3A_113 = tpu.vector_load %arg7[%swap3A_111, %swap3A_112] {strides = array<i32>} : memref<2x200xi32, #tpu.memory_space<vmem>>, vector<16xi32>,
    tpu.vector_store %arg7[%swap3A_111, %swap3A_112], %or3A_109 {strides = array<i32>} : memref<2x200xi32, #tpu.memory_space<vmem>>, vector<16xi32>,
    %get3A_114 = arith.constant 0 : i32
    %get3A_115 = arith.index_cast %get3A_114 : i32 to index
    %get3A_116 = arith.constant 64 : index
    %get3A_117 = tpu.vector_load %arg6[%get3A_115, %get3A_116] {strides = array<i32>} : memref<256x200xi32, #tpu.memory_space<vmem>>, vector<16xi32>,
    %not3A_118 = arith.constant 16383 : i32
    %not3A_119 = arith.constant -1 : i32
    %not3A_120 = arith.xori %not3A_118, %not3A_119 : i32
    %and3A_121 = vector.broadcast %not3A_120 : i32 to vector<16xi32>
    %and3A_122 = arith.andi %get3A_117, %and3A_121 : vector<16xi32>
    %and3A_123 = arith.constant 4095 : i32
    %and3A_124 = vector.broadcast %and3A_123 : i32 to vector<16xi32>
    %and3A_125 = arith.andi %get3A_117, %and3A_124 : vector<16xi32>
    %shift_left3A_126 = arith.constant 2 : i32
    %shift_left3A_127 = vector.broadcast %shift_left3A_126 : i32 to vector<16xi32>
    %shift_left3A_128 = arith.shli %and3A_125, %shift_left3A_127 : vector<16xi32>
    %or3A_129 = arith.ori %and3A_122, %shift_left3A_128 : vector<16xi32>
    %shift_right_arithmetic3A_130 = arith.constant 12 : i32
    %shift_right_arithmetic3A_131 = vector.broadcast %shift_right_arithmetic3A_130 : i32 to vector<16xi32>
    %shift_right_arithmetic3A_132 = arith.shrsi %get3A_117, %shift_right_arithmetic3A_131 : vector<16xi32>
    %and3A_133 = arith.constant 3 : i32
    %and3A_134 = vector.broadcast %and3A_133 : i32 to vector<16xi32>
    %and3A_135 = arith.andi %shift_right_arithmetic3A_132, %and3A_134 : vector<16xi32>
    %or3A_136 = arith.ori %or3A_129, %and3A_135 : vector<16xi32>
    %swap3A_137 = arith.constant 0 : i32
    %swap3A_138 = arith.index_cast %swap3A_137 : i32 to index
    %swap3A_139 = arith.constant 64 : index
    %swap3A_140 = tpu.vector_load %arg7[%swap3A_138, %swap3A_139] {strides = array<i32>} : memref<2x200xi32, #tpu.memory_space<vmem>>, vector<16xi32>,
    tpu.vector_store %arg7[%swap3A_138, %swap3A_139], %or3A_136 {strides = array<i32>} : memref<2x200xi32, #tpu.memory_space<vmem>>, vector<16xi32>,
    %get3A_141 = arith.constant 0 : i32
    %get3A_142 = arith.index_cast %get3A_141 : i32 to index
    %get3A_143 = arith.constant 80 : index
    %get3A_144 = tpu.vector_load %arg6[%get3A_142, %get3A_143] {strides = array<i32>} : memref<256x200xi32, #tpu.memory_space<vmem>>, vector<16xi32>,
    %not3A_145 = arith.constant 16383 : i32
    %not3A_146 = arith.constant -1 : i32
    %not3A_147 = arith.xori %not3A_145, %not3A_146 : i32
    %and3A_148 = vector.broadcast %not3A_147 : i32 to vector<16xi32>
    %and3A_149 = arith.andi %get3A_144, %and3A_148 : vector<16xi32>
    %and3A_150 = arith.constant 4095 : i32
    %and3A_151 = vector.broadcast %and3A_150 : i32 to vector<16xi32>
    %and3A_152 = arith.andi %get3A_144, %and3A_151 : vector<16xi32>
    %shift_left3A_153 = arith.constant 2 : i32
    %shift_left3A_154 = vector.broadcast %shift_left3A_153 : i32 to vector<16xi32>
    %shift_left3A_155 = arith.shli %and3A_152, %shift_left3A_154 : vector<16xi32>
    %or3A_156 = arith.ori %and3A_149, %shift_left3A_155 : vector<16xi32>
    %shift_right_arithmetic3A_157 = arith.constant 12 : i32
    %shift_right_arithmetic3A_158 = vector.broadcast %shift_right_arithmetic3A_157 : i32 to vector<16xi32>
    %shift_right_arithmetic3A_159 = arith.shrsi %get3A_144, %shift_right_arithmetic3A_158 : vector<16xi32>
    %and3A_160 = arith.constant 3 : i32
    %and3A_161 = vector.broadcast %and3A_160 : i32 to vector<16xi32>
    %and3A_162 = arith.andi %shift_right_arithmetic3A_159, %and3A_161 : vector<16xi32>
    %or3A_163 = arith.ori %or3A_156, %and3A_162 : vector<16xi32>
    %swap3A_164 = arith.constant 0 : i32
    %swap3A_165 = arith.index_cast %swap3A_164 : i32 to index
    %swap3A_166 = arith.constant 80 : index
    %swap3A_167 = tpu.vector_load %arg7[%swap3A_165, %swap3A_166] {strides = array<i32>} : memref<2x200xi32, #tpu.memory_space<vmem>>, vector<16xi32>,
    tpu.vector_store %arg7[%swap3A_165, %swap3A_166], %or3A_163 {strides = array<i32>} : memref<2x200xi32, #tpu.memory_space<vmem>>, vector<16xi32>,
    %get3A_168 = arith.constant 0 : i32
    %get3A_169 = arith.index_cast %get3A_168 : i32 to index
    %get3A_170 = arith.constant 96 : index
    %get3A_171 = tpu.vector_load %arg6[%get3A_169, %get3A_170] {strides = array<i32>} : memref<256x200xi32, #tpu.memory_space<vmem>>, vector<16xi32>,
    %not3A_172 = arith.constant 16383 : i32
    %not3A_173 = arith.constant -1 : i32
    %not3A_174 = arith.xori %not3A_172, %not3A_173 : i32
    %and3A_175 = vector.broadcast %not3A_174 : i32 to vector<16xi32>
    %and3A_176 = arith.andi %get3A_171, %and3A_175 : vector<16xi32>
    %and3A_177 = arith.constant 4095 : i32
    %and3A_178 = vector.broadcast %and3A_177 : i32 to vector<16xi32>
    %and3A_179 = arith.andi %get3A_171, %and3A_178 : vector<16xi32>
    %shift_left3A_180 = arith.constant 2 : i32
    %shift_left3A_181 = vector.broadcast %shift_left3A_180 : i32 to vector<16xi32>
    %shift_left3A_182 = arith.shli %and3A_179, %shift_left3A_181 : vector<16xi32>
    %or3A_183 = arith.ori %and3A_176, %shift_left3A_182 : vector<16xi32>
    %shift_right_arithmetic3A_184 = arith.constant 12 : i32
    %shift_right_arithmetic3A_185 = vector.broadcast %shift_right_arithmetic3A_184 : i32 to vector<16xi32>
    %shift_right_arithmetic3A_186 = arith.shrsi %get3A_171, %shift_right_arithmetic3A_185 : vector<16xi32>
    %and3A_187 = arith.constant 3 : i32
    %and3A_188 = vector.broadcast %and3A_187 : i32 to vector<16xi32>
    %and3A_189 = arith.andi %shift_right_arithmetic3A_186, %and3A_188 : vector<16xi32>
    %or3A_190 = arith.ori %or3A_183, %and3A_189 : vector<16xi32>
    %swap3A_191 = arith.constant 0 : i32
    %swap3A_192 = arith.index_cast %swap3A_191 : i32 to index
    %swap3A_193 = arith.constant 96 : index
    %swap3A_194 = tpu.vector_load %arg7[%swap3A_192, %swap3A_193] {strides = array<i32>} : memref<2x200xi32, #tpu.memory_space<vmem>>, vector<16xi32>,
    tpu.vector_store %arg7[%swap3A_192, %swap3A_193], %or3A_190 {strides = array<i32>} : memref<2x200xi32, #tpu.memory_space<vmem>>, vector<16xi32>,
    %get3A_195 = arith.constant 0 : i32
    %get3A_196 = arith.index_cast %get3A_195 : i32 to index
    %get3A_197 = arith.constant 112 : index
    %get3A_198 = tpu.vector_load %arg6[%get3A_196, %get3A_197] {strides = array<i32>} : memref<256x200xi32, #tpu.memory_space<vmem>>, vector<16xi32>,
    %not3A_199 = arith.constant 16383 : i32
    %not3A_200 = arith.constant -1 : i32
    %not3A_201 = arith.xori %not3A_199, %not3A_200 : i32
    %and3A_202 = vector.broadcast %not3A_201 : i32 to vector<16xi32>
    %and3A_203 = arith.andi %get3A_198, %and3A_202 : vector<16xi32>
    %and3A_204 = arith.constant 4095 : i32
    %and3A_205 = vector.broadcast %and3A_204 : i32 to vector<16xi32>
    %and3A_206 = arith.andi %get3A_198, %and3A_205 : vector<16xi32>
    %shift_left3A_207 = arith.constant 2 : i32
    %shift_left3A_208 = vector.broadcast %shift_left3A_207 : i32 to vector<16xi32>
    %shift_left3A_209 = arith.shli %and3A_206, %shift_left3A_208 : vector<16xi32>
    %or3A_210 = arith.ori %and3A_203, %shift_left3A_209 : vector<16xi32>
    %shift_right_arithmetic3A_211 = arith.constant 12 : i32
    %shift_right_arithmetic3A_212 = vector.broadcast %shift_right_arithmetic3A_211 : i32 to vector<16xi32>
    %shift_right_arithmetic3A_213 = arith.shrsi %get3A_198, %shift_right_arithmetic3A_212 : vector<16xi32>
    %and3A_214 = arith.constant 3 : i32
    %and3A_215 = vector.broadcast %and3A_214 : i32 to vector<16xi32>
    %and3A_216 = arith.andi %shift_right_arithmetic3A_213, %and3A_215 : vector<16xi32>
    %or3A_217 = arith.ori %or3A_210, %and3A_216 : vector<16xi32>
    %swap3A_218 = arith.constant 0 : i32
    %swap3A_219 = arith.index_cast %swap3A_218 : i32 to index
    %swap3A_220 = arith.constant 112 : index
    %swap3A_221 = tpu.vector_load %arg7[%swap3A_219, %swap3A_220] {strides = array<i32>} : memref<2x200xi32, #tpu.memory_space<vmem>>, vector<16xi32>,
    tpu.vector_store %arg7[%swap3A_219, %swap3A_220], %or3A_217 {strides = array<i32>} : memref<2x200xi32, #tpu.memory_space<vmem>>, vector<16xi32>,
    %get3A_222 = arith.constant 0 : i32
    %get3A_223 = arith.index_cast %get3A_222 : i32 to index
    %get3A_224 = arith.constant 128 : index
    %get3A_225 = tpu.vector_load %arg6[%get3A_223, %get3A_224] {strides = array<i32>} : memref<256x200xi32, #tpu.memory_space<vmem>>, vector<16xi32>,
    %not3A_226 = arith.constant 16383 : i32
    %not3A_227 = arith.constant -1 : i32
    %not3A_228 = arith.xori %not3A_226, %not3A_227 : i32
    %and3A_229 = vector.broadcast %not3A_228 : i32 to vector<16xi32>
    %and3A_230 = arith.andi %get3A_225, %and3A_229 : vector<16xi32>
    %and3A_231 = arith.constant 4095 : i32
    %and3A_232 = vector.broadcast %and3A_231 : i32 to vector<16xi32>
    %and3A_233 = arith.andi %get3A_225, %and3A_232 : vector<16xi32>
    %shift_left3A_234 = arith.constant 2 : i32
    %shift_left3A_235 = vector.broadcast %shift_left3A_234 : i32 to vector<16xi32>
    %shift_left3A_236 = arith.shli %and3A_233, %shift_left3A_235 : vector<16xi32>
    %or3A_237 = arith.ori %and3A_230, %shift_left3A_236 : vector<16xi32>
    %shift_right_arithmetic3A_238 = arith.constant 12 : i32
    %shift_right_arithmetic3A_239 = vector.broadcast %shift_right_arithmetic3A_238 : i32 to vector<16xi32>
    %shift_right_arithmetic3A_240 = arith.shrsi %get3A_225, %shift_right_arithmetic3A_239 : vector<16xi32>
    %and3A_241 = arith.constant 3 : i32
    %and3A_242 = vector.broadcast %and3A_241 : i32 to vector<16xi32>
    %and3A_243 = arith.andi %shift_right_arithmetic3A_240, %and3A_242 : vector<16xi32>
    %or3A_244 = arith.ori %or3A_237, %and3A_243 : vector<16xi32>
    %swap3A_245 = arith.constant 0 : i32
    %swap3A_246 = arith.index_cast %swap3A_245 : i32 to index
    %swap3A_247 = arith.constant 128 : index
    %swap3A_248 = tpu.vector_load %arg7[%swap3A_246, %swap3A_247] {strides = array<i32>} : memref<2x200xi32, #tpu.memory_space<vmem>>, vector<16xi32>,
    tpu.vector_store %arg7[%swap3A_246, %swap3A_247], %or3A_244 {strides = array<i32>} : memref<2x200xi32, #tpu.memory_space<vmem>>, vector<16xi32>,
    %get3A_249 = arith.constant 0 : i32
    %get3A_250 = arith.index_cast %get3A_249 : i32 to index
    %get3A_251 = arith.constant 144 : index
    %get3A_252 = tpu.vector_load %arg6[%get3A_250, %get3A_251] {strides = array<i32>} : memref<256x200xi32, #tpu.memory_space<vmem>>, vector<16xi32>,
    %not3A_253 = arith.constant 16383 : i32
    %not3A_254 = arith.constant -1 : i32
    %not3A_255 = arith.xori %not3A_253, %not3A_254 : i32
    %and3A_256 = vector.broadcast %not3A_255 : i32 to vector<16xi32>
    %and3A_257 = arith.andi %get3A_252, %and3A_256 : vector<16xi32>
    %and3A_258 = arith.constant 4095 : i32
    %and3A_259 = vector.broadcast %and3A_258 : i32 to vector<16xi32>
    %and3A_260 = arith.andi %get3A_252, %and3A_259 : vector<16xi32>
    %shift_left3A_261 = arith.constant 2 : i32
    %shift_left3A_262 = vector.broadcast %shift_left3A_261 : i32 to vector<16xi32>
    %shift_left3A_263 = arith.shli %and3A_260, %shift_left3A_262 : vector<16xi32>
    %or3A_264 = arith.ori %and3A_257, %shift_left3A_263 : vector<16xi32>
    %shift_right_arithmetic3A_265 = arith.constant 12 : i32
    %shift_right_arithmetic3A_266 = vector.broadcast %shift_right_arithmetic3A_265 : i32 to vector<16xi32>
    %shift_right_arithmetic3A_267 = arith.shrsi %get3A_252, %shift_right_arithmetic3A_266 : vector<16xi32>
    %and3A_268 = arith.constant 3 : i32
    %and3A_269 = vector.broadcast %and3A_268 : i32 to vector<16xi32>
    %and3A_270 = arith.andi %shift_right_arithmetic3A_267, %and3A_269 : vector<16xi32>
    %or3A_271 = arith.ori %or3A_264, %and3A_270 : vector<16xi32>
    %swap3A_272 = arith.constant 0 : i32
    %swap3A_273 = arith.index_cast %swap3A_272 : i32 to index
    %swap3A_274 = arith.constant 144 : index
    %swap3A_275 = tpu.vector_load %arg7[%swap3A_273, %swap3A_274] {strides = array<i32>} : memref<2x200xi32, #tpu.memory_space<vmem>>, vector<16xi32>,
    tpu.vector_store %arg7[%swap3A_273, %swap3A_274], %or3A_271 {strides = array<i32>} : memref<2x200xi32, #tpu.memory_space<vmem>>, vector<16xi32>,
    %get3A_276 = arith.constant 0 : i32
    %get3A_277 = arith.index_cast %get3A_276 : i32 to index
    %get3A_278 = arith.constant 160 : index
    %get3A_279 = tpu.vector_load %arg6[%get3A_277, %get3A_278] {strides = array<i32>} : memref<256x200xi32, #tpu.memory_space<vmem>>, vector<16xi32>,
    %not3A_280 = arith.constant 16383 : i32
    %not3A_281 = arith.constant -1 : i32
    %not3A_282 = arith.xori %not3A_280, %not3A_281 : i32
    %and3A_283 = vector.broadcast %not3A_282 : i32 to vector<16xi32>
    %and3A_284 = arith.andi %get3A_279, %and3A_283 : vector<16xi32>
    %and3A_285 = arith.constant 4095 : i32
    %and3A_286 = vector.broadcast %and3A_285 : i32 to vector<16xi32>
    %and3A_287 = arith.andi %get3A_279, %and3A_286 : vector<16xi32>
    %shift_left3A_288 = arith.constant 2 : i32
    %shift_left3A_289 = vector.broadcast %shift_left3A_288 : i32 to vector<16xi32>
    %shift_left3A_290 = arith.shli %and3A_287, %shift_left3A_289 : vector<16xi32>
    %or3A_291 = arith.ori %and3A_284, %shift_left3A_290 : vector<16xi32>
    %shift_right_arithmetic3A_292 = arith.constant 12 : i32
    %shift_right_arithmetic3A_293 = vector.broadcast %shift_right_arithmetic3A_292 : i32 to vector<16xi32>
    %shift_right_arithmetic3A_294 = arith.shrsi %get3A_279, %shift_right_arithmetic3A_293 : vector<16xi32>
    %and3A_295 = arith.constant 3 : i32
    %and3A_296 = vector.broadcast %and3A_295 : i32 to vector<16xi32>
    %and3A_297 = arith.andi %shift_right_arithmetic3A_294, %and3A_296 : vector<16xi32>
    %or3A_298 = arith.ori %or3A_291, %and3A_297 : vector<16xi32>
    %swap3A_299 = arith.constant 0 : i32
    %swap3A_300 = arith.index_cast %swap3A_299 : i32 to index
    %swap3A_301 = arith.constant 160 : index
    %swap3A_302 = tpu.vector_load %arg7[%swap3A_300, %swap3A_301] {strides = array<i32>} : memref<2x200xi32, #tpu.memory_space<vmem>>, vector<16xi32>,
    tpu.vector_store %arg7[%swap3A_300, %swap3A_301], %or3A_298 {strides = array<i32>} : memref<2x200xi32, #tpu.memory_space<vmem>>, vector<16xi32>,
    %get3A_303 = arith.constant 0 : i32
    %get3A_304 = arith.index_cast %get3A_303 : i32 to index
    %get3A_305 = arith.constant 176 : index
    %get3A_306 = tpu.vector_load %arg6[%get3A_304, %get3A_305] {strides = array<i32>} : memref<256x200xi32, #tpu.memory_space<vmem>>, vector<16xi32>,
    %not3A_307 = arith.constant 16383 : i32
    %not3A_308 = arith.constant -1 : i32
    %not3A_309 = arith.xori %not3A_307, %not3A_308 : i32
    %and3A_310 = vector.broadcast %not3A_309 : i32 to vector<16xi32>
    %and3A_311 = arith.andi %get3A_306, %and3A_310 : vector<16xi32>
    %and3A_312 = arith.constant 4095 : i32
    %and3A_313 = vector.broadcast %and3A_312 : i32 to vector<16xi32>
    %and3A_314 = arith.andi %get3A_306, %and3A_313 : vector<16xi32>
    %shift_left3A_315 = arith.constant 2 : i32
    %shift_left3A_316 = vector.broadcast %shift_left3A_315 : i32 to vector<16xi32>
    %shift_left3A_317 = arith.shli %and3A_314, %shift_left3A_316 : vector<16xi32>
    %or3A_318 = arith.ori %and3A_311, %shift_left3A_317 : vector<16xi32>
    %shift_right_arithmetic3A_319 = arith.constant 12 : i32
    %shift_right_arithmetic3A_320 = vector.broadcast %shift_right_arithmetic3A_319 : i32 to vector<16xi32>
    %shift_right_arithmetic3A_321 = arith.shrsi %get3A_306, %shift_right_arithmetic3A_320 : vector<16xi32>
    %and3A_322 = arith.constant 3 : i32
    %and3A_323 = vector.broadcast %and3A_322 : i32 to vector<16xi32>
    %and3A_324 = arith.andi %shift_right_arithmetic3A_321, %and3A_323 : vector<16xi32>
    %or3A_325 = arith.ori %or3A_318, %and3A_324 : vector<16xi32>
    %swap3A_326 = arith.constant 0 : i32
    %swap3A_327 = arith.index_cast %swap3A_326 : i32 to index
    %swap3A_328 = arith.constant 176 : index
    %swap3A_329 = tpu.vector_load %arg7[%swap3A_327, %swap3A_328] {strides = array<i32>} : memref<2x200xi32, #tpu.memory_space<vmem>>, vector<16xi32>,
    tpu.vector_store %arg7[%swap3A_327, %swap3A_328], %or3A_325 {strides = array<i32>} : memref<2x200xi32, #tpu.memory_space<vmem>>, vector<16xi32>,
    %get3A_330 = arith.constant 0 : i32
    %get3A_331 = arith.index_cast %get3A_330 : i32 to index
    %get3A_332 = arith.constant 184 : index
    %get3A_333 = tpu.vector_load %arg6[%get3A_331, %get3A_332] {strides = array<i32>} : memref<256x200xi32, #tpu.memory_space<vmem>>, vector<16xi32>,
    %not3A_334 = arith.constant 16383 : i32
    %not3A_335 = arith.constant -1 : i32
    %not3A_336 = arith.xori %not3A_334, %not3A_335 : i32
    %and3A_337 = vector.broadcast %not3A_336 : i32 to vector<16xi32>
    %and3A_338 = arith.andi %get3A_333, %and3A_337 : vector<16xi32>
    %and3A_339 = arith.constant 4095 : i32
    %and3A_340 = vector.broadcast %and3A_339 : i32 to vector<16xi32>
    %and3A_341 = arith.andi %get3A_333, %and3A_340 : vector<16xi32>
    %shift_left3A_342 = arith.constant 2 : i32
    %shift_left3A_343 = vector.broadcast %shift_left3A_342 : i32 to vector<16xi32>
    %shift_left3A_344 = arith.shli %and3A_341, %shift_left3A_343 : vector<16xi32>
    %or3A_345 = arith.ori %and3A_338, %shift_left3A_344 : vector<16xi32>
    %shift_right_arithmetic3A_346 = arith.constant 12 : i32
    %shift_right_arithmetic3A_347 = vector.broadcast %shift_right_arithmetic3A_346 : i32 to vector<16xi32>
    %shift_right_arithmetic3A_348 = arith.shrsi %get3A_333, %shift_right_arithmetic3A_347 : vector<16xi32>
    %and3A_349 = arith.constant 3 : i32
    %and3A_350 = vector.broadcast %and3A_349 : i32 to vector<16xi32>
    %and3A_351 = arith.andi %shift_right_arithmetic3A_348, %and3A_350 : vector<16xi32>
    %or3A_352 = arith.ori %or3A_345, %and3A_351 : vector<16xi32>
    %swap3A_353 = arith.constant 0 : i32
    %swap3A_354 = arith.index_cast %swap3A_353 : i32 to index
    %swap3A_355 = arith.constant 184 : index
    %swap3A_356 = tpu.vector_load %arg7[%swap3A_354, %swap3A_355] {strides = array<i32>} : memref<2x200xi32, #tpu.memory_space<vmem>>, vector<16xi32>,
    tpu.vector_store %arg7[%swap3A_354, %swap3A_355], %or3A_352 {strides = array<i32>} : memref<2x200xi32, #tpu.memory_space<vmem>>, vector<16xi32>,
    %dma_start3A = arith.constant 0 : i32
    %dma_start3A_357 = arith.constant 0 : i32
    %dma_start3A_358 = arith.constant 0 : i32
    %dma_start3A_359 = arith.constant 0 : i32
    %dma_start3A_360 = tpu.memref_slice %arg8[%dma_start3A_357, %dma_start3A_358, %dma_start3A_359] : memref<2x200x32xf32, #tpu.memory_space<vmem>> -> memref<1x128x32xf32, #tpu.memory_space<vmem>>
    %dma_start3A_361 = tpu.memref_squeeze %dma_start3A_360 : memref<1x128x32xf32, #tpu.memory_space<vmem>> -> memref<128x32xf32, #tpu.memory_space<vmem>>
    %dma_start3A_362 = arith.constant 0 : i32
    %dma_start3A_363 = tpu.memref_slice %arg7[%dma_start3A, %dma_start3A_362] : memref<2x200xi32, #tpu.memory_space<vmem>> -> memref<1x128xi32, #tpu.memory_space<vmem>>
    %dma_start3A_364 = tpu.memref_squeeze %dma_start3A_363 : memref<1x128xi32, #tpu.memory_space<vmem>> -> memref<128xi32, #tpu.memory_space<vmem>>
    %dma_start3A_365 = arith.constant 0 : i32
    %dma_start3A_366 = arith.constant 0 : i32
    %dma_start3A_367 = tpu.memref_slice %arg3[%dma_start3A_365, %dma_start3A_366] : memref<1015808x32xf32, #tpu.memory_space<hbm>> -> memref<1015808x32xf32, #tpu.memory_space<hbm>>
    tpu.enqueue_indirect_dma source(%dma_start3A_367 : memref<1015808x32xf32, #tpu.memory_space<hbm>>) target(%dma_start3A_361 : memref<128x32xf32, #tpu.memory_space<vmem>>) offsets(%dma_start3A_364 : memref<128xi32, #tpu.memory_space<vmem>>) semaphore(%arg11 : memref<!tpu.dma_semaphore, #tpu.memory_space<semaphore_mem>>)
    %dma_start3A_368 = arith.constant 0 : i32
    %dma_start3A_369 = arith.constant 0 : i32
    %dma_start3A_370 = arith.constant 128 : i32
    %dma_start3A_371 = arith.constant 0 : i32
    %dma_start3A_372 = tpu.memref_slice %arg8[%dma_start3A_369, %dma_start3A_370, %dma_start3A_371] : memref<2x200x32xf32, #tpu.memory_space<vmem>> -> memref<1x72x32xf32, #tpu.memory_space<vmem>>
    %dma_start3A_373 = tpu.memref_squeeze %dma_start3A_372 : memref<1x72x32xf32, #tpu.memory_space<vmem>> -> memref<72x32xf32, #tpu.memory_space<vmem>>
    %dma_start3A_374 = arith.constant 128 : i32
    %dma_start3A_375 = tpu.memref_slice %arg7[%dma_start3A_368, %dma_start3A_374] : memref<2x200xi32, #tpu.memory_space<vmem>> -> memref<1x72xi32, #tpu.memory_space<vmem>>
    %dma_start3A_376 = tpu.memref_squeeze %dma_start3A_375 : memref<1x72xi32, #tpu.memory_space<vmem>> -> memref<72xi32, #tpu.memory_space<vmem>>
    %dma_start3A_377 = arith.constant 0 : i32
    %dma_start3A_378 = arith.constant 0 : i32
    %dma_start3A_379 = tpu.memref_slice %arg3[%dma_start3A_377, %dma_start3A_378] : memref<1015808x32xf32, #tpu.memory_space<hbm>> -> memref<1015808x32xf32, #tpu.memory_space<hbm>>
    tpu.enqueue_indirect_dma source(%dma_start3A_379 : memref<1015808x32xf32, #tpu.memory_space<hbm>>) target(%dma_start3A_373 : memref<72x32xf32, #tpu.memory_space<vmem>>) offsets(%dma_start3A_376 : memref<72xi32, #tpu.memory_space<vmem>>) semaphore(%arg11 : memref<!tpu.dma_semaphore, #tpu.memory_space<semaphore_mem>>)
    %get3A_380 = arith.constant 1 : i32
    %get3A_381 = arith.index_cast %get3A_380 : i32 to index
    %get3A_382 = arith.constant 0 : index
    %get3A_383 = tpu.vector_load %arg6[%get3A_381, %get3A_382] {strides = array<i32>} : memref<256x200xi32, #tpu.memory_space<vmem>>, vector<16xi32>,
    %not3A_384 = arith.constant 16383 : i32
    %not3A_385 = arith.constant -1 : i32
    %not3A_386 = arith.xori %not3A_384, %not3A_385 : i32
    %and3A_387 = vector.broadcast %not3A_386 : i32 to vector<16xi32>
    %and3A_388 = arith.andi %get3A_383, %and3A_387 : vector<16xi32>
    %and3A_389 = arith.constant 4095 : i32
    %and3A_390 = vector.broadcast %and3A_389 : i32 to vector<16xi32>
    %and3A_391 = arith.andi %get3A_383, %and3A_390 : vector<16xi32>
    %shift_left3A_392 = arith.constant 2 : i32
    %shift_left3A_393 = vector.broadcast %shift_left3A_392 : i32 to vector<16xi32>
    %shift_left3A_394 = arith.shli %and3A_391, %shift_left3A_393 : vector<16xi32>
    %or3A_395 = arith.ori %and3A_388, %shift_left3A_394 : vector<16xi32>
    %shift_right_arithmetic3A_396 = arith.constant 12 : i32
    %shift_right_arithmetic3A_397 = vector.broadcast %shift_right_arithmetic3A_396 : i32 to vector<16xi32>
    %shift_right_arithmetic3A_398 = arith.shrsi %get3A_383, %shift_right_arithmetic3A_397 : vector<16xi32>
    %and3A_399 = arith.constant 3 : i32
    %and3A_400 = vector.broadcast %and3A_399 : i32 to vector<16xi32>
    %and3A_401 = arith.andi %shift_right_arithmetic3A_398, %and3A_400 : vector<16xi32>
    %or3A_402 = arith.ori %or3A_395, %and3A_401 : vector<16xi32>
    %swap3A_403 = arith.constant 1 : i32
    %swap3A_404 = arith.index_cast %swap3A_403 : i32 to index
    %swap3A_405 = arith.constant 0 : index
    %swap3A_406 = tpu.vector_load %arg7[%swap3A_404, %swap3A_405] {strides = array<i32>} : memref<2x200xi32, #tpu.memory_space<vmem>>, vector<16xi32>,
    tpu.vector_store %arg7[%swap3A_404, %swap3A_405], %or3A_402 {strides = array<i32>} : memref<2x200xi32, #tpu.memory_space<vmem>>, vector<16xi32>,
    %get3A_407 = arith.constant 1 : i32
    %get3A_408 = arith.index_cast %get3A_407 : i32 to index
    %get3A_409 = arith.constant 16 : index
    %get3A_410 = tpu.vector_load %arg6[%get3A_408, %get3A_409] {strides = array<i32>} : memref<256x200xi32, #tpu.memory_space<vmem>>, vector<16xi32>,
    %not3A_411 = arith.constant 16383 : i32
    %not3A_412 = arith.constant -1 : i32
    %not3A_413 = arith.xori %not3A_411, %not3A_412 : i32
    %and3A_414 = vector.broadcast %not3A_413 : i32 to vector<16xi32>
    %and3A_415 = arith.andi %get3A_410, %and3A_414 : vector<16xi32>
    %and3A_416 = arith.constant 4095 : i32
    %and3A_417 = vector.broadcast %and3A_416 : i32 to vector<16xi32>
    %and3A_418 = arith.andi %get3A_410, %and3A_417 : vector<16xi32>
    %shift_left3A_419 = arith.constant 2 : i32
    %shift_left3A_420 = vector.broadcast %shift_left3A_419 : i32 to vector<16xi32>
    %shift_left3A_421 = arith.shli %and3A_418, %shift_left3A_420 : vector<16xi32>
    %or3A_422 = arith.ori %and3A_415, %shift_left3A_421 : vector<16xi32>
    %shift_right_arithmetic3A_423 = arith.constant 12 : i32
    %shift_right_arithmetic3A_424 = vector.broadcast %shift_right_arithmetic3A_423 : i32 to vector<16xi32>
    %shift_right_arithmetic3A_425 = arith.shrsi %get3A_410, %shift_right_arithmetic3A_424 : vector<16xi32>
    %and3A_426 = arith.constant 3 : i32
    %and3A_427 = vector.broadcast %and3A_426 : i32 to vector<16xi32>
    %and3A_428 = arith.andi %shift_right_arithmetic3A_425, %and3A_427 : vector<16xi32>
    %or3A_429 = arith.ori %or3A_422, %and3A_428 : vector<16xi32>
    %swap3A_430 = arith.constant 1 : i32
    %swap3A_431 = arith.index_cast %swap3A_430 : i32 to index
    %swap3A_432 = arith.constant 16 : index
    %swap3A_433 = tpu.vector_load %arg7[%swap3A_431, %swap3A_432] {strides = array<i32>} : memref<2x200xi32, #tpu.memory_space<vmem>>, vector<16xi32>,
    tpu.vector_store %arg7[%swap3A_431, %swap3A_432], %or3A_429 {strides = array<i32>} : memref<2x200xi32, #tpu.memory_space<vmem>>, vector<16xi32>,
    %get3A_434 = arith.constant 1 : i32
    %get3A_435 = arith.index_cast %get3A_434 : i32 to index
    %get3A_436 = arith.constant 32 : index
    %get3A_437 = tpu.vector_load %arg6[%get3A_435, %get3A_436] {strides = array<i32>} : memref<256x200xi32, #tpu.memory_space<vmem>>, vector<16xi32>,
    %not3A_438 = arith.constant 16383 : i32
    %not3A_439 = arith.constant -1 : i32
    %not3A_440 = arith.xori %not3A_438, %not3A_439 : i32
    %and3A_441 = vector.broadcast %not3A_440 : i32 to vector<16xi32>
    %and3A_442 = arith.andi %get3A_437, %and3A_441 : vector<16xi32>
    %and3A_443 = arith.constant 4095 : i32
    %and3A_444 = vector.broadcast %and3A_443 : i32 to vector<16xi32>
    %and3A_445 = arith.andi %get3A_437, %and3A_444 : vector<16xi32>
    %shift_left3A_446 = arith.constant 2 : i32
    %shift_left3A_447 = vector.broadcast %shift_left3A_446 : i32 to vector<16xi32>
    %shift_left3A_448 = arith.shli %and3A_445, %shift_left3A_447 : vector<16xi32>
    %or3A_449 = arith.ori %and3A_442, %shift_left3A_448 : vector<16xi32>
    %shift_right_arithmetic3A_450 = arith.constant 12 : i32
    %shift_right_arithmetic3A_451 = vector.broadcast %shift_right_arithmetic3A_450 : i32 to vector<16xi32>
    %shift_right_arithmetic3A_452 = arith.shrsi %get3A_437, %shift_right_arithmetic3A_451 : vector<16xi32>
    %and3A_453 = arith.constant 3 : i32
    %and3A_454 = vector.broadcast %and3A_453 : i32 to vector<16xi32>
    %and3A_455 = arith.andi %shift_right_arithmetic3A_452, %and3A_454 : vector<16xi32>
    %or3A_456 = arith.ori %or3A_449, %and3A_455 : vector<16xi32>
    %swap3A_457 = arith.constant 1 : i32
    %swap3A_458 = arith.index_cast %swap3A_457 : i32 to index
    %swap3A_459 = arith.constant 32 : index
    %swap3A_460 = tpu.vector_load %arg7[%swap3A_458, %swap3A_459] {strides = array<i32>} : memref<2x200xi32, #tpu.memory_space<vmem>>, vector<16xi32>,
    tpu.vector_store %arg7[%swap3A_458, %swap3A_459], %or3A_456 {strides = array<i32>} : memref<2x200xi32, #tpu.memory_space<vmem>>, vector<16xi32>,
    %get3A_461 = arith.constant 1 : i32
    %get3A_462 = arith.index_cast %get3A_461 : i32 to index
    %get3A_463 = arith.constant 48 : index
    %get3A_464 = tpu.vector_load %arg6[%get3A_462, %get3A_463] {strides = array<i32>} : memref<256x200xi32, #tpu.memory_space<vmem>>, vector<16xi32>,
    %not3A_465 = arith.constant 16383 : i32
    %not3A_466 = arith.constant -1 : i32
    %not3A_467 = arith.xori %not3A_465, %not3A_466 : i32
    %and3A_468 = vector.broadcast %not3A_467 : i32 to vector<16xi32>
    %and3A_469 = arith.andi %get3A_464, %and3A_468 : vector<16xi32>
    %and3A_470 = arith.constant 4095 : i32
    %and3A_471 = vector.broadcast %and3A_470 : i32 to vector<16xi32>
    %and3A_472 = arith.andi %get3A_464, %and3A_471 : vector<16xi32>
    %shift_left3A_473 = arith.constant 2 : i32
    %shift_left3A_474 = vector.broadcast %shift_left3A_473 : i32 to vector<16xi32>
    %shift_left3A_475 = arith.shli %and3A_472, %shift_left3A_474 : vector<16xi32>
    %or3A_476 = arith.ori %and3A_469, %shift_left3A_475 : vector<16xi32>
    %shift_right_arithmetic3A_477 = arith.constant 12 : i32
    %shift_right_arithmetic3A_478 = vector.broadcast %shift_right_arithmetic3A_477 : i32 to vector<16xi32>
    %shift_right_arithmetic3A_479 = arith.shrsi %get3A_464, %shift_right_arithmetic3A_478 : vector<16xi32>
    %and3A_480 = arith.constant 3 : i32
    %and3A_481 = vector.broadcast %and3A_480 : i32 to vector<16xi32>
    %and3A_482 = arith.andi %shift_right_arithmetic3A_479, %and3A_481 : vector<16xi32>
    %or3A_483 = arith.ori %or3A_476, %and3A_482 : vector<16xi32>
    %swap3A_484 = arith.constant 1 : i32
    %swap3A_485 = arith.index_cast %swap3A_484 : i32 to index
    %swap3A_486 = arith.constant 48 : index
    %swap3A_487 = tpu.vector_load %arg7[%swap3A_485, %swap3A_486] {strides = array<i32>} : memref<2x200xi32, #tpu.memory_space<vmem>>, vector<16xi32>,
    tpu.vector_store %arg7[%swap3A_485, %swap3A_486], %or3A_483 {strides = array<i32>} : memref<2x200xi32, #tpu.memory_space<vmem>>, vector<16xi32>,
    %get3A_488 = arith.constant 1 : i32
    %get3A_489 = arith.index_cast %get3A_488 : i32 to index
    %get3A_490 = arith.constant 64 : index
    %get3A_491 = tpu.vector_load %arg6[%get3A_489, %get3A_490] {strides = array<i32>} : memref<256x200xi32, #tpu.memory_space<vmem>>, vector<16xi32>,
    %not3A_492 = arith.constant 16383 : i32
    %not3A_493 = arith.constant -1 : i32
    %not3A_494 = arith.xori %not3A_492, %not3A_493 : i32
    %and3A_495 = vector.broadcast %not3A_494 : i32 to vector<16xi32>
    %and3A_496 = arith.andi %get3A_491, %and3A_495 : vector<16xi32>
    %and3A_497 = arith.constant 4095 : i32
    %and3A_498 = vector.broadcast %and3A_497 : i32 to vector<16xi32>
    %and3A_499 = arith.andi %get3A_491, %and3A_498 : vector<16xi32>
    %shift_left3A_500 = arith.constant 2 : i32
    %shift_left3A_501 = vector.broadcast %shift_left3A_500 : i32 to vector<16xi32>
    %shift_left3A_502 = arith.shli %and3A_499, %shift_left3A_501 : vector<16xi32>
    %or3A_503 = arith.ori %and3A_496, %shift_left3A_502 : vector<16xi32>
    %shift_right_arithmetic3A_504 = arith.constant 12 : i32
    %shift_right_arithmetic3A_505 = vector.broadcast %shift_right_arithmetic3A_504 : i32 to vector<16xi32>
    %shift_right_arithmetic3A_506 = arith.shrsi %get3A_491, %shift_right_arithmetic3A_505 : vector<16xi32>
    %and3A_507 = arith.constant 3 : i32
    %and3A_508 = vector.broadcast %and3A_507 : i32 to vector<16xi32>
    %and3A_509 = arith.andi %shift_right_arithmetic3A_506, %and3A_508 : vector<16xi32>
    %or3A_510 = arith.ori %or3A_503, %and3A_509 : vector<16xi32>
    %swap3A_511 = arith.constant 1 : i32
    %swap3A_512 = arith.index_cast %swap3A_511 : i32 to index
    %swap3A_513 = arith.constant 64 : index
    %swap3A_514 = tpu.vector_load %arg7[%swap3A_512, %swap3A_513] {strides = array<i32>} : memref<2x200xi32, #tpu.memory_space<vmem>>, vector<16xi32>,
    tpu.vector_store %arg7[%swap3A_512, %swap3A_513], %or3A_510 {strides = array<i32>} : memref<2x200xi32, #tpu.memory_space<vmem>>, vector<16xi32>,
    %get3A_515 = arith.constant 1 : i32
    %get3A_516 = arith.index_cast %get3A_515 : i32 to index
    %get3A_517 = arith.constant 80 : index
    %get3A_518 = tpu.vector_load %arg6[%get3A_516, %get3A_517] {strides = array<i32>} : memref<256x200xi32, #tpu.memory_space<vmem>>, vector<16xi32>,
    %not3A_519 = arith.constant 16383 : i32
    %not3A_520 = arith.constant -1 : i32
    %not3A_521 = arith.xori %not3A_519, %not3A_520 : i32
    %and3A_522 = vector.broadcast %not3A_521 : i32 to vector<16xi32>
    %and3A_523 = arith.andi %get3A_518, %and3A_522 : vector<16xi32>
    %and3A_524 = arith.constant 4095 : i32
    %and3A_525 = vector.broadcast %and3A_524 : i32 to vector<16xi32>
    %and3A_526 = arith.andi %get3A_518, %and3A_525 : vector<16xi32>
    %shift_left3A_527 = arith.constant 2 : i32
    %shift_left3A_528 = vector.broadcast %shift_left3A_527 : i32 to vector<16xi32>
    %shift_left3A_529 = arith.shli %and3A_526, %shift_left3A_528 : vector<16xi32>
    %or3A_530 = arith.ori %and3A_523, %shift_left3A_529 : vector<16xi32>
    %shift_right_arithmetic3A_531 = arith.constant 12 : i32
    %shift_right_arithmetic3A_532 = vector.broadcast %shift_right_arithmetic3A_531 : i32 to vector<16xi32>
    %shift_right_arithmetic3A_533 = arith.shrsi %get3A_518, %shift_right_arithmetic3A_532 : vector<16xi32>
    %and3A_534 = arith.constant 3 : i32
    %and3A_535 = vector.broadcast %and3A_534 : i32 to vector<16xi32>
    %and3A_536 = arith.andi %shift_right_arithmetic3A_533, %and3A_535 : vector<16xi32>
    %or3A_537 = arith.ori %or3A_530, %and3A_536 : vector<16xi32>
    %swap3A_538 = arith.constant 1 : i32
    %swap3A_539 = arith.index_cast %swap3A_538 : i32 to index
    %swap3A_540 = arith.constant 80 : index
    %swap3A_541 = tpu.vector_load %arg7[%swap3A_539, %swap3A_540] {strides = array<i32>} : memref<2x200xi32, #tpu.memory_space<vmem>>, vector<16xi32>,
    tpu.vector_store %arg7[%swap3A_539, %swap3A_540], %or3A_537 {strides = array<i32>} : memref<2x200xi32, #tpu.memory_space<vmem>>, vector<16xi32>,
    %get3A_542 = arith.constant 1 : i32
    %get3A_543 = arith.index_cast %get3A_542 : i32 to index
    %get3A_544 = arith.constant 96 : index
    %get3A_545 = tpu.vector_load %arg6[%get3A_543, %get3A_544] {strides = array<i32>} : memref<256x200xi32, #tpu.memory_space<vmem>>, vector<16xi32>,
    %not3A_546 = arith.constant 16383 : i32
    %not3A_547 = arith.constant -1 : i32
    %not3A_548 = arith.xori %not3A_546, %not3A_547 : i32
    %and3A_549 = vector.broadcast %not3A_548 : i32 to vector<16xi32>
    %and3A_550 = arith.andi %get3A_545, %and3A_549 : vector<16xi32>
    %and3A_551 = arith.constant 4095 : i32
    %and3A_552 = vector.broadcast %and3A_551 : i32 to vector<16xi32>
    %and3A_553 = arith.andi %get3A_545, %and3A_552 : vector<16xi32>
    %shift_left3A_554 = arith.constant 2 : i32
    %shift_left3A_555 = vector.broadcast %shift_left3A_554 : i32 to vector<16xi32>
    %shift_left3A_556 = arith.shli %and3A_553, %shift_left3A_555 : vector<16xi32>
    %or3A_557 = arith.ori %and3A_550, %shift_left3A_556 : vector<16xi32>
    %shift_right_arithmetic3A_558 = arith.constant 12 : i32
    %shift_right_arithmetic3A_559 = vector.broadcast %shift_right_arithmetic3A_558 : i32 to vector<16xi32>
    %shift_right_arithmetic3A_560 = arith.shrsi %get3A_545, %shift_right_arithmetic3A_559 : vector<16xi32>
    %and3A_561 = arith.constant 3 : i32
    %and3A_562 = vector.broadcast %and3A_561 : i32 to vector<16xi32>
    %and3A_563 = arith.andi %shift_right_arithmetic3A_560, %and3A_562 : vector<16xi32>
    %or3A_564 = arith.ori %or3A_557, %and3A_563 : vector<16xi32>
    %swap3A_565 = arith.constant 1 : i32
    %swap3A_566 = arith.index_cast %swap3A_565 : i32 to index
    %swap3A_567 = arith.constant 96 : index
    %swap3A_568 = tpu.vector_load %arg7[%swap3A_566, %swap3A_567] {strides = array<i32>} : memref<2x200xi32, #tpu.memory_space<vmem>>, vector<16xi32>,
    tpu.vector_store %arg7[%swap3A_566, %swap3A_567], %or3A_564 {strides = array<i32>} : memref<2x200xi32, #tpu.memory_space<vmem>>, vector<16xi32>,
    %get3A_569 = arith.constant 1 : i32
    %get3A_570 = arith.index_cast %get3A_569 : i32 to index
    %get3A_571 = arith.constant 112 : index
    %get3A_572 = tpu.vector_load %arg6[%get3A_570, %get3A_571] {strides = array<i32>} : memref<256x200xi32, #tpu.memory_space<vmem>>, vector<16xi32>,
    %not3A_573 = arith.constant 16383 : i32
    %not3A_574 = arith.constant -1 : i32
    %not3A_575 = arith.xori %not3A_573, %not3A_574 : i32
    %and3A_576 = vector.broadcast %not3A_575 : i32 to vector<16xi32>
    %and3A_577 = arith.andi %get3A_572, %and3A_576 : vector<16xi32>
    %and3A_578 = arith.constant 4095 : i32
    %and3A_579 = vector.broadcast %and3A_578 : i32 to vector<16xi32>
    %and3A_580 = arith.andi %get3A_572, %and3A_579 : vector<16xi32>
    %shift_left3A_581 = arith.constant 2 : i32
    %shift_left3A_582 = vector.broadcast %shift_left3A_581 : i32 to vector<16xi32>
    %shift_left3A_583 = arith.shli %and3A_580, %shift_left3A_582 : vector<16xi32>
    %or3A_584 = arith.ori %and3A_577, %shift_left3A_583 : vector<16xi32>
    %shift_right_arithmetic3A_585 = arith.constant 12 : i32
    %shift_right_arithmetic3A_586 = vector.broadcast %shift_right_arithmetic3A_585 : i32 to vector<16xi32>
    %shift_right_arithmetic3A_587 = arith.shrsi %get3A_572, %shift_right_arithmetic3A_586 : vector<16xi32>
    %and3A_588 = arith.constant 3 : i32
    %and3A_589 = vector.broadcast %and3A_588 : i32 to vector<16xi32>
    %and3A_590 = arith.andi %shift_right_arithmetic3A_587, %and3A_589 : vector<16xi32>
    %or3A_591 = arith.ori %or3A_584, %and3A_590 : vector<16xi32>
    %swap3A_592 = arith.constant 1 : i32
    %swap3A_593 = arith.index_cast %swap3A_592 : i32 to index
    %swap3A_594 = arith.constant 112 : index
    %swap3A_595 = tpu.vector_load %arg7[%swap3A_593, %swap3A_594] {strides = array<i32>} : memref<2x200xi32, #tpu.memory_space<vmem>>, vector<16xi32>,
    tpu.vector_store %arg7[%swap3A_593, %swap3A_594], %or3A_591 {strides = array<i32>} : memref<2x200xi32, #tpu.memory_space<vmem>>, vector<16xi32>,
    %get3A_596 = arith.constant 1 : i32
    %get3A_597 = arith.index_cast %get3A_596 : i32 to index
    %get3A_598 = arith.constant 128 : index
    %get3A_599 = tpu.vector_load %arg6[%get3A_597, %get3A_598] {strides = array<i32>} : memref<256x200xi32, #tpu.memory_space<vmem>>, vector<16xi32>,
    %not3A_600 = arith.constant 16383 : i32
    %not3A_601 = arith.constant -1 : i32
    %not3A_602 = arith.xori %not3A_600, %not3A_601 : i32
    %and3A_603 = vector.broadcast %not3A_602 : i32 to vector<16xi32>
    %and3A_604 = arith.andi %get3A_599, %and3A_603 : vector<16xi32>
    %and3A_605 = arith.constant 4095 : i32
    %and3A_606 = vector.broadcast %and3A_605 : i32 to vector<16xi32>
    %and3A_607 = arith.andi %get3A_599, %and3A_606 : vector<16xi32>
    %shift_left3A_608 = arith.constant 2 : i32
    %shift_left3A_609 = vector.broadcast %shift_left3A_608 : i32 to vector<16xi32>
    %shift_left3A_610 = arith.shli %and3A_607, %shift_left3A_609 : vector<16xi32>
    %or3A_611 = arith.ori %and3A_604, %shift_left3A_610 : vector<16xi32>
    %shift_right_arithmetic3A_612 = arith.constant 12 : i32
    %shift_right_arithmetic3A_613 = vector.broadcast %shift_right_arithmetic3A_612 : i32 to vector<16xi32>
    %shift_right_arithmetic3A_614 = arith.shrsi %get3A_599, %shift_right_arithmetic3A_613 : vector<16xi32>
    %and3A_615 = arith.constant 3 : i32
    %and3A_616 = vector.broadcast %and3A_615 : i32 to vector<16xi32>
    %and3A_617 = arith.andi %shift_right_arithmetic3A_614, %and3A_616 : vector<16xi32>
    %or3A_618 = arith.ori %or3A_611, %and3A_617 : vector<16xi32>
    %swap3A_619 = arith.constant 1 : i32
    %swap3A_620 = arith.index_cast %swap3A_619 : i32 to index
    %swap3A_621 = arith.constant 128 : index
    %swap3A_622 = tpu.vector_load %arg7[%swap3A_620, %swap3A_621] {strides = array<i32>} : memref<2x200xi32, #tpu.memory_space<vmem>>, vector<16xi32>,
    tpu.vector_store %arg7[%swap3A_620, %swap3A_621], %or3A_618 {strides = array<i32>} : memref<2x200xi32, #tpu.memory_space<vmem>>, vector<16xi32>,
    %get3A_623 = arith.constant 1 : i32
    %get3A_624 = arith.index_cast %get3A_623 : i32 to index
    %get3A_625 = arith.constant 144 : index
    %get3A_626 = tpu.vector_load %arg6[%get3A_624, %get3A_625] {strides = array<i32>} : memref<256x200xi32, #tpu.memory_space<vmem>>, vector<16xi32>,
    %not3A_627 = arith.constant 16383 : i32
    %not3A_628 = arith.constant -1 : i32
    %not3A_629 = arith.xori %not3A_627, %not3A_628 : i32
    %and3A_630 = vector.broadcast %not3A_629 : i32 to vector<16xi32>
    %and3A_631 = arith.andi %get3A_626, %and3A_630 : vector<16xi32>
    %and3A_632 = arith.constant 4095 : i32
    %and3A_633 = vector.broadcast %and3A_632 : i32 to vector<16xi32>
    %and3A_634 = arith.andi %get3A_626, %and3A_633 : vector<16xi32>
    %shift_left3A_635 = arith.constant 2 : i32
    %shift_left3A_636 = vector.broadcast %shift_left3A_635 : i32 to vector<16xi32>
    %shift_left3A_637 = arith.shli %and3A_634, %shift_left3A_636 : vector<16xi32>
    %or3A_638 = arith.ori %and3A_631, %shift_left3A_637 : vector<16xi32>
    %shift_right_arithmetic3A_639 = arith.constant 12 : i32
    %shift_right_arithmetic3A_640 = vector.broadcast %shift_right_arithmetic3A_639 : i32 to vector<16xi32>
    %shift_right_arithmetic3A_641 = arith.shrsi %get3A_626, %shift_right_arithmetic3A_640 : vector<16xi32>
    %and3A_642 = arith.constant 3 : i32
    %and3A_643 = vector.broadcast %and3A_642 : i32 to vector<16xi32>
    %and3A_644 = arith.andi %shift_right_arithmetic3A_641, %and3A_643 : vector<16xi32>
    %or3A_645 = arith.ori %or3A_638, %and3A_644 : vector<16xi32>
    %swap3A_646 = arith.constant 1 : i32
    %swap3A_647 = arith.index_cast %swap3A_646 : i32 to index
    %swap3A_648 = arith.constant 144 : index
    %swap3A_649 = tpu.vector_load %arg7[%swap3A_647, %swap3A_648] {strides = array<i32>} : memref<2x200xi32, #tpu.memory_space<vmem>>, vector<16xi32>,
    tpu.vector_store %arg7[%swap3A_647, %swap3A_648], %or3A_645 {strides = array<i32>} : memref<2x200xi32, #tpu.memory_space<vmem>>, vector<16xi32>,
    %get3A_650 = arith.constant 1 : i32
    %get3A_651 = arith.index_cast %get3A_650 : i32 to index
    %get3A_652 = arith.constant 160 : index
    %get3A_653 = tpu.vector_load %arg6[%get3A_651, %get3A_652] {strides = array<i32>} : memref<256x200xi32, #tpu.memory_space<vmem>>, vector<16xi32>,
    %not3A_654 = arith.constant 16383 : i32
    %not3A_655 = arith.constant -1 : i32
    %not3A_656 = arith.xori %not3A_654, %not3A_655 : i32
    %and3A_657 = vector.broadcast %not3A_656 : i32 to vector<16xi32>
    %and3A_658 = arith.andi %get3A_653, %and3A_657 : vector<16xi32>
    %and3A_659 = arith.constant 4095 : i32
    %and3A_660 = vector.broadcast %and3A_659 : i32 to vector<16xi32>
    %and3A_661 = arith.andi %get3A_653, %and3A_660 : vector<16xi32>
    %shift_left3A_662 = arith.constant 2 : i32
    %shift_left3A_663 = vector.broadcast %shift_left3A_662 : i32 to vector<16xi32>
    %shift_left3A_664 = arith.shli %and3A_661, %shift_left3A_663 : vector<16xi32>
    %or3A_665 = arith.ori %and3A_658, %shift_left3A_664 : vector<16xi32>
    %shift_right_arithmetic3A_666 = arith.constant 12 : i32
    %shift_right_arithmetic3A_667 = vector.broadcast %shift_right_arithmetic3A_666 : i32 to vector<16xi32>
    %shift_right_arithmetic3A_668 = arith.shrsi %get3A_653, %shift_right_arithmetic3A_667 : vector<16xi32>
    %and3A_669 = arith.constant 3 : i32
    %and3A_670 = vector.broadcast %and3A_669 : i32 to vector<16xi32>
    %and3A_671 = arith.andi %shift_right_arithmetic3A_668, %and3A_670 : vector<16xi32>
    %or3A_672 = arith.ori %or3A_665, %and3A_671 : vector<16xi32>
    %swap3A_673 = arith.constant 1 : i32
    %swap3A_674 = arith.index_cast %swap3A_673 : i32 to index
    %swap3A_675 = arith.constant 160 : index
    %swap3A_676 = tpu.vector_load %arg7[%swap3A_674, %swap3A_675] {strides = array<i32>} : memref<2x200xi32, #tpu.memory_space<vmem>>, vector<16xi32>,
    tpu.vector_store %arg7[%swap3A_674, %swap3A_675], %or3A_672 {strides = array<i32>} : memref<2x200xi32, #tpu.memory_space<vmem>>, vector<16xi32>,
    %get3A_677 = arith.constant 1 : i32
    %get3A_678 = arith.index_cast %get3A_677 : i32 to index
    %get3A_679 = arith.constant 176 : index
    %get3A_680 = tpu.vector_load %arg6[%get3A_678, %get3A_679] {strides = array<i32>} : memref<256x200xi32, #tpu.memory_space<vmem>>, vector<16xi32>,
    %not3A_681 = arith.constant 16383 : i32
    %not3A_682 = arith.constant -1 : i32
    %not3A_683 = arith.xori %not3A_681, %not3A_682 : i32
    %and3A_684 = vector.broadcast %not3A_683 : i32 to vector<16xi32>
    %and3A_685 = arith.andi %get3A_680, %and3A_684 : vector<16xi32>
    %and3A_686 = arith.constant 4095 : i32
    %and3A_687 = vector.broadcast %and3A_686 : i32 to vector<16xi32>
    %and3A_688 = arith.andi %get3A_680, %and3A_687 : vector<16xi32>
    %shift_left3A_689 = arith.constant 2 : i32
    %shift_left3A_690 = vector.broadcast %shift_left3A_689 : i32 to vector<16xi32>
    %shift_left3A_691 = arith.shli %and3A_688, %shift_left3A_690 : vector<16xi32>
    %or3A_692 = arith.ori %and3A_685, %shift_left3A_691 : vector<16xi32>
    %shift_right_arithmetic3A_693 = arith.constant 12 : i32
    %shift_right_arithmetic3A_694 = vector.broadcast %shift_right_arithmetic3A_693 : i32 to vector<16xi32>
    %shift_right_arithmetic3A_695 = arith.shrsi %get3A_680, %shift_right_arithmetic3A_694 : vector<16xi32>
    %and3A_696 = arith.constant 3 : i32
    %and3A_697 = vector.broadcast %and3A_696 : i32 to vector<16xi32>
    %and3A_698 = arith.andi %shift_right_arithmetic3A_695, %and3A_697 : vector<16xi32>
    %or3A_699 = arith.ori %or3A_692, %and3A_698 : vector<16xi32>
    %swap3A_700 = arith.constant 1 : i32
    %swap3A_701 = arith.index_cast %swap3A_700 : i32 to index
    %swap3A_702 = arith.constant 176 : index
    %swap3A_703 = tpu.vector_load %arg7[%swap3A_701, %swap3A_702] {strides = array<i32>} : memref<2x200xi32, #tpu.memory_space<vmem>>, vector<16xi32>,
    tpu.vector_store %arg7[%swap3A_701, %swap3A_702], %or3A_699 {strides = array<i32>} : memref<2x200xi32, #tpu.memory_space<vmem>>, vector<16xi32>,
    %get3A_704 = arith.constant 1 : i32
    %get3A_705 = arith.index_cast %get3A_704 : i32 to index
    %get3A_706 = arith.constant 184 : index
    %get3A_707 = tpu.vector_load %arg6[%get3A_705, %get3A_706] {strides = array<i32>} : memref<256x200xi32, #tpu.memory_space<vmem>>, vector<16xi32>,
    %not3A_708 = arith.constant 16383 : i32
    %not3A_709 = arith.constant -1 : i32
    %not3A_710 = arith.xori %not3A_708, %not3A_709 : i32
    %and3A_711 = vector.broadcast %not3A_710 : i32 to vector<16xi32>
    %and3A_712 = arith.andi %get3A_707, %and3A_711 : vector<16xi32>
    %and3A_713 = arith.constant 4095 : i32
    %and3A_714 = vector.broadcast %and3A_713 : i32 to vector<16xi32>
    %and3A_715 = arith.andi %get3A_707, %and3A_714 : vector<16xi32>
    %shift_left3A_716 = arith.constant 2 : i32
    %shift_left3A_717 = vector.broadcast %shift_left3A_716 : i32 to vector<16xi32>
    %shift_left3A_718 = arith.shli %and3A_715, %shift_left3A_717 : vector<16xi32>
    %or3A_719 = arith.ori %and3A_712, %shift_left3A_718 : vector<16xi32>
    %shift_right_arithmetic3A_720 = arith.constant 12 : i32
    %shift_right_arithmetic3A_721 = vector.broadcast %shift_right_arithmetic3A_720 : i32 to vector<16xi32>
    %shift_right_arithmetic3A_722 = arith.shrsi %get3A_707, %shift_right_arithmetic3A_721 : vector<16xi32>
    %and3A_723 = arith.constant 3 : i32
    %and3A_724 = vector.broadcast %and3A_723 : i32 to vector<16xi32>
    %and3A_725 = arith.andi %shift_right_arithmetic3A_722, %and3A_724 : vector<16xi32>
    %or3A_726 = arith.ori %or3A_719, %and3A_725 : vector<16xi32>
    %swap3A_727 = arith.constant 1 : i32
    %swap3A_728 = arith.index_cast %swap3A_727 : i32 to index
    %swap3A_729 = arith.constant 184 : index
    %swap3A_730 = tpu.vector_load %arg7[%swap3A_728, %swap3A_729] {strides = array<i32>} : memref<2x200xi32, #tpu.memory_space<vmem>>, vector<16xi32>,
    tpu.vector_store %arg7[%swap3A_728, %swap3A_729], %or3A_726 {strides = array<i32>} : memref<2x200xi32, #tpu.memory_space<vmem>>, vector<16xi32>,
    %dma_start3A_731 = arith.constant 1 : i32
    %dma_start3A_732 = arith.constant 1 : i32
    %dma_start3A_733 = arith.constant 0 : i32
    %dma_start3A_734 = arith.constant 0 : i32
    %dma_start3A_735 = tpu.memref_slice %arg8[%dma_start3A_732, %dma_start3A_733, %dma_start3A_734] : memref<2x200x32xf32, #tpu.memory_space<vmem>> -> memref<1x128x32xf32, #tpu.memory_space<vmem>>
    %dma_start3A_736 = tpu.memref_squeeze %dma_start3A_735 : memref<1x128x32xf32, #tpu.memory_space<vmem>> -> memref<128x32xf32, #tpu.memory_space<vmem>>
    %dma_start3A_737 = arith.constant 0 : i32
    %dma_start3A_738 = tpu.memref_slice %arg7[%dma_start3A_731, %dma_start3A_737] : memref<2x200xi32, #tpu.memory_space<vmem>> -> memref<1x128xi32, #tpu.memory_space<vmem>>
    %dma_start3A_739 = tpu.memref_squeeze %dma_start3A_738 : memref<1x128xi32, #tpu.memory_space<vmem>> -> memref<128xi32, #tpu.memory_space<vmem>>
    %dma_start3A_740 = arith.constant 0 : i32
    %dma_start3A_741 = arith.constant 0 : i32
    %dma_start3A_742 = tpu.memref_slice %arg3[%dma_start3A_740, %dma_start3A_741] : memref<1015808x32xf32, #tpu.memory_space<hbm>> -> memref<1015808x32xf32, #tpu.memory_space<hbm>>
    tpu.enqueue_indirect_dma source(%dma_start3A_742 : memref<1015808x32xf32, #tpu.memory_space<hbm>>) target(%dma_start3A_736 : memref<128x32xf32, #tpu.memory_space<vmem>>) offsets(%dma_start3A_739 : memref<128xi32, #tpu.memory_space<vmem>>) semaphore(%arg12 : memref<!tpu.dma_semaphore, #tpu.memory_space<semaphore_mem>>)
    %dma_start3A_743 = arith.constant 1 : i32
    %dma_start3A_744 = arith.constant 1 : i32
    %dma_start3A_745 = arith.constant 128 : i32
    %dma_start3A_746 = arith.constant 0 : i32
    %dma_start3A_747 = tpu.memref_slice %arg8[%dma_start3A_744, %dma_start3A_745, %dma_start3A_746] : memref<2x200x32xf32, #tpu.memory_space<vmem>> -> memref<1x72x32xf32, #tpu.memory_space<vmem>>
    %dma_start3A_748 = tpu.memref_squeeze %dma_start3A_747 : memref<1x72x32xf32, #tpu.memory_space<vmem>> -> memref<72x32xf32, #tpu.memory_space<vmem>>
    %dma_start3A_749 = arith.constant 128 : i32
    %dma_start3A_750 = tpu.memref_slice %arg7[%dma_start3A_743, %dma_start3A_749] : memref<2x200xi32, #tpu.memory_space<vmem>> -> memref<1x72xi32, #tpu.memory_space<vmem>>
    %dma_start3A_751 = tpu.memref_squeeze %dma_start3A_750 : memref<1x72xi32, #tpu.memory_space<vmem>> -> memref<72xi32, #tpu.memory_space<vmem>>
    %dma_start3A_752 = arith.constant 0 : i32
    %dma_start3A_753 = arith.constant 0 : i32
    %dma_start3A_754 = tpu.memref_slice %arg3[%dma_start3A_752, %dma_start3A_753] : memref<1015808x32xf32, #tpu.memory_space<hbm>> -> memref<1015808x32xf32, #tpu.memory_space<hbm>>
    tpu.enqueue_indirect_dma source(%dma_start3A_754 : memref<1015808x32xf32, #tpu.memory_space<hbm>>) target(%dma_start3A_748 : memref<72x32xf32, #tpu.memory_space<vmem>>) offsets(%dma_start3A_751 : memref<72xi32, #tpu.memory_space<vmem>>) semaphore(%arg12 : memref<!tpu.dma_semaphore, #tpu.memory_space<semaphore_mem>>)
    %scan3A = arith.constant -65536 : i32
    %scan3A_755 = arith.constant 0 : i32
    %scan3A_756 = arith.constant 128 : i32
    %scan3A_757 = arith.addi %scan3A_755, %scan3A_756 : i32
    %scan3A_758 = arith.constant 1 : i32
    scf.for %scan3A_1518 = %scan3A_755 to %scan3A_757 step %scan3A_758  : i32 {
      %mul3A_1519 = arith.constant 2 : i32
      %mul3A_1520 = arith.muli %scan3A_1518, %mul3A_1519 : i32
      %add3A_1521 = arith.constant 0 : i32
      %add3A_1522 = arith.addi %add3A_1521, %mul3A_1520 : i32
      %add3A_1523 = arith.constant 0 : i32
      %add3A_1524 = arith.addi %add3A_1522, %add3A_1523 : i32
      %dma_wait3A = arith.constant 0 : i32
      %dma_wait3A_1525 = arith.constant 0 : i32
      %dma_wait3A_1526 = arith.constant 0 : i32
      %dma_wait3A_1527 = arith.constant 0 : i32
      %dma_wait3A_1528 = tpu.memref_slice %arg8[%dma_wait3A_1525, %dma_wait3A_1526, %dma_wait3A_1527] : memref<2x200x32xf32, #tpu.memory_space<vmem>> -> memref<1x128x32xf32, #tpu.memory_space<vmem>>
      %dma_wait3A_1529 = tpu.memref_squeeze %dma_wait3A_1528 : memref<1x128x32xf32, #tpu.memory_space<vmem>> -> memref<128x32xf32, #tpu.memory_space<vmem>>
      %dma_wait3A_1530 = arith.constant 0 : i32
      %dma_wait3A_1531 = tpu.memref_slice %arg7[%dma_wait3A, %dma_wait3A_1530] : memref<2x200xi32, #tpu.memory_space<vmem>> -> memref<1x128xi32, #tpu.memory_space<vmem>>
      %dma_wait3A_1532 = tpu.memref_squeeze %dma_wait3A_1531 : memref<1x128xi32, #tpu.memory_space<vmem>> -> memref<128xi32, #tpu.memory_space<vmem>>
      %dma_wait3A_1533 = arith.constant 0 : i32
      %dma_wait3A_1534 = arith.constant 0 : i32
      %dma_wait3A_1535 = tpu.memref_slice %arg3[%dma_wait3A_1533, %dma_wait3A_1534] : memref<1015808x32xf32, #tpu.memory_space<hbm>> -> memref<1015808x32xf32, #tpu.memory_space<hbm>>
      tpu.wait_indirect_dma semaphore(%arg11 : memref<!tpu.dma_semaphore, #tpu.memory_space<semaphore_mem>>) src(%dma_wait3A_1535 : memref<1015808x32xf32, #tpu.memory_space<hbm>>) dst(%dma_wait3A_1529 : memref<128x32xf32, #tpu.memory_space<vmem>>)
      %dma_wait3A_1536 = arith.constant 0 : i32
      %dma_wait3A_1537 = arith.constant 0 : i32
      %dma_wait3A_1538 = arith.constant 128 : i32
      %dma_wait3A_1539 = arith.constant 0 : i32
      %dma_wait3A_1540 = tpu.memref_slice %arg8[%dma_wait3A_1537, %dma_wait3A_1538, %dma_wait3A_1539] : memref<2x200x32xf32, #tpu.memory_space<vmem>> -> memref<1x72x32xf32, #tpu.memory_space<vmem>>
      %dma_wait3A_1541 = tpu.memref_squeeze %dma_wait3A_1540 : memref<1x72x32xf32, #tpu.memory_space<vmem>> -> memref<72x32xf32, #tpu.memory_space<vmem>>
      %dma_wait3A_1542 = arith.constant 128 : i32
      %dma_wait3A_1543 = tpu.memref_slice %arg7[%dma_wait3A_1536, %dma_wait3A_1542] : memref<2x200xi32, #tpu.memory_space<vmem>> -> memref<1x72xi32, #tpu.memory_space<vmem>>
      %dma_wait3A_1544 = tpu.memref_squeeze %dma_wait3A_1543 : memref<1x72xi32, #tpu.memory_space<vmem>> -> memref<72xi32, #tpu.memory_space<vmem>>
      %dma_wait3A_1545 = arith.constant 0 : i32
      %dma_wait3A_1546 = arith.constant 0 : i32
      %dma_wait3A_1547 = tpu.memref_slice %arg3[%dma_wait3A_1545, %dma_wait3A_1546] : memref<1015808x32xf32, #tpu.memory_space<hbm>> -> memref<1015808x32xf32, #tpu.memory_space<hbm>>
      tpu.wait_indirect_dma semaphore(%arg11 : memref<!tpu.dma_semaphore, #tpu.memory_space<semaphore_mem>>) src(%dma_wait3A_1547 : memref<1015808x32xf32, #tpu.memory_space<hbm>>) dst(%dma_wait3A_1541 : memref<72x32xf32, #tpu.memory_space<vmem>>)
      %scan3A_1548 = arith.constant 0 : i32
      %scan3A_1549 = arith.constant 24 : i32
      %scan3A_1550 = arith.addi %scan3A_1548, %scan3A_1549 : i32
      %scan3A_1551 = arith.constant 2 : i32
      %scan3A_1552:4 = scf.for %scan3A_1959 = %scan3A_1548 to %scan3A_1550 step %scan3A_1551 iter_args(%scan3A_1960 = %get3A_3, %scan3A_1961 = %get3A_5, %scan3A_1962 = %get3A_7, %scan3A_1963 = %get3A_9) -> (vector<16xf32>, vector<16xf32>, vector<16xf32>, vector<16xf32>)  : i32 {
        %mul3A_1964 = arith.constant 8 : i32
        %mul3A_1965 = arith.muli %scan3A_1959, %mul3A_1964 : i32
        %broadcast_in_dim3A_1966 = arith.constant 0.000000e+00 : bf16
        %broadcast_in_dim3A_1967 = vector.broadcast %broadcast_in_dim3A_1966 : bf16 to vector<32xbf16>
        %add3A_1968 = arith.constant 0 : i32
        %add3A_1969 = arith.addi %mul3A_1965, %add3A_1968 : i32
        %get3A_1970 = arith.constant 0 : i32
        %get3A_1971 = arith.index_cast %get3A_1970 : i32 to index
        %get3A_1972 = arith.index_cast %add3A_1969 : i32 to index
        %get3A_1973 = arith.constant 0 : index
        %get3A_1974 = tpu.vector_load %arg8[%get3A_1971, %get3A_1972, %get3A_1973] {strides = array<i32>} : memref<2x200x32xf32, #tpu.memory_space<vmem>>, vector<16xf32>,
        %bitcast3A_1975 = vector.bitcast %get3A_1974 : vector<16xf32> to vector<32xbf16>
        %add3A_1976 = arith.addf %broadcast_in_dim3A_1967, %bitcast3A_1975 : vector<32xbf16>
        %add3A_1977 = arith.constant 0 : i32
        %add3A_1978 = arith.addi %mul3A_1965, %add3A_1977 : i32
        %get3A_1979 = arith.constant 0 : i32
        %get3A_1980 = arith.index_cast %get3A_1979 : i32 to index
        %get3A_1981 = arith.index_cast %add3A_1978 : i32 to index
        %get3A_1982 = arith.constant 16 : index
        %get3A_1983 = tpu.vector_load %arg8[%get3A_1980, %get3A_1981, %get3A_1982] {strides = array<i32>} : memref<2x200x32xf32, #tpu.memory_space<vmem>>, vector<16xf32>,
        %bitcast3A_1984 = vector.bitcast %get3A_1983 : vector<16xf32> to vector<32xbf16>
        %add3A_1985 = arith.addf %broadcast_in_dim3A_1967, %bitcast3A_1984 : vector<32xbf16>
        %add3A_1986 = arith.constant 1 : i32
        %add3A_1987 = arith.addi %mul3A_1965, %add3A_1986 : i32
        %get3A_1988 = arith.constant 0 : i32
        %get3A_1989 = arith.index_cast %get3A_1988 : i32 to index
        %get3A_1990 = arith.index_cast %add3A_1987 : i32 to index
        %get3A_1991 = arith.constant 0 : index
        %get3A_1992 = tpu.vector_load %arg8[%get3A_1989, %get3A_1990, %get3A_1991] {strides = array<i32>} : memref<2x200x32xf32, #tpu.memory_space<vmem>>, vector<16xf32>,
        %bitcast3A_1993 = vector.bitcast %get3A_1992 : vector<16xf32> to vector<32xbf16>
        %add3A_1994 = arith.addf %add3A_1976, %bitcast3A_1993 : vector<32xbf16>
        %add3A_1995 = arith.constant 1 : i32
        %add3A_1996 = arith.addi %mul3A_1965, %add3A_1995 : i32
        %get3A_1997 = arith.constant 0 : i32
        %get3A_1998 = arith.index_cast %get3A_1997 : i32 to index
        %get3A_1999 = arith.index_cast %add3A_1996 : i32 to index
        %get3A_2000 = arith.constant 16 : index
        %get3A_2001 = tpu.vector_load %arg8[%get3A_1998, %get3A_1999, %get3A_2000] {strides = array<i32>} : memref<2x200x32xf32, #tpu.memory_space<vmem>>, vector<16xf32>,
        %bitcast3A_2002 = vector.bitcast %get3A_2001 : vector<16xf32> to vector<32xbf16>
        %add3A_2003 = arith.addf %add3A_1985, %bitcast3A_2002 : vector<32xbf16>
        %add3A_2004 = arith.constant 2 : i32
        %add3A_2005 = arith.addi %mul3A_1965, %add3A_2004 : i32
        %get3A_2006 = arith.constant 0 : i32
        %get3A_2007 = arith.index_cast %get3A_2006 : i32 to index
        %get3A_2008 = arith.index_cast %add3A_2005 : i32 to index
        %get3A_2009 = arith.constant 0 : index
        %get3A_2010 = tpu.vector_load %arg8[%get3A_2007, %get3A_2008, %get3A_2009] {strides = array<i32>} : memref<2x200x32xf32, #tpu.memory_space<vmem>>, vector<16xf32>,
        %bitcast3A_2011 = vector.bitcast %get3A_2010 : vector<16xf32> to vector<32xbf16>
        %add3A_2012 = arith.addf %add3A_1994, %bitcast3A_2011 : vector<32xbf16>
        %add3A_2013 = arith.constant 2 : i32
        %add3A_2014 = arith.addi %mul3A_1965, %add3A_2013 : i32
        %get3A_2015 = arith.constant 0 : i32
        %get3A_2016 = arith.index_cast %get3A_2015 : i32 to index
        %get3A_2017 = arith.index_cast %add3A_2014 : i32 to index
        %get3A_2018 = arith.constant 16 : index
        %get3A_2019 = tpu.vector_load %arg8[%get3A_2016, %get3A_2017, %get3A_2018] {strides = array<i32>} : memref<2x200x32xf32, #tpu.memory_space<vmem>>, vector<16xf32>,
        %bitcast3A_2020 = vector.bitcast %get3A_2019 : vector<16xf32> to vector<32xbf16>
        %add3A_2021 = arith.addf %add3A_2003, %bitcast3A_2020 : vector<32xbf16>
        %add3A_2022 = arith.constant 3 : i32
        %add3A_2023 = arith.addi %mul3A_1965, %add3A_2022 : i32
        %get3A_2024 = arith.constant 0 : i32
        %get3A_2025 = arith.index_cast %get3A_2024 : i32 to index
        %get3A_2026 = arith.index_cast %add3A_2023 : i32 to index
        %get3A_2027 = arith.constant 0 : index
        %get3A_2028 = tpu.vector_load %arg8[%get3A_2025, %get3A_2026, %get3A_2027] {strides = array<i32>} : memref<2x200x32xf32, #tpu.memory_space<vmem>>, vector<16xf32>,
        %bitcast3A_2029 = vector.bitcast %get3A_2028 : vector<16xf32> to vector<32xbf16>
        %add3A_2030 = arith.addf %add3A_2012, %bitcast3A_2029 : vector<32xbf16>
        %add3A_2031 = arith.constant 3 : i32
        %add3A_2032 = arith.addi %mul3A_1965, %add3A_2031 : i32
        %get3A_2033 = arith.constant 0 : i32
        %get3A_2034 = arith.index_cast %get3A_2033 : i32 to index
        %get3A_2035 = arith.index_cast %add3A_2032 : i32 to index
        %get3A_2036 = arith.constant 16 : index
        %get3A_2037 = tpu.vector_load %arg8[%get3A_2034, %get3A_2035, %get3A_2036] {strides = array<i32>} : memref<2x200x32xf32, #tpu.memory_space<vmem>>, vector<16xf32>,
        %bitcast3A_2038 = vector.bitcast %get3A_2037 : vector<16xf32> to vector<32xbf16>
        %add3A_2039 = arith.addf %add3A_2021, %bitcast3A_2038 : vector<32xbf16>
        %add3A_2040 = arith.constant 4 : i32
        %add3A_2041 = arith.addi %mul3A_1965, %add3A_2040 : i32
        %get3A_2042 = arith.constant 0 : i32
        %get3A_2043 = arith.index_cast %get3A_2042 : i32 to index
        %get3A_2044 = arith.index_cast %add3A_2041 : i32 to index
        %get3A_2045 = arith.constant 0 : index
        %get3A_2046 = tpu.vector_load %arg8[%get3A_2043, %get3A_2044, %get3A_2045] {strides = array<i32>} : memref<2x200x32xf32, #tpu.memory_space<vmem>>, vector<16xf32>,
        %bitcast3A_2047 = vector.bitcast %get3A_2046 : vector<16xf32> to vector<32xbf16>
        %add3A_2048 = arith.addf %add3A_2030, %bitcast3A_2047 : vector<32xbf16>
        %add3A_2049 = arith.constant 4 : i32
        %add3A_2050 = arith.addi %mul3A_1965, %add3A_2049 : i32
        %get3A_2051 = arith.constant 0 : i32
        %get3A_2052 = arith.index_cast %get3A_2051 : i32 to index
        %get3A_2053 = arith.index_cast %add3A_2050 : i32 to index
        %get3A_2054 = arith.constant 16 : index
        %get3A_2055 = tpu.vector_load %arg8[%get3A_2052, %get3A_2053, %get3A_2054] {strides = array<i32>} : memref<2x200x32xf32, #tpu.memory_space<vmem>>, vector<16xf32>,
        %bitcast3A_2056 = vector.bitcast %get3A_2055 : vector<16xf32> to vector<32xbf16>
        %add3A_2057 = arith.addf %add3A_2039, %bitcast3A_2056 : vector<32xbf16>
        %add3A_2058 = arith.constant 5 : i32
        %add3A_2059 = arith.addi %mul3A_1965, %add3A_2058 : i32
        %get3A_2060 = arith.constant 0 : i32
        %get3A_2061 = arith.index_cast %get3A_2060 : i32 to index
        %get3A_2062 = arith.index_cast %add3A_2059 : i32 to index
        %get3A_2063 = arith.constant 0 : index
        %get3A_2064 = tpu.vector_load %arg8[%get3A_2061, %get3A_2062, %get3A_2063] {strides = array<i32>} : memref<2x200x32xf32, #tpu.memory_space<vmem>>, vector<16xf32>,
        %bitcast3A_2065 = vector.bitcast %get3A_2064 : vector<16xf32> to vector<32xbf16>
        %add3A_2066 = arith.addf %add3A_2048, %bitcast3A_2065 : vector<32xbf16>
        %add3A_2067 = arith.constant 5 : i32
        %add3A_2068 = arith.addi %mul3A_1965, %add3A_2067 : i32
        %get3A_2069 = arith.constant 0 : i32
        %get3A_2070 = arith.index_cast %get3A_2069 : i32 to index
        %get3A_2071 = arith.index_cast %add3A_2068 : i32 to index
        %get3A_2072 = arith.constant 16 : index
        %get3A_2073 = tpu.vector_load %arg8[%get3A_2070, %get3A_2071, %get3A_2072] {strides = array<i32>} : memref<2x200x32xf32, #tpu.memory_space<vmem>>, vector<16xf32>,
        %bitcast3A_2074 = vector.bitcast %get3A_2073 : vector<16xf32> to vector<32xbf16>
        %add3A_2075 = arith.addf %add3A_2057, %bitcast3A_2074 : vector<32xbf16>
        %add3A_2076 = arith.constant 6 : i32
        %add3A_2077 = arith.addi %mul3A_1965, %add3A_2076 : i32
        %get3A_2078 = arith.constant 0 : i32
        %get3A_2079 = arith.index_cast %get3A_2078 : i32 to index
        %get3A_2080 = arith.index_cast %add3A_2077 : i32 to index
        %get3A_2081 = arith.constant 0 : index
        %get3A_2082 = tpu.vector_load %arg8[%get3A_2079, %get3A_2080, %get3A_2081] {strides = array<i32>} : memref<2x200x32xf32, #tpu.memory_space<vmem>>, vector<16xf32>,
        %bitcast3A_2083 = vector.bitcast %get3A_2082 : vector<16xf32> to vector<32xbf16>
        %add3A_2084 = arith.addf %add3A_2066, %bitcast3A_2083 : vector<32xbf16>
        %add3A_2085 = arith.constant 6 : i32
        %add3A_2086 = arith.addi %mul3A_1965, %add3A_2085 : i32
        %get3A_2087 = arith.constant 0 : i32
        %get3A_2088 = arith.index_cast %get3A_2087 : i32 to index
        %get3A_2089 = arith.index_cast %add3A_2086 : i32 to index
        %get3A_2090 = arith.constant 16 : index
        %get3A_2091 = tpu.vector_load %arg8[%get3A_2088, %get3A_2089, %get3A_2090] {strides = array<i32>} : memref<2x200x32xf32, #tpu.memory_space<vmem>>, vector<16xf32>,
        %bitcast3A_2092 = vector.bitcast %get3A_2091 : vector<16xf32> to vector<32xbf16>
        %add3A_2093 = arith.addf %add3A_2075, %bitcast3A_2092 : vector<32xbf16>
        %add3A_2094 = arith.constant 7 : i32
        %add3A_2095 = arith.addi %mul3A_1965, %add3A_2094 : i32
        %get3A_2096 = arith.constant 0 : i32
        %get3A_2097 = arith.index_cast %get3A_2096 : i32 to index
        %get3A_2098 = arith.index_cast %add3A_2095 : i32 to index
        %get3A_2099 = arith.constant 0 : index
        %get3A_2100 = tpu.vector_load %arg8[%get3A_2097, %get3A_2098, %get3A_2099] {strides = array<i32>} : memref<2x200x32xf32, #tpu.memory_space<vmem>>, vector<16xf32>,
        %bitcast3A_2101 = vector.bitcast %get3A_2100 : vector<16xf32> to vector<32xbf16>
        %add3A_2102 = arith.addf %add3A_2084, %bitcast3A_2101 : vector<32xbf16>
        %add3A_2103 = arith.constant 7 : i32
        %add3A_2104 = arith.addi %mul3A_1965, %add3A_2103 : i32
        %get3A_2105 = arith.constant 0 : i32
        %get3A_2106 = arith.index_cast %get3A_2105 : i32 to index
        %get3A_2107 = arith.index_cast %add3A_2104 : i32 to index
        %get3A_2108 = arith.constant 16 : index
        %get3A_2109 = tpu.vector_load %arg8[%get3A_2106, %get3A_2107, %get3A_2108] {strides = array<i32>} : memref<2x200x32xf32, #tpu.memory_space<vmem>>, vector<16xf32>,
        %bitcast3A_2110 = vector.bitcast %get3A_2109 : vector<16xf32> to vector<32xbf16>
        %add3A_2111 = arith.addf %add3A_2093, %bitcast3A_2110 : vector<32xbf16>
        %bitcast3A_2112 = vector.bitcast %add3A_2102 : vector<32xbf16> to vector<16xi32>
        %shift_left3A_2113 = arith.constant 16 : i32
        %shift_left3A_2114 = vector.broadcast %shift_left3A_2113 : i32 to vector<16xi32>
        %shift_left3A_2115 = arith.shli %bitcast3A_2112, %shift_left3A_2114 : vector<16xi32>
        %bitcast3A_2116 = vector.bitcast %shift_left3A_2115 : vector<16xi32> to vector<16xf32>
        %add3A_2117 = arith.addf %scan3A_1960, %bitcast3A_2116 : vector<16xf32>
        %and3A_2118 = vector.broadcast %scan3A : i32 to vector<16xi32>
        %and3A_2119 = arith.andi %bitcast3A_2112, %and3A_2118 : vector<16xi32>
        %bitcast3A_2120 = vector.bitcast %and3A_2119 : vector<16xi32> to vector<16xf32>
        %add3A_2121 = arith.addf %scan3A_1962, %bitcast3A_2120 : vector<16xf32>
        %bitcast3A_2122 = vector.bitcast %add3A_2111 : vector<32xbf16> to vector<16xi32>
        %shift_left3A_2123 = arith.constant 16 : i32
        %shift_left3A_2124 = vector.broadcast %shift_left3A_2123 : i32 to vector<16xi32>
        %shift_left3A_2125 = arith.shli %bitcast3A_2122, %shift_left3A_2124 : vector<16xi32>
        %bitcast3A_2126 = vector.bitcast %shift_left3A_2125 : vector<16xi32> to vector<16xf32>
        %add3A_2127 = arith.addf %scan3A_1961, %bitcast3A_2126 : vector<16xf32>
        %and3A_2128 = vector.broadcast %scan3A : i32 to vector<16xi32>
        %and3A_2129 = arith.andi %bitcast3A_2122, %and3A_2128 : vector<16xi32>
        %bitcast3A_2130 = vector.bitcast %and3A_2129 : vector<16xi32> to vector<16xf32>
        %add3A_2131 = arith.addf %scan3A_1963, %bitcast3A_2130 : vector<16xf32>
        %scan3A_2132 = arith.constant 1 : i32
        %scan3A_2133 = arith.addi %scan3A_1959, %scan3A_2132 : i32
        %mul3A_2134 = arith.constant 8 : i32
        %mul3A_2135 = arith.muli %scan3A_2133, %mul3A_2134 : i32
        %broadcast_in_dim3A_2136 = arith.constant 0.000000e+00 : bf16
        %broadcast_in_dim3A_2137 = vector.broadcast %broadcast_in_dim3A_2136 : bf16 to vector<32xbf16>
        %add3A_2138 = arith.constant 0 : i32
        %add3A_2139 = arith.addi %mul3A_2135, %add3A_2138 : i32
        %get3A_2140 = arith.constant 0 : i32
        %get3A_2141 = arith.index_cast %get3A_2140 : i32 to index
        %get3A_2142 = arith.index_cast %add3A_2139 : i32 to index
        %get3A_2143 = arith.constant 0 : index
        %get3A_2144 = tpu.vector_load %arg8[%get3A_2141, %get3A_2142, %get3A_2143] {strides = array<i32>} : memref<2x200x32xf32, #tpu.memory_space<vmem>>, vector<16xf32>,
        %bitcast3A_2145 = vector.bitcast %get3A_2144 : vector<16xf32> to vector<32xbf16>
        %add3A_2146 = arith.addf %broadcast_in_dim3A_2137, %bitcast3A_2145 : vector<32xbf16>
        %add3A_2147 = arith.constant 0 : i32
        %add3A_2148 = arith.addi %mul3A_2135, %add3A_2147 : i32
        %get3A_2149 = arith.constant 0 : i32
        %get3A_2150 = arith.index_cast %get3A_2149 : i32 to index
        %get3A_2151 = arith.index_cast %add3A_2148 : i32 to index
        %get3A_2152 = arith.constant 16 : index
        %get3A_2153 = tpu.vector_load %arg8[%get3A_2150, %get3A_2151, %get3A_2152] {strides = array<i32>} : memref<2x200x32xf32, #tpu.memory_space<vmem>>, vector<16xf32>,
        %bitcast3A_2154 = vector.bitcast %get3A_2153 : vector<16xf32> to vector<32xbf16>
        %add3A_2155 = arith.addf %broadcast_in_dim3A_2137, %bitcast3A_2154 : vector<32xbf16>
        %add3A_2156 = arith.constant 1 : i32
        %add3A_2157 = arith.addi %mul3A_2135, %add3A_2156 : i32
        %get3A_2158 = arith.constant 0 : i32
        %get3A_2159 = arith.index_cast %get3A_2158 : i32 to index
        %get3A_2160 = arith.index_cast %add3A_2157 : i32 to index
        %get3A_2161 = arith.constant 0 : index
        %get3A_2162 = tpu.vector_load %arg8[%get3A_2159, %get3A_2160, %get3A_2161] {strides = array<i32>} : memref<2x200x32xf32, #tpu.memory_space<vmem>>, vector<16xf32>,
        %bitcast3A_2163 = vector.bitcast %get3A_2162 : vector<16xf32> to vector<32xbf16>
        %add3A_2164 = arith.addf %add3A_2146, %bitcast3A_2163 : vector<32xbf16>
        %add3A_2165 = arith.constant 1 : i32
        %add3A_2166 = arith.addi %mul3A_2135, %add3A_2165 : i32
        %get3A_2167 = arith.constant 0 : i32
        %get3A_2168 = arith.index_cast %get3A_2167 : i32 to index
        %get3A_2169 = arith.index_cast %add3A_2166 : i32 to index
        %get3A_2170 = arith.constant 16 : index
        %get3A_2171 = tpu.vector_load %arg8[%get3A_2168, %get3A_2169, %get3A_2170] {strides = array<i32>} : memref<2x200x32xf32, #tpu.memory_space<vmem>>, vector<16xf32>,
        %bitcast3A_2172 = vector.bitcast %get3A_2171 : vector<16xf32> to vector<32xbf16>
        %add3A_2173 = arith.addf %add3A_2155, %bitcast3A_2172 : vector<32xbf16>
        %add3A_2174 = arith.constant 2 : i32
        %add3A_2175 = arith.addi %mul3A_2135, %add3A_2174 : i32
        %get3A_2176 = arith.constant 0 : i32
        %get3A_2177 = arith.index_cast %get3A_2176 : i32 to index
        %get3A_2178 = arith.index_cast %add3A_2175 : i32 to index
        %get3A_2179 = arith.constant 0 : index
        %get3A_2180 = tpu.vector_load %arg8[%get3A_2177, %get3A_2178, %get3A_2179] {strides = array<i32>} : memref<2x200x32xf32, #tpu.memory_space<vmem>>, vector<16xf32>,
        %bitcast3A_2181 = vector.bitcast %get3A_2180 : vector<16xf32> to vector<32xbf16>
        %add3A_2182 = arith.addf %add3A_2164, %bitcast3A_2181 : vector<32xbf16>
        %add3A_2183 = arith.constant 2 : i32
        %add3A_2184 = arith.addi %mul3A_2135, %add3A_2183 : i32
        %get3A_2185 = arith.constant 0 : i32
        %get3A_2186 = arith.index_cast %get3A_2185 : i32 to index
        %get3A_2187 = arith.index_cast %add3A_2184 : i32 to index
        %get3A_2188 = arith.constant 16 : index
        %get3A_2189 = tpu.vector_load %arg8[%get3A_2186, %get3A_2187, %get3A_2188] {strides = array<i32>} : memref<2x200x32xf32, #tpu.memory_space<vmem>>, vector<16xf32>,
        %bitcast3A_2190 = vector.bitcast %get3A_2189 : vector<16xf32> to vector<32xbf16>
        %add3A_2191 = arith.addf %add3A_2173, %bitcast3A_2190 : vector<32xbf16>
        %add3A_2192 = arith.constant 3 : i32
        %add3A_2193 = arith.addi %mul3A_2135, %add3A_2192 : i32
        %get3A_2194 = arith.constant 0 : i32
        %get3A_2195 = arith.index_cast %get3A_2194 : i32 to index
        %get3A_2196 = arith.index_cast %add3A_2193 : i32 to index
        %get3A_2197 = arith.constant 0 : index
        %get3A_2198 = tpu.vector_load %arg8[%get3A_2195, %get3A_2196, %get3A_2197] {strides = array<i32>} : memref<2x200x32xf32, #tpu.memory_space<vmem>>, vector<16xf32>,
        %bitcast3A_2199 = vector.bitcast %get3A_2198 : vector<16xf32> to vector<32xbf16>
        %add3A_2200 = arith.addf %add3A_2182, %bitcast3A_2199 : vector<32xbf16>
        %add3A_2201 = arith.constant 3 : i32
        %add3A_2202 = arith.addi %mul3A_2135, %add3A_2201 : i32
        %get3A_2203 = arith.constant 0 : i32
        %get3A_2204 = arith.index_cast %get3A_2203 : i32 to index
        %get3A_2205 = arith.index_cast %add3A_2202 : i32 to index
        %get3A_2206 = arith.constant 16 : index
        %get3A_2207 = tpu.vector_load %arg8[%get3A_2204, %get3A_2205, %get3A_2206] {strides = array<i32>} : memref<2x200x32xf32, #tpu.memory_space<vmem>>, vector<16xf32>,
        %bitcast3A_2208 = vector.bitcast %get3A_2207 : vector<16xf32> to vector<32xbf16>
        %add3A_2209 = arith.addf %add3A_2191, %bitcast3A_2208 : vector<32xbf16>
        %add3A_2210 = arith.constant 4 : i32
        %add3A_2211 = arith.addi %mul3A_2135, %add3A_2210 : i32
        %get3A_2212 = arith.constant 0 : i32
        %get3A_2213 = arith.index_cast %get3A_2212 : i32 to index
        %get3A_2214 = arith.index_cast %add3A_2211 : i32 to index
        %get3A_2215 = arith.constant 0 : index
        %get3A_2216 = tpu.vector_load %arg8[%get3A_2213, %get3A_2214, %get3A_2215] {strides = array<i32>} : memref<2x200x32xf32, #tpu.memory_space<vmem>>, vector<16xf32>,
        %bitcast3A_2217 = vector.bitcast %get3A_2216 : vector<16xf32> to vector<32xbf16>
        %add3A_2218 = arith.addf %add3A_2200, %bitcast3A_2217 : vector<32xbf16>
        %add3A_2219 = arith.constant 4 : i32
        %add3A_2220 = arith.addi %mul3A_2135, %add3A_2219 : i32
        %get3A_2221 = arith.constant 0 : i32
        %get3A_2222 = arith.index_cast %get3A_2221 : i32 to index
        %get3A_2223 = arith.index_cast %add3A_2220 : i32 to index
        %get3A_2224 = arith.constant 16 : index
        %get3A_2225 = tpu.vector_load %arg8[%get3A_2222, %get3A_2223, %get3A_2224] {strides = array<i32>} : memref<2x200x32xf32, #tpu.memory_space<vmem>>, vector<16xf32>,
        %bitcast3A_2226 = vector.bitcast %get3A_2225 : vector<16xf32> to vector<32xbf16>
        %add3A_2227 = arith.addf %add3A_2209, %bitcast3A_2226 : vector<32xbf16>
        %add3A_2228 = arith.constant 5 : i32
        %add3A_2229 = arith.addi %mul3A_2135, %add3A_2228 : i32
        %get3A_2230 = arith.constant 0 : i32
        %get3A_2231 = arith.index_cast %get3A_2230 : i32 to index
        %get3A_2232 = arith.index_cast %add3A_2229 : i32 to index
        %get3A_2233 = arith.constant 0 : index
        %get3A_2234 = tpu.vector_load %arg8[%get3A_2231, %get3A_2232, %get3A_2233] {strides = array<i32>} : memref<2x200x32xf32, #tpu.memory_space<vmem>>, vector<16xf32>,
        %bitcast3A_2235 = vector.bitcast %get3A_2234 : vector<16xf32> to vector<32xbf16>
        %add3A_2236 = arith.addf %add3A_2218, %bitcast3A_2235 : vector<32xbf16>
        %add3A_2237 = arith.constant 5 : i32
        %add3A_2238 = arith.addi %mul3A_2135, %add3A_2237 : i32
        %get3A_2239 = arith.constant 0 : i32
        %get3A_2240 = arith.index_cast %get3A_2239 : i32 to index
        %get3A_2241 = arith.index_cast %add3A_2238 : i32 to index
        %get3A_2242 = arith.constant 16 : index
        %get3A_2243 = tpu.vector_load %arg8[%get3A_2240, %get3A_2241, %get3A_2242] {strides = array<i32>} : memref<2x200x32xf32, #tpu.memory_space<vmem>>, vector<16xf32>,
        %bitcast3A_2244 = vector.bitcast %get3A_2243 : vector<16xf32> to vector<32xbf16>
        %add3A_2245 = arith.addf %add3A_2227, %bitcast3A_2244 : vector<32xbf16>
        %add3A_2246 = arith.constant 6 : i32
        %add3A_2247 = arith.addi %mul3A_2135, %add3A_2246 : i32
        %get3A_2248 = arith.constant 0 : i32
        %get3A_2249 = arith.index_cast %get3A_2248 : i32 to index
        %get3A_2250 = arith.index_cast %add3A_2247 : i32 to index
        %get3A_2251 = arith.constant 0 : index
        %get3A_2252 = tpu.vector_load %arg8[%get3A_2249, %get3A_2250, %get3A_2251] {strides = array<i32>} : memref<2x200x32xf32, #tpu.memory_space<vmem>>, vector<16xf32>,
        %bitcast3A_2253 = vector.bitcast %get3A_2252 : vector<16xf32> to vector<32xbf16>
        %add3A_2254 = arith.addf %add3A_2236, %bitcast3A_2253 : vector<32xbf16>
        %add3A_2255 = arith.constant 6 : i32
        %add3A_2256 = arith.addi %mul3A_2135, %add3A_2255 : i32
        %get3A_2257 = arith.constant 0 : i32
        %get3A_2258 = arith.index_cast %get3A_2257 : i32 to index
        %get3A_2259 = arith.index_cast %add3A_2256 : i32 to index
        %get3A_2260 = arith.constant 16 : index
        %get3A_2261 = tpu.vector_load %arg8[%get3A_2258, %get3A_2259, %get3A_2260] {strides = array<i32>} : memref<2x200x32xf32, #tpu.memory_space<vmem>>, vector<16xf32>,
        %bitcast3A_2262 = vector.bitcast %get3A_2261 : vector<16xf32> to vector<32xbf16>
        %add3A_2263 = arith.addf %add3A_2245, %bitcast3A_2262 : vector<32xbf16>
        %add3A_2264 = arith.constant 7 : i32
        %add3A_2265 = arith.addi %mul3A_2135, %add3A_2264 : i32
        %get3A_2266 = arith.constant 0 : i32
        %get3A_2267 = arith.index_cast %get3A_2266 : i32 to index
        %get3A_2268 = arith.index_cast %add3A_2265 : i32 to index
        %get3A_2269 = arith.constant 0 : index
        %get3A_2270 = tpu.vector_load %arg8[%get3A_2267, %get3A_2268, %get3A_2269] {strides = array<i32>} : memref<2x200x32xf32, #tpu.memory_space<vmem>>, vector<16xf32>,
        %bitcast3A_2271 = vector.bitcast %get3A_2270 : vector<16xf32> to vector<32xbf16>
        %add3A_2272 = arith.addf %add3A_2254, %bitcast3A_2271 : vector<32xbf16>
        %add3A_2273 = arith.constant 7 : i32
        %add3A_2274 = arith.addi %mul3A_2135, %add3A_2273 : i32
        %get3A_2275 = arith.constant 0 : i32
        %get3A_2276 = arith.index_cast %get3A_2275 : i32 to index
        %get3A_2277 = arith.index_cast %add3A_2274 : i32 to index
        %get3A_2278 = arith.constant 16 : index
        %get3A_2279 = tpu.vector_load %arg8[%get3A_2276, %get3A_2277, %get3A_2278] {strides = array<i32>} : memref<2x200x32xf32, #tpu.memory_space<vmem>>, vector<16xf32>,
        %bitcast3A_2280 = vector.bitcast %get3A_2279 : vector<16xf32> to vector<32xbf16>
        %add3A_2281 = arith.addf %add3A_2263, %bitcast3A_2280 : vector<32xbf16>
        %bitcast3A_2282 = vector.bitcast %add3A_2272 : vector<32xbf16> to vector<16xi32>
        %shift_left3A_2283 = arith.constant 16 : i32
        %shift_left3A_2284 = vector.broadcast %shift_left3A_2283 : i32 to vector<16xi32>
        %shift_left3A_2285 = arith.shli %bitcast3A_2282, %shift_left3A_2284 : vector<16xi32>
        %bitcast3A_2286 = vector.bitcast %shift_left3A_2285 : vector<16xi32> to vector<16xf32>
        %add3A_2287 = arith.addf %add3A_2117, %bitcast3A_2286 : vector<16xf32>
        %and3A_2288 = vector.broadcast %scan3A : i32 to vector<16xi32>
        %and3A_2289 = arith.andi %bitcast3A_2282, %and3A_2288 : vector<16xi32>
        %bitcast3A_2290 = vector.bitcast %and3A_2289 : vector<16xi32> to vector<16xf32>
        %add3A_2291 = arith.addf %add3A_2121, %bitcast3A_2290 : vector<16xf32>
        %bitcast3A_2292 = vector.bitcast %add3A_2281 : vector<32xbf16> to vector<16xi32>
        %shift_left3A_2293 = arith.constant 16 : i32
        %shift_left3A_2294 = vector.broadcast %shift_left3A_2293 : i32 to vector<16xi32>
        %shift_left3A_2295 = arith.shli %bitcast3A_2292, %shift_left3A_2294 : vector<16xi32>
        %bitcast3A_2296 = vector.bitcast %shift_left3A_2295 : vector<16xi32> to vector<16xf32>
        %add3A_2297 = arith.addf %add3A_2127, %bitcast3A_2296 : vector<16xf32>
        %and3A_2298 = vector.broadcast %scan3A : i32 to vector<16xi32>
        %and3A_2299 = arith.andi %bitcast3A_2292, %and3A_2298 : vector<16xi32>
        %bitcast3A_2300 = vector.bitcast %and3A_2299 : vector<16xi32> to vector<16xf32>
        %add3A_2301 = arith.addf %add3A_2131, %bitcast3A_2300 : vector<16xf32>
        scf.yield %add3A_2287, %add3A_2297, %add3A_2291, %add3A_2301 : vector<16xf32>, vector<16xf32>, vector<16xf32>, vector<16xf32>
      }
      %scan3A_1553 = arith.constant 24 : i32
      %scan3A_1554 = arith.addi %scan3A_1548, %scan3A_1553 : i32
      %mul3A_1555 = arith.constant 8 : i32
      %mul3A_1556 = arith.muli %scan3A_1554, %mul3A_1555 : i32
      %broadcast_in_dim3A = arith.constant 0.000000e+00 : bf16
      %broadcast_in_dim3A_1557 = vector.broadcast %broadcast_in_dim3A : bf16 to vector<32xbf16>
      %add3A_1558 = arith.constant 0 : i32
      %add3A_1559 = arith.addi %mul3A_1556, %add3A_1558 : i32
      %get3A_1560 = arith.constant 0 : i32
      %get3A_1561 = arith.index_cast %get3A_1560 : i32 to index
      %get3A_1562 = arith.index_cast %add3A_1559 : i32 to index
      %get3A_1563 = arith.constant 0 : index
      %get3A_1564 = tpu.vector_load %arg8[%get3A_1561, %get3A_1562, %get3A_1563] {strides = array<i32>} : memref<2x200x32xf32, #tpu.memory_space<vmem>>, vector<16xf32>,
      %bitcast3A = vector.bitcast %get3A_1564 : vector<16xf32> to vector<32xbf16>
      %add3A_1565 = arith.addf %broadcast_in_dim3A_1557, %bitcast3A : vector<32xbf16>
      %add3A_1566 = arith.constant 0 : i32
      %add3A_1567 = arith.addi %mul3A_1556, %add3A_1566 : i32
      %get3A_1568 = arith.constant 0 : i32
      %get3A_1569 = arith.index_cast %get3A_1568 : i32 to index
      %get3A_1570 = arith.index_cast %add3A_1567 : i32 to index
      %get3A_1571 = arith.constant 16 : index
      %get3A_1572 = tpu.vector_load %arg8[%get3A_1569, %get3A_1570, %get3A_1571] {strides = array<i32>} : memref<2x200x32xf32, #tpu.memory_space<vmem>>, vector<16xf32>,
      %bitcast3A_1573 = vector.bitcast %get3A_1572 : vector<16xf32> to vector<32xbf16>
      %add3A_1574 = arith.addf %broadcast_in_dim3A_1557, %bitcast3A_1573 : vector<32xbf16>
      %add3A_1575 = arith.constant 1 : i32
      %add3A_1576 = arith.addi %mul3A_1556, %add3A_1575 : i32
      %get3A_1577 = arith.constant 0 : i32
      %get3A_1578 = arith.index_cast %get3A_1577 : i32 to index
      %get3A_1579 = arith.index_cast %add3A_1576 : i32 to index
      %get3A_1580 = arith.constant 0 : index
      %get3A_1581 = tpu.vector_load %arg8[%get3A_1578, %get3A_1579, %get3A_1580] {strides = array<i32>} : memref<2x200x32xf32, #tpu.memory_space<vmem>>, vector<16xf32>,
      %bitcast3A_1582 = vector.bitcast %get3A_1581 : vector<16xf32> to vector<32xbf16>
      %add3A_1583 = arith.addf %add3A_1565, %bitcast3A_1582 : vector<32xbf16>
      %add3A_1584 = arith.constant 1 : i32
      %add3A_1585 = arith.addi %mul3A_1556, %add3A_1584 : i32
      %get3A_1586 = arith.constant 0 : i32
      %get3A_1587 = arith.index_cast %get3A_1586 : i32 to index
      %get3A_1588 = arith.index_cast %add3A_1585 : i32 to index
      %get3A_1589 = arith.constant 16 : index
      %get3A_1590 = tpu.vector_load %arg8[%get3A_1587, %get3A_1588, %get3A_1589] {strides = array<i32>} : memref<2x200x32xf32, #tpu.memory_space<vmem>>, vector<16xf32>,
      %bitcast3A_1591 = vector.bitcast %get3A_1590 : vector<16xf32> to vector<32xbf16>
      %add3A_1592 = arith.addf %add3A_1574, %bitcast3A_1591 : vector<32xbf16>
      %add3A_1593 = arith.constant 2 : i32
      %add3A_1594 = arith.addi %mul3A_1556, %add3A_1593 : i32
      %get3A_1595 = arith.constant 0 : i32
      %get3A_1596 = arith.index_cast %get3A_1595 : i32 to index
      %get3A_1597 = arith.index_cast %add3A_1594 : i32 to index
      %get3A_1598 = arith.constant 0 : index
      %get3A_1599 = tpu.vector_load %arg8[%get3A_1596, %get3A_1597, %get3A_1598] {strides = array<i32>} : memref<2x200x32xf32, #tpu.memory_space<vmem>>, vector<16xf32>,
      %bitcast3A_1600 = vector.bitcast %get3A_1599 : vector<16xf32> to vector<32xbf16>
      %add3A_1601 = arith.addf %add3A_1583, %bitcast3A_1600 : vector<32xbf16>
      %add3A_1602 = arith.constant 2 : i32
      %add3A_1603 = arith.addi %mul3A_1556, %add3A_1602 : i32
      %get3A_1604 = arith.constant 0 : i32
      %get3A_1605 = arith.index_cast %get3A_1604 : i32 to index
      %get3A_1606 = arith.index_cast %add3A_1603 : i32 to index
      %get3A_1607 = arith.constant 16 : index
      %get3A_1608 = tpu.vector_load %arg8[%get3A_1605, %get3A_1606, %get3A_1607] {strides = array<i32>} : memref<2x200x32xf32, #tpu.memory_space<vmem>>, vector<16xf32>,
      %bitcast3A_1609 = vector.bitcast %get3A_1608 : vector<16xf32> to vector<32xbf16>
      %add3A_1610 = arith.addf %add3A_1592, %bitcast3A_1609 : vector<32xbf16>
      %add3A_1611 = arith.constant 3 : i32
      %add3A_1612 = arith.addi %mul3A_1556, %add3A_1611 : i32
      %get3A_1613 = arith.constant 0 : i32
      %get3A_1614 = arith.index_cast %get3A_1613 : i32 to index
      %get3A_1615 = arith.index_cast %add3A_1612 : i32 to index
      %get3A_1616 = arith.constant 0 : index
      %get3A_1617 = tpu.vector_load %arg8[%get3A_1614, %get3A_1615, %get3A_1616] {strides = array<i32>} : memref<2x200x32xf32, #tpu.memory_space<vmem>>, vector<16xf32>,
      %bitcast3A_1618 = vector.bitcast %get3A_1617 : vector<16xf32> to vector<32xbf16>
      %add3A_1619 = arith.addf %add3A_1601, %bitcast3A_1618 : vector<32xbf16>
      %add3A_1620 = arith.constant 3 : i32
      %add3A_1621 = arith.addi %mul3A_1556, %add3A_1620 : i32
      %get3A_1622 = arith.constant 0 : i32
      %get3A_1623 = arith.index_cast %get3A_1622 : i32 to index
      %get3A_1624 = arith.index_cast %add3A_1621 : i32 to index
      %get3A_1625 = arith.constant 16 : index
      %get3A_1626 = tpu.vector_load %arg8[%get3A_1623, %get3A_1624, %get3A_1625] {strides = array<i32>} : memref<2x200x32xf32, #tpu.memory_space<vmem>>, vector<16xf32>,
      %bitcast3A_1627 = vector.bitcast %get3A_1626 : vector<16xf32> to vector<32xbf16>
      %add3A_1628 = arith.addf %add3A_1610, %bitcast3A_1627 : vector<32xbf16>
      %add3A_1629 = arith.constant 4 : i32
      %add3A_1630 = arith.addi %mul3A_1556, %add3A_1629 : i32
      %get3A_1631 = arith.constant 0 : i32
      %get3A_1632 = arith.index_cast %get3A_1631 : i32 to index
      %get3A_1633 = arith.index_cast %add3A_1630 : i32 to index
      %get3A_1634 = arith.constant 0 : index
      %get3A_1635 = tpu.vector_load %arg8[%get3A_1632, %get3A_1633, %get3A_1634] {strides = array<i32>} : memref<2x200x32xf32, #tpu.memory_space<vmem>>, vector<16xf32>,
      %bitcast3A_1636 = vector.bitcast %get3A_1635 : vector<16xf32> to vector<32xbf16>
      %add3A_1637 = arith.addf %add3A_1619, %bitcast3A_1636 : vector<32xbf16>
      %add3A_1638 = arith.constant 4 : i32
      %add3A_1639 = arith.addi %mul3A_1556, %add3A_1638 : i32
      %get3A_1640 = arith.constant 0 : i32
      %get3A_1641 = arith.index_cast %get3A_1640 : i32 to index
      %get3A_1642 = arith.index_cast %add3A_1639 : i32 to index
      %get3A_1643 = arith.constant 16 : index
      %get3A_1644 = tpu.vector_load %arg8[%get3A_1641, %get3A_1642, %get3A_1643] {strides = array<i32>} : memref<2x200x32xf32, #tpu.memory_space<vmem>>, vector<16xf32>,
      %bitcast3A_1645 = vector.bitcast %get3A_1644 : vector<16xf32> to vector<32xbf16>
      %add3A_1646 = arith.addf %add3A_1628, %bitcast3A_1645 : vector<32xbf16>
      %add3A_1647 = arith.constant 5 : i32
      %add3A_1648 = arith.addi %mul3A_1556, %add3A_1647 : i32
      %get3A_1649 = arith.constant 0 : i32
      %get3A_1650 = arith.index_cast %get3A_1649 : i32 to index
      %get3A_1651 = arith.index_cast %add3A_1648 : i32 to index
      %get3A_1652 = arith.constant 0 : index
      %get3A_1653 = tpu.vector_load %arg8[%get3A_1650, %get3A_1651, %get3A_1652] {strides = array<i32>} : memref<2x200x32xf32, #tpu.memory_space<vmem>>, vector<16xf32>,
      %bitcast3A_1654 = vector.bitcast %get3A_1653 : vector<16xf32> to vector<32xbf16>
      %add3A_1655 = arith.addf %add3A_1637, %bitcast3A_1654 : vector<32xbf16>
      %add3A_1656 = arith.constant 5 : i32
      %add3A_1657 = arith.addi %mul3A_1556, %add3A_1656 : i32
      %get3A_1658 = arith.constant 0 : i32
      %get3A_1659 = arith.index_cast %get3A_1658 : i32 to index
      %get3A_1660 = arith.index_cast %add3A_1657 : i32 to index
      %get3A_1661 = arith.constant 16 : index
      %get3A_1662 = tpu.vector_load %arg8[%get3A_1659, %get3A_1660, %get3A_1661] {strides = array<i32>} : memref<2x200x32xf32, #tpu.memory_space<vmem>>, vector<16xf32>,
      %bitcast3A_1663 = vector.bitcast %get3A_1662 : vector<16xf32> to vector<32xbf16>
      %add3A_1664 = arith.addf %add3A_1646, %bitcast3A_1663 : vector<32xbf16>
      %add3A_1665 = arith.constant 6 : i32
      %add3A_1666 = arith.addi %mul3A_1556, %add3A_1665 : i32
      %get3A_1667 = arith.constant 0 : i32
      %get3A_1668 = arith.index_cast %get3A_1667 : i32 to index
      %get3A_1669 = arith.index_cast %add3A_1666 : i32 to index
      %get3A_1670 = arith.constant 0 : index
      %get3A_1671 = tpu.vector_load %arg8[%get3A_1668, %get3A_1669, %get3A_1670] {strides = array<i32>} : memref<2x200x32xf32, #tpu.memory_space<vmem>>, vector<16xf32>,
      %bitcast3A_1672 = vector.bitcast %get3A_1671 : vector<16xf32> to vector<32xbf16>
      %add3A_1673 = arith.addf %add3A_1655, %bitcast3A_1672 : vector<32xbf16>
      %add3A_1674 = arith.constant 6 : i32
      %add3A_1675 = arith.addi %mul3A_1556, %add3A_1674 : i32
      %get3A_1676 = arith.constant 0 : i32
      %get3A_1677 = arith.index_cast %get3A_1676 : i32 to index
      %get3A_1678 = arith.index_cast %add3A_1675 : i32 to index
      %get3A_1679 = arith.constant 16 : index
      %get3A_1680 = tpu.vector_load %arg8[%get3A_1677, %get3A_1678, %get3A_1679] {strides = array<i32>} : memref<2x200x32xf32, #tpu.memory_space<vmem>>, vector<16xf32>,
      %bitcast3A_1681 = vector.bitcast %get3A_1680 : vector<16xf32> to vector<32xbf16>
      %add3A_1682 = arith.addf %add3A_1664, %bitcast3A_1681 : vector<32xbf16>
      %add3A_1683 = arith.constant 7 : i32
      %add3A_1684 = arith.addi %mul3A_1556, %add3A_1683 : i32
      %get3A_1685 = arith.constant 0 : i32
      %get3A_1686 = arith.index_cast %get3A_1685 : i32 to index
      %get3A_1687 = arith.index_cast %add3A_1684 : i32 to index
      %get3A_1688 = arith.constant 0 : index
      %get3A_1689 = tpu.vector_load %arg8[%get3A_1686, %get3A_1687, %get3A_1688] {strides = array<i32>} : memref<2x200x32xf32, #tpu.memory_space<vmem>>, vector<16xf32>,
      %bitcast3A_1690 = vector.bitcast %get3A_1689 : vector<16xf32> to vector<32xbf16>
      %add3A_1691 = arith.addf %add3A_1673, %bitcast3A_1690 : vector<32xbf16>
      %add3A_1692 = arith.constant 7 : i32
      %add3A_1693 = arith.addi %mul3A_1556, %add3A_1692 : i32
      %get3A_1694 = arith.constant 0 : i32
      %get3A_1695 = arith.index_cast %get3A_1694 : i32 to index
      %get3A_1696 = arith.index_cast %add3A_1693 : i32 to index
      %get3A_1697 = arith.constant 16 : index
      %get3A_1698 = tpu.vector_load %arg8[%get3A_1695, %get3A_1696, %get3A_1697] {strides = array<i32>} : memref<2x200x32xf32, #tpu.memory_space<vmem>>, vector<16xf32>,
      %bitcast3A_1699 = vector.bitcast %get3A_1698 : vector<16xf32> to vector<32xbf16>
      %add3A_1700 = arith.addf %add3A_1682, %bitcast3A_1699 : vector<32xbf16>
      %bitcast3A_1701 = vector.bitcast %add3A_1691 : vector<32xbf16> to vector<16xi32>
      %shift_left3A_1702 = arith.constant 16 : i32
      %shift_left3A_1703 = vector.broadcast %shift_left3A_1702 : i32 to vector<16xi32>
      %shift_left3A_1704 = arith.shli %bitcast3A_1701, %shift_left3A_1703 : vector<16xi32>
      %bitcast3A_1705 = vector.bitcast %shift_left3A_1704 : vector<16xi32> to vector<16xf32>
      %add3A_1706 = arith.addf %scan3A_1552#0, %bitcast3A_1705 : vector<16xf32>
      %and3A_1707 = vector.broadcast %scan3A : i32 to vector<16xi32>
      %and3A_1708 = arith.andi %bitcast3A_1701, %and3A_1707 : vector<16xi32>
      %bitcast3A_1709 = vector.bitcast %and3A_1708 : vector<16xi32> to vector<16xf32>
      %add3A_1710 = arith.addf %scan3A_1552#2, %bitcast3A_1709 : vector<16xf32>
      %bitcast3A_1711 = vector.bitcast %add3A_1700 : vector<32xbf16> to vector<16xi32>
      %shift_left3A_1712 = arith.constant 16 : i32
      %shift_left3A_1713 = vector.broadcast %shift_left3A_1712 : i32 to vector<16xi32>
      %shift_left3A_1714 = arith.shli %bitcast3A_1711, %shift_left3A_1713 : vector<16xi32>
      %bitcast3A_1715 = vector.bitcast %shift_left3A_1714 : vector<16xi32> to vector<16xf32>
      %add3A_1716 = arith.addf %scan3A_1552#1, %bitcast3A_1715 : vector<16xf32>
      %and3A_1717 = vector.broadcast %scan3A : i32 to vector<16xi32>
      %and3A_1718 = arith.andi %bitcast3A_1711, %and3A_1717 : vector<16xi32>
      %bitcast3A_1719 = vector.bitcast %and3A_1718 : vector<16xi32> to vector<16xf32>
      %add3A_1720 = arith.addf %scan3A_1552#3, %bitcast3A_1719 : vector<16xf32>
      %scan3A_1721 = arith.constant 25 : i32
      %swap3A_1722 = arith.index_cast %add3A_1524 : i32 to index
      %swap3A_1723 = arith.constant 0 : index
      %swap3A_1724 = tpu.vector_load %arg9[%swap3A_1722, %swap3A_1723] {strides = array<i32>} : memref<256x64xf32, #tpu.memory_space<vmem>>, vector<16xf32>,
      tpu.vector_store %arg9[%swap3A_1722, %swap3A_1723], %add3A_1706 {strides = array<i32>} : memref<256x64xf32, #tpu.memory_space<vmem>>, vector<16xf32>,
      %swap3A_1725 = arith.index_cast %add3A_1524 : i32 to index
      %swap3A_1726 = arith.constant 16 : index
      %swap3A_1727 = tpu.vector_load %arg9[%swap3A_1725, %swap3A_1726] {strides = array<i32>} : memref<256x64xf32, #tpu.memory_space<vmem>>, vector<16xf32>,
      tpu.vector_store %arg9[%swap3A_1725, %swap3A_1726], %add3A_1716 {strides = array<i32>} : memref<256x64xf32, #tpu.memory_space<vmem>>, vector<16xf32>,
      %swap3A_1728 = arith.index_cast %add3A_1524 : i32 to index
      %swap3A_1729 = arith.constant 32 : index
      %swap3A_1730 = tpu.vector_load %arg9[%swap3A_1728, %swap3A_1729] {strides = array<i32>} : memref<256x64xf32, #tpu.memory_space<vmem>>, vector<16xf32>,
      tpu.vector_store %arg9[%swap3A_1728, %swap3A_1729], %add3A_1710 {strides = array<i32>} : memref<256x64xf32, #tpu.memory_space<vmem>>, vector<16xf32>,
      %swap3A_1731 = arith.index_cast %add3A_1524 : i32 to index
      %swap3A_1732 = arith.constant 48 : index
      %swap3A_1733 = tpu.vector_load %arg9[%swap3A_1731, %swap3A_1732] {strides = array<i32>} : memref<256x64xf32, #tpu.memory_space<vmem>>, vector<16xf32>,
      tpu.vector_store %arg9[%swap3A_1731, %swap3A_1732], %add3A_1720 {strides = array<i32>} : memref<256x64xf32, #tpu.memory_space<vmem>>, vector<16xf32>,
      %add3A_1734 = arith.constant 2 : i32
      %add3A_1735 = arith.addi %add3A_1524, %add3A_1734 : i32
      %lt3A = arith.constant 256 : i32
      %lt3A_1736 = arith.cmpi slt, %add3A_1735, %lt3A : i32
      %convert_element_type3A = arith.extui %lt3A_1736 : i1 to i32
      %cond3A = arith.constant 0 : i32
      %cond3A_1737 = arith.cmpi ne, %convert_element_type3A, %cond3A : i32
      scf.if %cond3A_1737 {
        %add3A_1959 = arith.constant 2 : i32
        %add3A_1960 = arith.addi %add3A_1524, %add3A_1959 : i32
        %get3A_1961 = arith.index_cast %add3A_1960 : i32 to index
        %get3A_1962 = arith.constant 0 : index
        %get3A_1963 = tpu.vector_load %arg6[%get3A_1961, %get3A_1962] {strides = array<i32>} : memref<256x200xi32, #tpu.memory_space<vmem>>, vector<16xi32>,
        %not3A_1964 = arith.constant 16383 : i32
        %not3A_1965 = arith.constant -1 : i32
        %not3A_1966 = arith.xori %not3A_1964, %not3A_1965 : i32
        %and3A_1967 = vector.broadcast %not3A_1966 : i32 to vector<16xi32>
        %and3A_1968 = arith.andi %get3A_1963, %and3A_1967 : vector<16xi32>
        %and3A_1969 = arith.constant 4095 : i32
        %and3A_1970 = vector.broadcast %and3A_1969 : i32 to vector<16xi32>
        %and3A_1971 = arith.andi %get3A_1963, %and3A_1970 : vector<16xi32>
        %shift_left3A_1972 = arith.constant 2 : i32
        %shift_left3A_1973 = vector.broadcast %shift_left3A_1972 : i32 to vector<16xi32>
        %shift_left3A_1974 = arith.shli %and3A_1971, %shift_left3A_1973 : vector<16xi32>
        %or3A_1975 = arith.ori %and3A_1968, %shift_left3A_1974 : vector<16xi32>
        %shift_right_arithmetic3A_1976 = arith.constant 12 : i32
        %shift_right_arithmetic3A_1977 = vector.broadcast %shift_right_arithmetic3A_1976 : i32 to vector<16xi32>
        %shift_right_arithmetic3A_1978 = arith.shrsi %get3A_1963, %shift_right_arithmetic3A_1977 : vector<16xi32>
        %and3A_1979 = arith.constant 3 : i32
        %and3A_1980 = vector.broadcast %and3A_1979 : i32 to vector<16xi32>
        %and3A_1981 = arith.andi %shift_right_arithmetic3A_1978, %and3A_1980 : vector<16xi32>
        %or3A_1982 = arith.ori %or3A_1975, %and3A_1981 : vector<16xi32>
        %swap3A_1983 = arith.constant 0 : i32
        %swap3A_1984 = arith.index_cast %swap3A_1983 : i32 to index
        %swap3A_1985 = arith.constant 0 : index
        %swap3A_1986 = tpu.vector_load %arg7[%swap3A_1984, %swap3A_1985] {strides = array<i32>} : memref<2x200xi32, #tpu.memory_space<vmem>>, vector<16xi32>,
        tpu.vector_store %arg7[%swap3A_1984, %swap3A_1985], %or3A_1982 {strides = array<i32>} : memref<2x200xi32, #tpu.memory_space<vmem>>, vector<16xi32>,
        %get3A_1987 = arith.index_cast %add3A_1960 : i32 to index
        %get3A_1988 = arith.constant 16 : index
        %get3A_1989 = tpu.vector_load %arg6[%get3A_1987, %get3A_1988] {strides = array<i32>} : memref<256x200xi32, #tpu.memory_space<vmem>>, vector<16xi32>,
        %not3A_1990 = arith.constant 16383 : i32
        %not3A_1991 = arith.constant -1 : i32
        %not3A_1992 = arith.xori %not3A_1990, %not3A_1991 : i32
        %and3A_1993 = vector.broadcast %not3A_1992 : i32 to vector<16xi32>
        %and3A_1994 = arith.andi %get3A_1989, %and3A_1993 : vector<16xi32>
        %and3A_1995 = arith.constant 4095 : i32
        %and3A_1996 = vector.broadcast %and3A_1995 : i32 to vector<16xi32>
        %and3A_1997 = arith.andi %get3A_1989, %and3A_1996 : vector<16xi32>
        %shift_left3A_1998 = arith.constant 2 : i32
        %shift_left3A_1999 = vector.broadcast %shift_left3A_1998 : i32 to vector<16xi32>
        %shift_left3A_2000 = arith.shli %and3A_1997, %shift_left3A_1999 : vector<16xi32>
        %or3A_2001 = arith.ori %and3A_1994, %shift_left3A_2000 : vector<16xi32>
        %shift_right_arithmetic3A_2002 = arith.constant 12 : i32
        %shift_right_arithmetic3A_2003 = vector.broadcast %shift_right_arithmetic3A_2002 : i32 to vector<16xi32>
        %shift_right_arithmetic3A_2004 = arith.shrsi %get3A_1989, %shift_right_arithmetic3A_2003 : vector<16xi32>
        %and3A_2005 = arith.constant 3 : i32
        %and3A_2006 = vector.broadcast %and3A_2005 : i32 to vector<16xi32>
        %and3A_2007 = arith.andi %shift_right_arithmetic3A_2004, %and3A_2006 : vector<16xi32>
        %or3A_2008 = arith.ori %or3A_2001, %and3A_2007 : vector<16xi32>
        %swap3A_2009 = arith.constant 0 : i32
        %swap3A_2010 = arith.index_cast %swap3A_2009 : i32 to index
        %swap3A_2011 = arith.constant 16 : index
        %swap3A_2012 = tpu.vector_load %arg7[%swap3A_2010, %swap3A_2011] {strides = array<i32>} : memref<2x200xi32, #tpu.memory_space<vmem>>, vector<16xi32>,
        tpu.vector_store %arg7[%swap3A_2010, %swap3A_2011], %or3A_2008 {strides = array<i32>} : memref<2x200xi32, #tpu.memory_space<vmem>>, vector<16xi32>,
        %get3A_2013 = arith.index_cast %add3A_1960 : i32 to index
        %get3A_2014 = arith.constant 32 : index
        %get3A_2015 = tpu.vector_load %arg6[%get3A_2013, %get3A_2014] {strides = array<i32>} : memref<256x200xi32, #tpu.memory_space<vmem>>, vector<16xi32>,
        %not3A_2016 = arith.constant 16383 : i32
        %not3A_2017 = arith.constant -1 : i32
        %not3A_2018 = arith.xori %not3A_2016, %not3A_2017 : i32
        %and3A_2019 = vector.broadcast %not3A_2018 : i32 to vector<16xi32>
        %and3A_2020 = arith.andi %get3A_2015, %and3A_2019 : vector<16xi32>
        %and3A_2021 = arith.constant 4095 : i32
        %and3A_2022 = vector.broadcast %and3A_2021 : i32 to vector<16xi32>
        %and3A_2023 = arith.andi %get3A_2015, %and3A_2022 : vector<16xi32>
        %shift_left3A_2024 = arith.constant 2 : i32
        %shift_left3A_2025 = vector.broadcast %shift_left3A_2024 : i32 to vector<16xi32>
        %shift_left3A_2026 = arith.shli %and3A_2023, %shift_left3A_2025 : vector<16xi32>
        %or3A_2027 = arith.ori %and3A_2020, %shift_left3A_2026 : vector<16xi32>
        %shift_right_arithmetic3A_2028 = arith.constant 12 : i32
        %shift_right_arithmetic3A_2029 = vector.broadcast %shift_right_arithmetic3A_2028 : i32 to vector<16xi32>
        %shift_right_arithmetic3A_2030 = arith.shrsi %get3A_2015, %shift_right_arithmetic3A_2029 : vector<16xi32>
        %and3A_2031 = arith.constant 3 : i32
        %and3A_2032 = vector.broadcast %and3A_2031 : i32 to vector<16xi32>
        %and3A_2033 = arith.andi %shift_right_arithmetic3A_2030, %and3A_2032 : vector<16xi32>
        %or3A_2034 = arith.ori %or3A_2027, %and3A_2033 : vector<16xi32>
        %swap3A_2035 = arith.constant 0 : i32
        %swap3A_2036 = arith.index_cast %swap3A_2035 : i32 to index
        %swap3A_2037 = arith.constant 32 : index
        %swap3A_2038 = tpu.vector_load %arg7[%swap3A_2036, %swap3A_2037] {strides = array<i32>} : memref<2x200xi32, #tpu.memory_space<vmem>>, vector<16xi32>,
        tpu.vector_store %arg7[%swap3A_2036, %swap3A_2037], %or3A_2034 {strides = array<i32>} : memref<2x200xi32, #tpu.memory_space<vmem>>, vector<16xi32>,
        %get3A_2039 = arith.index_cast %add3A_1960 : i32 to index
        %get3A_2040 = arith.constant 48 : index
        %get3A_2041 = tpu.vector_load %arg6[%get3A_2039, %get3A_2040] {strides = array<i32>} : memref<256x200xi32, #tpu.memory_space<vmem>>, vector<16xi32>,
        %not3A_2042 = arith.constant 16383 : i32
        %not3A_2043 = arith.constant -1 : i32
        %not3A_2044 = arith.xori %not3A_2042, %not3A_2043 : i32
        %and3A_2045 = vector.broadcast %not3A_2044 : i32 to vector<16xi32>
        %and3A_2046 = arith.andi %get3A_2041, %and3A_2045 : vector<16xi32>
        %and3A_2047 = arith.constant 4095 : i32
        %and3A_2048 = vector.broadcast %and3A_2047 : i32 to vector<16xi32>
        %and3A_2049 = arith.andi %get3A_2041, %and3A_2048 : vector<16xi32>
        %shift_left3A_2050 = arith.constant 2 : i32
        %shift_left3A_2051 = vector.broadcast %shift_left3A_2050 : i32 to vector<16xi32>
        %shift_left3A_2052 = arith.shli %and3A_2049, %shift_left3A_2051 : vector<16xi32>
        %or3A_2053 = arith.ori %and3A_2046, %shift_left3A_2052 : vector<16xi32>
        %shift_right_arithmetic3A_2054 = arith.constant 12 : i32
        %shift_right_arithmetic3A_2055 = vector.broadcast %shift_right_arithmetic3A_2054 : i32 to vector<16xi32>
        %shift_right_arithmetic3A_2056 = arith.shrsi %get3A_2041, %shift_right_arithmetic3A_2055 : vector<16xi32>
        %and3A_2057 = arith.constant 3 : i32
        %and3A_2058 = vector.broadcast %and3A_2057 : i32 to vector<16xi32>
        %and3A_2059 = arith.andi %shift_right_arithmetic3A_2056, %and3A_2058 : vector<16xi32>
        %or3A_2060 = arith.ori %or3A_2053, %and3A_2059 : vector<16xi32>
        %swap3A_2061 = arith.constant 0 : i32
        %swap3A_2062 = arith.index_cast %swap3A_2061 : i32 to index
        %swap3A_2063 = arith.constant 48 : index
        %swap3A_2064 = tpu.vector_load %arg7[%swap3A_2062, %swap3A_2063] {strides = array<i32>} : memref<2x200xi32, #tpu.memory_space<vmem>>, vector<16xi32>,
        tpu.vector_store %arg7[%swap3A_2062, %swap3A_2063], %or3A_2060 {strides = array<i32>} : memref<2x200xi32, #tpu.memory_space<vmem>>, vector<16xi32>,
        %get3A_2065 = arith.index_cast %add3A_1960 : i32 to index
        %get3A_2066 = arith.constant 64 : index
        %get3A_2067 = tpu.vector_load %arg6[%get3A_2065, %get3A_2066] {strides = array<i32>} : memref<256x200xi32, #tpu.memory_space<vmem>>, vector<16xi32>,
        %not3A_2068 = arith.constant 16383 : i32
        %not3A_2069 = arith.constant -1 : i32
        %not3A_2070 = arith.xori %not3A_2068, %not3A_2069 : i32
        %and3A_2071 = vector.broadcast %not3A_2070 : i32 to vector<16xi32>
        %and3A_2072 = arith.andi %get3A_2067, %and3A_2071 : vector<16xi32>
        %and3A_2073 = arith.constant 4095 : i32
        %and3A_2074 = vector.broadcast %and3A_2073 : i32 to vector<16xi32>
        %and3A_2075 = arith.andi %get3A_2067, %and3A_2074 : vector<16xi32>
        %shift_left3A_2076 = arith.constant 2 : i32
        %shift_left3A_2077 = vector.broadcast %shift_left3A_2076 : i32 to vector<16xi32>
        %shift_left3A_2078 = arith.shli %and3A_2075, %shift_left3A_2077 : vector<16xi32>
        %or3A_2079 = arith.ori %and3A_2072, %shift_left3A_2078 : vector<16xi32>
        %shift_right_arithmetic3A_2080 = arith.constant 12 : i32
        %shift_right_arithmetic3A_2081 = vector.broadcast %shift_right_arithmetic3A_2080 : i32 to vector<16xi32>
        %shift_right_arithmetic3A_2082 = arith.shrsi %get3A_2067, %shift_right_arithmetic3A_2081 : vector<16xi32>
        %and3A_2083 = arith.constant 3 : i32
        %and3A_2084 = vector.broadcast %and3A_2083 : i32 to vector<16xi32>
        %and3A_2085 = arith.andi %shift_right_arithmetic3A_2082, %and3A_2084 : vector<16xi32>
        %or3A_2086 = arith.ori %or3A_2079, %and3A_2085 : vector<16xi32>
        %swap3A_2087 = arith.constant 0 : i32
        %swap3A_2088 = arith.index_cast %swap3A_2087 : i32 to index
        %swap3A_2089 = arith.constant 64 : index
        %swap3A_2090 = tpu.vector_load %arg7[%swap3A_2088, %swap3A_2089] {strides = array<i32>} : memref<2x200xi32, #tpu.memory_space<vmem>>, vector<16xi32>,
        tpu.vector_store %arg7[%swap3A_2088, %swap3A_2089], %or3A_2086 {strides = array<i32>} : memref<2x200xi32, #tpu.memory_space<vmem>>, vector<16xi32>,
        %get3A_2091 = arith.index_cast %add3A_1960 : i32 to index
        %get3A_2092 = arith.constant 80 : index
        %get3A_2093 = tpu.vector_load %arg6[%get3A_2091, %get3A_2092] {strides = array<i32>} : memref<256x200xi32, #tpu.memory_space<vmem>>, vector<16xi32>,
        %not3A_2094 = arith.constant 16383 : i32
        %not3A_2095 = arith.constant -1 : i32
        %not3A_2096 = arith.xori %not3A_2094, %not3A_2095 : i32
        %and3A_2097 = vector.broadcast %not3A_2096 : i32 to vector<16xi32>
        %and3A_2098 = arith.andi %get3A_2093, %and3A_2097 : vector<16xi32>
        %and3A_2099 = arith.constant 4095 : i32
        %and3A_2100 = vector.broadcast %and3A_2099 : i32 to vector<16xi32>
        %and3A_2101 = arith.andi %get3A_2093, %and3A_2100 : vector<16xi32>
        %shift_left3A_2102 = arith.constant 2 : i32
        %shift_left3A_2103 = vector.broadcast %shift_left3A_2102 : i32 to vector<16xi32>
        %shift_left3A_2104 = arith.shli %and3A_2101, %shift_left3A_2103 : vector<16xi32>
        %or3A_2105 = arith.ori %and3A_2098, %shift_left3A_2104 : vector<16xi32>
        %shift_right_arithmetic3A_2106 = arith.constant 12 : i32
        %shift_right_arithmetic3A_2107 = vector.broadcast %shift_right_arithmetic3A_2106 : i32 to vector<16xi32>
        %shift_right_arithmetic3A_2108 = arith.shrsi %get3A_2093, %shift_right_arithmetic3A_2107 : vector<16xi32>
        %and3A_2109 = arith.constant 3 : i32
        %and3A_2110 = vector.broadcast %and3A_2109 : i32 to vector<16xi32>
        %and3A_2111 = arith.andi %shift_right_arithmetic3A_2108, %and3A_2110 : vector<16xi32>
        %or3A_2112 = arith.ori %or3A_2105, %and3A_2111 : vector<16xi32>
        %swap3A_2113 = arith.constant 0 : i32
        %swap3A_2114 = arith.index_cast %swap3A_2113 : i32 to index
        %swap3A_2115 = arith.constant 80 : index
        %swap3A_2116 = tpu.vector_load %arg7[%swap3A_2114, %swap3A_2115] {strides = array<i32>} : memref<2x200xi32, #tpu.memory_space<vmem>>, vector<16xi32>,
        tpu.vector_store %arg7[%swap3A_2114, %swap3A_2115], %or3A_2112 {strides = array<i32>} : memref<2x200xi32, #tpu.memory_space<vmem>>, vector<16xi32>,
        %get3A_2117 = arith.index_cast %add3A_1960 : i32 to index
        %get3A_2118 = arith.constant 96 : index
        %get3A_2119 = tpu.vector_load %arg6[%get3A_2117, %get3A_2118] {strides = array<i32>} : memref<256x200xi32, #tpu.memory_space<vmem>>, vector<16xi32>,
        %not3A_2120 = arith.constant 16383 : i32
        %not3A_2121 = arith.constant -1 : i32
        %not3A_2122 = arith.xori %not3A_2120, %not3A_2121 : i32
        %and3A_2123 = vector.broadcast %not3A_2122 : i32 to vector<16xi32>
        %and3A_2124 = arith.andi %get3A_2119, %and3A_2123 : vector<16xi32>
        %and3A_2125 = arith.constant 4095 : i32
        %and3A_2126 = vector.broadcast %and3A_2125 : i32 to vector<16xi32>
        %and3A_2127 = arith.andi %get3A_2119, %and3A_2126 : vector<16xi32>
        %shift_left3A_2128 = arith.constant 2 : i32
        %shift_left3A_2129 = vector.broadcast %shift_left3A_2128 : i32 to vector<16xi32>
        %shift_left3A_2130 = arith.shli %and3A_2127, %shift_left3A_2129 : vector<16xi32>
        %or3A_2131 = arith.ori %and3A_2124, %shift_left3A_2130 : vector<16xi32>
        %shift_right_arithmetic3A_2132 = arith.constant 12 : i32
        %shift_right_arithmetic3A_2133 = vector.broadcast %shift_right_arithmetic3A_2132 : i32 to vector<16xi32>
        %shift_right_arithmetic3A_2134 = arith.shrsi %get3A_2119, %shift_right_arithmetic3A_2133 : vector<16xi32>
        %and3A_2135 = arith.constant 3 : i32
        %and3A_2136 = vector.broadcast %and3A_2135 : i32 to vector<16xi32>
        %and3A_2137 = arith.andi %shift_right_arithmetic3A_2134, %and3A_2136 : vector<16xi32>
        %or3A_2138 = arith.ori %or3A_2131, %and3A_2137 : vector<16xi32>
        %swap3A_2139 = arith.constant 0 : i32
        %swap3A_2140 = arith.index_cast %swap3A_2139 : i32 to index
        %swap3A_2141 = arith.constant 96 : index
        %swap3A_2142 = tpu.vector_load %arg7[%swap3A_2140, %swap3A_2141] {strides = array<i32>} : memref<2x200xi32, #tpu.memory_space<vmem>>, vector<16xi32>,
        tpu.vector_store %arg7[%swap3A_2140, %swap3A_2141], %or3A_2138 {strides = array<i32>} : memref<2x200xi32, #tpu.memory_space<vmem>>, vector<16xi32>,
        %get3A_2143 = arith.index_cast %add3A_1960 : i32 to index
        %get3A_2144 = arith.constant 112 : index
        %get3A_2145 = tpu.vector_load %arg6[%get3A_2143, %get3A_2144] {strides = array<i32>} : memref<256x200xi32, #tpu.memory_space<vmem>>, vector<16xi32>,
        %not3A_2146 = arith.constant 16383 : i32
        %not3A_2147 = arith.constant -1 : i32
        %not3A_2148 = arith.xori %not3A_2146, %not3A_2147 : i32
        %and3A_2149 = vector.broadcast %not3A_2148 : i32 to vector<16xi32>
        %and3A_2150 = arith.andi %get3A_2145, %and3A_2149 : vector<16xi32>
        %and3A_2151 = arith.constant 4095 : i32
        %and3A_2152 = vector.broadcast %and3A_2151 : i32 to vector<16xi32>
        %and3A_2153 = arith.andi %get3A_2145, %and3A_2152 : vector<16xi32>
        %shift_left3A_2154 = arith.constant 2 : i32
        %shift_left3A_2155 = vector.broadcast %shift_left3A_2154 : i32 to vector<16xi32>
        %shift_left3A_2156 = arith.shli %and3A_2153, %shift_left3A_2155 : vector<16xi32>
        %or3A_2157 = arith.ori %and3A_2150, %shift_left3A_2156 : vector<16xi32>
        %shift_right_arithmetic3A_2158 = arith.constant 12 : i32
        %shift_right_arithmetic3A_2159 = vector.broadcast %shift_right_arithmetic3A_2158 : i32 to vector<16xi32>
        %shift_right_arithmetic3A_2160 = arith.shrsi %get3A_2145, %shift_right_arithmetic3A_2159 : vector<16xi32>
        %and3A_2161 = arith.constant 3 : i32
        %and3A_2162 = vector.broadcast %and3A_2161 : i32 to vector<16xi32>
        %and3A_2163 = arith.andi %shift_right_arithmetic3A_2160, %and3A_2162 : vector<16xi32>
        %or3A_2164 = arith.ori %or3A_2157, %and3A_2163 : vector<16xi32>
        %swap3A_2165 = arith.constant 0 : i32
        %swap3A_2166 = arith.index_cast %swap3A_2165 : i32 to index
        %swap3A_2167 = arith.constant 112 : index
        %swap3A_2168 = tpu.vector_load %arg7[%swap3A_2166, %swap3A_2167] {strides = array<i32>} : memref<2x200xi32, #tpu.memory_space<vmem>>, vector<16xi32>,
        tpu.vector_store %arg7[%swap3A_2166, %swap3A_2167], %or3A_2164 {strides = array<i32>} : memref<2x200xi32, #tpu.memory_space<vmem>>, vector<16xi32>,
        %get3A_2169 = arith.index_cast %add3A_1960 : i32 to index
        %get3A_2170 = arith.constant 128 : index
        %get3A_2171 = tpu.vector_load %arg6[%get3A_2169, %get3A_2170] {strides = array<i32>} : memref<256x200xi32, #tpu.memory_space<vmem>>, vector<16xi32>,
        %not3A_2172 = arith.constant 16383 : i32
        %not3A_2173 = arith.constant -1 : i32
        %not3A_2174 = arith.xori %not3A_2172, %not3A_2173 : i32
        %and3A_2175 = vector.broadcast %not3A_2174 : i32 to vector<16xi32>
        %and3A_2176 = arith.andi %get3A_2171, %and3A_2175 : vector<16xi32>
        %and3A_2177 = arith.constant 4095 : i32
        %and3A_2178 = vector.broadcast %and3A_2177 : i32 to vector<16xi32>
        %and3A_2179 = arith.andi %get3A_2171, %and3A_2178 : vector<16xi32>
        %shift_left3A_2180 = arith.constant 2 : i32
        %shift_left3A_2181 = vector.broadcast %shift_left3A_2180 : i32 to vector<16xi32>
        %shift_left3A_2182 = arith.shli %and3A_2179, %shift_left3A_2181 : vector<16xi32>
        %or3A_2183 = arith.ori %and3A_2176, %shift_left3A_2182 : vector<16xi32>
        %shift_right_arithmetic3A_2184 = arith.constant 12 : i32
        %shift_right_arithmetic3A_2185 = vector.broadcast %shift_right_arithmetic3A_2184 : i32 to vector<16xi32>
        %shift_right_arithmetic3A_2186 = arith.shrsi %get3A_2171, %shift_right_arithmetic3A_2185 : vector<16xi32>
        %and3A_2187 = arith.constant 3 : i32
        %and3A_2188 = vector.broadcast %and3A_2187 : i32 to vector<16xi32>
        %and3A_2189 = arith.andi %shift_right_arithmetic3A_2186, %and3A_2188 : vector<16xi32>
        %or3A_2190 = arith.ori %or3A_2183, %and3A_2189 : vector<16xi32>
        %swap3A_2191 = arith.constant 0 : i32
        %swap3A_2192 = arith.index_cast %swap3A_2191 : i32 to index
        %swap3A_2193 = arith.constant 128 : index
        %swap3A_2194 = tpu.vector_load %arg7[%swap3A_2192, %swap3A_2193] {strides = array<i32>} : memref<2x200xi32, #tpu.memory_space<vmem>>, vector<16xi32>,
        tpu.vector_store %arg7[%swap3A_2192, %swap3A_2193], %or3A_2190 {strides = array<i32>} : memref<2x200xi32, #tpu.memory_space<vmem>>, vector<16xi32>,
        %get3A_2195 = arith.index_cast %add3A_1960 : i32 to index
        %get3A_2196 = arith.constant 144 : index
        %get3A_2197 = tpu.vector_load %arg6[%get3A_2195, %get3A_2196] {strides = array<i32>} : memref<256x200xi32, #tpu.memory_space<vmem>>, vector<16xi32>,
        %not3A_2198 = arith.constant 16383 : i32
        %not3A_2199 = arith.constant -1 : i32
        %not3A_2200 = arith.xori %not3A_2198, %not3A_2199 : i32
        %and3A_2201 = vector.broadcast %not3A_2200 : i32 to vector<16xi32>
        %and3A_2202 = arith.andi %get3A_2197, %and3A_2201 : vector<16xi32>
        %and3A_2203 = arith.constant 4095 : i32
        %and3A_2204 = vector.broadcast %and3A_2203 : i32 to vector<16xi32>
        %and3A_2205 = arith.andi %get3A_2197, %and3A_2204 : vector<16xi32>
        %shift_left3A_2206 = arith.constant 2 : i32
        %shift_left3A_2207 = vector.broadcast %shift_left3A_2206 : i32 to vector<16xi32>
        %shift_left3A_2208 = arith.shli %and3A_2205, %shift_left3A_2207 : vector<16xi32>
        %or3A_2209 = arith.ori %and3A_2202, %shift_left3A_2208 : vector<16xi32>
        %shift_right_arithmetic3A_2210 = arith.constant 12 : i32
        %shift_right_arithmetic3A_2211 = vector.broadcast %shift_right_arithmetic3A_2210 : i32 to vector<16xi32>
        %shift_right_arithmetic3A_2212 = arith.shrsi %get3A_2197, %shift_right_arithmetic3A_2211 : vector<16xi32>
        %and3A_2213 = arith.constant 3 : i32
        %and3A_2214 = vector.broadcast %and3A_2213 : i32 to vector<16xi32>
        %and3A_2215 = arith.andi %shift_right_arithmetic3A_2212, %and3A_2214 : vector<16xi32>
        %or3A_2216 = arith.ori %or3A_2209, %and3A_2215 : vector<16xi32>
        %swap3A_2217 = arith.constant 0 : i32
        %swap3A_2218 = arith.index_cast %swap3A_2217 : i32 to index
        %swap3A_2219 = arith.constant 144 : index
        %swap3A_2220 = tpu.vector_load %arg7[%swap3A_2218, %swap3A_2219] {strides = array<i32>} : memref<2x200xi32, #tpu.memory_space<vmem>>, vector<16xi32>,
        tpu.vector_store %arg7[%swap3A_2218, %swap3A_2219], %or3A_2216 {strides = array<i32>} : memref<2x200xi32, #tpu.memory_space<vmem>>, vector<16xi32>,
        %get3A_2221 = arith.index_cast %add3A_1960 : i32 to index
        %get3A_2222 = arith.constant 160 : index
        %get3A_2223 = tpu.vector_load %arg6[%get3A_2221, %get3A_2222] {strides = array<i32>} : memref<256x200xi32, #tpu.memory_space<vmem>>, vector<16xi32>,
        %not3A_2224 = arith.constant 16383 : i32
        %not3A_2225 = arith.constant -1 : i32
        %not3A_2226 = arith.xori %not3A_2224, %not3A_2225 : i32
        %and3A_2227 = vector.broadcast %not3A_2226 : i32 to vector<16xi32>
        %and3A_2228 = arith.andi %get3A_2223, %and3A_2227 : vector<16xi32>
        %and3A_2229 = arith.constant 4095 : i32
        %and3A_2230 = vector.broadcast %and3A_2229 : i32 to vector<16xi32>
        %and3A_2231 = arith.andi %get3A_2223, %and3A_2230 : vector<16xi32>
        %shift_left3A_2232 = arith.constant 2 : i32
        %shift_left3A_2233 = vector.broadcast %shift_left3A_2232 : i32 to vector<16xi32>
        %shift_left3A_2234 = arith.shli %and3A_2231, %shift_left3A_2233 : vector<16xi32>
        %or3A_2235 = arith.ori %and3A_2228, %shift_left3A_2234 : vector<16xi32>
        %shift_right_arithmetic3A_2236 = arith.constant 12 : i32
        %shift_right_arithmetic3A_2237 = vector.broadcast %shift_right_arithmetic3A_2236 : i32 to vector<16xi32>
        %shift_right_arithmetic3A_2238 = arith.shrsi %get3A_2223, %shift_right_arithmetic3A_2237 : vector<16xi32>
        %and3A_2239 = arith.constant 3 : i32
        %and3A_2240 = vector.broadcast %and3A_2239 : i32 to vector<16xi32>
        %and3A_2241 = arith.andi %shift_right_arithmetic3A_2238, %and3A_2240 : vector<16xi32>
        %or3A_2242 = arith.ori %or3A_2235, %and3A_2241 : vector<16xi32>
        %swap3A_2243 = arith.constant 0 : i32
        %swap3A_2244 = arith.index_cast %swap3A_2243 : i32 to index
        %swap3A_2245 = arith.constant 160 : index
        %swap3A_2246 = tpu.vector_load %arg7[%swap3A_2244, %swap3A_2245] {strides = array<i32>} : memref<2x200xi32, #tpu.memory_space<vmem>>, vector<16xi32>,
        tpu.vector_store %arg7[%swap3A_2244, %swap3A_2245], %or3A_2242 {strides = array<i32>} : memref<2x200xi32, #tpu.memory_space<vmem>>, vector<16xi32>,
        %get3A_2247 = arith.index_cast %add3A_1960 : i32 to index
        %get3A_2248 = arith.constant 176 : index
        %get3A_2249 = tpu.vector_load %arg6[%get3A_2247, %get3A_2248] {strides = array<i32>} : memref<256x200xi32, #tpu.memory_space<vmem>>, vector<16xi32>,
        %not3A_2250 = arith.constant 16383 : i32
        %not3A_2251 = arith.constant -1 : i32
        %not3A_2252 = arith.xori %not3A_2250, %not3A_2251 : i32
        %and3A_2253 = vector.broadcast %not3A_2252 : i32 to vector<16xi32>
        %and3A_2254 = arith.andi %get3A_2249, %and3A_2253 : vector<16xi32>
        %and3A_2255 = arith.constant 4095 : i32
        %and3A_2256 = vector.broadcast %and3A_2255 : i32 to vector<16xi32>
        %and3A_2257 = arith.andi %get3A_2249, %and3A_2256 : vector<16xi32>
        %shift_left3A_2258 = arith.constant 2 : i32
        %shift_left3A_2259 = vector.broadcast %shift_left3A_2258 : i32 to vector<16xi32>
        %shift_left3A_2260 = arith.shli %and3A_2257, %shift_left3A_2259 : vector<16xi32>
        %or3A_2261 = arith.ori %and3A_2254, %shift_left3A_2260 : vector<16xi32>
        %shift_right_arithmetic3A_2262 = arith.constant 12 : i32
        %shift_right_arithmetic3A_2263 = vector.broadcast %shift_right_arithmetic3A_2262 : i32 to vector<16xi32>
        %shift_right_arithmetic3A_2264 = arith.shrsi %get3A_2249, %shift_right_arithmetic3A_2263 : vector<16xi32>
        %and3A_2265 = arith.constant 3 : i32
        %and3A_2266 = vector.broadcast %and3A_2265 : i32 to vector<16xi32>
        %and3A_2267 = arith.andi %shift_right_arithmetic3A_2264, %and3A_2266 : vector<16xi32>
        %or3A_2268 = arith.ori %or3A_2261, %and3A_2267 : vector<16xi32>
        %swap3A_2269 = arith.constant 0 : i32
        %swap3A_2270 = arith.index_cast %swap3A_2269 : i32 to index
        %swap3A_2271 = arith.constant 176 : index
        %swap3A_2272 = tpu.vector_load %arg7[%swap3A_2270, %swap3A_2271] {strides = array<i32>} : memref<2x200xi32, #tpu.memory_space<vmem>>, vector<16xi32>,
        tpu.vector_store %arg7[%swap3A_2270, %swap3A_2271], %or3A_2268 {strides = array<i32>} : memref<2x200xi32, #tpu.memory_space<vmem>>, vector<16xi32>,
        %get3A_2273 = arith.index_cast %add3A_1960 : i32 to index
        %get3A_2274 = arith.constant 184 : index
        %get3A_2275 = tpu.vector_load %arg6[%get3A_2273, %get3A_2274] {strides = array<i32>} : memref<256x200xi32, #tpu.memory_space<vmem>>, vector<16xi32>,
        %not3A_2276 = arith.constant 16383 : i32
        %not3A_2277 = arith.constant -1 : i32
        %not3A_2278 = arith.xori %not3A_2276, %not3A_2277 : i32
        %and3A_2279 = vector.broadcast %not3A_2278 : i32 to vector<16xi32>
        %and3A_2280 = arith.andi %get3A_2275, %and3A_2279 : vector<16xi32>
        %and3A_2281 = arith.constant 4095 : i32
        %and3A_2282 = vector.broadcast %and3A_2281 : i32 to vector<16xi32>
        %and3A_2283 = arith.andi %get3A_2275, %and3A_2282 : vector<16xi32>
        %shift_left3A_2284 = arith.constant 2 : i32
        %shift_left3A_2285 = vector.broadcast %shift_left3A_2284 : i32 to vector<16xi32>
        %shift_left3A_2286 = arith.shli %and3A_2283, %shift_left3A_2285 : vector<16xi32>
        %or3A_2287 = arith.ori %and3A_2280, %shift_left3A_2286 : vector<16xi32>
        %shift_right_arithmetic3A_2288 = arith.constant 12 : i32
        %shift_right_arithmetic3A_2289 = vector.broadcast %shift_right_arithmetic3A_2288 : i32 to vector<16xi32>
        %shift_right_arithmetic3A_2290 = arith.shrsi %get3A_2275, %shift_right_arithmetic3A_2289 : vector<16xi32>
        %and3A_2291 = arith.constant 3 : i32
        %and3A_2292 = vector.broadcast %and3A_2291 : i32 to vector<16xi32>
        %and3A_2293 = arith.andi %shift_right_arithmetic3A_2290, %and3A_2292 : vector<16xi32>
        %or3A_2294 = arith.ori %or3A_2287, %and3A_2293 : vector<16xi32>
        %swap3A_2295 = arith.constant 0 : i32
        %swap3A_2296 = arith.index_cast %swap3A_2295 : i32 to index
        %swap3A_2297 = arith.constant 184 : index
        %swap3A_2298 = tpu.vector_load %arg7[%swap3A_2296, %swap3A_2297] {strides = array<i32>} : memref<2x200xi32, #tpu.memory_space<vmem>>, vector<16xi32>,
        tpu.vector_store %arg7[%swap3A_2296, %swap3A_2297], %or3A_2294 {strides = array<i32>} : memref<2x200xi32, #tpu.memory_space<vmem>>, vector<16xi32>,
        %dma_start3A_2299 = arith.constant 0 : i32
        %dma_start3A_2300 = arith.constant 0 : i32
        %dma_start3A_2301 = arith.constant 0 : i32
        %dma_start3A_2302 = arith.constant 0 : i32
        %dma_start3A_2303 = tpu.memref_slice %arg8[%dma_start3A_2300, %dma_start3A_2301, %dma_start3A_2302] : memref<2x200x32xf32, #tpu.memory_space<vmem>> -> memref<1x128x32xf32, #tpu.memory_space<vmem>>
        %dma_start3A_2304 = tpu.memref_squeeze %dma_start3A_2303 : memref<1x128x32xf32, #tpu.memory_space<vmem>> -> memref<128x32xf32, #tpu.memory_space<vmem>>
        %dma_start3A_2305 = arith.constant 0 : i32
        %dma_start3A_2306 = tpu.memref_slice %arg7[%dma_start3A_2299, %dma_start3A_2305] : memref<2x200xi32, #tpu.memory_space<vmem>> -> memref<1x128xi32, #tpu.memory_space<vmem>>
        %dma_start3A_2307 = tpu.memref_squeeze %dma_start3A_2306 : memref<1x128xi32, #tpu.memory_space<vmem>> -> memref<128xi32, #tpu.memory_space<vmem>>
        %dma_start3A_2308 = arith.constant 0 : i32
        %dma_start3A_2309 = arith.constant 0 : i32
        %dma_start3A_2310 = tpu.memref_slice %arg3[%dma_start3A_2308, %dma_start3A_2309] : memref<1015808x32xf32, #tpu.memory_space<hbm>> -> memref<1015808x32xf32, #tpu.memory_space<hbm>>
        tpu.enqueue_indirect_dma source(%dma_start3A_2310 : memref<1015808x32xf32, #tpu.memory_space<hbm>>) target(%dma_start3A_2304 : memref<128x32xf32, #tpu.memory_space<vmem>>) offsets(%dma_start3A_2307 : memref<128xi32, #tpu.memory_space<vmem>>) semaphore(%arg11 : memref<!tpu.dma_semaphore, #tpu.memory_space<semaphore_mem>>)
        %dma_start3A_2311 = arith.constant 0 : i32
        %dma_start3A_2312 = arith.constant 0 : i32
        %dma_start3A_2313 = arith.constant 128 : i32
        %dma_start3A_2314 = arith.constant 0 : i32
        %dma_start3A_2315 = tpu.memref_slice %arg8[%dma_start3A_2312, %dma_start3A_2313, %dma_start3A_2314] : memref<2x200x32xf32, #tpu.memory_space<vmem>> -> memref<1x72x32xf32, #tpu.memory_space<vmem>>
        %dma_start3A_2316 = tpu.memref_squeeze %dma_start3A_2315 : memref<1x72x32xf32, #tpu.memory_space<vmem>> -> memref<72x32xf32, #tpu.memory_space<vmem>>
        %dma_start3A_2317 = arith.constant 128 : i32
        %dma_start3A_2318 = tpu.memref_slice %arg7[%dma_start3A_2311, %dma_start3A_2317] : memref<2x200xi32, #tpu.memory_space<vmem>> -> memref<1x72xi32, #tpu.memory_space<vmem>>
        %dma_start3A_2319 = tpu.memref_squeeze %dma_start3A_2318 : memref<1x72xi32, #tpu.memory_space<vmem>> -> memref<72xi32, #tpu.memory_space<vmem>>
        %dma_start3A_2320 = arith.constant 0 : i32
        %dma_start3A_2321 = arith.constant 0 : i32
        %dma_start3A_2322 = tpu.memref_slice %arg3[%dma_start3A_2320, %dma_start3A_2321] : memref<1015808x32xf32, #tpu.memory_space<hbm>> -> memref<1015808x32xf32, #tpu.memory_space<hbm>>
        tpu.enqueue_indirect_dma source(%dma_start3A_2322 : memref<1015808x32xf32, #tpu.memory_space<hbm>>) target(%dma_start3A_2316 : memref<72x32xf32, #tpu.memory_space<vmem>>) offsets(%dma_start3A_2319 : memref<72xi32, #tpu.memory_space<vmem>>) semaphore(%arg11 : memref<!tpu.dma_semaphore, #tpu.memory_space<semaphore_mem>>)
      } else {
      }
      %add3A_1738 = arith.constant 1 : i32
      %add3A_1739 = arith.addi %add3A_1522, %add3A_1738 : i32
      %dma_wait3A_1740 = arith.constant 1 : i32
      %dma_wait3A_1741 = arith.constant 1 : i32
      %dma_wait3A_1742 = arith.constant 0 : i32
      %dma_wait3A_1743 = arith.constant 0 : i32
      %dma_wait3A_1744 = tpu.memref_slice %arg8[%dma_wait3A_1741, %dma_wait3A_1742, %dma_wait3A_1743] : memref<2x200x32xf32, #tpu.memory_space<vmem>> -> memref<1x128x32xf32, #tpu.memory_space<vmem>>
      %dma_wait3A_1745 = tpu.memref_squeeze %dma_wait3A_1744 : memref<1x128x32xf32, #tpu.memory_space<vmem>> -> memref<128x32xf32, #tpu.memory_space<vmem>>
      %dma_wait3A_1746 = arith.constant 0 : i32
      %dma_wait3A_1747 = tpu.memref_slice %arg7[%dma_wait3A_1740, %dma_wait3A_1746] : memref<2x200xi32, #tpu.memory_space<vmem>> -> memref<1x128xi32, #tpu.memory_space<vmem>>
      %dma_wait3A_1748 = tpu.memref_squeeze %dma_wait3A_1747 : memref<1x128xi32, #tpu.memory_space<vmem>> -> memref<128xi32, #tpu.memory_space<vmem>>
      %dma_wait3A_1749 = arith.constant 0 : i32
      %dma_wait3A_1750 = arith.constant 0 : i32
      %dma_wait3A_1751 = tpu.memref_slice %arg3[%dma_wait3A_1749, %dma_wait3A_1750] : memref<1015808x32xf32, #tpu.memory_space<hbm>> -> memref<1015808x32xf32, #tpu.memory_space<hbm>>
      tpu.wait_indirect_dma semaphore(%arg12 : memref<!tpu.dma_semaphore, #tpu.memory_space<semaphore_mem>>) src(%dma_wait3A_1751 : memref<1015808x32xf32, #tpu.memory_space<hbm>>) dst(%dma_wait3A_1745 : memref<128x32xf32, #tpu.memory_space<vmem>>)
      %dma_wait3A_1752 = arith.constant 1 : i32
      %dma_wait3A_1753 = arith.constant 1 : i32
      %dma_wait3A_1754 = arith.constant 128 : i32
      %dma_wait3A_1755 = arith.constant 0 : i32
      %dma_wait3A_1756 = tpu.memref_slice %arg8[%dma_wait3A_1753, %dma_wait3A_1754, %dma_wait3A_1755] : memref<2x200x32xf32, #tpu.memory_space<vmem>> -> memref<1x72x32xf32, #tpu.memory_space<vmem>>
      %dma_wait3A_1757 = tpu.memref_squeeze %dma_wait3A_1756 : memref<1x72x32xf32, #tpu.memory_space<vmem>> -> memref<72x32xf32, #tpu.memory_space<vmem>>
      %dma_wait3A_1758 = arith.constant 128 : i32
      %dma_wait3A_1759 = tpu.memref_slice %arg7[%dma_wait3A_1752, %dma_wait3A_1758] : memref<2x200xi32, #tpu.memory_space<vmem>> -> memref<1x72xi32, #tpu.memory_space<vmem>>
      %dma_wait3A_1760 = tpu.memref_squeeze %dma_wait3A_1759 : memref<1x72xi32, #tpu.memory_space<vmem>> -> memref<72xi32, #tpu.memory_space<vmem>>
      %dma_wait3A_1761 = arith.constant 0 : i32
      %dma_wait3A_1762 = arith.constant 0 : i32
      %dma_wait3A_1763 = tpu.memref_slice %arg3[%dma_wait3A_1761, %dma_wait3A_1762] : memref<1015808x32xf32, #tpu.memory_space<hbm>> -> memref<1015808x32xf32, #tpu.memory_space<hbm>>
      tpu.wait_indirect_dma semaphore(%arg12 : memref<!tpu.dma_semaphore, #tpu.memory_space<semaphore_mem>>) src(%dma_wait3A_1763 : memref<1015808x32xf32, #tpu.memory_space<hbm>>) dst(%dma_wait3A_1757 : memref<72x32xf32, #tpu.memory_space<vmem>>)
      %scan3A_1764 = arith.constant 0 : i32
      %scan3A_1765 = arith.constant 24 : i32
      %scan3A_1766 = arith.addi %scan3A_1764, %scan3A_1765 : i32
      %scan3A_1767 = arith.constant 2 : i32
      %scan3A_1768:4 = scf.for %scan3A_1959 = %scan3A_1764 to %scan3A_1766 step %scan3A_1767 iter_args(%scan3A_1960 = %get3A_3, %scan3A_1961 = %get3A_5, %scan3A_1962 = %get3A_7, %scan3A_1963 = %get3A_9) -> (vector<16xf32>, vector<16xf32>, vector<16xf32>, vector<16xf32>)  : i32 {
        %mul3A_1964 = arith.constant 8 : i32
        %mul3A_1965 = arith.muli %scan3A_1959, %mul3A_1964 : i32
        %broadcast_in_dim3A_1966 = arith.constant 0.000000e+00 : bf16
        %broadcast_in_dim3A_1967 = vector.broadcast %broadcast_in_dim3A_1966 : bf16 to vector<32xbf16>
        %add3A_1968 = arith.constant 0 : i32
        %add3A_1969 = arith.addi %mul3A_1965, %add3A_1968 : i32
        %get3A_1970 = arith.constant 1 : i32
        %get3A_1971 = arith.index_cast %get3A_1970 : i32 to index
        %get3A_1972 = arith.index_cast %add3A_1969 : i32 to index
        %get3A_1973 = arith.constant 0 : index
        %get3A_1974 = tpu.vector_load %arg8[%get3A_1971, %get3A_1972, %get3A_1973] {strides = array<i32>} : memref<2x200x32xf32, #tpu.memory_space<vmem>>, vector<16xf32>,
        %bitcast3A_1975 = vector.bitcast %get3A_1974 : vector<16xf32> to vector<32xbf16>
        %add3A_1976 = arith.addf %broadcast_in_dim3A_1967, %bitcast3A_1975 : vector<32xbf16>
        %add3A_1977 = arith.constant 0 : i32
        %add3A_1978 = arith.addi %mul3A_1965, %add3A_1977 : i32
        %get3A_1979 = arith.constant 1 : i32
        %get3A_1980 = arith.index_cast %get3A_1979 : i32 to index
        %get3A_1981 = arith.index_cast %add3A_1978 : i32 to index
        %get3A_1982 = arith.constant 16 : index
        %get3A_1983 = tpu.vector_load %arg8[%get3A_1980, %get3A_1981, %get3A_1982] {strides = array<i32>} : memref<2x200x32xf32, #tpu.memory_space<vmem>>, vector<16xf32>,
        %bitcast3A_1984 = vector.bitcast %get3A_1983 : vector<16xf32> to vector<32xbf16>
        %add3A_1985 = arith.addf %broadcast_in_dim3A_1967, %bitcast3A_1984 : vector<32xbf16>
        %add3A_1986 = arith.constant 1 : i32
        %add3A_1987 = arith.addi %mul3A_1965, %add3A_1986 : i32
        %get3A_1988 = arith.constant 1 : i32
        %get3A_1989 = arith.index_cast %get3A_1988 : i32 to index
        %get3A_1990 = arith.index_cast %add3A_1987 : i32 to index
        %get3A_1991 = arith.constant 0 : index
        %get3A_1992 = tpu.vector_load %arg8[%get3A_1989, %get3A_1990, %get3A_1991] {strides = array<i32>} : memref<2x200x32xf32, #tpu.memory_space<vmem>>, vector<16xf32>,
        %bitcast3A_1993 = vector.bitcast %get3A_1992 : vector<16xf32> to vector<32xbf16>
        %add3A_1994 = arith.addf %add3A_1976, %bitcast3A_1993 : vector<32xbf16>
        %add3A_1995 = arith.constant 1 : i32
        %add3A_1996 = arith.addi %mul3A_1965, %add3A_1995 : i32
        %get3A_1997 = arith.constant 1 : i32
        %get3A_1998 = arith.index_cast %get3A_1997 : i32 to index
        %get3A_1999 = arith.index_cast %add3A_1996 : i32 to index
        %get3A_2000 = arith.constant 16 : index
        %get3A_2001 = tpu.vector_load %arg8[%get3A_1998, %get3A_1999, %get3A_2000] {strides = array<i32>} : memref<2x200x32xf32, #tpu.memory_space<vmem>>, vector<16xf32>,
        %bitcast3A_2002 = vector.bitcast %get3A_2001 : vector<16xf32> to vector<32xbf16>
        %add3A_2003 = arith.addf %add3A_1985, %bitcast3A_2002 : vector<32xbf16>
        %add3A_2004 = arith.constant 2 : i32
        %add3A_2005 = arith.addi %mul3A_1965, %add3A_2004 : i32
        %get3A_2006 = arith.constant 1 : i32
        %get3A_2007 = arith.index_cast %get3A_2006 : i32 to index
        %get3A_2008 = arith.index_cast %add3A_2005 : i32 to index
        %get3A_2009 = arith.constant 0 : index
        %get3A_2010 = tpu.vector_load %arg8[%get3A_2007, %get3A_2008, %get3A_2009] {strides = array<i32>} : memref<2x200x32xf32, #tpu.memory_space<vmem>>, vector<16xf32>,
        %bitcast3A_2011 = vector.bitcast %get3A_2010 : vector<16xf32> to vector<32xbf16>
        %add3A_2012 = arith.addf %add3A_1994, %bitcast3A_2011 : vector<32xbf16>
        %add3A_2013 = arith.constant 2 : i32
        %add3A_2014 = arith.addi %mul3A_1965, %add3A_2013 : i32
        %get3A_2015 = arith.constant 1 : i32
        %get3A_2016 = arith.index_cast %get3A_2015 : i32 to index
        %get3A_2017 = arith.index_cast %add3A_2014 : i32 to index
        %get3A_2018 = arith.constant 16 : index
        %get3A_2019 = tpu.vector_load %arg8[%get3A_2016, %get3A_2017, %get3A_2018] {strides = array<i32>} : memref<2x200x32xf32, #tpu.memory_space<vmem>>, vector<16xf32>,
        %bitcast3A_2020 = vector.bitcast %get3A_2019 : vector<16xf32> to vector<32xbf16>
        %add3A_2021 = arith.addf %add3A_2003, %bitcast3A_2020 : vector<32xbf16>
        %add3A_2022 = arith.constant 3 : i32
        %add3A_2023 = arith.addi %mul3A_1965, %add3A_2022 : i32
        %get3A_2024 = arith.constant 1 : i32
        %get3A_2025 = arith.index_cast %get3A_2024 : i32 to index
        %get3A_2026 = arith.index_cast %add3A_2023 : i32 to index
        %get3A_2027 = arith.constant 0 : index
        %get3A_2028 = tpu.vector_load %arg8[%get3A_2025, %get3A_2026, %get3A_2027] {strides = array<i32>} : memref<2x200x32xf32, #tpu.memory_space<vmem>>, vector<16xf32>,
        %bitcast3A_2029 = vector.bitcast %get3A_2028 : vector<16xf32> to vector<32xbf16>
        %add3A_2030 = arith.addf %add3A_2012, %bitcast3A_2029 : vector<32xbf16>
        %add3A_2031 = arith.constant 3 : i32
        %add3A_2032 = arith.addi %mul3A_1965, %add3A_2031 : i32
        %get3A_2033 = arith.constant 1 : i32
        %get3A_2034 = arith.index_cast %get3A_2033 : i32 to index
        %get3A_2035 = arith.index_cast %add3A_2032 : i32 to index
        %get3A_2036 = arith.constant 16 : index
        %get3A_2037 = tpu.vector_load %arg8[%get3A_2034, %get3A_2035, %get3A_2036] {strides = array<i32>} : memref<2x200x32xf32, #tpu.memory_space<vmem>>, vector<16xf32>,
        %bitcast3A_2038 = vector.bitcast %get3A_2037 : vector<16xf32> to vector<32xbf16>
        %add3A_2039 = arith.addf %add3A_2021, %bitcast3A_2038 : vector<32xbf16>
        %add3A_2040 = arith.constant 4 : i32
        %add3A_2041 = arith.addi %mul3A_1965, %add3A_2040 : i32
        %get3A_2042 = arith.constant 1 : i32
        %get3A_2043 = arith.index_cast %get3A_2042 : i32 to index
        %get3A_2044 = arith.index_cast %add3A_2041 : i32 to index
        %get3A_2045 = arith.constant 0 : index
        %get3A_2046 = tpu.vector_load %arg8[%get3A_2043, %get3A_2044, %get3A_2045] {strides = array<i32>} : memref<2x200x32xf32, #tpu.memory_space<vmem>>, vector<16xf32>,
        %bitcast3A_2047 = vector.bitcast %get3A_2046 : vector<16xf32> to vector<32xbf16>
        %add3A_2048 = arith.addf %add3A_2030, %bitcast3A_2047 : vector<32xbf16>
        %add3A_2049 = arith.constant 4 : i32
        %add3A_2050 = arith.addi %mul3A_1965, %add3A_2049 : i32
        %get3A_2051 = arith.constant 1 : i32
        %get3A_2052 = arith.index_cast %get3A_2051 : i32 to index
        %get3A_2053 = arith.index_cast %add3A_2050 : i32 to index
        %get3A_2054 = arith.constant 16 : index
        %get3A_2055 = tpu.vector_load %arg8[%get3A_2052, %get3A_2053, %get3A_2054] {strides = array<i32>} : memref<2x200x32xf32, #tpu.memory_space<vmem>>, vector<16xf32>,
        %bitcast3A_2056 = vector.bitcast %get3A_2055 : vector<16xf32> to vector<32xbf16>
        %add3A_2057 = arith.addf %add3A_2039, %bitcast3A_2056 : vector<32xbf16>
        %add3A_2058 = arith.constant 5 : i32
        %add3A_2059 = arith.addi %mul3A_1965, %add3A_2058 : i32
        %get3A_2060 = arith.constant 1 : i32
        %get3A_2061 = arith.index_cast %get3A_2060 : i32 to index
        %get3A_2062 = arith.index_cast %add3A_2059 : i32 to index
        %get3A_2063 = arith.constant 0 : index
        %get3A_2064 = tpu.vector_load %arg8[%get3A_2061, %get3A_2062, %get3A_2063] {strides = array<i32>} : memref<2x200x32xf32, #tpu.memory_space<vmem>>, vector<16xf32>,
        %bitcast3A_2065 = vector.bitcast %get3A_2064 : vector<16xf32> to vector<32xbf16>
        %add3A_2066 = arith.addf %add3A_2048, %bitcast3A_2065 : vector<32xbf16>
        %add3A_2067 = arith.constant 5 : i32
        %add3A_2068 = arith.addi %mul3A_1965, %add3A_2067 : i32
        %get3A_2069 = arith.constant 1 : i32
        %get3A_2070 = arith.index_cast %get3A_2069 : i32 to index
        %get3A_2071 = arith.index_cast %add3A_2068 : i32 to index
        %get3A_2072 = arith.constant 16 : index
        %get3A_2073 = tpu.vector_load %arg8[%get3A_2070, %get3A_2071, %get3A_2072] {strides = array<i32>} : memref<2x200x32xf32, #tpu.memory_space<vmem>>, vector<16xf32>,
        %bitcast3A_2074 = vector.bitcast %get3A_2073 : vector<16xf32> to vector<32xbf16>
        %add3A_2075 = arith.addf %add3A_2057, %bitcast3A_2074 : vector<32xbf16>
        %add3A_2076 = arith.constant 6 : i32
        %add3A_2077 = arith.addi %mul3A_1965, %add3A_2076 : i32
        %get3A_2078 = arith.constant 1 : i32
        %get3A_2079 = arith.index_cast %get3A_2078 : i32 to index
        %get3A_2080 = arith.index_cast %add3A_2077 : i32 to index
        %get3A_2081 = arith.constant 0 : index
        %get3A_2082 = tpu.vector_load %arg8[%get3A_2079, %get3A_2080, %get3A_2081] {strides = array<i32>} : memref<2x200x32xf32, #tpu.memory_space<vmem>>, vector<16xf32>,
        %bitcast3A_2083 = vector.bitcast %get3A_2082 : vector<16xf32> to vector<32xbf16>
        %add3A_2084 = arith.addf %add3A_2066, %bitcast3A_2083 : vector<32xbf16>
        %add3A_2085 = arith.constant 6 : i32
        %add3A_2086 = arith.addi %mul3A_1965, %add3A_2085 : i32
        %get3A_2087 = arith.constant 1 : i32
        %get3A_2088 = arith.index_cast %get3A_2087 : i32 to index
        %get3A_2089 = arith.index_cast %add3A_2086 : i32 to index
        %get3A_2090 = arith.constant 16 : index
        %get3A_2091 = tpu.vector_load %arg8[%get3A_2088, %get3A_2089, %get3A_2090] {strides = array<i32>} : memref<2x200x32xf32, #tpu.memory_space<vmem>>, vector<16xf32>,
        %bitcast3A_2092 = vector.bitcast %get3A_2091 : vector<16xf32> to vector<32xbf16>
        %add3A_2093 = arith.addf %add3A_2075, %bitcast3A_2092 : vector<32xbf16>
        %add3A_2094 = arith.constant 7 : i32
        %add3A_2095 = arith.addi %mul3A_1965, %add3A_2094 : i32
        %get3A_2096 = arith.constant 1 : i32
        %get3A_2097 = arith.index_cast %get3A_2096 : i32 to index
        %get3A_2098 = arith.index_cast %add3A_2095 : i32 to index
        %get3A_2099 = arith.constant 0 : index
        %get3A_2100 = tpu.vector_load %arg8[%get3A_2097, %get3A_2098, %get3A_2099] {strides = array<i32>} : memref<2x200x32xf32, #tpu.memory_space<vmem>>, vector<16xf32>,
        %bitcast3A_2101 = vector.bitcast %get3A_2100 : vector<16xf32> to vector<32xbf16>
        %add3A_2102 = arith.addf %add3A_2084, %bitcast3A_2101 : vector<32xbf16>
        %add3A_2103 = arith.constant 7 : i32
        %add3A_2104 = arith.addi %mul3A_1965, %add3A_2103 : i32
        %get3A_2105 = arith.constant 1 : i32
        %get3A_2106 = arith.index_cast %get3A_2105 : i32 to index
        %get3A_2107 = arith.index_cast %add3A_2104 : i32 to index
        %get3A_2108 = arith.constant 16 : index
        %get3A_2109 = tpu.vector_load %arg8[%get3A_2106, %get3A_2107, %get3A_2108] {strides = array<i32>} : memref<2x200x32xf32, #tpu.memory_space<vmem>>, vector<16xf32>,
        %bitcast3A_2110 = vector.bitcast %get3A_2109 : vector<16xf32> to vector<32xbf16>
        %add3A_2111 = arith.addf %add3A_2093, %bitcast3A_2110 : vector<32xbf16>
        %bitcast3A_2112 = vector.bitcast %add3A_2102 : vector<32xbf16> to vector<16xi32>
        %shift_left3A_2113 = arith.constant 16 : i32
        %shift_left3A_2114 = vector.broadcast %shift_left3A_2113 : i32 to vector<16xi32>
        %shift_left3A_2115 = arith.shli %bitcast3A_2112, %shift_left3A_2114 : vector<16xi32>
        %bitcast3A_2116 = vector.bitcast %shift_left3A_2115 : vector<16xi32> to vector<16xf32>
        %add3A_2117 = arith.addf %scan3A_1960, %bitcast3A_2116 : vector<16xf32>
        %and3A_2118 = vector.broadcast %scan3A : i32 to vector<16xi32>
        %and3A_2119 = arith.andi %bitcast3A_2112, %and3A_2118 : vector<16xi32>
        %bitcast3A_2120 = vector.bitcast %and3A_2119 : vector<16xi32> to vector<16xf32>
        %add3A_2121 = arith.addf %scan3A_1962, %bitcast3A_2120 : vector<16xf32>
        %bitcast3A_2122 = vector.bitcast %add3A_2111 : vector<32xbf16> to vector<16xi32>
        %shift_left3A_2123 = arith.constant 16 : i32
        %shift_left3A_2124 = vector.broadcast %shift_left3A_2123 : i32 to vector<16xi32>
        %shift_left3A_2125 = arith.shli %bitcast3A_2122, %shift_left3A_2124 : vector<16xi32>
        %bitcast3A_2126 = vector.bitcast %shift_left3A_2125 : vector<16xi32> to vector<16xf32>
        %add3A_2127 = arith.addf %scan3A_1961, %bitcast3A_2126 : vector<16xf32>
        %and3A_2128 = vector.broadcast %scan3A : i32 to vector<16xi32>
        %and3A_2129 = arith.andi %bitcast3A_2122, %and3A_2128 : vector<16xi32>
        %bitcast3A_2130 = vector.bitcast %and3A_2129 : vector<16xi32> to vector<16xf32>
        %add3A_2131 = arith.addf %scan3A_1963, %bitcast3A_2130 : vector<16xf32>
        %scan3A_2132 = arith.constant 1 : i32
        %scan3A_2133 = arith.addi %scan3A_1959, %scan3A_2132 : i32
        %mul3A_2134 = arith.constant 8 : i32
        %mul3A_2135 = arith.muli %scan3A_2133, %mul3A_2134 : i32
        %broadcast_in_dim3A_2136 = arith.constant 0.000000e+00 : bf16
        %broadcast_in_dim3A_2137 = vector.broadcast %broadcast_in_dim3A_2136 : bf16 to vector<32xbf16>
        %add3A_2138 = arith.constant 0 : i32
        %add3A_2139 = arith.addi %mul3A_2135, %add3A_2138 : i32
        %get3A_2140 = arith.constant 1 : i32
        %get3A_2141 = arith.index_cast %get3A_2140 : i32 to index
        %get3A_2142 = arith.index_cast %add3A_2139 : i32 to index
        %get3A_2143 = arith.constant 0 : index
        %get3A_2144 = tpu.vector_load %arg8[%get3A_2141, %get3A_2142, %get3A_2143] {strides = array<i32>} : memref<2x200x32xf32, #tpu.memory_space<vmem>>, vector<16xf32>,
        %bitcast3A_2145 = vector.bitcast %get3A_2144 : vector<16xf32> to vector<32xbf16>
        %add3A_2146 = arith.addf %broadcast_in_dim3A_2137, %bitcast3A_2145 : vector<32xbf16>
        %add3A_2147 = arith.constant 0 : i32
        %add3A_2148 = arith.addi %mul3A_2135, %add3A_2147 : i32
        %get3A_2149 = arith.constant 1 : i32
        %get3A_2150 = arith.index_cast %get3A_2149 : i32 to index
        %get3A_2151 = arith.index_cast %add3A_2148 : i32 to index
        %get3A_2152 = arith.constant 16 : index
        %get3A_2153 = tpu.vector_load %arg8[%get3A_2150, %get3A_2151, %get3A_2152] {strides = array<i32>} : memref<2x200x32xf32, #tpu.memory_space<vmem>>, vector<16xf32>,
        %bitcast3A_2154 = vector.bitcast %get3A_2153 : vector<16xf32> to vector<32xbf16>
        %add3A_2155 = arith.addf %broadcast_in_dim3A_2137, %bitcast3A_2154 : vector<32xbf16>
        %add3A_2156 = arith.constant 1 : i32
        %add3A_2157 = arith.addi %mul3A_2135, %add3A_2156 : i32
        %get3A_2158 = arith.constant 1 : i32
        %get3A_2159 = arith.index_cast %get3A_2158 : i32 to index
        %get3A_2160 = arith.index_cast %add3A_2157 : i32 to index
        %get3A_2161 = arith.constant 0 : index
        %get3A_2162 = tpu.vector_load %arg8[%get3A_2159, %get3A_2160, %get3A_2161] {strides = array<i32>} : memref<2x200x32xf32, #tpu.memory_space<vmem>>, vector<16xf32>,
        %bitcast3A_2163 = vector.bitcast %get3A_2162 : vector<16xf32> to vector<32xbf16>
        %add3A_2164 = arith.addf %add3A_2146, %bitcast3A_2163 : vector<32xbf16>
        %add3A_2165 = arith.constant 1 : i32
        %add3A_2166 = arith.addi %mul3A_2135, %add3A_2165 : i32
        %get3A_2167 = arith.constant 1 : i32
        %get3A_2168 = arith.index_cast %get3A_2167 : i32 to index
        %get3A_2169 = arith.index_cast %add3A_2166 : i32 to index
        %get3A_2170 = arith.constant 16 : index
        %get3A_2171 = tpu.vector_load %arg8[%get3A_2168, %get3A_2169, %get3A_2170] {strides = array<i32>} : memref<2x200x32xf32, #tpu.memory_space<vmem>>, vector<16xf32>,
        %bitcast3A_2172 = vector.bitcast %get3A_2171 : vector<16xf32> to vector<32xbf16>
        %add3A_2173 = arith.addf %add3A_2155, %bitcast3A_2172 : vector<32xbf16>
        %add3A_2174 = arith.constant 2 : i32
        %add3A_2175 = arith.addi %mul3A_2135, %add3A_2174 : i32
        %get3A_2176 = arith.constant 1 : i32
        %get3A_2177 = arith.index_cast %get3A_2176 : i32 to index
        %get3A_2178 = arith.index_cast %add3A_2175 : i32 to index
        %get3A_2179 = arith.constant 0 : index
        %get3A_2180 = tpu.vector_load %arg8[%get3A_2177, %get3A_2178, %get3A_2179] {strides = array<i32>} : memref<2x200x32xf32, #tpu.memory_space<vmem>>, vector<16xf32>,
        %bitcast3A_2181 = vector.bitcast %get3A_2180 : vector<16xf32> to vector<32xbf16>
        %add3A_2182 = arith.addf %add3A_2164, %bitcast3A_2181 : vector<32xbf16>
        %add3A_2183 = arith.constant 2 : i32
        %add3A_2184 = arith.addi %mul3A_2135, %add3A_2183 : i32
        %get3A_2185 = arith.constant 1 : i32
        %get3A_2186 = arith.index_cast %get3A_2185 : i32 to index
        %get3A_2187 = arith.index_cast %add3A_2184 : i32 to index
        %get3A_2188 = arith.constant 16 : index
        %get3A_2189 = tpu.vector_load %arg8[%get3A_2186, %get3A_2187, %get3A_2188] {strides = array<i32>} : memref<2x200x32xf32, #tpu.memory_space<vmem>>, vector<16xf32>,
        %bitcast3A_2190 = vector.bitcast %get3A_2189 : vector<16xf32> to vector<32xbf16>
        %add3A_2191 = arith.addf %add3A_2173, %bitcast3A_2190 : vector<32xbf16>
        %add3A_2192 = arith.constant 3 : i32
        %add3A_2193 = arith.addi %mul3A_2135, %add3A_2192 : i32
        %get3A_2194 = arith.constant 1 : i32
        %get3A_2195 = arith.index_cast %get3A_2194 : i32 to index
        %get3A_2196 = arith.index_cast %add3A_2193 : i32 to index
        %get3A_2197 = arith.constant 0 : index
        %get3A_2198 = tpu.vector_load %arg8[%get3A_2195, %get3A_2196, %get3A_2197] {strides = array<i32>} : memref<2x200x32xf32, #tpu.memory_space<vmem>>, vector<16xf32>,
        %bitcast3A_2199 = vector.bitcast %get3A_2198 : vector<16xf32> to vector<32xbf16>
        %add3A_2200 = arith.addf %add3A_2182, %bitcast3A_2199 : vector<32xbf16>
        %add3A_2201 = arith.constant 3 : i32
        %add3A_2202 = arith.addi %mul3A_2135, %add3A_2201 : i32
        %get3A_2203 = arith.constant 1 : i32
        %get3A_2204 = arith.index_cast %get3A_2203 : i32 to index
        %get3A_2205 = arith.index_cast %add3A_2202 : i32 to index
        %get3A_2206 = arith.constant 16 : index
        %get3A_2207 = tpu.vector_load %arg8[%get3A_2204, %get3A_2205, %get3A_2206] {strides = array<i32>} : memref<2x200x32xf32, #tpu.memory_space<vmem>>, vector<16xf32>,
        %bitcast3A_2208 = vector.bitcast %get3A_2207 : vector<16xf32> to vector<32xbf16>
        %add3A_2209 = arith.addf %add3A_2191, %bitcast3A_2208 : vector<32xbf16>
        %add3A_2210 = arith.constant 4 : i32
        %add3A_2211 = arith.addi %mul3A_2135, %add3A_2210 : i32
        %get3A_2212 = arith.constant 1 : i32
        %get3A_2213 = arith.index_cast %get3A_2212 : i32 to index
        %get3A_2214 = arith.index_cast %add3A_2211 : i32 to index
        %get3A_2215 = arith.constant 0 : index
        %get3A_2216 = tpu.vector_load %arg8[%get3A_2213, %get3A_2214, %get3A_2215] {strides = array<i32>} : memref<2x200x32xf32, #tpu.memory_space<vmem>>, vector<16xf32>,
        %bitcast3A_2217 = vector.bitcast %get3A_2216 : vector<16xf32> to vector<32xbf16>
        %add3A_2218 = arith.addf %add3A_2200, %bitcast3A_2217 : vector<32xbf16>
        %add3A_2219 = arith.constant 4 : i32
        %add3A_2220 = arith.addi %mul3A_2135, %add3A_2219 : i32
        %get3A_2221 = arith.constant 1 : i32
        %get3A_2222 = arith.index_cast %get3A_2221 : i32 to index
        %get3A_2223 = arith.index_cast %add3A_2220 : i32 to index
        %get3A_2224 = arith.constant 16 : index
        %get3A_2225 = tpu.vector_load %arg8[%get3A_2222, %get3A_2223, %get3A_2224] {strides = array<i32>} : memref<2x200x32xf32, #tpu.memory_space<vmem>>, vector<16xf32>,
        %bitcast3A_2226 = vector.bitcast %get3A_2225 : vector<16xf32> to vector<32xbf16>
        %add3A_2227 = arith.addf %add3A_2209, %bitcast3A_2226 : vector<32xbf16>
        %add3A_2228 = arith.constant 5 : i32
        %add3A_2229 = arith.addi %mul3A_2135, %add3A_2228 : i32
        %get3A_2230 = arith.constant 1 : i32
        %get3A_2231 = arith.index_cast %get3A_2230 : i32 to index
        %get3A_2232 = arith.index_cast %add3A_2229 : i32 to index
        %get3A_2233 = arith.constant 0 : index
        %get3A_2234 = tpu.vector_load %arg8[%get3A_2231, %get3A_2232, %get3A_2233] {strides = array<i32>} : memref<2x200x32xf32, #tpu.memory_space<vmem>>, vector<16xf32>,
        %bitcast3A_2235 = vector.bitcast %get3A_2234 : vector<16xf32> to vector<32xbf16>
        %add3A_2236 = arith.addf %add3A_2218, %bitcast3A_2235 : vector<32xbf16>
        %add3A_2237 = arith.constant 5 : i32
        %add3A_2238 = arith.addi %mul3A_2135, %add3A_2237 : i32
        %get3A_2239 = arith.constant 1 : i32
        %get3A_2240 = arith.index_cast %get3A_2239 : i32 to index
        %get3A_2241 = arith.index_cast %add3A_2238 : i32 to index
        %get3A_2242 = arith.constant 16 : index
        %get3A_2243 = tpu.vector_load %arg8[%get3A_2240, %get3A_2241, %get3A_2242] {strides = array<i32>} : memref<2x200x32xf32, #tpu.memory_space<vmem>>, vector<16xf32>,
        %bitcast3A_2244 = vector.bitcast %get3A_2243 : vector<16xf32> to vector<32xbf16>
        %add3A_2245 = arith.addf %add3A_2227, %bitcast3A_2244 : vector<32xbf16>
        %add3A_2246 = arith.constant 6 : i32
        %add3A_2247 = arith.addi %mul3A_2135, %add3A_2246 : i32
        %get3A_2248 = arith.constant 1 : i32
        %get3A_2249 = arith.index_cast %get3A_2248 : i32 to index
        %get3A_2250 = arith.index_cast %add3A_2247 : i32 to index
        %get3A_2251 = arith.constant 0 : index
        %get3A_2252 = tpu.vector_load %arg8[%get3A_2249, %get3A_2250, %get3A_2251] {strides = array<i32>} : memref<2x200x32xf32, #tpu.memory_space<vmem>>, vector<16xf32>,
        %bitcast3A_2253 = vector.bitcast %get3A_2252 : vector<16xf32> to vector<32xbf16>
        %add3A_2254 = arith.addf %add3A_2236, %bitcast3A_2253 : vector<32xbf16>
        %add3A_2255 = arith.constant 6 : i32
        %add3A_2256 = arith.addi %mul3A_2135, %add3A_2255 : i32
        %get3A_2257 = arith.constant 1 : i32
        %get3A_2258 = arith.index_cast %get3A_2257 : i32 to index
        %get3A_2259 = arith.index_cast %add3A_2256 : i32 to index
        %get3A_2260 = arith.constant 16 : index
        %get3A_2261 = tpu.vector_load %arg8[%get3A_2258, %get3A_2259, %get3A_2260] {strides = array<i32>} : memref<2x200x32xf32, #tpu.memory_space<vmem>>, vector<16xf32>,
        %bitcast3A_2262 = vector.bitcast %get3A_2261 : vector<16xf32> to vector<32xbf16>
        %add3A_2263 = arith.addf %add3A_2245, %bitcast3A_2262 : vector<32xbf16>
        %add3A_2264 = arith.constant 7 : i32
        %add3A_2265 = arith.addi %mul3A_2135, %add3A_2264 : i32
        %get3A_2266 = arith.constant 1 : i32
        %get3A_2267 = arith.index_cast %get3A_2266 : i32 to index
        %get3A_2268 = arith.index_cast %add3A_2265 : i32 to index
        %get3A_2269 = arith.constant 0 : index
        %get3A_2270 = tpu.vector_load %arg8[%get3A_2267, %get3A_2268, %get3A_2269] {strides = array<i32>} : memref<2x200x32xf32, #tpu.memory_space<vmem>>, vector<16xf32>,
        %bitcast3A_2271 = vector.bitcast %get3A_2270 : vector<16xf32> to vector<32xbf16>
        %add3A_2272 = arith.addf %add3A_2254, %bitcast3A_2271 : vector<32xbf16>
        %add3A_2273 = arith.constant 7 : i32
        %add3A_2274 = arith.addi %mul3A_2135, %add3A_2273 : i32
        %get3A_2275 = arith.constant 1 : i32
        %get3A_2276 = arith.index_cast %get3A_2275 : i32 to index
        %get3A_2277 = arith.index_cast %add3A_2274 : i32 to index
        %get3A_2278 = arith.constant 16 : index
        %get3A_2279 = tpu.vector_load %arg8[%get3A_2276, %get3A_2277, %get3A_2278] {strides = array<i32>} : memref<2x200x32xf32, #tpu.memory_space<vmem>>, vector<16xf32>,
        %bitcast3A_2280 = vector.bitcast %get3A_2279 : vector<16xf32> to vector<32xbf16>
        %add3A_2281 = arith.addf %add3A_2263, %bitcast3A_2280 : vector<32xbf16>
        %bitcast3A_2282 = vector.bitcast %add3A_2272 : vector<32xbf16> to vector<16xi32>
        %shift_left3A_2283 = arith.constant 16 : i32
        %shift_left3A_2284 = vector.broadcast %shift_left3A_2283 : i32 to vector<16xi32>
        %shift_left3A_2285 = arith.shli %bitcast3A_2282, %shift_left3A_2284 : vector<16xi32>
        %bitcast3A_2286 = vector.bitcast %shift_left3A_2285 : vector<16xi32> to vector<16xf32>
        %add3A_2287 = arith.addf %add3A_2117, %bitcast3A_2286 : vector<16xf32>
        %and3A_2288 = vector.broadcast %scan3A : i32 to vector<16xi32>
        %and3A_2289 = arith.andi %bitcast3A_2282, %and3A_2288 : vector<16xi32>
        %bitcast3A_2290 = vector.bitcast %and3A_2289 : vector<16xi32> to vector<16xf32>
        %add3A_2291 = arith.addf %add3A_2121, %bitcast3A_2290 : vector<16xf32>
        %bitcast3A_2292 = vector.bitcast %add3A_2281 : vector<32xbf16> to vector<16xi32>
        %shift_left3A_2293 = arith.constant 16 : i32
        %shift_left3A_2294 = vector.broadcast %shift_left3A_2293 : i32 to vector<16xi32>
        %shift_left3A_2295 = arith.shli %bitcast3A_2292, %shift_left3A_2294 : vector<16xi32>
        %bitcast3A_2296 = vector.bitcast %shift_left3A_2295 : vector<16xi32> to vector<16xf32>
        %add3A_2297 = arith.addf %add3A_2127, %bitcast3A_2296 : vector<16xf32>
        %and3A_2298 = vector.broadcast %scan3A : i32 to vector<16xi32>
        %and3A_2299 = arith.andi %bitcast3A_2292, %and3A_2298 : vector<16xi32>
        %bitcast3A_2300 = vector.bitcast %and3A_2299 : vector<16xi32> to vector<16xf32>
        %add3A_2301 = arith.addf %add3A_2131, %bitcast3A_2300 : vector<16xf32>
        scf.yield %add3A_2287, %add3A_2297, %add3A_2291, %add3A_2301 : vector<16xf32>, vector<16xf32>, vector<16xf32>, vector<16xf32>
      }
      %scan3A_1769 = arith.constant 24 : i32
      %scan3A_1770 = arith.addi %scan3A_1764, %scan3A_1769 : i32
      %mul3A_1771 = arith.constant 8 : i32
      %mul3A_1772 = arith.muli %scan3A_1770, %mul3A_1771 : i32
      %broadcast_in_dim3A_1773 = arith.constant 0.000000e+00 : bf16
      %broadcast_in_dim3A_1774 = vector.broadcast %broadcast_in_dim3A_1773 : bf16 to vector<32xbf16>
      %add3A_1775 = arith.constant 0 : i32
      %add3A_1776 = arith.addi %mul3A_1772, %add3A_1775 : i32
      %get3A_1777 = arith.constant 1 : i32
      %get3A_1778 = arith.index_cast %get3A_1777 : i32 to index
      %get3A_1779 = arith.index_cast %add3A_1776 : i32 to index
      %get3A_1780 = arith.constant 0 : index
      %get3A_1781 = tpu.vector_load %arg8[%get3A_1778, %get3A_1779, %get3A_1780] {strides = array<i32>} : memref<2x200x32xf32, #tpu.memory_space<vmem>>, vector<16xf32>,
      %bitcast3A_1782 = vector.bitcast %get3A_1781 : vector<16xf32> to vector<32xbf16>
      %add3A_1783 = arith.addf %broadcast_in_dim3A_1774, %bitcast3A_1782 : vector<32xbf16>
      %add3A_1784 = arith.constant 0 : i32
      %add3A_1785 = arith.addi %mul3A_1772, %add3A_1784 : i32
      %get3A_1786 = arith.constant 1 : i32
      %get3A_1787 = arith.index_cast %get3A_1786 : i32 to index
      %get3A_1788 = arith.index_cast %add3A_1785 : i32 to index
      %get3A_1789 = arith.constant 16 : index
      %get3A_1790 = tpu.vector_load %arg8[%get3A_1787, %get3A_1788, %get3A_1789] {strides = array<i32>} : memref<2x200x32xf32, #tpu.memory_space<vmem>>, vector<16xf32>,
      %bitcast3A_1791 = vector.bitcast %get3A_1790 : vector<16xf32> to vector<32xbf16>
      %add3A_1792 = arith.addf %broadcast_in_dim3A_1774, %bitcast3A_1791 : vector<32xbf16>
      %add3A_1793 = arith.constant 1 : i32
      %add3A_1794 = arith.addi %mul3A_1772, %add3A_1793 : i32
      %get3A_1795 = arith.constant 1 : i32
      %get3A_1796 = arith.index_cast %get3A_1795 : i32 to index
      %get3A_1797 = arith.index_cast %add3A_1794 : i32 to index
      %get3A_1798 = arith.constant 0 : index
      %get3A_1799 = tpu.vector_load %arg8[%get3A_1796, %get3A_1797, %get3A_1798] {strides = array<i32>} : memref<2x200x32xf32, #tpu.memory_space<vmem>>, vector<16xf32>,
      %bitcast3A_1800 = vector.bitcast %get3A_1799 : vector<16xf32> to vector<32xbf16>
      %add3A_1801 = arith.addf %add3A_1783, %bitcast3A_1800 : vector<32xbf16>
      %add3A_1802 = arith.constant 1 : i32
      %add3A_1803 = arith.addi %mul3A_1772, %add3A_1802 : i32
      %get3A_1804 = arith.constant 1 : i32
      %get3A_1805 = arith.index_cast %get3A_1804 : i32 to index
      %get3A_1806 = arith.index_cast %add3A_1803 : i32 to index
      %get3A_1807 = arith.constant 16 : index
      %get3A_1808 = tpu.vector_load %arg8[%get3A_1805, %get3A_1806, %get3A_1807] {strides = array<i32>} : memref<2x200x32xf32, #tpu.memory_space<vmem>>, vector<16xf32>,
      %bitcast3A_1809 = vector.bitcast %get3A_1808 : vector<16xf32> to vector<32xbf16>
      %add3A_1810 = arith.addf %add3A_1792, %bitcast3A_1809 : vector<32xbf16>
      %add3A_1811 = arith.constant 2 : i32
      %add3A_1812 = arith.addi %mul3A_1772, %add3A_1811 : i32
      %get3A_1813 = arith.constant 1 : i32
      %get3A_1814 = arith.index_cast %get3A_1813 : i32 to index
      %get3A_1815 = arith.index_cast %add3A_1812 : i32 to index
      %get3A_1816 = arith.constant 0 : index
      %get3A_1817 = tpu.vector_load %arg8[%get3A_1814, %get3A_1815, %get3A_1816] {strides = array<i32>} : memref<2x200x32xf32, #tpu.memory_space<vmem>>, vector<16xf32>,
      %bitcast3A_1818 = vector.bitcast %get3A_1817 : vector<16xf32> to vector<32xbf16>
      %add3A_1819 = arith.addf %add3A_1801, %bitcast3A_1818 : vector<32xbf16>
      %add3A_1820 = arith.constant 2 : i32
      %add3A_1821 = arith.addi %mul3A_1772, %add3A_1820 : i32
      %get3A_1822 = arith.constant 1 : i32
      %get3A_1823 = arith.index_cast %get3A_1822 : i32 to index
      %get3A_1824 = arith.index_cast %add3A_1821 : i32 to index
      %get3A_1825 = arith.constant 16 : index
      %get3A_1826 = tpu.vector_load %arg8[%get3A_1823, %get3A_1824, %get3A_1825] {strides = array<i32>} : memref<2x200x32xf32, #tpu.memory_space<vmem>>, vector<16xf32>,
      %bitcast3A_1827 = vector.bitcast %get3A_1826 : vector<16xf32> to vector<32xbf16>
      %add3A_1828 = arith.addf %add3A_1810, %bitcast3A_1827 : vector<32xbf16>
      %add3A_1829 = arith.constant 3 : i32
      %add3A_1830 = arith.addi %mul3A_1772, %add3A_1829 : i32
      %get3A_1831 = arith.constant 1 : i32
      %get3A_1832 = arith.index_cast %get3A_1831 : i32 to index
      %get3A_1833 = arith.index_cast %add3A_1830 : i32 to index
      %get3A_1834 = arith.constant 0 : index
      %get3A_1835 = tpu.vector_load %arg8[%get3A_1832, %get3A_1833, %get3A_1834] {strides = array<i32>} : memref<2x200x32xf32, #tpu.memory_space<vmem>>, vector<16xf32>,
      %bitcast3A_1836 = vector.bitcast %get3A_1835 : vector<16xf32> to vector<32xbf16>
      %add3A_1837 = arith.addf %add3A_1819, %bitcast3A_1836 : vector<32xbf16>
      %add3A_1838 = arith.constant 3 : i32
      %add3A_1839 = arith.addi %mul3A_1772, %add3A_1838 : i32
      %get3A_1840 = arith.constant 1 : i32
      %get3A_1841 = arith.index_cast %get3A_1840 : i32 to index
      %get3A_1842 = arith.index_cast %add3A_1839 : i32 to index
      %get3A_1843 = arith.constant 16 : index
      %get3A_1844 = tpu.vector_load %arg8[%get3A_1841, %get3A_1842, %get3A_1843] {strides = array<i32>} : memref<2x200x32xf32, #tpu.memory_space<vmem>>, vector<16xf32>,
      %bitcast3A_1845 = vector.bitcast %get3A_1844 : vector<16xf32> to vector<32xbf16>
      %add3A_1846 = arith.addf %add3A_1828, %bitcast3A_1845 : vector<32xbf16>
      %add3A_1847 = arith.constant 4 : i32
      %add3A_1848 = arith.addi %mul3A_1772, %add3A_1847 : i32
      %get3A_1849 = arith.constant 1 : i32
      %get3A_1850 = arith.index_cast %get3A_1849 : i32 to index
      %get3A_1851 = arith.index_cast %add3A_1848 : i32 to index
      %get3A_1852 = arith.constant 0 : index
      %get3A_1853 = tpu.vector_load %arg8[%get3A_1850, %get3A_1851, %get3A_1852] {strides = array<i32>} : memref<2x200x32xf32, #tpu.memory_space<vmem>>, vector<16xf32>,
      %bitcast3A_1854 = vector.bitcast %get3A_1853 : vector<16xf32> to vector<32xbf16>
      %add3A_1855 = arith.addf %add3A_1837, %bitcast3A_1854 : vector<32xbf16>
      %add3A_1856 = arith.constant 4 : i32
      %add3A_1857 = arith.addi %mul3A_1772, %add3A_1856 : i32
      %get3A_1858 = arith.constant 1 : i32
      %get3A_1859 = arith.index_cast %get3A_1858 : i32 to index
      %get3A_1860 = arith.index_cast %add3A_1857 : i32 to index
      %get3A_1861 = arith.constant 16 : index
      %get3A_1862 = tpu.vector_load %arg8[%get3A_1859, %get3A_1860, %get3A_1861] {strides = array<i32>} : memref<2x200x32xf32, #tpu.memory_space<vmem>>, vector<16xf32>,
      %bitcast3A_1863 = vector.bitcast %get3A_1862 : vector<16xf32> to vector<32xbf16>
      %add3A_1864 = arith.addf %add3A_1846, %bitcast3A_1863 : vector<32xbf16>
      %add3A_1865 = arith.constant 5 : i32
      %add3A_1866 = arith.addi %mul3A_1772, %add3A_1865 : i32
      %get3A_1867 = arith.constant 1 : i32
      %get3A_1868 = arith.index_cast %get3A_1867 : i32 to index
      %get3A_1869 = arith.index_cast %add3A_1866 : i32 to index
      %get3A_1870 = arith.constant 0 : index
      %get3A_1871 = tpu.vector_load %arg8[%get3A_1868, %get3A_1869, %get3A_1870] {strides = array<i32>} : memref<2x200x32xf32, #tpu.memory_space<vmem>>, vector<16xf32>,
      %bitcast3A_1872 = vector.bitcast %get3A_1871 : vector<16xf32> to vector<32xbf16>
      %add3A_1873 = arith.addf %add3A_1855, %bitcast3A_1872 : vector<32xbf16>
      %add3A_1874 = arith.constant 5 : i32
      %add3A_1875 = arith.addi %mul3A_1772, %add3A_1874 : i32
      %get3A_1876 = arith.constant 1 : i32
      %get3A_1877 = arith.index_cast %get3A_1876 : i32 to index
      %get3A_1878 = arith.index_cast %add3A_1875 : i32 to index
      %get3A_1879 = arith.constant 16 : index
      %get3A_1880 = tpu.vector_load %arg8[%get3A_1877, %get3A_1878, %get3A_1879] {strides = array<i32>} : memref<2x200x32xf32, #tpu.memory_space<vmem>>, vector<16xf32>,
      %bitcast3A_1881 = vector.bitcast %get3A_1880 : vector<16xf32> to vector<32xbf16>
      %add3A_1882 = arith.addf %add3A_1864, %bitcast3A_1881 : vector<32xbf16>
      %add3A_1883 = arith.constant 6 : i32
      %add3A_1884 = arith.addi %mul3A_1772, %add3A_1883 : i32
      %get3A_1885 = arith.constant 1 : i32
      %get3A_1886 = arith.index_cast %get3A_1885 : i32 to index
      %get3A_1887 = arith.index_cast %add3A_1884 : i32 to index
      %get3A_1888 = arith.constant 0 : index
      %get3A_1889 = tpu.vector_load %arg8[%get3A_1886, %get3A_1887, %get3A_1888] {strides = array<i32>} : memref<2x200x32xf32, #tpu.memory_space<vmem>>, vector<16xf32>,
      %bitcast3A_1890 = vector.bitcast %get3A_1889 : vector<16xf32> to vector<32xbf16>
      %add3A_1891 = arith.addf %add3A_1873, %bitcast3A_1890 : vector<32xbf16>
      %add3A_1892 = arith.constant 6 : i32
      %add3A_1893 = arith.addi %mul3A_1772, %add3A_1892 : i32
      %get3A_1894 = arith.constant 1 : i32
      %get3A_1895 = arith.index_cast %get3A_1894 : i32 to index
      %get3A_1896 = arith.index_cast %add3A_1893 : i32 to index
      %get3A_1897 = arith.constant 16 : index
      %get3A_1898 = tpu.vector_load %arg8[%get3A_1895, %get3A_1896, %get3A_1897] {strides = array<i32>} : memref<2x200x32xf32, #tpu.memory_space<vmem>>, vector<16xf32>,
      %bitcast3A_1899 = vector.bitcast %get3A_1898 : vector<16xf32> to vector<32xbf16>
      %add3A_1900 = arith.addf %add3A_1882, %bitcast3A_1899 : vector<32xbf16>
      %add3A_1901 = arith.constant 7 : i32
      %add3A_1902 = arith.addi %mul3A_1772, %add3A_1901 : i32
      %get3A_1903 = arith.constant 1 : i32
      %get3A_1904 = arith.index_cast %get3A_1903 : i32 to index
      %get3A_1905 = arith.index_cast %add3A_1902 : i32 to index
      %get3A_1906 = arith.constant 0 : index
      %get3A_1907 = tpu.vector_load %arg8[%get3A_1904, %get3A_1905, %get3A_1906] {strides = array<i32>} : memref<2x200x32xf32, #tpu.memory_space<vmem>>, vector<16xf32>,
      %bitcast3A_1908 = vector.bitcast %get3A_1907 : vector<16xf32> to vector<32xbf16>
      %add3A_1909 = arith.addf %add3A_1891, %bitcast3A_1908 : vector<32xbf16>
      %add3A_1910 = arith.constant 7 : i32
      %add3A_1911 = arith.addi %mul3A_1772, %add3A_1910 : i32
      %get3A_1912 = arith.constant 1 : i32
      %get3A_1913 = arith.index_cast %get3A_1912 : i32 to index
      %get3A_1914 = arith.index_cast %add3A_1911 : i32 to index
      %get3A_1915 = arith.constant 16 : index
      %get3A_1916 = tpu.vector_load %arg8[%get3A_1913, %get3A_1914, %get3A_1915] {strides = array<i32>} : memref<2x200x32xf32, #tpu.memory_space<vmem>>, vector<16xf32>,
      %bitcast3A_1917 = vector.bitcast %get3A_1916 : vector<16xf32> to vector<32xbf16>
      %add3A_1918 = arith.addf %add3A_1900, %bitcast3A_1917 : vector<32xbf16>
      %bitcast3A_1919 = vector.bitcast %add3A_1909 : vector<32xbf16> to vector<16xi32>
      %shift_left3A_1920 = arith.constant 16 : i32
      %shift_left3A_1921 = vector.broadcast %shift_left3A_1920 : i32 to vector<16xi32>
      %shift_left3A_1922 = arith.shli %bitcast3A_1919, %shift_left3A_1921 : vector<16xi32>
      %bitcast3A_1923 = vector.bitcast %shift_left3A_1922 : vector<16xi32> to vector<16xf32>
      %add3A_1924 = arith.addf %scan3A_1768#0, %bitcast3A_1923 : vector<16xf32>
      %and3A_1925 = vector.broadcast %scan3A : i32 to vector<16xi32>
      %and3A_1926 = arith.andi %bitcast3A_1919, %and3A_1925 : vector<16xi32>
      %bitcast3A_1927 = vector.bitcast %and3A_1926 : vector<16xi32> to vector<16xf32>
      %add3A_1928 = arith.addf %scan3A_1768#2, %bitcast3A_1927 : vector<16xf32>
      %bitcast3A_1929 = vector.bitcast %add3A_1918 : vector<32xbf16> to vector<16xi32>
      %shift_left3A_1930 = arith.constant 16 : i32
      %shift_left3A_1931 = vector.broadcast %shift_left3A_1930 : i32 to vector<16xi32>
      %shift_left3A_1932 = arith.shli %bitcast3A_1929, %shift_left3A_1931 : vector<16xi32>
      %bitcast3A_1933 = vector.bitcast %shift_left3A_1932 : vector<16xi32> to vector<16xf32>
      %add3A_1934 = arith.addf %scan3A_1768#1, %bitcast3A_1933 : vector<16xf32>
      %and3A_1935 = vector.broadcast %scan3A : i32 to vector<16xi32>
      %and3A_1936 = arith.andi %bitcast3A_1929, %and3A_1935 : vector<16xi32>
      %bitcast3A_1937 = vector.bitcast %and3A_1936 : vector<16xi32> to vector<16xf32>
      %add3A_1938 = arith.addf %scan3A_1768#3, %bitcast3A_1937 : vector<16xf32>
      %scan3A_1939 = arith.constant 25 : i32
      %swap3A_1940 = arith.index_cast %add3A_1739 : i32 to index
      %swap3A_1941 = arith.constant 0 : index
      %swap3A_1942 = tpu.vector_load %arg9[%swap3A_1940, %swap3A_1941] {strides = array<i32>} : memref<256x64xf32, #tpu.memory_space<vmem>>, vector<16xf32>,
      tpu.vector_store %arg9[%swap3A_1940, %swap3A_1941], %add3A_1924 {strides = array<i32>} : memref<256x64xf32, #tpu.memory_space<vmem>>, vector<16xf32>,
      %swap3A_1943 = arith.index_cast %add3A_1739 : i32 to index
      %swap3A_1944 = arith.constant 16 : index
      %swap3A_1945 = tpu.vector_load %arg9[%swap3A_1943, %swap3A_1944] {strides = array<i32>} : memref<256x64xf32, #tpu.memory_space<vmem>>, vector<16xf32>,
      tpu.vector_store %arg9[%swap3A_1943, %swap3A_1944], %add3A_1934 {strides = array<i32>} : memref<256x64xf32, #tpu.memory_space<vmem>>, vector<16xf32>,
      %swap3A_1946 = arith.index_cast %add3A_1739 : i32 to index
      %swap3A_1947 = arith.constant 32 : index
      %swap3A_1948 = tpu.vector_load %arg9[%swap3A_1946, %swap3A_1947] {strides = array<i32>} : memref<256x64xf32, #tpu.memory_space<vmem>>, vector<16xf32>,
      tpu.vector_store %arg9[%swap3A_1946, %swap3A_1947], %add3A_1928 {strides = array<i32>} : memref<256x64xf32, #tpu.memory_space<vmem>>, vector<16xf32>,
      %swap3A_1949 = arith.index_cast %add3A_1739 : i32 to index
      %swap3A_1950 = arith.constant 48 : index
      %swap3A_1951 = tpu.vector_load %arg9[%swap3A_1949, %swap3A_1950] {strides = array<i32>} : memref<256x64xf32, #tpu.memory_space<vmem>>, vector<16xf32>,
      tpu.vector_store %arg9[%swap3A_1949, %swap3A_1950], %add3A_1938 {strides = array<i32>} : memref<256x64xf32, #tpu.memory_space<vmem>>, vector<16xf32>,
      %add3A_1952 = arith.constant 2 : i32
      %add3A_1953 = arith.addi %add3A_1739, %add3A_1952 : i32
      %lt3A_1954 = arith.constant 256 : i32
      %lt3A_1955 = arith.cmpi slt, %add3A_1953, %lt3A_1954 : i32
      %convert_element_type3A_1956 = arith.extui %lt3A_1955 : i1 to i32
      %cond3A_1957 = arith.constant 0 : i32
      %cond3A_1958 = arith.cmpi ne, %convert_element_type3A_1956, %cond3A_1957 : i32
      scf.if %cond3A_1958 {
        %add3A_1959 = arith.constant 2 : i32
        %add3A_1960 = arith.addi %add3A_1739, %add3A_1959 : i32
        %get3A_1961 = arith.index_cast %add3A_1960 : i32 to index
        %get3A_1962 = arith.constant 0 : index
        %get3A_1963 = tpu.vector_load %arg6[%get3A_1961, %get3A_1962] {strides = array<i32>} : memref<256x200xi32, #tpu.memory_space<vmem>>, vector<16xi32>,
        %not3A_1964 = arith.constant 16383 : i32
        %not3A_1965 = arith.constant -1 : i32
        %not3A_1966 = arith.xori %not3A_1964, %not3A_1965 : i32
        %and3A_1967 = vector.broadcast %not3A_1966 : i32 to vector<16xi32>
        %and3A_1968 = arith.andi %get3A_1963, %and3A_1967 : vector<16xi32>
        %and3A_1969 = arith.constant 4095 : i32
        %and3A_1970 = vector.broadcast %and3A_1969 : i32 to vector<16xi32>
        %and3A_1971 = arith.andi %get3A_1963, %and3A_1970 : vector<16xi32>
        %shift_left3A_1972 = arith.constant 2 : i32
        %shift_left3A_1973 = vector.broadcast %shift_left3A_1972 : i32 to vector<16xi32>
        %shift_left3A_1974 = arith.shli %and3A_1971, %shift_left3A_1973 : vector<16xi32>
        %or3A_1975 = arith.ori %and3A_1968, %shift_left3A_1974 : vector<16xi32>
        %shift_right_arithmetic3A_1976 = arith.constant 12 : i32
        %shift_right_arithmetic3A_1977 = vector.broadcast %shift_right_arithmetic3A_1976 : i32 to vector<16xi32>
        %shift_right_arithmetic3A_1978 = arith.shrsi %get3A_1963, %shift_right_arithmetic3A_1977 : vector<16xi32>
        %and3A_1979 = arith.constant 3 : i32
        %and3A_1980 = vector.broadcast %and3A_1979 : i32 to vector<16xi32>
        %and3A_1981 = arith.andi %shift_right_arithmetic3A_1978, %and3A_1980 : vector<16xi32>
        %or3A_1982 = arith.ori %or3A_1975, %and3A_1981 : vector<16xi32>
        %swap3A_1983 = arith.constant 1 : i32
        %swap3A_1984 = arith.index_cast %swap3A_1983 : i32 to index
        %swap3A_1985 = arith.constant 0 : index
        %swap3A_1986 = tpu.vector_load %arg7[%swap3A_1984, %swap3A_1985] {strides = array<i32>} : memref<2x200xi32, #tpu.memory_space<vmem>>, vector<16xi32>,
        tpu.vector_store %arg7[%swap3A_1984, %swap3A_1985], %or3A_1982 {strides = array<i32>} : memref<2x200xi32, #tpu.memory_space<vmem>>, vector<16xi32>,
        %get3A_1987 = arith.index_cast %add3A_1960 : i32 to index
        %get3A_1988 = arith.constant 16 : index
        %get3A_1989 = tpu.vector_load %arg6[%get3A_1987, %get3A_1988] {strides = array<i32>} : memref<256x200xi32, #tpu.memory_space<vmem>>, vector<16xi32>,
        %not3A_1990 = arith.constant 16383 : i32
        %not3A_1991 = arith.constant -1 : i32
        %not3A_1992 = arith.xori %not3A_1990, %not3A_1991 : i32
        %and3A_1993 = vector.broadcast %not3A_1992 : i32 to vector<16xi32>
        %and3A_1994 = arith.andi %get3A_1989, %and3A_1993 : vector<16xi32>
        %and3A_1995 = arith.constant 4095 : i32
        %and3A_1996 = vector.broadcast %and3A_1995 : i32 to vector<16xi32>
        %and3A_1997 = arith.andi %get3A_1989, %and3A_1996 : vector<16xi32>
        %shift_left3A_1998 = arith.constant 2 : i32
        %shift_left3A_1999 = vector.broadcast %shift_left3A_1998 : i32 to vector<16xi32>
        %shift_left3A_2000 = arith.shli %and3A_1997, %shift_left3A_1999 : vector<16xi32>
        %or3A_2001 = arith.ori %and3A_1994, %shift_left3A_2000 : vector<16xi32>
        %shift_right_arithmetic3A_2002 = arith.constant 12 : i32
        %shift_right_arithmetic3A_2003 = vector.broadcast %shift_right_arithmetic3A_2002 : i32 to vector<16xi32>
        %shift_right_arithmetic3A_2004 = arith.shrsi %get3A_1989, %shift_right_arithmetic3A_2003 : vector<16xi32>
        %and3A_2005 = arith.constant 3 : i32
        %and3A_2006 = vector.broadcast %and3A_2005 : i32 to vector<16xi32>
        %and3A_2007 = arith.andi %shift_right_arithmetic3A_2004, %and3A_2006 : vector<16xi32>
        %or3A_2008 = arith.ori %or3A_2001, %and3A_2007 : vector<16xi32>
        %swap3A_2009 = arith.constant 1 : i32
        %swap3A_2010 = arith.index_cast %swap3A_2009 : i32 to index
        %swap3A_2011 = arith.constant 16 : index
        %swap3A_2012 = tpu.vector_load %arg7[%swap3A_2010, %swap3A_2011] {strides = array<i32>} : memref<2x200xi32, #tpu.memory_space<vmem>>, vector<16xi32>,
        tpu.vector_store %arg7[%swap3A_2010, %swap3A_2011], %or3A_2008 {strides = array<i32>} : memref<2x200xi32, #tpu.memory_space<vmem>>, vector<16xi32>,
        %get3A_2013 = arith.index_cast %add3A_1960 : i32 to index
        %get3A_2014 = arith.constant 32 : index
        %get3A_2015 = tpu.vector_load %arg6[%get3A_2013, %get3A_2014] {strides = array<i32>} : memref<256x200xi32, #tpu.memory_space<vmem>>, vector<16xi32>,
        %not3A_2016 = arith.constant 16383 : i32
        %not3A_2017 = arith.constant -1 : i32
        %not3A_2018 = arith.xori %not3A_2016, %not3A_2017 : i32
        %and3A_2019 = vector.broadcast %not3A_2018 : i32 to vector<16xi32>
        %and3A_2020 = arith.andi %get3A_2015, %and3A_2019 : vector<16xi32>
        %and3A_2021 = arith.constant 4095 : i32
        %and3A_2022 = vector.broadcast %and3A_2021 : i32 to vector<16xi32>
        %and3A_2023 = arith.andi %get3A_2015, %and3A_2022 : vector<16xi32>
        %shift_left3A_2024 = arith.constant 2 : i32
        %shift_left3A_2025 = vector.broadcast %shift_left3A_2024 : i32 to vector<16xi32>
        %shift_left3A_2026 = arith.shli %and3A_2023, %shift_left3A_2025 : vector<16xi32>
        %or3A_2027 = arith.ori %and3A_2020, %shift_left3A_2026 : vector<16xi32>
        %shift_right_arithmetic3A_2028 = arith.constant 12 : i32
        %shift_right_arithmetic3A_2029 = vector.broadcast %shift_right_arithmetic3A_2028 : i32 to vector<16xi32>
        %shift_right_arithmetic3A_2030 = arith.shrsi %get3A_2015, %shift_right_arithmetic3A_2029 : vector<16xi32>
        %and3A_2031 = arith.constant 3 : i32
        %and3A_2032 = vector.broadcast %and3A_2031 : i32 to vector<16xi32>
        %and3A_2033 = arith.andi %shift_right_arithmetic3A_2030, %and3A_2032 : vector<16xi32>
        %or3A_2034 = arith.ori %or3A_2027, %and3A_2033 : vector<16xi32>
        %swap3A_2035 = arith.constant 1 : i32
        %swap3A_2036 = arith.index_cast %swap3A_2035 : i32 to index
        %swap3A_2037 = arith.constant 32 : index
        %swap3A_2038 = tpu.vector_load %arg7[%swap3A_2036, %swap3A_2037] {strides = array<i32>} : memref<2x200xi32, #tpu.memory_space<vmem>>, vector<16xi32>,
        tpu.vector_store %arg7[%swap3A_2036, %swap3A_2037], %or3A_2034 {strides = array<i32>} : memref<2x200xi32, #tpu.memory_space<vmem>>, vector<16xi32>,
        %get3A_2039 = arith.index_cast %add3A_1960 : i32 to index
        %get3A_2040 = arith.constant 48 : index
        %get3A_2041 = tpu.vector_load %arg6[%get3A_2039, %get3A_2040] {strides = array<i32>} : memref<256x200xi32, #tpu.memory_space<vmem>>, vector<16xi32>,
        %not3A_2042 = arith.constant 16383 : i32
        %not3A_2043 = arith.constant -1 : i32
        %not3A_2044 = arith.xori %not3A_2042, %not3A_2043 : i32
        %and3A_2045 = vector.broadcast %not3A_2044 : i32 to vector<16xi32>
        %and3A_2046 = arith.andi %get3A_2041, %and3A_2045 : vector<16xi32>
        %and3A_2047 = arith.constant 4095 : i32
        %and3A_2048 = vector.broadcast %and3A_2047 : i32 to vector<16xi32>
        %and3A_2049 = arith.andi %get3A_2041, %and3A_2048 : vector<16xi32>
        %shift_left3A_2050 = arith.constant 2 : i32
        %shift_left3A_2051 = vector.broadcast %shift_left3A_2050 : i32 to vector<16xi32>
        %shift_left3A_2052 = arith.shli %and3A_2049, %shift_left3A_2051 : vector<16xi32>
        %or3A_2053 = arith.ori %and3A_2046, %shift_left3A_2052 : vector<16xi32>
        %shift_right_arithmetic3A_2054 = arith.constant 12 : i32
        %shift_right_arithmetic3A_2055 = vector.broadcast %shift_right_arithmetic3A_2054 : i32 to vector<16xi32>
        %shift_right_arithmetic3A_2056 = arith.shrsi %get3A_2041, %shift_right_arithmetic3A_2055 : vector<16xi32>
        %and3A_2057 = arith.constant 3 : i32
        %and3A_2058 = vector.broadcast %and3A_2057 : i32 to vector<16xi32>
        %and3A_2059 = arith.andi %shift_right_arithmetic3A_2056, %and3A_2058 : vector<16xi32>
        %or3A_2060 = arith.ori %or3A_2053, %and3A_2059 : vector<16xi32>
        %swap3A_2061 = arith.constant 1 : i32
        %swap3A_2062 = arith.index_cast %swap3A_2061 : i32 to index
        %swap3A_2063 = arith.constant 48 : index
        %swap3A_2064 = tpu.vector_load %arg7[%swap3A_2062, %swap3A_2063] {strides = array<i32>} : memref<2x200xi32, #tpu.memory_space<vmem>>, vector<16xi32>,
        tpu.vector_store %arg7[%swap3A_2062, %swap3A_2063], %or3A_2060 {strides = array<i32>} : memref<2x200xi32, #tpu.memory_space<vmem>>, vector<16xi32>,
        %get3A_2065 = arith.index_cast %add3A_1960 : i32 to index
        %get3A_2066 = arith.constant 64 : index
        %get3A_2067 = tpu.vector_load %arg6[%get3A_2065, %get3A_2066] {strides = array<i32>} : memref<256x200xi32, #tpu.memory_space<vmem>>, vector<16xi32>,
        %not3A_2068 = arith.constant 16383 : i32
        %not3A_2069 = arith.constant -1 : i32
        %not3A_2070 = arith.xori %not3A_2068, %not3A_2069 : i32
        %and3A_2071 = vector.broadcast %not3A_2070 : i32 to vector<16xi32>
        %and3A_2072 = arith.andi %get3A_2067, %and3A_2071 : vector<16xi32>
        %and3A_2073 = arith.constant 4095 : i32
        %and3A_2074 = vector.broadcast %and3A_2073 : i32 to vector<16xi32>
        %and3A_2075 = arith.andi %get3A_2067, %and3A_2074 : vector<16xi32>
        %shift_left3A_2076 = arith.constant 2 : i32
        %shift_left3A_2077 = vector.broadcast %shift_left3A_2076 : i32 to vector<16xi32>
        %shift_left3A_2078 = arith.shli %and3A_2075, %shift_left3A_2077 : vector<16xi32>
        %or3A_2079 = arith.ori %and3A_2072, %shift_left3A_2078 : vector<16xi32>
        %shift_right_arithmetic3A_2080 = arith.constant 12 : i32
        %shift_right_arithmetic3A_2081 = vector.broadcast %shift_right_arithmetic3A_2080 : i32 to vector<16xi32>
        %shift_right_arithmetic3A_2082 = arith.shrsi %get3A_2067, %shift_right_arithmetic3A_2081 : vector<16xi32>
        %and3A_2083 = arith.constant 3 : i32
        %and3A_2084 = vector.broadcast %and3A_2083 : i32 to vector<16xi32>
        %and3A_2085 = arith.andi %shift_right_arithmetic3A_2082, %and3A_2084 : vector<16xi32>
        %or3A_2086 = arith.ori %or3A_2079, %and3A_2085 : vector<16xi32>
        %swap3A_2087 = arith.constant 1 : i32
        %swap3A_2088 = arith.index_cast %swap3A_2087 : i32 to index
        %swap3A_2089 = arith.constant 64 : index
        %swap3A_2090 = tpu.vector_load %arg7[%swap3A_2088, %swap3A_2089] {strides = array<i32>} : memref<2x200xi32, #tpu.memory_space<vmem>>, vector<16xi32>,
        tpu.vector_store %arg7[%swap3A_2088, %swap3A_2089], %or3A_2086 {strides = array<i32>} : memref<2x200xi32, #tpu.memory_space<vmem>>, vector<16xi32>,
        %get3A_2091 = arith.index_cast %add3A_1960 : i32 to index
        %get3A_2092 = arith.constant 80 : index
        %get3A_2093 = tpu.vector_load %arg6[%get3A_2091, %get3A_2092] {strides = array<i32>} : memref<256x200xi32, #tpu.memory_space<vmem>>, vector<16xi32>,
        %not3A_2094 = arith.constant 16383 : i32
        %not3A_2095 = arith.constant -1 : i32
        %not3A_2096 = arith.xori %not3A_2094, %not3A_2095 : i32
        %and3A_2097 = vector.broadcast %not3A_2096 : i32 to vector<16xi32>
        %and3A_2098 = arith.andi %get3A_2093, %and3A_2097 : vector<16xi32>
        %and3A_2099 = arith.constant 4095 : i32
        %and3A_2100 = vector.broadcast %and3A_2099 : i32 to vector<16xi32>
        %and3A_2101 = arith.andi %get3A_2093, %and3A_2100 : vector<16xi32>
        %shift_left3A_2102 = arith.constant 2 : i32
        %shift_left3A_2103 = vector.broadcast %shift_left3A_2102 : i32 to vector<16xi32>
        %shift_left3A_2104 = arith.shli %and3A_2101, %shift_left3A_2103 : vector<16xi32>
        %or3A_2105 = arith.ori %and3A_2098, %shift_left3A_2104 : vector<16xi32>
        %shift_right_arithmetic3A_2106 = arith.constant 12 : i32
        %shift_right_arithmetic3A_2107 = vector.broadcast %shift_right_arithmetic3A_2106 : i32 to vector<16xi32>
        %shift_right_arithmetic3A_2108 = arith.shrsi %get3A_2093, %shift_right_arithmetic3A_2107 : vector<16xi32>
        %and3A_2109 = arith.constant 3 : i32
        %and3A_2110 = vector.broadcast %and3A_2109 : i32 to vector<16xi32>
        %and3A_2111 = arith.andi %shift_right_arithmetic3A_2108, %and3A_2110 : vector<16xi32>
        %or3A_2112 = arith.ori %or3A_2105, %and3A_2111 : vector<16xi32>
        %swap3A_2113 = arith.constant 1 : i32
        %swap3A_2114 = arith.index_cast %swap3A_2113 : i32 to index
        %swap3A_2115 = arith.constant 80 : index
        %swap3A_2116 = tpu.vector_load %arg7[%swap3A_2114, %swap3A_2115] {strides = array<i32>} : memref<2x200xi32, #tpu.memory_space<vmem>>, vector<16xi32>,
        tpu.vector_store %arg7[%swap3A_2114, %swap3A_2115], %or3A_2112 {strides = array<i32>} : memref<2x200xi32, #tpu.memory_space<vmem>>, vector<16xi32>,
        %get3A_2117 = arith.index_cast %add3A_1960 : i32 to index
        %get3A_2118 = arith.constant 96 : index
        %get3A_2119 = tpu.vector_load %arg6[%get3A_2117, %get3A_2118] {strides = array<i32>} : memref<256x200xi32, #tpu.memory_space<vmem>>, vector<16xi32>,
        %not3A_2120 = arith.constant 16383 : i32
        %not3A_2121 = arith.constant -1 : i32
        %not3A_2122 = arith.xori %not3A_2120, %not3A_2121 : i32
        %and3A_2123 = vector.broadcast %not3A_2122 : i32 to vector<16xi32>
        %and3A_2124 = arith.andi %get3A_2119, %and3A_2123 : vector<16xi32>
        %and3A_2125 = arith.constant 4095 : i32
        %and3A_2126 = vector.broadcast %and3A_2125 : i32 to vector<16xi32>
        %and3A_2127 = arith.andi %get3A_2119, %and3A_2126 : vector<16xi32>
        %shift_left3A_2128 = arith.constant 2 : i32
        %shift_left3A_2129 = vector.broadcast %shift_left3A_2128 : i32 to vector<16xi32>
        %shift_left3A_2130 = arith.shli %and3A_2127, %shift_left3A_2129 : vector<16xi32>
        %or3A_2131 = arith.ori %and3A_2124, %shift_left3A_2130 : vector<16xi32>
        %shift_right_arithmetic3A_2132 = arith.constant 12 : i32
        %shift_right_arithmetic3A_2133 = vector.broadcast %shift_right_arithmetic3A_2132 : i32 to vector<16xi32>
        %shift_right_arithmetic3A_2134 = arith.shrsi %get3A_2119, %shift_right_arithmetic3A_2133 : vector<16xi32>
        %and3A_2135 = arith.constant 3 : i32
        %and3A_2136 = vector.broadcast %and3A_2135 : i32 to vector<16xi32>
        %and3A_2137 = arith.andi %shift_right_arithmetic3A_2134, %and3A_2136 : vector<16xi32>
        %or3A_2138 = arith.ori %or3A_2131, %and3A_2137 : vector<16xi32>
        %swap3A_2139 = arith.constant 1 : i32
        %swap3A_2140 = arith.index_cast %swap3A_2139 : i32 to index
        %swap3A_2141 = arith.constant 96 : index
        %swap3A_2142 = tpu.vector_load %arg7[%swap3A_2140, %swap3A_2141] {strides = array<i32>} : memref<2x200xi32, #tpu.memory_space<vmem>>, vector<16xi32>,
        tpu.vector_store %arg7[%swap3A_2140, %swap3A_2141], %or3A_2138 {strides = array<i32>} : memref<2x200xi32, #tpu.memory_space<vmem>>, vector<16xi32>,
        %get3A_2143 = arith.index_cast %add3A_1960 : i32 to index
        %get3A_2144 = arith.constant 112 : index
        %get3A_2145 = tpu.vector_load %arg6[%get3A_2143, %get3A_2144] {strides = array<i32>} : memref<256x200xi32, #tpu.memory_space<vmem>>, vector<16xi32>,
        %not3A_2146 = arith.constant 16383 : i32
        %not3A_2147 = arith.constant -1 : i32
        %not3A_2148 = arith.xori %not3A_2146, %not3A_2147 : i32
        %and3A_2149 = vector.broadcast %not3A_2148 : i32 to vector<16xi32>
        %and3A_2150 = arith.andi %get3A_2145, %and3A_2149 : vector<16xi32>
        %and3A_2151 = arith.constant 4095 : i32
        %and3A_2152 = vector.broadcast %and3A_2151 : i32 to vector<16xi32>
        %and3A_2153 = arith.andi %get3A_2145, %and3A_2152 : vector<16xi32>
        %shift_left3A_2154 = arith.constant 2 : i32
        %shift_left3A_2155 = vector.broadcast %shift_left3A_2154 : i32 to vector<16xi32>
        %shift_left3A_2156 = arith.shli %and3A_2153, %shift_left3A_2155 : vector<16xi32>
        %or3A_2157 = arith.ori %and3A_2150, %shift_left3A_2156 : vector<16xi32>
        %shift_right_arithmetic3A_2158 = arith.constant 12 : i32
        %shift_right_arithmetic3A_2159 = vector.broadcast %shift_right_arithmetic3A_2158 : i32 to vector<16xi32>
        %shift_right_arithmetic3A_2160 = arith.shrsi %get3A_2145, %shift_right_arithmetic3A_2159 : vector<16xi32>
        %and3A_2161 = arith.constant 3 : i32
        %and3A_2162 = vector.broadcast %and3A_2161 : i32 to vector<16xi32>
        %and3A_2163 = arith.andi %shift_right_arithmetic3A_2160, %and3A_2162 : vector<16xi32>
        %or3A_2164 = arith.ori %or3A_2157, %and3A_2163 : vector<16xi32>
        %swap3A_2165 = arith.constant 1 : i32
        %swap3A_2166 = arith.index_cast %swap3A_2165 : i32 to index
        %swap3A_2167 = arith.constant 112 : index
        %swap3A_2168 = tpu.vector_load %arg7[%swap3A_2166, %swap3A_2167] {strides = array<i32>} : memref<2x200xi32, #tpu.memory_space<vmem>>, vector<16xi32>,
        tpu.vector_store %arg7[%swap3A_2166, %swap3A_2167], %or3A_2164 {strides = array<i32>} : memref<2x200xi32, #tpu.memory_space<vmem>>, vector<16xi32>,
        %get3A_2169 = arith.index_cast %add3A_1960 : i32 to index
        %get3A_2170 = arith.constant 128 : index
        %get3A_2171 = tpu.vector_load %arg6[%get3A_2169, %get3A_2170] {strides = array<i32>} : memref<256x200xi32, #tpu.memory_space<vmem>>, vector<16xi32>,
        %not3A_2172 = arith.constant 16383 : i32
        %not3A_2173 = arith.constant -1 : i32
        %not3A_2174 = arith.xori %not3A_2172, %not3A_2173 : i32
        %and3A_2175 = vector.broadcast %not3A_2174 : i32 to vector<16xi32>
        %and3A_2176 = arith.andi %get3A_2171, %and3A_2175 : vector<16xi32>
        %and3A_2177 = arith.constant 4095 : i32
        %and3A_2178 = vector.broadcast %and3A_2177 : i32 to vector<16xi32>
        %and3A_2179 = arith.andi %get3A_2171, %and3A_2178 : vector<16xi32>
        %shift_left3A_2180 = arith.constant 2 : i32
        %shift_left3A_2181 = vector.broadcast %shift_left3A_2180 : i32 to vector<16xi32>
        %shift_left3A_2182 = arith.shli %and3A_2179, %shift_left3A_2181 : vector<16xi32>
        %or3A_2183 = arith.ori %and3A_2176, %shift_left3A_2182 : vector<16xi32>
        %shift_right_arithmetic3A_2184 = arith.constant 12 : i32
        %shift_right_arithmetic3A_2185 = vector.broadcast %shift_right_arithmetic3A_2184 : i32 to vector<16xi32>
        %shift_right_arithmetic3A_2186 = arith.shrsi %get3A_2171, %shift_right_arithmetic3A_2185 : vector<16xi32>
        %and3A_2187 = arith.constant 3 : i32
        %and3A_2188 = vector.broadcast %and3A_2187 : i32 to vector<16xi32>
        %and3A_2189 = arith.andi %shift_right_arithmetic3A_2186, %and3A_2188 : vector<16xi32>
        %or3A_2190 = arith.ori %or3A_2183, %and3A_2189 : vector<16xi32>
        %swap3A_2191 = arith.constant 1 : i32
        %swap3A_2192 = arith.index_cast %swap3A_2191 : i32 to index
        %swap3A_2193 = arith.constant 128 : index
        %swap3A_2194 = tpu.vector_load %arg7[%swap3A_2192, %swap3A_2193] {strides = array<i32>} : memref<2x200xi32, #tpu.memory_space<vmem>>, vector<16xi32>,
        tpu.vector_store %arg7[%swap3A_2192, %swap3A_2193], %or3A_2190 {strides = array<i32>} : memref<2x200xi32, #tpu.memory_space<vmem>>, vector<16xi32>,
        %get3A_2195 = arith.index_cast %add3A_1960 : i32 to index
        %get3A_2196 = arith.constant 144 : index
        %get3A_2197 = tpu.vector_load %arg6[%get3A_2195, %get3A_2196] {strides = array<i32>} : memref<256x200xi32, #tpu.memory_space<vmem>>, vector<16xi32>,
        %not3A_2198 = arith.constant 16383 : i32
        %not3A_2199 = arith.constant -1 : i32
        %not3A_2200 = arith.xori %not3A_2198, %not3A_2199 : i32
        %and3A_2201 = vector.broadcast %not3A_2200 : i32 to vector<16xi32>
        %and3A_2202 = arith.andi %get3A_2197, %and3A_2201 : vector<16xi32>
        %and3A_2203 = arith.constant 4095 : i32
        %and3A_2204 = vector.broadcast %and3A_2203 : i32 to vector<16xi32>
        %and3A_2205 = arith.andi %get3A_2197, %and3A_2204 : vector<16xi32>
        %shift_left3A_2206 = arith.constant 2 : i32
        %shift_left3A_2207 = vector.broadcast %shift_left3A_2206 : i32 to vector<16xi32>
        %shift_left3A_2208 = arith.shli %and3A_2205, %shift_left3A_2207 : vector<16xi32>
        %or3A_2209 = arith.ori %and3A_2202, %shift_left3A_2208 : vector<16xi32>
        %shift_right_arithmetic3A_2210 = arith.constant 12 : i32
        %shift_right_arithmetic3A_2211 = vector.broadcast %shift_right_arithmetic3A_2210 : i32 to vector<16xi32>
        %shift_right_arithmetic3A_2212 = arith.shrsi %get3A_2197, %shift_right_arithmetic3A_2211 : vector<16xi32>
        %and3A_2213 = arith.constant 3 : i32
        %and3A_2214 = vector.broadcast %and3A_2213 : i32 to vector<16xi32>
        %and3A_2215 = arith.andi %shift_right_arithmetic3A_2212, %and3A_2214 : vector<16xi32>
        %or3A_2216 = arith.ori %or3A_2209, %and3A_2215 : vector<16xi32>
        %swap3A_2217 = arith.constant 1 : i32
        %swap3A_2218 = arith.index_cast %swap3A_2217 : i32 to index
        %swap3A_2219 = arith.constant 144 : index
        %swap3A_2220 = tpu.vector_load %arg7[%swap3A_2218, %swap3A_2219] {strides = array<i32>} : memref<2x200xi32, #tpu.memory_space<vmem>>, vector<16xi32>,
        tpu.vector_store %arg7[%swap3A_2218, %swap3A_2219], %or3A_2216 {strides = array<i32>} : memref<2x200xi32, #tpu.memory_space<vmem>>, vector<16xi32>,
        %get3A_2221 = arith.index_cast %add3A_1960 : i32 to index
        %get3A_2222 = arith.constant 160 : index
        %get3A_2223 = tpu.vector_load %arg6[%get3A_2221, %get3A_2222] {strides = array<i32>} : memref<256x200xi32, #tpu.memory_space<vmem>>, vector<16xi32>,
        %not3A_2224 = arith.constant 16383 : i32
        %not3A_2225 = arith.constant -1 : i32
        %not3A_2226 = arith.xori %not3A_2224, %not3A_2225 : i32
        %and3A_2227 = vector.broadcast %not3A_2226 : i32 to vector<16xi32>
        %and3A_2228 = arith.andi %get3A_2223, %and3A_2227 : vector<16xi32>
        %and3A_2229 = arith.constant 4095 : i32
        %and3A_2230 = vector.broadcast %and3A_2229 : i32 to vector<16xi32>
        %and3A_2231 = arith.andi %get3A_2223, %and3A_2230 : vector<16xi32>
        %shift_left3A_2232 = arith.constant 2 : i32
        %shift_left3A_2233 = vector.broadcast %shift_left3A_2232 : i32 to vector<16xi32>
        %shift_left3A_2234 = arith.shli %and3A_2231, %shift_left3A_2233 : vector<16xi32>
        %or3A_2235 = arith.ori %and3A_2228, %shift_left3A_2234 : vector<16xi32>
        %shift_right_arithmetic3A_2236 = arith.constant 12 : i32
        %shift_right_arithmetic3A_2237 = vector.broadcast %shift_right_arithmetic3A_2236 : i32 to vector<16xi32>
        %shift_right_arithmetic3A_2238 = arith.shrsi %get3A_2223, %shift_right_arithmetic3A_2237 : vector<16xi32>
        %and3A_2239 = arith.constant 3 : i32
        %and3A_2240 = vector.broadcast %and3A_2239 : i32 to vector<16xi32>
        %and3A_2241 = arith.andi %shift_right_arithmetic3A_2238, %and3A_2240 : vector<16xi32>
        %or3A_2242 = arith.ori %or3A_2235, %and3A_2241 : vector<16xi32>
        %swap3A_2243 = arith.constant 1 : i32
        %swap3A_2244 = arith.index_cast %swap3A_2243 : i32 to index
        %swap3A_2245 = arith.constant 160 : index
        %swap3A_2246 = tpu.vector_load %arg7[%swap3A_2244, %swap3A_2245] {strides = array<i32>} : memref<2x200xi32, #tpu.memory_space<vmem>>, vector<16xi32>,
        tpu.vector_store %arg7[%swap3A_2244, %swap3A_2245], %or3A_2242 {strides = array<i32>} : memref<2x200xi32, #tpu.memory_space<vmem>>, vector<16xi32>,
        %get3A_2247 = arith.index_cast %add3A_1960 : i32 to index
        %get3A_2248 = arith.constant 176 : index
        %get3A_2249 = tpu.vector_load %arg6[%get3A_2247, %get3A_2248] {strides = array<i32>} : memref<256x200xi32, #tpu.memory_space<vmem>>, vector<16xi32>,
        %not3A_2250 = arith.constant 16383 : i32
        %not3A_2251 = arith.constant -1 : i32
        %not3A_2252 = arith.xori %not3A_2250, %not3A_2251 : i32
        %and3A_2253 = vector.broadcast %not3A_2252 : i32 to vector<16xi32>
        %and3A_2254 = arith.andi %get3A_2249, %and3A_2253 : vector<16xi32>
        %and3A_2255 = arith.constant 4095 : i32
        %and3A_2256 = vector.broadcast %and3A_2255 : i32 to vector<16xi32>
        %and3A_2257 = arith.andi %get3A_2249, %and3A_2256 : vector<16xi32>
        %shift_left3A_2258 = arith.constant 2 : i32
        %shift_left3A_2259 = vector.broadcast %shift_left3A_2258 : i32 to vector<16xi32>
        %shift_left3A_2260 = arith.shli %and3A_2257, %shift_left3A_2259 : vector<16xi32>
        %or3A_2261 = arith.ori %and3A_2254, %shift_left3A_2260 : vector<16xi32>
        %shift_right_arithmetic3A_2262 = arith.constant 12 : i32
        %shift_right_arithmetic3A_2263 = vector.broadcast %shift_right_arithmetic3A_2262 : i32 to vector<16xi32>
        %shift_right_arithmetic3A_2264 = arith.shrsi %get3A_2249, %shift_right_arithmetic3A_2263 : vector<16xi32>
        %and3A_2265 = arith.constant 3 : i32
        %and3A_2266 = vector.broadcast %and3A_2265 : i32 to vector<16xi32>
        %and3A_2267 = arith.andi %shift_right_arithmetic3A_2264, %and3A_2266 : vector<16xi32>
        %or3A_2268 = arith.ori %or3A_2261, %and3A_2267 : vector<16xi32>
        %swap3A_2269 = arith.constant 1 : i32
        %swap3A_2270 = arith.index_cast %swap3A_2269 : i32 to index
        %swap3A_2271 = arith.constant 176 : index
        %swap3A_2272 = tpu.vector_load %arg7[%swap3A_2270, %swap3A_2271] {strides = array<i32>} : memref<2x200xi32, #tpu.memory_space<vmem>>, vector<16xi32>,
        tpu.vector_store %arg7[%swap3A_2270, %swap3A_2271], %or3A_2268 {strides = array<i32>} : memref<2x200xi32, #tpu.memory_space<vmem>>, vector<16xi32>,
        %get3A_2273 = arith.index_cast %add3A_1960 : i32 to index
        %get3A_2274 = arith.constant 184 : index
        %get3A_2275 = tpu.vector_load %arg6[%get3A_2273, %get3A_2274] {strides = array<i32>} : memref<256x200xi32, #tpu.memory_space<vmem>>, vector<16xi32>,
        %not3A_2276 = arith.constant 16383 : i32
        %not3A_2277 = arith.constant -1 : i32
        %not3A_2278 = arith.xori %not3A_2276, %not3A_2277 : i32
        %and3A_2279 = vector.broadcast %not3A_2278 : i32 to vector<16xi32>
        %and3A_2280 = arith.andi %get3A_2275, %and3A_2279 : vector<16xi32>
        %and3A_2281 = arith.constant 4095 : i32
        %and3A_2282 = vector.broadcast %and3A_2281 : i32 to vector<16xi32>
        %and3A_2283 = arith.andi %get3A_2275, %and3A_2282 : vector<16xi32>
        %shift_left3A_2284 = arith.constant 2 : i32
        %shift_left3A_2285 = vector.broadcast %shift_left3A_2284 : i32 to vector<16xi32>
        %shift_left3A_2286 = arith.shli %and3A_2283, %shift_left3A_2285 : vector<16xi32>
        %or3A_2287 = arith.ori %and3A_2280, %shift_left3A_2286 : vector<16xi32>
        %shift_right_arithmetic3A_2288 = arith.constant 12 : i32
        %shift_right_arithmetic3A_2289 = vector.broadcast %shift_right_arithmetic3A_2288 : i32 to vector<16xi32>
        %shift_right_arithmetic3A_2290 = arith.shrsi %get3A_2275, %shift_right_arithmetic3A_2289 : vector<16xi32>
        %and3A_2291 = arith.constant 3 : i32
        %and3A_2292 = vector.broadcast %and3A_2291 : i32 to vector<16xi32>
        %and3A_2293 = arith.andi %shift_right_arithmetic3A_2290, %and3A_2292 : vector<16xi32>
        %or3A_2294 = arith.ori %or3A_2287, %and3A_2293 : vector<16xi32>
        %swap3A_2295 = arith.constant 1 : i32
        %swap3A_2296 = arith.index_cast %swap3A_2295 : i32 to index
        %swap3A_2297 = arith.constant 184 : index
        %swap3A_2298 = tpu.vector_load %arg7[%swap3A_2296, %swap3A_2297] {strides = array<i32>} : memref<2x200xi32, #tpu.memory_space<vmem>>, vector<16xi32>,
        tpu.vector_store %arg7[%swap3A_2296, %swap3A_2297], %or3A_2294 {strides = array<i32>} : memref<2x200xi32, #tpu.memory_space<vmem>>, vector<16xi32>,
        %dma_start3A_2299 = arith.constant 1 : i32
        %dma_start3A_2300 = arith.constant 1 : i32
        %dma_start3A_2301 = arith.constant 0 : i32
        %dma_start3A_2302 = arith.constant 0 : i32
        %dma_start3A_2303 = tpu.memref_slice %arg8[%dma_start3A_2300, %dma_start3A_2301, %dma_start3A_2302] : memref<2x200x32xf32, #tpu.memory_space<vmem>> -> memref<1x128x32xf32, #tpu.memory_space<vmem>>
        %dma_start3A_2304 = tpu.memref_squeeze %dma_start3A_2303 : memref<1x128x32xf32, #tpu.memory_space<vmem>> -> memref<128x32xf32, #tpu.memory_space<vmem>>
        %dma_start3A_2305 = arith.constant 0 : i32
        %dma_start3A_2306 = tpu.memref_slice %arg7[%dma_start3A_2299, %dma_start3A_2305] : memref<2x200xi32, #tpu.memory_space<vmem>> -> memref<1x128xi32, #tpu.memory_space<vmem>>
        %dma_start3A_2307 = tpu.memref_squeeze %dma_start3A_2306 : memref<1x128xi32, #tpu.memory_space<vmem>> -> memref<128xi32, #tpu.memory_space<vmem>>
        %dma_start3A_2308 = arith.constant 0 : i32
        %dma_start3A_2309 = arith.constant 0 : i32
        %dma_start3A_2310 = tpu.memref_slice %arg3[%dma_start3A_2308, %dma_start3A_2309] : memref<1015808x32xf32, #tpu.memory_space<hbm>> -> memref<1015808x32xf32, #tpu.memory_space<hbm>>
        tpu.enqueue_indirect_dma source(%dma_start3A_2310 : memref<1015808x32xf32, #tpu.memory_space<hbm>>) target(%dma_start3A_2304 : memref<128x32xf32, #tpu.memory_space<vmem>>) offsets(%dma_start3A_2307 : memref<128xi32, #tpu.memory_space<vmem>>) semaphore(%arg12 : memref<!tpu.dma_semaphore, #tpu.memory_space<semaphore_mem>>)
        %dma_start3A_2311 = arith.constant 1 : i32
        %dma_start3A_2312 = arith.constant 1 : i32
        %dma_start3A_2313 = arith.constant 128 : i32
        %dma_start3A_2314 = arith.constant 0 : i32
        %dma_start3A_2315 = tpu.memref_slice %arg8[%dma_start3A_2312, %dma_start3A_2313, %dma_start3A_2314] : memref<2x200x32xf32, #tpu.memory_space<vmem>> -> memref<1x72x32xf32, #tpu.memory_space<vmem>>
        %dma_start3A_2316 = tpu.memref_squeeze %dma_start3A_2315 : memref<1x72x32xf32, #tpu.memory_space<vmem>> -> memref<72x32xf32, #tpu.memory_space<vmem>>
        %dma_start3A_2317 = arith.constant 128 : i32
        %dma_start3A_2318 = tpu.memref_slice %arg7[%dma_start3A_2311, %dma_start3A_2317] : memref<2x200xi32, #tpu.memory_space<vmem>> -> memref<1x72xi32, #tpu.memory_space<vmem>>
        %dma_start3A_2319 = tpu.memref_squeeze %dma_start3A_2318 : memref<1x72xi32, #tpu.memory_space<vmem>> -> memref<72xi32, #tpu.memory_space<vmem>>
        %dma_start3A_2320 = arith.constant 0 : i32
        %dma_start3A_2321 = arith.constant 0 : i32
        %dma_start3A_2322 = tpu.memref_slice %arg3[%dma_start3A_2320, %dma_start3A_2321] : memref<1015808x32xf32, #tpu.memory_space<hbm>> -> memref<1015808x32xf32, #tpu.memory_space<hbm>>
        tpu.enqueue_indirect_dma source(%dma_start3A_2322 : memref<1015808x32xf32, #tpu.memory_space<hbm>>) target(%dma_start3A_2316 : memref<72x32xf32, #tpu.memory_space<vmem>>) offsets(%dma_start3A_2319 : memref<72xi32, #tpu.memory_space<vmem>>) semaphore(%arg12 : memref<!tpu.dma_semaphore, #tpu.memory_space<semaphore_mem>>)
      } else {
      }
    }
    %scan3A_759 = arith.constant 128 : i32
    "tpu.region"() ({
      %run_scoped3A = tpu.sem_alloc : memref<!tpu.dma_semaphore, #tpu.memory_space<semaphore_mem>>
      %dma_start3A_1518 = arith.constant 0 : i32
      %dma_start3A_1519 = tpu.memref_slice %arg5[%add3A_11, %dma_start3A_1518] : memref<16384x64xf32, #tpu.memory_space<hbm>> -> memref<256x64xf32, #tpu.memory_space<hbm>>
      %dma_start3A_1520 = arith.constant 0 : i32
      %dma_start3A_1521 = tpu.memref_slice %arg5[%add3A_11, %dma_start3A_1520] : memref<16384x64xf32, #tpu.memory_space<hbm>> -> memref<256x64xf32, #tpu.memory_space<hbm>>
      tpu.enqueue_dma source(%arg9 : memref<256x64xf32, #tpu.memory_space<vmem>>) target(%dma_start3A_1521 : memref<256x64xf32, #tpu.memory_space<hbm>>) target_semaphore(%run_scoped3A : memref<!tpu.dma_semaphore, #tpu.memory_space<semaphore_mem>>)
      %dma_wait3A = arith.constant 0 : i32
      %dma_wait3A_1522 = tpu.memref_slice %arg5[%add3A_11, %dma_wait3A] : memref<16384x64xf32, #tpu.memory_space<hbm>> -> memref<256x64xf32, #tpu.memory_space<hbm>>
      %dma_wait3A_1523 = arith.constant 0 : i32
      %dma_wait3A_1524 = tpu.memref_slice %arg5[%add3A_11, %dma_wait3A_1523] : memref<16384x64xf32, #tpu.memory_space<hbm>> -> memref<256x64xf32, #tpu.memory_space<hbm>>
      tpu.wait_dma2 semaphore(%run_scoped3A : memref<!tpu.dma_semaphore, #tpu.memory_space<semaphore_mem>>) src(%arg9 : memref<256x64xf32, #tpu.memory_space<vmem>>) dst(%dma_wait3A_1524 : memref<256x64xf32, #tpu.memory_space<hbm>>)
      tpu.yield
    }) : () -> ()
    %add3A_760 = arith.constant 256 : i32
    %add3A_761 = arith.addi %mul3A_2, %add3A_760 : i32
    "tpu.region"() ({
      %run_scoped3A = tpu.sem_alloc : memref<!tpu.dma_semaphore, #tpu.memory_space<semaphore_mem>>
      %dma_start3A_1518 = arith.constant 0 : i32
      %dma_start3A_1519 = tpu.memref_slice %arg2[%add3A_761, %dma_start3A_1518] : memref<16384x200xi32, #tpu.memory_space<hbm>> -> memref<256x200xi32, #tpu.memory_space<hbm>>
      %dma_start3A_1520 = arith.constant 0 : i32
      %dma_start3A_1521 = tpu.memref_slice %arg2[%add3A_761, %dma_start3A_1520] : memref<16384x200xi32, #tpu.memory_space<hbm>> -> memref<256x200xi32, #tpu.memory_space<hbm>>
      tpu.enqueue_dma source(%dma_start3A_1521 : memref<256x200xi32, #tpu.memory_space<hbm>>) target(%arg6 : memref<256x200xi32, #tpu.memory_space<vmem>>) target_semaphore(%run_scoped3A : memref<!tpu.dma_semaphore, #tpu.memory_space<semaphore_mem>>)
      %dma_wait3A = arith.constant 0 : i32
      %dma_wait3A_1522 = tpu.memref_slice %arg2[%add3A_761, %dma_wait3A] : memref<16384x200xi32, #tpu.memory_space<hbm>> -> memref<256x200xi32, #tpu.memory_space<hbm>>
      %dma_wait3A_1523 = arith.constant 0 : i32
      %dma_wait3A_1524 = tpu.memref_slice %arg2[%add3A_761, %dma_wait3A_1523] : memref<16384x200xi32, #tpu.memory_space<hbm>> -> memref<256x200xi32, #tpu.memory_space<hbm>>
      tpu.wait_dma2 semaphore(%run_scoped3A : memref<!tpu.dma_semaphore, #tpu.memory_space<semaphore_mem>>) src(%dma_wait3A_1524 : memref<256x200xi32, #tpu.memory_space<hbm>>) dst(%arg6 : memref<256x200xi32, #tpu.memory_space<vmem>>)
      tpu.yield
    }) : () -> ()
    %get3A_762 = arith.constant 0 : i32
    %get3A_763 = arith.index_cast %get3A_762 : i32 to index
    %get3A_764 = arith.constant 0 : index
    %get3A_765 = tpu.vector_load %arg6[%get3A_763, %get3A_764] {strides = array<i32>} : memref<256x200xi32, #tpu.memory_space<vmem>>, vector<16xi32>,
    %not3A_766 = arith.constant 16383 : i32
    %not3A_767 = arith.constant -1 : i32
    %not3A_768 = arith.xori %not3A_766, %not3A_767 : i32
    %and3A_769 = vector.broadcast %not3A_768 : i32 to vector<16xi32>
    %and3A_770 = arith.andi %get3A_765, %and3A_769 : vector<16xi32>
    %and3A_771 = arith.constant 4095 : i32
    %and3A_772 = vector.broadcast %and3A_771 : i32 to vector<16xi32>
    %and3A_773 = arith.andi %get3A_765, %and3A_772 : vector<16xi32>
    %shift_left3A_774 = arith.constant 2 : i32
    %shift_left3A_775 = vector.broadcast %shift_left3A_774 : i32 to vector<16xi32>
    %shift_left3A_776 = arith.shli %and3A_773, %shift_left3A_775 : vector<16xi32>
    %or3A_777 = arith.ori %and3A_770, %shift_left3A_776 : vector<16xi32>
    %shift_right_arithmetic3A_778 = arith.constant 12 : i32
    %shift_right_arithmetic3A_779 = vector.broadcast %shift_right_arithmetic3A_778 : i32 to vector<16xi32>
    %shift_right_arithmetic3A_780 = arith.shrsi %get3A_765, %shift_right_arithmetic3A_779 : vector<16xi32>
    %and3A_781 = arith.constant 3 : i32
    %and3A_782 = vector.broadcast %and3A_781 : i32 to vector<16xi32>
    %and3A_783 = arith.andi %shift_right_arithmetic3A_780, %and3A_782 : vector<16xi32>
    %or3A_784 = arith.ori %or3A_777, %and3A_783 : vector<16xi32>
    %swap3A_785 = arith.constant 0 : i32
    %swap3A_786 = arith.index_cast %swap3A_785 : i32 to index
    %swap3A_787 = arith.constant 0 : index
    %swap3A_788 = tpu.vector_load %arg7[%swap3A_786, %swap3A_787] {strides = array<i32>} : memref<2x200xi32, #tpu.memory_space<vmem>>, vector<16xi32>,
    tpu.vector_store %arg7[%swap3A_786, %swap3A_787], %or3A_784 {strides = array<i32>} : memref<2x200xi32, #tpu.memory_space<vmem>>, vector<16xi32>,
    %get3A_789 = arith.constant 0 : i32
    %get3A_790 = arith.index_cast %get3A_789 : i32 to index
    %get3A_791 = arith.constant 16 : index
    %get3A_792 = tpu.vector_load %arg6[%get3A_790, %get3A_791] {strides = array<i32>} : memref<256x200xi32, #tpu.memory_space<vmem>>, vector<16xi32>,
    %not3A_793 = arith.constant 16383 : i32
    %not3A_794 = arith.constant -1 : i32
    %not3A_795 = arith.xori %not3A_793, %not3A_794 : i32
    %and3A_796 = vector.broadcast %not3A_795 : i32 to vector<16xi32>
    %and3A_797 = arith.andi %get3A_792, %and3A_796 : vector<16xi32>
    %and3A_798 = arith.constant 4095 : i32
    %and3A_799 = vector.broadcast %and3A_798 : i32 to vector<16xi32>
    %and3A_800 = arith.andi %get3A_792, %and3A_799 : vector<16xi32>
    %shift_left3A_801 = arith.constant 2 : i32
    %shift_left3A_802 = vector.broadcast %shift_left3A_801 : i32 to vector<16xi32>
    %shift_left3A_803 = arith.shli %and3A_800, %shift_left3A_802 : vector<16xi32>
    %or3A_804 = arith.ori %and3A_797, %shift_left3A_803 : vector<16xi32>
    %shift_right_arithmetic3A_805 = arith.constant 12 : i32
    %shift_right_arithmetic3A_806 = vector.broadcast %shift_right_arithmetic3A_805 : i32 to vector<16xi32>
    %shift_right_arithmetic3A_807 = arith.shrsi %get3A_792, %shift_right_arithmetic3A_806 : vector<16xi32>
    %and3A_808 = arith.constant 3 : i32
    %and3A_809 = vector.broadcast %and3A_808 : i32 to vector<16xi32>
    %and3A_810 = arith.andi %shift_right_arithmetic3A_807, %and3A_809 : vector<16xi32>
    %or3A_811 = arith.ori %or3A_804, %and3A_810 : vector<16xi32>
    %swap3A_812 = arith.constant 0 : i32
    %swap3A_813 = arith.index_cast %swap3A_812 : i32 to index
    %swap3A_814 = arith.constant 16 : index
    %swap3A_815 = tpu.vector_load %arg7[%swap3A_813, %swap3A_814] {strides = array<i32>} : memref<2x200xi32, #tpu.memory_space<vmem>>, vector<16xi32>,
    tpu.vector_store %arg7[%swap3A_813, %swap3A_814], %or3A_811 {strides = array<i32>} : memref<2x200xi32, #tpu.memory_space<vmem>>, vector<16xi32>,
    %get3A_816 = arith.constant 0 : i32
    %get3A_817 = arith.index_cast %get3A_816 : i32 to index
    %get3A_818 = arith.constant 32 : index
    %get3A_819 = tpu.vector_load %arg6[%get3A_817, %get3A_818] {strides = array<i32>} : memref<256x200xi32, #tpu.memory_space<vmem>>, vector<16xi32>,
    %not3A_820 = arith.constant 16383 : i32
    %not3A_821 = arith.constant -1 : i32
    %not3A_822 = arith.xori %not3A_820, %not3A_821 : i32
    %and3A_823 = vector.broadcast %not3A_822 : i32 to vector<16xi32>
    %and3A_824 = arith.andi %get3A_819, %and3A_823 : vector<16xi32>
    %and3A_825 = arith.constant 4095 : i32
    %and3A_826 = vector.broadcast %and3A_825 : i32 to vector<16xi32>
    %and3A_827 = arith.andi %get3A_819, %and3A_826 : vector<16xi32>
    %shift_left3A_828 = arith.constant 2 : i32
    %shift_left3A_829 = vector.broadcast %shift_left3A_828 : i32 to vector<16xi32>
    %shift_left3A_830 = arith.shli %and3A_827, %shift_left3A_829 : vector<16xi32>
    %or3A_831 = arith.ori %and3A_824, %shift_left3A_830 : vector<16xi32>
    %shift_right_arithmetic3A_832 = arith.constant 12 : i32
    %shift_right_arithmetic3A_833 = vector.broadcast %shift_right_arithmetic3A_832 : i32 to vector<16xi32>
    %shift_right_arithmetic3A_834 = arith.shrsi %get3A_819, %shift_right_arithmetic3A_833 : vector<16xi32>
    %and3A_835 = arith.constant 3 : i32
    %and3A_836 = vector.broadcast %and3A_835 : i32 to vector<16xi32>
    %and3A_837 = arith.andi %shift_right_arithmetic3A_834, %and3A_836 : vector<16xi32>
    %or3A_838 = arith.ori %or3A_831, %and3A_837 : vector<16xi32>
    %swap3A_839 = arith.constant 0 : i32
    %swap3A_840 = arith.index_cast %swap3A_839 : i32 to index
    %swap3A_841 = arith.constant 32 : index
    %swap3A_842 = tpu.vector_load %arg7[%swap3A_840, %swap3A_841] {strides = array<i32>} : memref<2x200xi32, #tpu.memory_space<vmem>>, vector<16xi32>,
    tpu.vector_store %arg7[%swap3A_840, %swap3A_841], %or3A_838 {strides = array<i32>} : memref<2x200xi32, #tpu.memory_space<vmem>>, vector<16xi32>,
    %get3A_843 = arith.constant 0 : i32
    %get3A_844 = arith.index_cast %get3A_843 : i32 to index
    %get3A_845 = arith.constant 48 : index
    %get3A_846 = tpu.vector_load %arg6[%get3A_844, %get3A_845] {strides = array<i32>} : memref<256x200xi32, #tpu.memory_space<vmem>>, vector<16xi32>,
    %not3A_847 = arith.constant 16383 : i32
    %not3A_848 = arith.constant -1 : i32
    %not3A_849 = arith.xori %not3A_847, %not3A_848 : i32
    %and3A_850 = vector.broadcast %not3A_849 : i32 to vector<16xi32>
    %and3A_851 = arith.andi %get3A_846, %and3A_850 : vector<16xi32>
    %and3A_852 = arith.constant 4095 : i32
    %and3A_853 = vector.broadcast %and3A_852 : i32 to vector<16xi32>
    %and3A_854 = arith.andi %get3A_846, %and3A_853 : vector<16xi32>
    %shift_left3A_855 = arith.constant 2 : i32
    %shift_left3A_856 = vector.broadcast %shift_left3A_855 : i32 to vector<16xi32>
    %shift_left3A_857 = arith.shli %and3A_854, %shift_left3A_856 : vector<16xi32>
    %or3A_858 = arith.ori %and3A_851, %shift_left3A_857 : vector<16xi32>
    %shift_right_arithmetic3A_859 = arith.constant 12 : i32
    %shift_right_arithmetic3A_860 = vector.broadcast %shift_right_arithmetic3A_859 : i32 to vector<16xi32>
    %shift_right_arithmetic3A_861 = arith.shrsi %get3A_846, %shift_right_arithmetic3A_860 : vector<16xi32>
    %and3A_862 = arith.constant 3 : i32
    %and3A_863 = vector.broadcast %and3A_862 : i32 to vector<16xi32>
    %and3A_864 = arith.andi %shift_right_arithmetic3A_861, %and3A_863 : vector<16xi32>
    %or3A_865 = arith.ori %or3A_858, %and3A_864 : vector<16xi32>
    %swap3A_866 = arith.constant 0 : i32
    %swap3A_867 = arith.index_cast %swap3A_866 : i32 to index
    %swap3A_868 = arith.constant 48 : index
    %swap3A_869 = tpu.vector_load %arg7[%swap3A_867, %swap3A_868] {strides = array<i32>} : memref<2x200xi32, #tpu.memory_space<vmem>>, vector<16xi32>,
    tpu.vector_store %arg7[%swap3A_867, %swap3A_868], %or3A_865 {strides = array<i32>} : memref<2x200xi32, #tpu.memory_space<vmem>>, vector<16xi32>,
    %get3A_870 = arith.constant 0 : i32
    %get3A_871 = arith.index_cast %get3A_870 : i32 to index
    %get3A_872 = arith.constant 64 : index
    %get3A_873 = tpu.vector_load %arg6[%get3A_871, %get3A_872] {strides = array<i32>} : memref<256x200xi32, #tpu.memory_space<vmem>>, vector<16xi32>,
    %not3A_874 = arith.constant 16383 : i32
    %not3A_875 = arith.constant -1 : i32
    %not3A_876 = arith.xori %not3A_874, %not3A_875 : i32
    %and3A_877 = vector.broadcast %not3A_876 : i32 to vector<16xi32>
    %and3A_878 = arith.andi %get3A_873, %and3A_877 : vector<16xi32>
    %and3A_879 = arith.constant 4095 : i32
    %and3A_880 = vector.broadcast %and3A_879 : i32 to vector<16xi32>
    %and3A_881 = arith.andi %get3A_873, %and3A_880 : vector<16xi32>
    %shift_left3A_882 = arith.constant 2 : i32
    %shift_left3A_883 = vector.broadcast %shift_left3A_882 : i32 to vector<16xi32>
    %shift_left3A_884 = arith.shli %and3A_881, %shift_left3A_883 : vector<16xi32>
    %or3A_885 = arith.ori %and3A_878, %shift_left3A_884 : vector<16xi32>
    %shift_right_arithmetic3A_886 = arith.constant 12 : i32
    %shift_right_arithmetic3A_887 = vector.broadcast %shift_right_arithmetic3A_886 : i32 to vector<16xi32>
    %shift_right_arithmetic3A_888 = arith.shrsi %get3A_873, %shift_right_arithmetic3A_887 : vector<16xi32>
    %and3A_889 = arith.constant 3 : i32
    %and3A_890 = vector.broadcast %and3A_889 : i32 to vector<16xi32>
    %and3A_891 = arith.andi %shift_right_arithmetic3A_888, %and3A_890 : vector<16xi32>
    %or3A_892 = arith.ori %or3A_885, %and3A_891 : vector<16xi32>
    %swap3A_893 = arith.constant 0 : i32
    %swap3A_894 = arith.index_cast %swap3A_893 : i32 to index
    %swap3A_895 = arith.constant 64 : index
    %swap3A_896 = tpu.vector_load %arg7[%swap3A_894, %swap3A_895] {strides = array<i32>} : memref<2x200xi32, #tpu.memory_space<vmem>>, vector<16xi32>,
    tpu.vector_store %arg7[%swap3A_894, %swap3A_895], %or3A_892 {strides = array<i32>} : memref<2x200xi32, #tpu.memory_space<vmem>>, vector<16xi32>,
    %get3A_897 = arith.constant 0 : i32
    %get3A_898 = arith.index_cast %get3A_897 : i32 to index
    %get3A_899 = arith.constant 80 : index
    %get3A_900 = tpu.vector_load %arg6[%get3A_898, %get3A_899] {strides = array<i32>} : memref<256x200xi32, #tpu.memory_space<vmem>>, vector<16xi32>,
    %not3A_901 = arith.constant 16383 : i32
    %not3A_902 = arith.constant -1 : i32
    %not3A_903 = arith.xori %not3A_901, %not3A_902 : i32
    %and3A_904 = vector.broadcast %not3A_903 : i32 to vector<16xi32>
    %and3A_905 = arith.andi %get3A_900, %and3A_904 : vector<16xi32>
    %and3A_906 = arith.constant 4095 : i32
    %and3A_907 = vector.broadcast %and3A_906 : i32 to vector<16xi32>
    %and3A_908 = arith.andi %get3A_900, %and3A_907 : vector<16xi32>
    %shift_left3A_909 = arith.constant 2 : i32
    %shift_left3A_910 = vector.broadcast %shift_left3A_909 : i32 to vector<16xi32>
    %shift_left3A_911 = arith.shli %and3A_908, %shift_left3A_910 : vector<16xi32>
    %or3A_912 = arith.ori %and3A_905, %shift_left3A_911 : vector<16xi32>
    %shift_right_arithmetic3A_913 = arith.constant 12 : i32
    %shift_right_arithmetic3A_914 = vector.broadcast %shift_right_arithmetic3A_913 : i32 to vector<16xi32>
    %shift_right_arithmetic3A_915 = arith.shrsi %get3A_900, %shift_right_arithmetic3A_914 : vector<16xi32>
    %and3A_916 = arith.constant 3 : i32
    %and3A_917 = vector.broadcast %and3A_916 : i32 to vector<16xi32>
    %and3A_918 = arith.andi %shift_right_arithmetic3A_915, %and3A_917 : vector<16xi32>
    %or3A_919 = arith.ori %or3A_912, %and3A_918 : vector<16xi32>
    %swap3A_920 = arith.constant 0 : i32
    %swap3A_921 = arith.index_cast %swap3A_920 : i32 to index
    %swap3A_922 = arith.constant 80 : index
    %swap3A_923 = tpu.vector_load %arg7[%swap3A_921, %swap3A_922] {strides = array<i32>} : memref<2x200xi32, #tpu.memory_space<vmem>>, vector<16xi32>,
    tpu.vector_store %arg7[%swap3A_921, %swap3A_922], %or3A_919 {strides = array<i32>} : memref<2x200xi32, #tpu.memory_space<vmem>>, vector<16xi32>,
    %get3A_924 = arith.constant 0 : i32
    %get3A_925 = arith.index_cast %get3A_924 : i32 to index
    %get3A_926 = arith.constant 96 : index
    %get3A_927 = tpu.vector_load %arg6[%get3A_925, %get3A_926] {strides = array<i32>} : memref<256x200xi32, #tpu.memory_space<vmem>>, vector<16xi32>,
    %not3A_928 = arith.constant 16383 : i32
    %not3A_929 = arith.constant -1 : i32
    %not3A_930 = arith.xori %not3A_928, %not3A_929 : i32
    %and3A_931 = vector.broadcast %not3A_930 : i32 to vector<16xi32>
    %and3A_932 = arith.andi %get3A_927, %and3A_931 : vector<16xi32>
    %and3A_933 = arith.constant 4095 : i32
    %and3A_934 = vector.broadcast %and3A_933 : i32 to vector<16xi32>
    %and3A_935 = arith.andi %get3A_927, %and3A_934 : vector<16xi32>
    %shift_left3A_936 = arith.constant 2 : i32
    %shift_left3A_937 = vector.broadcast %shift_left3A_936 : i32 to vector<16xi32>
    %shift_left3A_938 = arith.shli %and3A_935, %shift_left3A_937 : vector<16xi32>
    %or3A_939 = arith.ori %and3A_932, %shift_left3A_938 : vector<16xi32>
    %shift_right_arithmetic3A_940 = arith.constant 12 : i32
    %shift_right_arithmetic3A_941 = vector.broadcast %shift_right_arithmetic3A_940 : i32 to vector<16xi32>
    %shift_right_arithmetic3A_942 = arith.shrsi %get3A_927, %shift_right_arithmetic3A_941 : vector<16xi32>
    %and3A_943 = arith.constant 3 : i32
    %and3A_944 = vector.broadcast %and3A_943 : i32 to vector<16xi32>
    %and3A_945 = arith.andi %shift_right_arithmetic3A_942, %and3A_944 : vector<16xi32>
    %or3A_946 = arith.ori %or3A_939, %and3A_945 : vector<16xi32>
    %swap3A_947 = arith.constant 0 : i32
    %swap3A_948 = arith.index_cast %swap3A_947 : i32 to index
    %swap3A_949 = arith.constant 96 : index
    %swap3A_950 = tpu.vector_load %arg7[%swap3A_948, %swap3A_949] {strides = array<i32>} : memref<2x200xi32, #tpu.memory_space<vmem>>, vector<16xi32>,
    tpu.vector_store %arg7[%swap3A_948, %swap3A_949], %or3A_946 {strides = array<i32>} : memref<2x200xi32, #tpu.memory_space<vmem>>, vector<16xi32>,
    %get3A_951 = arith.constant 0 : i32
    %get3A_952 = arith.index_cast %get3A_951 : i32 to index
    %get3A_953 = arith.constant 112 : index
    %get3A_954 = tpu.vector_load %arg6[%get3A_952, %get3A_953] {strides = array<i32>} : memref<256x200xi32, #tpu.memory_space<vmem>>, vector<16xi32>,
    %not3A_955 = arith.constant 16383 : i32
    %not3A_956 = arith.constant -1 : i32
    %not3A_957 = arith.xori %not3A_955, %not3A_956 : i32
    %and3A_958 = vector.broadcast %not3A_957 : i32 to vector<16xi32>
    %and3A_959 = arith.andi %get3A_954, %and3A_958 : vector<16xi32>
    %and3A_960 = arith.constant 4095 : i32
    %and3A_961 = vector.broadcast %and3A_960 : i32 to vector<16xi32>
    %and3A_962 = arith.andi %get3A_954, %and3A_961 : vector<16xi32>
    %shift_left3A_963 = arith.constant 2 : i32
    %shift_left3A_964 = vector.broadcast %shift_left3A_963 : i32 to vector<16xi32>
    %shift_left3A_965 = arith.shli %and3A_962, %shift_left3A_964 : vector<16xi32>
    %or3A_966 = arith.ori %and3A_959, %shift_left3A_965 : vector<16xi32>
    %shift_right_arithmetic3A_967 = arith.constant 12 : i32
    %shift_right_arithmetic3A_968 = vector.broadcast %shift_right_arithmetic3A_967 : i32 to vector<16xi32>
    %shift_right_arithmetic3A_969 = arith.shrsi %get3A_954, %shift_right_arithmetic3A_968 : vector<16xi32>
    %and3A_970 = arith.constant 3 : i32
    %and3A_971 = vector.broadcast %and3A_970 : i32 to vector<16xi32>
    %and3A_972 = arith.andi %shift_right_arithmetic3A_969, %and3A_971 : vector<16xi32>
    %or3A_973 = arith.ori %or3A_966, %and3A_972 : vector<16xi32>
    %swap3A_974 = arith.constant 0 : i32
    %swap3A_975 = arith.index_cast %swap3A_974 : i32 to index
    %swap3A_976 = arith.constant 112 : index
    %swap3A_977 = tpu.vector_load %arg7[%swap3A_975, %swap3A_976] {strides = array<i32>} : memref<2x200xi32, #tpu.memory_space<vmem>>, vector<16xi32>,
    tpu.vector_store %arg7[%swap3A_975, %swap3A_976], %or3A_973 {strides = array<i32>} : memref<2x200xi32, #tpu.memory_space<vmem>>, vector<16xi32>,
    %get3A_978 = arith.constant 0 : i32
    %get3A_979 = arith.index_cast %get3A_978 : i32 to index
    %get3A_980 = arith.constant 128 : index
    %get3A_981 = tpu.vector_load %arg6[%get3A_979, %get3A_980] {strides = array<i32>} : memref<256x200xi32, #tpu.memory_space<vmem>>, vector<16xi32>,
    %not3A_982 = arith.constant 16383 : i32
    %not3A_983 = arith.constant -1 : i32
    %not3A_984 = arith.xori %not3A_982, %not3A_983 : i32
    %and3A_985 = vector.broadcast %not3A_984 : i32 to vector<16xi32>
    %and3A_986 = arith.andi %get3A_981, %and3A_985 : vector<16xi32>
    %and3A_987 = arith.constant 4095 : i32
    %and3A_988 = vector.broadcast %and3A_987 : i32 to vector<16xi32>
    %and3A_989 = arith.andi %get3A_981, %and3A_988 : vector<16xi32>
    %shift_left3A_990 = arith.constant 2 : i32
    %shift_left3A_991 = vector.broadcast %shift_left3A_990 : i32 to vector<16xi32>
    %shift_left3A_992 = arith.shli %and3A_989, %shift_left3A_991 : vector<16xi32>
    %or3A_993 = arith.ori %and3A_986, %shift_left3A_992 : vector<16xi32>
    %shift_right_arithmetic3A_994 = arith.constant 12 : i32
    %shift_right_arithmetic3A_995 = vector.broadcast %shift_right_arithmetic3A_994 : i32 to vector<16xi32>
    %shift_right_arithmetic3A_996 = arith.shrsi %get3A_981, %shift_right_arithmetic3A_995 : vector<16xi32>
    %and3A_997 = arith.constant 3 : i32
    %and3A_998 = vector.broadcast %and3A_997 : i32 to vector<16xi32>
    %and3A_999 = arith.andi %shift_right_arithmetic3A_996, %and3A_998 : vector<16xi32>
    %or3A_1000 = arith.ori %or3A_993, %and3A_999 : vector<16xi32>
    %swap3A_1001 = arith.constant 0 : i32
    %swap3A_1002 = arith.index_cast %swap3A_1001 : i32 to index
    %swap3A_1003 = arith.constant 128 : index
    %swap3A_1004 = tpu.vector_load %arg7[%swap3A_1002, %swap3A_1003] {strides = array<i32>} : memref<2x200xi32, #tpu.memory_space<vmem>>, vector<16xi32>,
    tpu.vector_store %arg7[%swap3A_1002, %swap3A_1003], %or3A_1000 {strides = array<i32>} : memref<2x200xi32, #tpu.memory_space<vmem>>, vector<16xi32>,
    %get3A_1005 = arith.constant 0 : i32
    %get3A_1006 = arith.index_cast %get3A_1005 : i32 to index
    %get3A_1007 = arith.constant 144 : index
    %get3A_1008 = tpu.vector_load %arg6[%get3A_1006, %get3A_1007] {strides = array<i32>} : memref<256x200xi32, #tpu.memory_space<vmem>>, vector<16xi32>,
    %not3A_1009 = arith.constant 16383 : i32
    %not3A_1010 = arith.constant -1 : i32
    %not3A_1011 = arith.xori %not3A_1009, %not3A_1010 : i32
    %and3A_1012 = vector.broadcast %not3A_1011 : i32 to vector<16xi32>
    %and3A_1013 = arith.andi %get3A_1008, %and3A_1012 : vector<16xi32>
    %and3A_1014 = arith.constant 4095 : i32
    %and3A_1015 = vector.broadcast %and3A_1014 : i32 to vector<16xi32>
    %and3A_1016 = arith.andi %get3A_1008, %and3A_1015 : vector<16xi32>
    %shift_left3A_1017 = arith.constant 2 : i32
    %shift_left3A_1018 = vector.broadcast %shift_left3A_1017 : i32 to vector<16xi32>
    %shift_left3A_1019 = arith.shli %and3A_1016, %shift_left3A_1018 : vector<16xi32>
    %or3A_1020 = arith.ori %and3A_1013, %shift_left3A_1019 : vector<16xi32>
    %shift_right_arithmetic3A_1021 = arith.constant 12 : i32
    %shift_right_arithmetic3A_1022 = vector.broadcast %shift_right_arithmetic3A_1021 : i32 to vector<16xi32>
    %shift_right_arithmetic3A_1023 = arith.shrsi %get3A_1008, %shift_right_arithmetic3A_1022 : vector<16xi32>
    %and3A_1024 = arith.constant 3 : i32
    %and3A_1025 = vector.broadcast %and3A_1024 : i32 to vector<16xi32>
    %and3A_1026 = arith.andi %shift_right_arithmetic3A_1023, %and3A_1025 : vector<16xi32>
    %or3A_1027 = arith.ori %or3A_1020, %and3A_1026 : vector<16xi32>
    %swap3A_1028 = arith.constant 0 : i32
    %swap3A_1029 = arith.index_cast %swap3A_1028 : i32 to index
    %swap3A_1030 = arith.constant 144 : index
    %swap3A_1031 = tpu.vector_load %arg7[%swap3A_1029, %swap3A_1030] {strides = array<i32>} : memref<2x200xi32, #tpu.memory_space<vmem>>, vector<16xi32>,
    tpu.vector_store %arg7[%swap3A_1029, %swap3A_1030], %or3A_1027 {strides = array<i32>} : memref<2x200xi32, #tpu.memory_space<vmem>>, vector<16xi32>,
    %get3A_1032 = arith.constant 0 : i32
    %get3A_1033 = arith.index_cast %get3A_1032 : i32 to index
    %get3A_1034 = arith.constant 160 : index
    %get3A_1035 = tpu.vector_load %arg6[%get3A_1033, %get3A_1034] {strides = array<i32>} : memref<256x200xi32, #tpu.memory_space<vmem>>, vector<16xi32>,
    %not3A_1036 = arith.constant 16383 : i32
    %not3A_1037 = arith.constant -1 : i32
    %not3A_1038 = arith.xori %not3A_1036, %not3A_1037 : i32
    %and3A_1039 = vector.broadcast %not3A_1038 : i32 to vector<16xi32>
    %and3A_1040 = arith.andi %get3A_1035, %and3A_1039 : vector<16xi32>
    %and3A_1041 = arith.constant 4095 : i32
    %and3A_1042 = vector.broadcast %and3A_1041 : i32 to vector<16xi32>
    %and3A_1043 = arith.andi %get3A_1035, %and3A_1042 : vector<16xi32>
    %shift_left3A_1044 = arith.constant 2 : i32
    %shift_left3A_1045 = vector.broadcast %shift_left3A_1044 : i32 to vector<16xi32>
    %shift_left3A_1046 = arith.shli %and3A_1043, %shift_left3A_1045 : vector<16xi32>
    %or3A_1047 = arith.ori %and3A_1040, %shift_left3A_1046 : vector<16xi32>
    %shift_right_arithmetic3A_1048 = arith.constant 12 : i32
    %shift_right_arithmetic3A_1049 = vector.broadcast %shift_right_arithmetic3A_1048 : i32 to vector<16xi32>
    %shift_right_arithmetic3A_1050 = arith.shrsi %get3A_1035, %shift_right_arithmetic3A_1049 : vector<16xi32>
    %and3A_1051 = arith.constant 3 : i32
    %and3A_1052 = vector.broadcast %and3A_1051 : i32 to vector<16xi32>
    %and3A_1053 = arith.andi %shift_right_arithmetic3A_1050, %and3A_1052 : vector<16xi32>
    %or3A_1054 = arith.ori %or3A_1047, %and3A_1053 : vector<16xi32>
    %swap3A_1055 = arith.constant 0 : i32
    %swap3A_1056 = arith.index_cast %swap3A_1055 : i32 to index
    %swap3A_1057 = arith.constant 160 : index
    %swap3A_1058 = tpu.vector_load %arg7[%swap3A_1056, %swap3A_1057] {strides = array<i32>} : memref<2x200xi32, #tpu.memory_space<vmem>>, vector<16xi32>,
    tpu.vector_store %arg7[%swap3A_1056, %swap3A_1057], %or3A_1054 {strides = array<i32>} : memref<2x200xi32, #tpu.memory_space<vmem>>, vector<16xi32>,
    %get3A_1059 = arith.constant 0 : i32
    %get3A_1060 = arith.index_cast %get3A_1059 : i32 to index
    %get3A_1061 = arith.constant 176 : index
    %get3A_1062 = tpu.vector_load %arg6[%get3A_1060, %get3A_1061] {strides = array<i32>} : memref<256x200xi32, #tpu.memory_space<vmem>>, vector<16xi32>,
    %not3A_1063 = arith.constant 16383 : i32
    %not3A_1064 = arith.constant -1 : i32
    %not3A_1065 = arith.xori %not3A_1063, %not3A_1064 : i32
    %and3A_1066 = vector.broadcast %not3A_1065 : i32 to vector<16xi32>
    %and3A_1067 = arith.andi %get3A_1062, %and3A_1066 : vector<16xi32>
    %and3A_1068 = arith.constant 4095 : i32
    %and3A_1069 = vector.broadcast %and3A_1068 : i32 to vector<16xi32>
    %and3A_1070 = arith.andi %get3A_1062, %and3A_1069 : vector<16xi32>
    %shift_left3A_1071 = arith.constant 2 : i32
    %shift_left3A_1072 = vector.broadcast %shift_left3A_1071 : i32 to vector<16xi32>
    %shift_left3A_1073 = arith.shli %and3A_1070, %shift_left3A_1072 : vector<16xi32>
    %or3A_1074 = arith.ori %and3A_1067, %shift_left3A_1073 : vector<16xi32>
    %shift_right_arithmetic3A_1075 = arith.constant 12 : i32
    %shift_right_arithmetic3A_1076 = vector.broadcast %shift_right_arithmetic3A_1075 : i32 to vector<16xi32>
    %shift_right_arithmetic3A_1077 = arith.shrsi %get3A_1062, %shift_right_arithmetic3A_1076 : vector<16xi32>
    %and3A_1078 = arith.constant 3 : i32
    %and3A_1079 = vector.broadcast %and3A_1078 : i32 to vector<16xi32>
    %and3A_1080 = arith.andi %shift_right_arithmetic3A_1077, %and3A_1079 : vector<16xi32>
    %or3A_1081 = arith.ori %or3A_1074, %and3A_1080 : vector<16xi32>
    %swap3A_1082 = arith.constant 0 : i32
    %swap3A_1083 = arith.index_cast %swap3A_1082 : i32 to index
    %swap3A_1084 = arith.constant 176 : index
    %swap3A_1085 = tpu.vector_load %arg7[%swap3A_1083, %swap3A_1084] {strides = array<i32>} : memref<2x200xi32, #tpu.memory_space<vmem>>, vector<16xi32>,
    tpu.vector_store %arg7[%swap3A_1083, %swap3A_1084], %or3A_1081 {strides = array<i32>} : memref<2x200xi32, #tpu.memory_space<vmem>>, vector<16xi32>,
    %get3A_1086 = arith.constant 0 : i32
    %get3A_1087 = arith.index_cast %get3A_1086 : i32 to index
    %get3A_1088 = arith.constant 184 : index
    %get3A_1089 = tpu.vector_load %arg6[%get3A_1087, %get3A_1088] {strides = array<i32>} : memref<256x200xi32, #tpu.memory_space<vmem>>, vector<16xi32>,
    %not3A_1090 = arith.constant 16383 : i32
    %not3A_1091 = arith.constant -1 : i32
    %not3A_1092 = arith.xori %not3A_1090, %not3A_1091 : i32
    %and3A_1093 = vector.broadcast %not3A_1092 : i32 to vector<16xi32>
    %and3A_1094 = arith.andi %get3A_1089, %and3A_1093 : vector<16xi32>
    %and3A_1095 = arith.constant 4095 : i32
    %and3A_1096 = vector.broadcast %and3A_1095 : i32 to vector<16xi32>
    %and3A_1097 = arith.andi %get3A_1089, %and3A_1096 : vector<16xi32>
    %shift_left3A_1098 = arith.constant 2 : i32
    %shift_left3A_1099 = vector.broadcast %shift_left3A_1098 : i32 to vector<16xi32>
    %shift_left3A_1100 = arith.shli %and3A_1097, %shift_left3A_1099 : vector<16xi32>
    %or3A_1101 = arith.ori %and3A_1094, %shift_left3A_1100 : vector<16xi32>
    %shift_right_arithmetic3A_1102 = arith.constant 12 : i32
    %shift_right_arithmetic3A_1103 = vector.broadcast %shift_right_arithmetic3A_1102 : i32 to vector<16xi32>
    %shift_right_arithmetic3A_1104 = arith.shrsi %get3A_1089, %shift_right_arithmetic3A_1103 : vector<16xi32>
    %and3A_1105 = arith.constant 3 : i32
    %and3A_1106 = vector.broadcast %and3A_1105 : i32 to vector<16xi32>
    %and3A_1107 = arith.andi %shift_right_arithmetic3A_1104, %and3A_1106 : vector<16xi32>
    %or3A_1108 = arith.ori %or3A_1101, %and3A_1107 : vector<16xi32>
    %swap3A_1109 = arith.constant 0 : i32
    %swap3A_1110 = arith.index_cast %swap3A_1109 : i32 to index
    %swap3A_1111 = arith.constant 184 : index
    %swap3A_1112 = tpu.vector_load %arg7[%swap3A_1110, %swap3A_1111] {strides = array<i32>} : memref<2x200xi32, #tpu.memory_space<vmem>>, vector<16xi32>,
    tpu.vector_store %arg7[%swap3A_1110, %swap3A_1111], %or3A_1108 {strides = array<i32>} : memref<2x200xi32, #tpu.memory_space<vmem>>, vector<16xi32>,
    %dma_start3A_1113 = arith.constant 0 : i32
    %dma_start3A_1114 = arith.constant 0 : i32
    %dma_start3A_1115 = arith.constant 0 : i32
    %dma_start3A_1116 = arith.constant 0 : i32
    %dma_start3A_1117 = tpu.memref_slice %arg8[%dma_start3A_1114, %dma_start3A_1115, %dma_start3A_1116] : memref<2x200x32xf32, #tpu.memory_space<vmem>> -> memref<1x128x32xf32, #tpu.memory_space<vmem>>
    %dma_start3A_1118 = tpu.memref_squeeze %dma_start3A_1117 : memref<1x128x32xf32, #tpu.memory_space<vmem>> -> memref<128x32xf32, #tpu.memory_space<vmem>>
    %dma_start3A_1119 = arith.constant 0 : i32
    %dma_start3A_1120 = tpu.memref_slice %arg7[%dma_start3A_1113, %dma_start3A_1119] : memref<2x200xi32, #tpu.memory_space<vmem>> -> memref<1x128xi32, #tpu.memory_space<vmem>>
    %dma_start3A_1121 = tpu.memref_squeeze %dma_start3A_1120 : memref<1x128xi32, #tpu.memory_space<vmem>> -> memref<128xi32, #tpu.memory_space<vmem>>
    %dma_start3A_1122 = arith.constant 0 : i32
    %dma_start3A_1123 = arith.constant 0 : i32
    %dma_start3A_1124 = tpu.memref_slice %arg3[%dma_start3A_1122, %dma_start3A_1123] : memref<1015808x32xf32, #tpu.memory_space<hbm>> -> memref<1015808x32xf32, #tpu.memory_space<hbm>>
    tpu.enqueue_indirect_dma source(%dma_start3A_1124 : memref<1015808x32xf32, #tpu.memory_space<hbm>>) target(%dma_start3A_1118 : memref<128x32xf32, #tpu.memory_space<vmem>>) offsets(%dma_start3A_1121 : memref<128xi32, #tpu.memory_space<vmem>>) semaphore(%arg11 : memref<!tpu.dma_semaphore, #tpu.memory_space<semaphore_mem>>)
    %dma_start3A_1125 = arith.constant 0 : i32
    %dma_start3A_1126 = arith.constant 0 : i32
    %dma_start3A_1127 = arith.constant 128 : i32
    %dma_start3A_1128 = arith.constant 0 : i32
    %dma_start3A_1129 = tpu.memref_slice %arg8[%dma_start3A_1126, %dma_start3A_1127, %dma_start3A_1128] : memref<2x200x32xf32, #tpu.memory_space<vmem>> -> memref<1x72x32xf32, #tpu.memory_space<vmem>>
    %dma_start3A_1130 = tpu.memref_squeeze %dma_start3A_1129 : memref<1x72x32xf32, #tpu.memory_space<vmem>> -> memref<72x32xf32, #tpu.memory_space<vmem>>
    %dma_start3A_1131 = arith.constant 128 : i32
    %dma_start3A_1132 = tpu.memref_slice %arg7[%dma_start3A_1125, %dma_start3A_1131] : memref<2x200xi32, #tpu.memory_space<vmem>> -> memref<1x72xi32, #tpu.memory_space<vmem>>
    %dma_start3A_1133 = tpu.memref_squeeze %dma_start3A_1132 : memref<1x72xi32, #tpu.memory_space<vmem>> -> memref<72xi32, #tpu.memory_space<vmem>>
    %dma_start3A_1134 = arith.constant 0 : i32
    %dma_start3A_1135 = arith.constant 0 : i32
    %dma_start3A_1136 = tpu.memref_slice %arg3[%dma_start3A_1134, %dma_start3A_1135] : memref<1015808x32xf32, #tpu.memory_space<hbm>> -> memref<1015808x32xf32, #tpu.memory_space<hbm>>
    tpu.enqueue_indirect_dma source(%dma_start3A_1136 : memref<1015808x32xf32, #tpu.memory_space<hbm>>) target(%dma_start3A_1130 : memref<72x32xf32, #tpu.memory_space<vmem>>) offsets(%dma_start3A_1133 : memref<72xi32, #tpu.memory_space<vmem>>) semaphore(%arg11 : memref<!tpu.dma_semaphore, #tpu.memory_space<semaphore_mem>>)
    %get3A_1137 = arith.constant 1 : i32
    %get3A_1138 = arith.index_cast %get3A_1137 : i32 to index
    %get3A_1139 = arith.constant 0 : index
    %get3A_1140 = tpu.vector_load %arg6[%get3A_1138, %get3A_1139] {strides = array<i32>} : memref<256x200xi32, #tpu.memory_space<vmem>>, vector<16xi32>,
    %not3A_1141 = arith.constant 16383 : i32
    %not3A_1142 = arith.constant -1 : i32
    %not3A_1143 = arith.xori %not3A_1141, %not3A_1142 : i32
    %and3A_1144 = vector.broadcast %not3A_1143 : i32 to vector<16xi32>
    %and3A_1145 = arith.andi %get3A_1140, %and3A_1144 : vector<16xi32>
    %and3A_1146 = arith.constant 4095 : i32
    %and3A_1147 = vector.broadcast %and3A_1146 : i32 to vector<16xi32>
    %and3A_1148 = arith.andi %get3A_1140, %and3A_1147 : vector<16xi32>
    %shift_left3A_1149 = arith.constant 2 : i32
    %shift_left3A_1150 = vector.broadcast %shift_left3A_1149 : i32 to vector<16xi32>
    %shift_left3A_1151 = arith.shli %and3A_1148, %shift_left3A_1150 : vector<16xi32>
    %or3A_1152 = arith.ori %and3A_1145, %shift_left3A_1151 : vector<16xi32>
    %shift_right_arithmetic3A_1153 = arith.constant 12 : i32
    %shift_right_arithmetic3A_1154 = vector.broadcast %shift_right_arithmetic3A_1153 : i32 to vector<16xi32>
    %shift_right_arithmetic3A_1155 = arith.shrsi %get3A_1140, %shift_right_arithmetic3A_1154 : vector<16xi32>
    %and3A_1156 = arith.constant 3 : i32
    %and3A_1157 = vector.broadcast %and3A_1156 : i32 to vector<16xi32>
    %and3A_1158 = arith.andi %shift_right_arithmetic3A_1155, %and3A_1157 : vector<16xi32>
    %or3A_1159 = arith.ori %or3A_1152, %and3A_1158 : vector<16xi32>
    %swap3A_1160 = arith.constant 1 : i32
    %swap3A_1161 = arith.index_cast %swap3A_1160 : i32 to index
    %swap3A_1162 = arith.constant 0 : index
    %swap3A_1163 = tpu.vector_load %arg7[%swap3A_1161, %swap3A_1162] {strides = array<i32>} : memref<2x200xi32, #tpu.memory_space<vmem>>, vector<16xi32>,
    tpu.vector_store %arg7[%swap3A_1161, %swap3A_1162], %or3A_1159 {strides = array<i32>} : memref<2x200xi32, #tpu.memory_space<vmem>>, vector<16xi32>,
    %get3A_1164 = arith.constant 1 : i32
    %get3A_1165 = arith.index_cast %get3A_1164 : i32 to index
    %get3A_1166 = arith.constant 16 : index
    %get3A_1167 = tpu.vector_load %arg6[%get3A_1165, %get3A_1166] {strides = array<i32>} : memref<256x200xi32, #tpu.memory_space<vmem>>, vector<16xi32>,
    %not3A_1168 = arith.constant 16383 : i32
    %not3A_1169 = arith.constant -1 : i32
    %not3A_1170 = arith.xori %not3A_1168, %not3A_1169 : i32
    %and3A_1171 = vector.broadcast %not3A_1170 : i32 to vector<16xi32>
    %and3A_1172 = arith.andi %get3A_1167, %and3A_1171 : vector<16xi32>
    %and3A_1173 = arith.constant 4095 : i32
    %and3A_1174 = vector.broadcast %and3A_1173 : i32 to vector<16xi32>
    %and3A_1175 = arith.andi %get3A_1167, %and3A_1174 : vector<16xi32>
    %shift_left3A_1176 = arith.constant 2 : i32
    %shift_left3A_1177 = vector.broadcast %shift_left3A_1176 : i32 to vector<16xi32>
    %shift_left3A_1178 = arith.shli %and3A_1175, %shift_left3A_1177 : vector<16xi32>
    %or3A_1179 = arith.ori %and3A_1172, %shift_left3A_1178 : vector<16xi32>
    %shift_right_arithmetic3A_1180 = arith.constant 12 : i32
    %shift_right_arithmetic3A_1181 = vector.broadcast %shift_right_arithmetic3A_1180 : i32 to vector<16xi32>
    %shift_right_arithmetic3A_1182 = arith.shrsi %get3A_1167, %shift_right_arithmetic3A_1181 : vector<16xi32>
    %and3A_1183 = arith.constant 3 : i32
    %and3A_1184 = vector.broadcast %and3A_1183 : i32 to vector<16xi32>
    %and3A_1185 = arith.andi %shift_right_arithmetic3A_1182, %and3A_1184 : vector<16xi32>
    %or3A_1186 = arith.ori %or3A_1179, %and3A_1185 : vector<16xi32>
    %swap3A_1187 = arith.constant 1 : i32
    %swap3A_1188 = arith.index_cast %swap3A_1187 : i32 to index
    %swap3A_1189 = arith.constant 16 : index
    %swap3A_1190 = tpu.vector_load %arg7[%swap3A_1188, %swap3A_1189] {strides = array<i32>} : memref<2x200xi32, #tpu.memory_space<vmem>>, vector<16xi32>,
    tpu.vector_store %arg7[%swap3A_1188, %swap3A_1189], %or3A_1186 {strides = array<i32>} : memref<2x200xi32, #tpu.memory_space<vmem>>, vector<16xi32>,
    %get3A_1191 = arith.constant 1 : i32
    %get3A_1192 = arith.index_cast %get3A_1191 : i32 to index
    %get3A_1193 = arith.constant 32 : index
    %get3A_1194 = tpu.vector_load %arg6[%get3A_1192, %get3A_1193] {strides = array<i32>} : memref<256x200xi32, #tpu.memory_space<vmem>>, vector<16xi32>,
    %not3A_1195 = arith.constant 16383 : i32
    %not3A_1196 = arith.constant -1 : i32
    %not3A_1197 = arith.xori %not3A_1195, %not3A_1196 : i32
    %and3A_1198 = vector.broadcast %not3A_1197 : i32 to vector<16xi32>
    %and3A_1199 = arith.andi %get3A_1194, %and3A_1198 : vector<16xi32>
    %and3A_1200 = arith.constant 4095 : i32
    %and3A_1201 = vector.broadcast %and3A_1200 : i32 to vector<16xi32>
    %and3A_1202 = arith.andi %get3A_1194, %and3A_1201 : vector<16xi32>
    %shift_left3A_1203 = arith.constant 2 : i32
    %shift_left3A_1204 = vector.broadcast %shift_left3A_1203 : i32 to vector<16xi32>
    %shift_left3A_1205 = arith.shli %and3A_1202, %shift_left3A_1204 : vector<16xi32>
    %or3A_1206 = arith.ori %and3A_1199, %shift_left3A_1205 : vector<16xi32>
    %shift_right_arithmetic3A_1207 = arith.constant 12 : i32
    %shift_right_arithmetic3A_1208 = vector.broadcast %shift_right_arithmetic3A_1207 : i32 to vector<16xi32>
    %shift_right_arithmetic3A_1209 = arith.shrsi %get3A_1194, %shift_right_arithmetic3A_1208 : vector<16xi32>
    %and3A_1210 = arith.constant 3 : i32
    %and3A_1211 = vector.broadcast %and3A_1210 : i32 to vector<16xi32>
    %and3A_1212 = arith.andi %shift_right_arithmetic3A_1209, %and3A_1211 : vector<16xi32>
    %or3A_1213 = arith.ori %or3A_1206, %and3A_1212 : vector<16xi32>
    %swap3A_1214 = arith.constant 1 : i32
    %swap3A_1215 = arith.index_cast %swap3A_1214 : i32 to index
    %swap3A_1216 = arith.constant 32 : index
    %swap3A_1217 = tpu.vector_load %arg7[%swap3A_1215, %swap3A_1216] {strides = array<i32>} : memref<2x200xi32, #tpu.memory_space<vmem>>, vector<16xi32>,
    tpu.vector_store %arg7[%swap3A_1215, %swap3A_1216], %or3A_1213 {strides = array<i32>} : memref<2x200xi32, #tpu.memory_space<vmem>>, vector<16xi32>,
    %get3A_1218 = arith.constant 1 : i32
    %get3A_1219 = arith.index_cast %get3A_1218 : i32 to index
    %get3A_1220 = arith.constant 48 : index
    %get3A_1221 = tpu.vector_load %arg6[%get3A_1219, %get3A_1220] {strides = array<i32>} : memref<256x200xi32, #tpu.memory_space<vmem>>, vector<16xi32>,
    %not3A_1222 = arith.constant 16383 : i32
    %not3A_1223 = arith.constant -1 : i32
    %not3A_1224 = arith.xori %not3A_1222, %not3A_1223 : i32
    %and3A_1225 = vector.broadcast %not3A_1224 : i32 to vector<16xi32>
    %and3A_1226 = arith.andi %get3A_1221, %and3A_1225 : vector<16xi32>
    %and3A_1227 = arith.constant 4095 : i32
    %and3A_1228 = vector.broadcast %and3A_1227 : i32 to vector<16xi32>
    %and3A_1229 = arith.andi %get3A_1221, %and3A_1228 : vector<16xi32>
    %shift_left3A_1230 = arith.constant 2 : i32
    %shift_left3A_1231 = vector.broadcast %shift_left3A_1230 : i32 to vector<16xi32>
    %shift_left3A_1232 = arith.shli %and3A_1229, %shift_left3A_1231 : vector<16xi32>
    %or3A_1233 = arith.ori %and3A_1226, %shift_left3A_1232 : vector<16xi32>
    %shift_right_arithmetic3A_1234 = arith.constant 12 : i32
    %shift_right_arithmetic3A_1235 = vector.broadcast %shift_right_arithmetic3A_1234 : i32 to vector<16xi32>
    %shift_right_arithmetic3A_1236 = arith.shrsi %get3A_1221, %shift_right_arithmetic3A_1235 : vector<16xi32>
    %and3A_1237 = arith.constant 3 : i32
    %and3A_1238 = vector.broadcast %and3A_1237 : i32 to vector<16xi32>
    %and3A_1239 = arith.andi %shift_right_arithmetic3A_1236, %and3A_1238 : vector<16xi32>
    %or3A_1240 = arith.ori %or3A_1233, %and3A_1239 : vector<16xi32>
    %swap3A_1241 = arith.constant 1 : i32
    %swap3A_1242 = arith.index_cast %swap3A_1241 : i32 to index
    %swap3A_1243 = arith.constant 48 : index
    %swap3A_1244 = tpu.vector_load %arg7[%swap3A_1242, %swap3A_1243] {strides = array<i32>} : memref<2x200xi32, #tpu.memory_space<vmem>>, vector<16xi32>,
    tpu.vector_store %arg7[%swap3A_1242, %swap3A_1243], %or3A_1240 {strides = array<i32>} : memref<2x200xi32, #tpu.memory_space<vmem>>, vector<16xi32>,
    %get3A_1245 = arith.constant 1 : i32
    %get3A_1246 = arith.index_cast %get3A_1245 : i32 to index
    %get3A_1247 = arith.constant 64 : index
    %get3A_1248 = tpu.vector_load %arg6[%get3A_1246, %get3A_1247] {strides = array<i32>} : memref<256x200xi32, #tpu.memory_space<vmem>>, vector<16xi32>,
    %not3A_1249 = arith.constant 16383 : i32
    %not3A_1250 = arith.constant -1 : i32
    %not3A_1251 = arith.xori %not3A_1249, %not3A_1250 : i32
    %and3A_1252 = vector.broadcast %not3A_1251 : i32 to vector<16xi32>
    %and3A_1253 = arith.andi %get3A_1248, %and3A_1252 : vector<16xi32>
    %and3A_1254 = arith.constant 4095 : i32
    %and3A_1255 = vector.broadcast %and3A_1254 : i32 to vector<16xi32>
    %and3A_1256 = arith.andi %get3A_1248, %and3A_1255 : vector<16xi32>
    %shift_left3A_1257 = arith.constant 2 : i32
    %shift_left3A_1258 = vector.broadcast %shift_left3A_1257 : i32 to vector<16xi32>
    %shift_left3A_1259 = arith.shli %and3A_1256, %shift_left3A_1258 : vector<16xi32>
    %or3A_1260 = arith.ori %and3A_1253, %shift_left3A_1259 : vector<16xi32>
    %shift_right_arithmetic3A_1261 = arith.constant 12 : i32
    %shift_right_arithmetic3A_1262 = vector.broadcast %shift_right_arithmetic3A_1261 : i32 to vector<16xi32>
    %shift_right_arithmetic3A_1263 = arith.shrsi %get3A_1248, %shift_right_arithmetic3A_1262 : vector<16xi32>
    %and3A_1264 = arith.constant 3 : i32
    %and3A_1265 = vector.broadcast %and3A_1264 : i32 to vector<16xi32>
    %and3A_1266 = arith.andi %shift_right_arithmetic3A_1263, %and3A_1265 : vector<16xi32>
    %or3A_1267 = arith.ori %or3A_1260, %and3A_1266 : vector<16xi32>
    %swap3A_1268 = arith.constant 1 : i32
    %swap3A_1269 = arith.index_cast %swap3A_1268 : i32 to index
    %swap3A_1270 = arith.constant 64 : index
    %swap3A_1271 = tpu.vector_load %arg7[%swap3A_1269, %swap3A_1270] {strides = array<i32>} : memref<2x200xi32, #tpu.memory_space<vmem>>, vector<16xi32>,
    tpu.vector_store %arg7[%swap3A_1269, %swap3A_1270], %or3A_1267 {strides = array<i32>} : memref<2x200xi32, #tpu.memory_space<vmem>>, vector<16xi32>,
    %get3A_1272 = arith.constant 1 : i32
    %get3A_1273 = arith.index_cast %get3A_1272 : i32 to index
    %get3A_1274 = arith.constant 80 : index
    %get3A_1275 = tpu.vector_load %arg6[%get3A_1273, %get3A_1274] {strides = array<i32>} : memref<256x200xi32, #tpu.memory_space<vmem>>, vector<16xi32>,
    %not3A_1276 = arith.constant 16383 : i32
    %not3A_1277 = arith.constant -1 : i32
    %not3A_1278 = arith.xori %not3A_1276, %not3A_1277 : i32
    %and3A_1279 = vector.broadcast %not3A_1278 : i32 to vector<16xi32>
    %and3A_1280 = arith.andi %get3A_1275, %and3A_1279 : vector<16xi32>
    %and3A_1281 = arith.constant 4095 : i32
    %and3A_1282 = vector.broadcast %and3A_1281 : i32 to vector<16xi32>
    %and3A_1283 = arith.andi %get3A_1275, %and3A_1282 : vector<16xi32>
    %shift_left3A_1284 = arith.constant 2 : i32
    %shift_left3A_1285 = vector.broadcast %shift_left3A_1284 : i32 to vector<16xi32>
    %shift_left3A_1286 = arith.shli %and3A_1283, %shift_left3A_1285 : vector<16xi32>
    %or3A_1287 = arith.ori %and3A_1280, %shift_left3A_1286 : vector<16xi32>
    %shift_right_arithmetic3A_1288 = arith.constant 12 : i32
    %shift_right_arithmetic3A_1289 = vector.broadcast %shift_right_arithmetic3A_1288 : i32 to vector<16xi32>
    %shift_right_arithmetic3A_1290 = arith.shrsi %get3A_1275, %shift_right_arithmetic3A_1289 : vector<16xi32>
    %and3A_1291 = arith.constant 3 : i32
    %and3A_1292 = vector.broadcast %and3A_1291 : i32 to vector<16xi32>
    %and3A_1293 = arith.andi %shift_right_arithmetic3A_1290, %and3A_1292 : vector<16xi32>
    %or3A_1294 = arith.ori %or3A_1287, %and3A_1293 : vector<16xi32>
    %swap3A_1295 = arith.constant 1 : i32
    %swap3A_1296 = arith.index_cast %swap3A_1295 : i32 to index
    %swap3A_1297 = arith.constant 80 : index
    %swap3A_1298 = tpu.vector_load %arg7[%swap3A_1296, %swap3A_1297] {strides = array<i32>} : memref<2x200xi32, #tpu.memory_space<vmem>>, vector<16xi32>,
    tpu.vector_store %arg7[%swap3A_1296, %swap3A_1297], %or3A_1294 {strides = array<i32>} : memref<2x200xi32, #tpu.memory_space<vmem>>, vector<16xi32>,
    %get3A_1299 = arith.constant 1 : i32
    %get3A_1300 = arith.index_cast %get3A_1299 : i32 to index
    %get3A_1301 = arith.constant 96 : index
    %get3A_1302 = tpu.vector_load %arg6[%get3A_1300, %get3A_1301] {strides = array<i32>} : memref<256x200xi32, #tpu.memory_space<vmem>>, vector<16xi32>,
    %not3A_1303 = arith.constant 16383 : i32
    %not3A_1304 = arith.constant -1 : i32
    %not3A_1305 = arith.xori %not3A_1303, %not3A_1304 : i32
    %and3A_1306 = vector.broadcast %not3A_1305 : i32 to vector<16xi32>
    %and3A_1307 = arith.andi %get3A_1302, %and3A_1306 : vector<16xi32>
    %and3A_1308 = arith.constant 4095 : i32
    %and3A_1309 = vector.broadcast %and3A_1308 : i32 to vector<16xi32>
    %and3A_1310 = arith.andi %get3A_1302, %and3A_1309 : vector<16xi32>
    %shift_left3A_1311 = arith.constant 2 : i32
    %shift_left3A_1312 = vector.broadcast %shift_left3A_1311 : i32 to vector<16xi32>
    %shift_left3A_1313 = arith.shli %and3A_1310, %shift_left3A_1312 : vector<16xi32>
    %or3A_1314 = arith.ori %and3A_1307, %shift_left3A_1313 : vector<16xi32>
    %shift_right_arithmetic3A_1315 = arith.constant 12 : i32
    %shift_right_arithmetic3A_1316 = vector.broadcast %shift_right_arithmetic3A_1315 : i32 to vector<16xi32>
    %shift_right_arithmetic3A_1317 = arith.shrsi %get3A_1302, %shift_right_arithmetic3A_1316 : vector<16xi32>
    %and3A_1318 = arith.constant 3 : i32
    %and3A_1319 = vector.broadcast %and3A_1318 : i32 to vector<16xi32>
    %and3A_1320 = arith.andi %shift_right_arithmetic3A_1317, %and3A_1319 : vector<16xi32>
    %or3A_1321 = arith.ori %or3A_1314, %and3A_1320 : vector<16xi32>
    %swap3A_1322 = arith.constant 1 : i32
    %swap3A_1323 = arith.index_cast %swap3A_1322 : i32 to index
    %swap3A_1324 = arith.constant 96 : index
    %swap3A_1325 = tpu.vector_load %arg7[%swap3A_1323, %swap3A_1324] {strides = array<i32>} : memref<2x200xi32, #tpu.memory_space<vmem>>, vector<16xi32>,
    tpu.vector_store %arg7[%swap3A_1323, %swap3A_1324], %or3A_1321 {strides = array<i32>} : memref<2x200xi32, #tpu.memory_space<vmem>>, vector<16xi32>,
    %get3A_1326 = arith.constant 1 : i32
    %get3A_1327 = arith.index_cast %get3A_1326 : i32 to index
    %get3A_1328 = arith.constant 112 : index
    %get3A_1329 = tpu.vector_load %arg6[%get3A_1327, %get3A_1328] {strides = array<i32>} : memref<256x200xi32, #tpu.memory_space<vmem>>, vector<16xi32>,
    %not3A_1330 = arith.constant 16383 : i32
    %not3A_1331 = arith.constant -1 : i32
    %not3A_1332 = arith.xori %not3A_1330, %not3A_1331 : i32
    %and3A_1333 = vector.broadcast %not3A_1332 : i32 to vector<16xi32>
    %and3A_1334 = arith.andi %get3A_1329, %and3A_1333 : vector<16xi32>
    %and3A_1335 = arith.constant 4095 : i32
    %and3A_1336 = vector.broadcast %and3A_1335 : i32 to vector<16xi32>
    %and3A_1337 = arith.andi %get3A_1329, %and3A_1336 : vector<16xi32>
    %shift_left3A_1338 = arith.constant 2 : i32
    %shift_left3A_1339 = vector.broadcast %shift_left3A_1338 : i32 to vector<16xi32>
    %shift_left3A_1340 = arith.shli %and3A_1337, %shift_left3A_1339 : vector<16xi32>
    %or3A_1341 = arith.ori %and3A_1334, %shift_left3A_1340 : vector<16xi32>
    %shift_right_arithmetic3A_1342 = arith.constant 12 : i32
    %shift_right_arithmetic3A_1343 = vector.broadcast %shift_right_arithmetic3A_1342 : i32 to vector<16xi32>
    %shift_right_arithmetic3A_1344 = arith.shrsi %get3A_1329, %shift_right_arithmetic3A_1343 : vector<16xi32>
    %and3A_1345 = arith.constant 3 : i32
    %and3A_1346 = vector.broadcast %and3A_1345 : i32 to vector<16xi32>
    %and3A_1347 = arith.andi %shift_right_arithmetic3A_1344, %and3A_1346 : vector<16xi32>
    %or3A_1348 = arith.ori %or3A_1341, %and3A_1347 : vector<16xi32>
    %swap3A_1349 = arith.constant 1 : i32
    %swap3A_1350 = arith.index_cast %swap3A_1349 : i32 to index
    %swap3A_1351 = arith.constant 112 : index
    %swap3A_1352 = tpu.vector_load %arg7[%swap3A_1350, %swap3A_1351] {strides = array<i32>} : memref<2x200xi32, #tpu.memory_space<vmem>>, vector<16xi32>,
    tpu.vector_store %arg7[%swap3A_1350, %swap3A_1351], %or3A_1348 {strides = array<i32>} : memref<2x200xi32, #tpu.memory_space<vmem>>, vector<16xi32>,
    %get3A_1353 = arith.constant 1 : i32
    %get3A_1354 = arith.index_cast %get3A_1353 : i32 to index
    %get3A_1355 = arith.constant 128 : index
    %get3A_1356 = tpu.vector_load %arg6[%get3A_1354, %get3A_1355] {strides = array<i32>} : memref<256x200xi32, #tpu.memory_space<vmem>>, vector<16xi32>,
    %not3A_1357 = arith.constant 16383 : i32
    %not3A_1358 = arith.constant -1 : i32
    %not3A_1359 = arith.xori %not3A_1357, %not3A_1358 : i32
    %and3A_1360 = vector.broadcast %not3A_1359 : i32 to vector<16xi32>
    %and3A_1361 = arith.andi %get3A_1356, %and3A_1360 : vector<16xi32>
    %and3A_1362 = arith.constant 4095 : i32
    %and3A_1363 = vector.broadcast %and3A_1362 : i32 to vector<16xi32>
    %and3A_1364 = arith.andi %get3A_1356, %and3A_1363 : vector<16xi32>
    %shift_left3A_1365 = arith.constant 2 : i32
    %shift_left3A_1366 = vector.broadcast %shift_left3A_1365 : i32 to vector<16xi32>
    %shift_left3A_1367 = arith.shli %and3A_1364, %shift_left3A_1366 : vector<16xi32>
    %or3A_1368 = arith.ori %and3A_1361, %shift_left3A_1367 : vector<16xi32>
    %shift_right_arithmetic3A_1369 = arith.constant 12 : i32
    %shift_right_arithmetic3A_1370 = vector.broadcast %shift_right_arithmetic3A_1369 : i32 to vector<16xi32>
    %shift_right_arithmetic3A_1371 = arith.shrsi %get3A_1356, %shift_right_arithmetic3A_1370 : vector<16xi32>
    %and3A_1372 = arith.constant 3 : i32
    %and3A_1373 = vector.broadcast %and3A_1372 : i32 to vector<16xi32>
    %and3A_1374 = arith.andi %shift_right_arithmetic3A_1371, %and3A_1373 : vector<16xi32>
    %or3A_1375 = arith.ori %or3A_1368, %and3A_1374 : vector<16xi32>
    %swap3A_1376 = arith.constant 1 : i32
    %swap3A_1377 = arith.index_cast %swap3A_1376 : i32 to index
    %swap3A_1378 = arith.constant 128 : index
    %swap3A_1379 = tpu.vector_load %arg7[%swap3A_1377, %swap3A_1378] {strides = array<i32>} : memref<2x200xi32, #tpu.memory_space<vmem>>, vector<16xi32>,
    tpu.vector_store %arg7[%swap3A_1377, %swap3A_1378], %or3A_1375 {strides = array<i32>} : memref<2x200xi32, #tpu.memory_space<vmem>>, vector<16xi32>,
    %get3A_1380 = arith.constant 1 : i32
    %get3A_1381 = arith.index_cast %get3A_1380 : i32 to index
    %get3A_1382 = arith.constant 144 : index
    %get3A_1383 = tpu.vector_load %arg6[%get3A_1381, %get3A_1382] {strides = array<i32>} : memref<256x200xi32, #tpu.memory_space<vmem>>, vector<16xi32>,
    %not3A_1384 = arith.constant 16383 : i32
    %not3A_1385 = arith.constant -1 : i32
    %not3A_1386 = arith.xori %not3A_1384, %not3A_1385 : i32
    %and3A_1387 = vector.broadcast %not3A_1386 : i32 to vector<16xi32>
    %and3A_1388 = arith.andi %get3A_1383, %and3A_1387 : vector<16xi32>
    %and3A_1389 = arith.constant 4095 : i32
    %and3A_1390 = vector.broadcast %and3A_1389 : i32 to vector<16xi32>
    %and3A_1391 = arith.andi %get3A_1383, %and3A_1390 : vector<16xi32>
    %shift_left3A_1392 = arith.constant 2 : i32
    %shift_left3A_1393 = vector.broadcast %shift_left3A_1392 : i32 to vector<16xi32>
    %shift_left3A_1394 = arith.shli %and3A_1391, %shift_left3A_1393 : vector<16xi32>
    %or3A_1395 = arith.ori %and3A_1388, %shift_left3A_1394 : vector<16xi32>
    %shift_right_arithmetic3A_1396 = arith.constant 12 : i32
    %shift_right_arithmetic3A_1397 = vector.broadcast %shift_right_arithmetic3A_1396 : i32 to vector<16xi32>
    %shift_right_arithmetic3A_1398 = arith.shrsi %get3A_1383, %shift_right_arithmetic3A_1397 : vector<16xi32>
    %and3A_1399 = arith.constant 3 : i32
    %and3A_1400 = vector.broadcast %and3A_1399 : i32 to vector<16xi32>
    %and3A_1401 = arith.andi %shift_right_arithmetic3A_1398, %and3A_1400 : vector<16xi32>
    %or3A_1402 = arith.ori %or3A_1395, %and3A_1401 : vector<16xi32>
    %swap3A_1403 = arith.constant 1 : i32
    %swap3A_1404 = arith.index_cast %swap3A_1403 : i32 to index
    %swap3A_1405 = arith.constant 144 : index
    %swap3A_1406 = tpu.vector_load %arg7[%swap3A_1404, %swap3A_1405] {strides = array<i32>} : memref<2x200xi32, #tpu.memory_space<vmem>>, vector<16xi32>,
    tpu.vector_store %arg7[%swap3A_1404, %swap3A_1405], %or3A_1402 {strides = array<i32>} : memref<2x200xi32, #tpu.memory_space<vmem>>, vector<16xi32>,
    %get3A_1407 = arith.constant 1 : i32
    %get3A_1408 = arith.index_cast %get3A_1407 : i32 to index
    %get3A_1409 = arith.constant 160 : index
    %get3A_1410 = tpu.vector_load %arg6[%get3A_1408, %get3A_1409] {strides = array<i32>} : memref<256x200xi32, #tpu.memory_space<vmem>>, vector<16xi32>,
    %not3A_1411 = arith.constant 16383 : i32
    %not3A_1412 = arith.constant -1 : i32
    %not3A_1413 = arith.xori %not3A_1411, %not3A_1412 : i32
    %and3A_1414 = vector.broadcast %not3A_1413 : i32 to vector<16xi32>
    %and3A_1415 = arith.andi %get3A_1410, %and3A_1414 : vector<16xi32>
    %and3A_1416 = arith.constant 4095 : i32
    %and3A_1417 = vector.broadcast %and3A_1416 : i32 to vector<16xi32>
    %and3A_1418 = arith.andi %get3A_1410, %and3A_1417 : vector<16xi32>
    %shift_left3A_1419 = arith.constant 2 : i32
    %shift_left3A_1420 = vector.broadcast %shift_left3A_1419 : i32 to vector<16xi32>
    %shift_left3A_1421 = arith.shli %and3A_1418, %shift_left3A_1420 : vector<16xi32>
    %or3A_1422 = arith.ori %and3A_1415, %shift_left3A_1421 : vector<16xi32>
    %shift_right_arithmetic3A_1423 = arith.constant 12 : i32
    %shift_right_arithmetic3A_1424 = vector.broadcast %shift_right_arithmetic3A_1423 : i32 to vector<16xi32>
    %shift_right_arithmetic3A_1425 = arith.shrsi %get3A_1410, %shift_right_arithmetic3A_1424 : vector<16xi32>
    %and3A_1426 = arith.constant 3 : i32
    %and3A_1427 = vector.broadcast %and3A_1426 : i32 to vector<16xi32>
    %and3A_1428 = arith.andi %shift_right_arithmetic3A_1425, %and3A_1427 : vector<16xi32>
    %or3A_1429 = arith.ori %or3A_1422, %and3A_1428 : vector<16xi32>
    %swap3A_1430 = arith.constant 1 : i32
    %swap3A_1431 = arith.index_cast %swap3A_1430 : i32 to index
    %swap3A_1432 = arith.constant 160 : index
    %swap3A_1433 = tpu.vector_load %arg7[%swap3A_1431, %swap3A_1432] {strides = array<i32>} : memref<2x200xi32, #tpu.memory_space<vmem>>, vector<16xi32>,
    tpu.vector_store %arg7[%swap3A_1431, %swap3A_1432], %or3A_1429 {strides = array<i32>} : memref<2x200xi32, #tpu.memory_space<vmem>>, vector<16xi32>,
    %get3A_1434 = arith.constant 1 : i32
    %get3A_1435 = arith.index_cast %get3A_1434 : i32 to index
    %get3A_1436 = arith.constant 176 : index
    %get3A_1437 = tpu.vector_load %arg6[%get3A_1435, %get3A_1436] {strides = array<i32>} : memref<256x200xi32, #tpu.memory_space<vmem>>, vector<16xi32>,
    %not3A_1438 = arith.constant 16383 : i32
    %not3A_1439 = arith.constant -1 : i32
    %not3A_1440 = arith.xori %not3A_1438, %not3A_1439 : i32
    %and3A_1441 = vector.broadcast %not3A_1440 : i32 to vector<16xi32>
    %and3A_1442 = arith.andi %get3A_1437, %and3A_1441 : vector<16xi32>
    %and3A_1443 = arith.constant 4095 : i32
    %and3A_1444 = vector.broadcast %and3A_1443 : i32 to vector<16xi32>
    %and3A_1445 = arith.andi %get3A_1437, %and3A_1444 : vector<16xi32>
    %shift_left3A_1446 = arith.constant 2 : i32
    %shift_left3A_1447 = vector.broadcast %shift_left3A_1446 : i32 to vector<16xi32>
    %shift_left3A_1448 = arith.shli %and3A_1445, %shift_left3A_1447 : vector<16xi32>
    %or3A_1449 = arith.ori %and3A_1442, %shift_left3A_1448 : vector<16xi32>
    %shift_right_arithmetic3A_1450 = arith.constant 12 : i32
    %shift_right_arithmetic3A_1451 = vector.broadcast %shift_right_arithmetic3A_1450 : i32 to vector<16xi32>
    %shift_right_arithmetic3A_1452 = arith.shrsi %get3A_1437, %shift_right_arithmetic3A_1451 : vector<16xi32>
    %and3A_1453 = arith.constant 3 : i32
    %and3A_1454 = vector.broadcast %and3A_1453 : i32 to vector<16xi32>
    %and3A_1455 = arith.andi %shift_right_arithmetic3A_1452, %and3A_1454 : vector<16xi32>
    %or3A_1456 = arith.ori %or3A_1449, %and3A_1455 : vector<16xi32>
    %swap3A_1457 = arith.constant 1 : i32
    %swap3A_1458 = arith.index_cast %swap3A_1457 : i32 to index
    %swap3A_1459 = arith.constant 176 : index
    %swap3A_1460 = tpu.vector_load %arg7[%swap3A_1458, %swap3A_1459] {strides = array<i32>} : memref<2x200xi32, #tpu.memory_space<vmem>>, vector<16xi32>,
    tpu.vector_store %arg7[%swap3A_1458, %swap3A_1459], %or3A_1456 {strides = array<i32>} : memref<2x200xi32, #tpu.memory_space<vmem>>, vector<16xi32>,
    %get3A_1461 = arith.constant 1 : i32
    %get3A_1462 = arith.index_cast %get3A_1461 : i32 to index
    %get3A_1463 = arith.constant 184 : index
    %get3A_1464 = tpu.vector_load %arg6[%get3A_1462, %get3A_1463] {strides = array<i32>} : memref<256x200xi32, #tpu.memory_space<vmem>>, vector<16xi32>,
    %not3A_1465 = arith.constant 16383 : i32
    %not3A_1466 = arith.constant -1 : i32
    %not3A_1467 = arith.xori %not3A_1465, %not3A_1466 : i32
    %and3A_1468 = vector.broadcast %not3A_1467 : i32 to vector<16xi32>
    %and3A_1469 = arith.andi %get3A_1464, %and3A_1468 : vector<16xi32>
    %and3A_1470 = arith.constant 4095 : i32
    %and3A_1471 = vector.broadcast %and3A_1470 : i32 to vector<16xi32>
    %and3A_1472 = arith.andi %get3A_1464, %and3A_1471 : vector<16xi32>
    %shift_left3A_1473 = arith.constant 2 : i32
    %shift_left3A_1474 = vector.broadcast %shift_left3A_1473 : i32 to vector<16xi32>
    %shift_left3A_1475 = arith.shli %and3A_1472, %shift_left3A_1474 : vector<16xi32>
    %or3A_1476 = arith.ori %and3A_1469, %shift_left3A_1475 : vector<16xi32>
    %shift_right_arithmetic3A_1477 = arith.constant 12 : i32
    %shift_right_arithmetic3A_1478 = vector.broadcast %shift_right_arithmetic3A_1477 : i32 to vector<16xi32>
    %shift_right_arithmetic3A_1479 = arith.shrsi %get3A_1464, %shift_right_arithmetic3A_1478 : vector<16xi32>
    %and3A_1480 = arith.constant 3 : i32
    %and3A_1481 = vector.broadcast %and3A_1480 : i32 to vector<16xi32>
    %and3A_1482 = arith.andi %shift_right_arithmetic3A_1479, %and3A_1481 : vector<16xi32>
    %or3A_1483 = arith.ori %or3A_1476, %and3A_1482 : vector<16xi32>
    %swap3A_1484 = arith.constant 1 : i32
    %swap3A_1485 = arith.index_cast %swap3A_1484 : i32 to index
    %swap3A_1486 = arith.constant 184 : index
    %swap3A_1487 = tpu.vector_load %arg7[%swap3A_1485, %swap3A_1486] {strides = array<i32>} : memref<2x200xi32, #tpu.memory_space<vmem>>, vector<16xi32>,
    tpu.vector_store %arg7[%swap3A_1485, %swap3A_1486], %or3A_1483 {strides = array<i32>} : memref<2x200xi32, #tpu.memory_space<vmem>>, vector<16xi32>,
    %dma_start3A_1488 = arith.constant 1 : i32
    %dma_start3A_1489 = arith.constant 1 : i32
    %dma_start3A_1490 = arith.constant 0 : i32
    %dma_start3A_1491 = arith.constant 0 : i32
    %dma_start3A_1492 = tpu.memref_slice %arg8[%dma_start3A_1489, %dma_start3A_1490, %dma_start3A_1491] : memref<2x200x32xf32, #tpu.memory_space<vmem>> -> memref<1x128x32xf32, #tpu.memory_space<vmem>>
    %dma_start3A_1493 = tpu.memref_squeeze %dma_start3A_1492 : memref<1x128x32xf32, #tpu.memory_space<vmem>> -> memref<128x32xf32, #tpu.memory_space<vmem>>
    %dma_start3A_1494 = arith.constant 0 : i32
    %dma_start3A_1495 = tpu.memref_slice %arg7[%dma_start3A_1488, %dma_start3A_1494] : memref<2x200xi32, #tpu.memory_space<vmem>> -> memref<1x128xi32, #tpu.memory_space<vmem>>
    %dma_start3A_1496 = tpu.memref_squeeze %dma_start3A_1495 : memref<1x128xi32, #tpu.memory_space<vmem>> -> memref<128xi32, #tpu.memory_space<vmem>>
    %dma_start3A_1497 = arith.constant 0 : i32
    %dma_start3A_1498 = arith.constant 0 : i32
    %dma_start3A_1499 = tpu.memref_slice %arg3[%dma_start3A_1497, %dma_start3A_1498] : memref<1015808x32xf32, #tpu.memory_space<hbm>> -> memref<1015808x32xf32, #tpu.memory_space<hbm>>
    tpu.enqueue_indirect_dma source(%dma_start3A_1499 : memref<1015808x32xf32, #tpu.memory_space<hbm>>) target(%dma_start3A_1493 : memref<128x32xf32, #tpu.memory_space<vmem>>) offsets(%dma_start3A_1496 : memref<128xi32, #tpu.memory_space<vmem>>) semaphore(%arg12 : memref<!tpu.dma_semaphore, #tpu.memory_space<semaphore_mem>>)
    %dma_start3A_1500 = arith.constant 1 : i32
    %dma_start3A_1501 = arith.constant 1 : i32
    %dma_start3A_1502 = arith.constant 128 : i32
    %dma_start3A_1503 = arith.constant 0 : i32
    %dma_start3A_1504 = tpu.memref_slice %arg8[%dma_start3A_1501, %dma_start3A_1502, %dma_start3A_1503] : memref<2x200x32xf32, #tpu.memory_space<vmem>> -> memref<1x72x32xf32, #tpu.memory_space<vmem>>
    %dma_start3A_1505 = tpu.memref_squeeze %dma_start3A_1504 : memref<1x72x32xf32, #tpu.memory_space<vmem>> -> memref<72x32xf32, #tpu.memory_space<vmem>>
    %dma_start3A_1506 = arith.constant 128 : i32
    %dma_start3A_1507 = tpu.memref_slice %arg7[%dma_start3A_1500, %dma_start3A_1506] : memref<2x200xi32, #tpu.memory_space<vmem>> -> memref<1x72xi32, #tpu.memory_space<vmem>>
    %dma_start3A_1508 = tpu.memref_squeeze %dma_start3A_1507 : memref<1x72xi32, #tpu.memory_space<vmem>> -> memref<72xi32, #tpu.memory_space<vmem>>
    %dma_start3A_1509 = arith.constant 0 : i32
    %dma_start3A_1510 = arith.constant 0 : i32
    %dma_start3A_1511 = tpu.memref_slice %arg3[%dma_start3A_1509, %dma_start3A_1510] : memref<1015808x32xf32, #tpu.memory_space<hbm>> -> memref<1015808x32xf32, #tpu.memory_space<hbm>>
    tpu.enqueue_indirect_dma source(%dma_start3A_1511 : memref<1015808x32xf32, #tpu.memory_space<hbm>>) target(%dma_start3A_1505 : memref<72x32xf32, #tpu.memory_space<vmem>>) offsets(%dma_start3A_1508 : memref<72xi32, #tpu.memory_space<vmem>>) semaphore(%arg12 : memref<!tpu.dma_semaphore, #tpu.memory_space<semaphore_mem>>)
    %scan3A_1512 = arith.constant -65536 : i32
    %scan3A_1513 = arith.constant 0 : i32
    %scan3A_1514 = arith.constant 128 : i32
    %scan3A_1515 = arith.addi %scan3A_1513, %scan3A_1514 : i32
    %scan3A_1516 = arith.constant 1 : i32
    scf.for %scan3A_1518 = %scan3A_1513 to %scan3A_1515 step %scan3A_1516  : i32 {
      %mul3A_1519 = arith.constant 2 : i32
      %mul3A_1520 = arith.muli %scan3A_1518, %mul3A_1519 : i32
      %add3A_1521 = arith.constant 0 : i32
      %add3A_1522 = arith.addi %add3A_1521, %mul3A_1520 : i32
      %add3A_1523 = arith.constant 0 : i32
      %add3A_1524 = arith.addi %add3A_1522, %add3A_1523 : i32
      %dma_wait3A = arith.constant 0 : i32
      %dma_wait3A_1525 = arith.constant 0 : i32
      %dma_wait3A_1526 = arith.constant 0 : i32
      %dma_wait3A_1527 = arith.constant 0 : i32
      %dma_wait3A_1528 = tpu.memref_slice %arg8[%dma_wait3A_1525, %dma_wait3A_1526, %dma_wait3A_1527] : memref<2x200x32xf32, #tpu.memory_space<vmem>> -> memref<1x128x32xf32, #tpu.memory_space<vmem>>
      %dma_wait3A_1529 = tpu.memref_squeeze %dma_wait3A_1528 : memref<1x128x32xf32, #tpu.memory_space<vmem>> -> memref<128x32xf32, #tpu.memory_space<vmem>>
      %dma_wait3A_1530 = arith.constant 0 : i32
      %dma_wait3A_1531 = tpu.memref_slice %arg7[%dma_wait3A, %dma_wait3A_1530] : memref<2x200xi32, #tpu.memory_space<vmem>> -> memref<1x128xi32, #tpu.memory_space<vmem>>
      %dma_wait3A_1532 = tpu.memref_squeeze %dma_wait3A_1531 : memref<1x128xi32, #tpu.memory_space<vmem>> -> memref<128xi32, #tpu.memory_space<vmem>>
      %dma_wait3A_1533 = arith.constant 0 : i32
      %dma_wait3A_1534 = arith.constant 0 : i32
      %dma_wait3A_1535 = tpu.memref_slice %arg3[%dma_wait3A_1533, %dma_wait3A_1534] : memref<1015808x32xf32, #tpu.memory_space<hbm>> -> memref<1015808x32xf32, #tpu.memory_space<hbm>>
      tpu.wait_indirect_dma semaphore(%arg11 : memref<!tpu.dma_semaphore, #tpu.memory_space<semaphore_mem>>) src(%dma_wait3A_1535 : memref<1015808x32xf32, #tpu.memory_space<hbm>>) dst(%dma_wait3A_1529 : memref<128x32xf32, #tpu.memory_space<vmem>>)
      %dma_wait3A_1536 = arith.constant 0 : i32
      %dma_wait3A_1537 = arith.constant 0 : i32
      %dma_wait3A_1538 = arith.constant 128 : i32
      %dma_wait3A_1539 = arith.constant 0 : i32
      %dma_wait3A_1540 = tpu.memref_slice %arg8[%dma_wait3A_1537, %dma_wait3A_1538, %dma_wait3A_1539] : memref<2x200x32xf32, #tpu.memory_space<vmem>> -> memref<1x72x32xf32, #tpu.memory_space<vmem>>
      %dma_wait3A_1541 = tpu.memref_squeeze %dma_wait3A_1540 : memref<1x72x32xf32, #tpu.memory_space<vmem>> -> memref<72x32xf32, #tpu.memory_space<vmem>>
      %dma_wait3A_1542 = arith.constant 128 : i32
      %dma_wait3A_1543 = tpu.memref_slice %arg7[%dma_wait3A_1536, %dma_wait3A_1542] : memref<2x200xi32, #tpu.memory_space<vmem>> -> memref<1x72xi32, #tpu.memory_space<vmem>>
      %dma_wait3A_1544 = tpu.memref_squeeze %dma_wait3A_1543 : memref<1x72xi32, #tpu.memory_space<vmem>> -> memref<72xi32, #tpu.memory_space<vmem>>
      %dma_wait3A_1545 = arith.constant 0 : i32
      %dma_wait3A_1546 = arith.constant 0 : i32
      %dma_wait3A_1547 = tpu.memref_slice %arg3[%dma_wait3A_1545, %dma_wait3A_1546] : memref<1015808x32xf32, #tpu.memory_space<hbm>> -> memref<1015808x32xf32, #tpu.memory_space<hbm>>
      tpu.wait_indirect_dma semaphore(%arg11 : memref<!tpu.dma_semaphore, #tpu.memory_space<semaphore_mem>>) src(%dma_wait3A_1547 : memref<1015808x32xf32, #tpu.memory_space<hbm>>) dst(%dma_wait3A_1541 : memref<72x32xf32, #tpu.memory_space<vmem>>)
      %scan3A_1548 = arith.constant 0 : i32
      %scan3A_1549 = arith.constant 24 : i32
      %scan3A_1550 = arith.addi %scan3A_1548, %scan3A_1549 : i32
      %scan3A_1551 = arith.constant 2 : i32
      %scan3A_1552:4 = scf.for %scan3A_1959 = %scan3A_1548 to %scan3A_1550 step %scan3A_1551 iter_args(%scan3A_1960 = %get3A_3, %scan3A_1961 = %get3A_5, %scan3A_1962 = %get3A_7, %scan3A_1963 = %get3A_9) -> (vector<16xf32>, vector<16xf32>, vector<16xf32>, vector<16xf32>)  : i32 {
        %mul3A_1964 = arith.constant 8 : i32
        %mul3A_1965 = arith.muli %scan3A_1959, %mul3A_1964 : i32
        %broadcast_in_dim3A_1966 = arith.constant 0.000000e+00 : bf16
        %broadcast_in_dim3A_1967 = vector.broadcast %broadcast_in_dim3A_1966 : bf16 to vector<32xbf16>
        %add3A_1968 = arith.constant 0 : i32
        %add3A_1969 = arith.addi %mul3A_1965, %add3A_1968 : i32
        %get3A_1970 = arith.constant 0 : i32
        %get3A_1971 = arith.index_cast %get3A_1970 : i32 to index
        %get3A_1972 = arith.index_cast %add3A_1969 : i32 to index
        %get3A_1973 = arith.constant 0 : index
        %get3A_1974 = tpu.vector_load %arg8[%get3A_1971, %get3A_1972, %get3A_1973] {strides = array<i32>} : memref<2x200x32xf32, #tpu.memory_space<vmem>>, vector<16xf32>,
        %bitcast3A_1975 = vector.bitcast %get3A_1974 : vector<16xf32> to vector<32xbf16>
        %add3A_1976 = arith.addf %broadcast_in_dim3A_1967, %bitcast3A_1975 : vector<32xbf16>
        %add3A_1977 = arith.constant 0 : i32
        %add3A_1978 = arith.addi %mul3A_1965, %add3A_1977 : i32
        %get3A_1979 = arith.constant 0 : i32
        %get3A_1980 = arith.index_cast %get3A_1979 : i32 to index
        %get3A_1981 = arith.index_cast %add3A_1978 : i32 to index
        %get3A_1982 = arith.constant 16 : index
        %get3A_1983 = tpu.vector_load %arg8[%get3A_1980, %get3A_1981, %get3A_1982] {strides = array<i32>} : memref<2x200x32xf32, #tpu.memory_space<vmem>>, vector<16xf32>,
        %bitcast3A_1984 = vector.bitcast %get3A_1983 : vector<16xf32> to vector<32xbf16>
        %add3A_1985 = arith.addf %broadcast_in_dim3A_1967, %bitcast3A_1984 : vector<32xbf16>
        %add3A_1986 = arith.constant 1 : i32
        %add3A_1987 = arith.addi %mul3A_1965, %add3A_1986 : i32
        %get3A_1988 = arith.constant 0 : i32
        %get3A_1989 = arith.index_cast %get3A_1988 : i32 to index
        %get3A_1990 = arith.index_cast %add3A_1987 : i32 to index
        %get3A_1991 = arith.constant 0 : index
        %get3A_1992 = tpu.vector_load %arg8[%get3A_1989, %get3A_1990, %get3A_1991] {strides = array<i32>} : memref<2x200x32xf32, #tpu.memory_space<vmem>>, vector<16xf32>,
        %bitcast3A_1993 = vector.bitcast %get3A_1992 : vector<16xf32> to vector<32xbf16>
        %add3A_1994 = arith.addf %add3A_1976, %bitcast3A_1993 : vector<32xbf16>
        %add3A_1995 = arith.constant 1 : i32
        %add3A_1996 = arith.addi %mul3A_1965, %add3A_1995 : i32
        %get3A_1997 = arith.constant 0 : i32
        %get3A_1998 = arith.index_cast %get3A_1997 : i32 to index
        %get3A_1999 = arith.index_cast %add3A_1996 : i32 to index
        %get3A_2000 = arith.constant 16 : index
        %get3A_2001 = tpu.vector_load %arg8[%get3A_1998, %get3A_1999, %get3A_2000] {strides = array<i32>} : memref<2x200x32xf32, #tpu.memory_space<vmem>>, vector<16xf32>,
        %bitcast3A_2002 = vector.bitcast %get3A_2001 : vector<16xf32> to vector<32xbf16>
        %add3A_2003 = arith.addf %add3A_1985, %bitcast3A_2002 : vector<32xbf16>
        %add3A_2004 = arith.constant 2 : i32
        %add3A_2005 = arith.addi %mul3A_1965, %add3A_2004 : i32
        %get3A_2006 = arith.constant 0 : i32
        %get3A_2007 = arith.index_cast %get3A_2006 : i32 to index
        %get3A_2008 = arith.index_cast %add3A_2005 : i32 to index
        %get3A_2009 = arith.constant 0 : index
        %get3A_2010 = tpu.vector_load %arg8[%get3A_2007, %get3A_2008, %get3A_2009] {strides = array<i32>} : memref<2x200x32xf32, #tpu.memory_space<vmem>>, vector<16xf32>,
        %bitcast3A_2011 = vector.bitcast %get3A_2010 : vector<16xf32> to vector<32xbf16>
        %add3A_2012 = arith.addf %add3A_1994, %bitcast3A_2011 : vector<32xbf16>
        %add3A_2013 = arith.constant 2 : i32
        %add3A_2014 = arith.addi %mul3A_1965, %add3A_2013 : i32
        %get3A_2015 = arith.constant 0 : i32
        %get3A_2016 = arith.index_cast %get3A_2015 : i32 to index
        %get3A_2017 = arith.index_cast %add3A_2014 : i32 to index
        %get3A_2018 = arith.constant 16 : index
        %get3A_2019 = tpu.vector_load %arg8[%get3A_2016, %get3A_2017, %get3A_2018] {strides = array<i32>} : memref<2x200x32xf32, #tpu.memory_space<vmem>>, vector<16xf32>,
        %bitcast3A_2020 = vector.bitcast %get3A_2019 : vector<16xf32> to vector<32xbf16>
        %add3A_2021 = arith.addf %add3A_2003, %bitcast3A_2020 : vector<32xbf16>
        %add3A_2022 = arith.constant 3 : i32
        %add3A_2023 = arith.addi %mul3A_1965, %add3A_2022 : i32
        %get3A_2024 = arith.constant 0 : i32
        %get3A_2025 = arith.index_cast %get3A_2024 : i32 to index
        %get3A_2026 = arith.index_cast %add3A_2023 : i32 to index
        %get3A_2027 = arith.constant 0 : index
        %get3A_2028 = tpu.vector_load %arg8[%get3A_2025, %get3A_2026, %get3A_2027] {strides = array<i32>} : memref<2x200x32xf32, #tpu.memory_space<vmem>>, vector<16xf32>,
        %bitcast3A_2029 = vector.bitcast %get3A_2028 : vector<16xf32> to vector<32xbf16>
        %add3A_2030 = arith.addf %add3A_2012, %bitcast3A_2029 : vector<32xbf16>
        %add3A_2031 = arith.constant 3 : i32
        %add3A_2032 = arith.addi %mul3A_1965, %add3A_2031 : i32
        %get3A_2033 = arith.constant 0 : i32
        %get3A_2034 = arith.index_cast %get3A_2033 : i32 to index
        %get3A_2035 = arith.index_cast %add3A_2032 : i32 to index
        %get3A_2036 = arith.constant 16 : index
        %get3A_2037 = tpu.vector_load %arg8[%get3A_2034, %get3A_2035, %get3A_2036] {strides = array<i32>} : memref<2x200x32xf32, #tpu.memory_space<vmem>>, vector<16xf32>,
        %bitcast3A_2038 = vector.bitcast %get3A_2037 : vector<16xf32> to vector<32xbf16>
        %add3A_2039 = arith.addf %add3A_2021, %bitcast3A_2038 : vector<32xbf16>
        %add3A_2040 = arith.constant 4 : i32
        %add3A_2041 = arith.addi %mul3A_1965, %add3A_2040 : i32
        %get3A_2042 = arith.constant 0 : i32
        %get3A_2043 = arith.index_cast %get3A_2042 : i32 to index
        %get3A_2044 = arith.index_cast %add3A_2041 : i32 to index
        %get3A_2045 = arith.constant 0 : index
        %get3A_2046 = tpu.vector_load %arg8[%get3A_2043, %get3A_2044, %get3A_2045] {strides = array<i32>} : memref<2x200x32xf32, #tpu.memory_space<vmem>>, vector<16xf32>,
        %bitcast3A_2047 = vector.bitcast %get3A_2046 : vector<16xf32> to vector<32xbf16>
        %add3A_2048 = arith.addf %add3A_2030, %bitcast3A_2047 : vector<32xbf16>
        %add3A_2049 = arith.constant 4 : i32
        %add3A_2050 = arith.addi %mul3A_1965, %add3A_2049 : i32
        %get3A_2051 = arith.constant 0 : i32
        %get3A_2052 = arith.index_cast %get3A_2051 : i32 to index
        %get3A_2053 = arith.index_cast %add3A_2050 : i32 to index
        %get3A_2054 = arith.constant 16 : index
        %get3A_2055 = tpu.vector_load %arg8[%get3A_2052, %get3A_2053, %get3A_2054] {strides = array<i32>} : memref<2x200x32xf32, #tpu.memory_space<vmem>>, vector<16xf32>,
        %bitcast3A_2056 = vector.bitcast %get3A_2055 : vector<16xf32> to vector<32xbf16>
        %add3A_2057 = arith.addf %add3A_2039, %bitcast3A_2056 : vector<32xbf16>
        %add3A_2058 = arith.constant 5 : i32
        %add3A_2059 = arith.addi %mul3A_1965, %add3A_2058 : i32
        %get3A_2060 = arith.constant 0 : i32
        %get3A_2061 = arith.index_cast %get3A_2060 : i32 to index
        %get3A_2062 = arith.index_cast %add3A_2059 : i32 to index
        %get3A_2063 = arith.constant 0 : index
        %get3A_2064 = tpu.vector_load %arg8[%get3A_2061, %get3A_2062, %get3A_2063] {strides = array<i32>} : memref<2x200x32xf32, #tpu.memory_space<vmem>>, vector<16xf32>,
        %bitcast3A_2065 = vector.bitcast %get3A_2064 : vector<16xf32> to vector<32xbf16>
        %add3A_2066 = arith.addf %add3A_2048, %bitcast3A_2065 : vector<32xbf16>
        %add3A_2067 = arith.constant 5 : i32
        %add3A_2068 = arith.addi %mul3A_1965, %add3A_2067 : i32
        %get3A_2069 = arith.constant 0 : i32
        %get3A_2070 = arith.index_cast %get3A_2069 : i32 to index
        %get3A_2071 = arith.index_cast %add3A_2068 : i32 to index
        %get3A_2072 = arith.constant 16 : index
        %get3A_2073 = tpu.vector_load %arg8[%get3A_2070, %get3A_2071, %get3A_2072] {strides = array<i32>} : memref<2x200x32xf32, #tpu.memory_space<vmem>>, vector<16xf32>,
        %bitcast3A_2074 = vector.bitcast %get3A_2073 : vector<16xf32> to vector<32xbf16>
        %add3A_2075 = arith.addf %add3A_2057, %bitcast3A_2074 : vector<32xbf16>
        %add3A_2076 = arith.constant 6 : i32
        %add3A_2077 = arith.addi %mul3A_1965, %add3A_2076 : i32
        %get3A_2078 = arith.constant 0 : i32
        %get3A_2079 = arith.index_cast %get3A_2078 : i32 to index
        %get3A_2080 = arith.index_cast %add3A_2077 : i32 to index
        %get3A_2081 = arith.constant 0 : index
        %get3A_2082 = tpu.vector_load %arg8[%get3A_2079, %get3A_2080, %get3A_2081] {strides = array<i32>} : memref<2x200x32xf32, #tpu.memory_space<vmem>>, vector<16xf32>,
        %bitcast3A_2083 = vector.bitcast %get3A_2082 : vector<16xf32> to vector<32xbf16>
        %add3A_2084 = arith.addf %add3A_2066, %bitcast3A_2083 : vector<32xbf16>
        %add3A_2085 = arith.constant 6 : i32
        %add3A_2086 = arith.addi %mul3A_1965, %add3A_2085 : i32
        %get3A_2087 = arith.constant 0 : i32
        %get3A_2088 = arith.index_cast %get3A_2087 : i32 to index
        %get3A_2089 = arith.index_cast %add3A_2086 : i32 to index
        %get3A_2090 = arith.constant 16 : index
        %get3A_2091 = tpu.vector_load %arg8[%get3A_2088, %get3A_2089, %get3A_2090] {strides = array<i32>} : memref<2x200x32xf32, #tpu.memory_space<vmem>>, vector<16xf32>,
        %bitcast3A_2092 = vector.bitcast %get3A_2091 : vector<16xf32> to vector<32xbf16>
        %add3A_2093 = arith.addf %add3A_2075, %bitcast3A_2092 : vector<32xbf16>
        %add3A_2094 = arith.constant 7 : i32
        %add3A_2095 = arith.addi %mul3A_1965, %add3A_2094 : i32
        %get3A_2096 = arith.constant 0 : i32
        %get3A_2097 = arith.index_cast %get3A_2096 : i32 to index
        %get3A_2098 = arith.index_cast %add3A_2095 : i32 to index
        %get3A_2099 = arith.constant 0 : index
        %get3A_2100 = tpu.vector_load %arg8[%get3A_2097, %get3A_2098, %get3A_2099] {strides = array<i32>} : memref<2x200x32xf32, #tpu.memory_space<vmem>>, vector<16xf32>,
        %bitcast3A_2101 = vector.bitcast %get3A_2100 : vector<16xf32> to vector<32xbf16>
        %add3A_2102 = arith.addf %add3A_2084, %bitcast3A_2101 : vector<32xbf16>
        %add3A_2103 = arith.constant 7 : i32
        %add3A_2104 = arith.addi %mul3A_1965, %add3A_2103 : i32
        %get3A_2105 = arith.constant 0 : i32
        %get3A_2106 = arith.index_cast %get3A_2105 : i32 to index
        %get3A_2107 = arith.index_cast %add3A_2104 : i32 to index
        %get3A_2108 = arith.constant 16 : index
        %get3A_2109 = tpu.vector_load %arg8[%get3A_2106, %get3A_2107, %get3A_2108] {strides = array<i32>} : memref<2x200x32xf32, #tpu.memory_space<vmem>>, vector<16xf32>,
        %bitcast3A_2110 = vector.bitcast %get3A_2109 : vector<16xf32> to vector<32xbf16>
        %add3A_2111 = arith.addf %add3A_2093, %bitcast3A_2110 : vector<32xbf16>
        %bitcast3A_2112 = vector.bitcast %add3A_2102 : vector<32xbf16> to vector<16xi32>
        %shift_left3A_2113 = arith.constant 16 : i32
        %shift_left3A_2114 = vector.broadcast %shift_left3A_2113 : i32 to vector<16xi32>
        %shift_left3A_2115 = arith.shli %bitcast3A_2112, %shift_left3A_2114 : vector<16xi32>
        %bitcast3A_2116 = vector.bitcast %shift_left3A_2115 : vector<16xi32> to vector<16xf32>
        %add3A_2117 = arith.addf %scan3A_1960, %bitcast3A_2116 : vector<16xf32>
        %and3A_2118 = vector.broadcast %scan3A_1512 : i32 to vector<16xi32>
        %and3A_2119 = arith.andi %bitcast3A_2112, %and3A_2118 : vector<16xi32>
        %bitcast3A_2120 = vector.bitcast %and3A_2119 : vector<16xi32> to vector<16xf32>
        %add3A_2121 = arith.addf %scan3A_1962, %bitcast3A_2120 : vector<16xf32>
        %bitcast3A_2122 = vector.bitcast %add3A_2111 : vector<32xbf16> to vector<16xi32>
        %shift_left3A_2123 = arith.constant 16 : i32
        %shift_left3A_2124 = vector.broadcast %shift_left3A_2123 : i32 to vector<16xi32>
        %shift_left3A_2125 = arith.shli %bitcast3A_2122, %shift_left3A_2124 : vector<16xi32>
        %bitcast3A_2126 = vector.bitcast %shift_left3A_2125 : vector<16xi32> to vector<16xf32>
        %add3A_2127 = arith.addf %scan3A_1961, %bitcast3A_2126 : vector<16xf32>
        %and3A_2128 = vector.broadcast %scan3A_1512 : i32 to vector<16xi32>
        %and3A_2129 = arith.andi %bitcast3A_2122, %and3A_2128 : vector<16xi32>
        %bitcast3A_2130 = vector.bitcast %and3A_2129 : vector<16xi32> to vector<16xf32>
        %add3A_2131 = arith.addf %scan3A_1963, %bitcast3A_2130 : vector<16xf32>
        %scan3A_2132 = arith.constant 1 : i32
        %scan3A_2133 = arith.addi %scan3A_1959, %scan3A_2132 : i32
        %mul3A_2134 = arith.constant 8 : i32
        %mul3A_2135 = arith.muli %scan3A_2133, %mul3A_2134 : i32
        %broadcast_in_dim3A_2136 = arith.constant 0.000000e+00 : bf16
        %broadcast_in_dim3A_2137 = vector.broadcast %broadcast_in_dim3A_2136 : bf16 to vector<32xbf16>
        %add3A_2138 = arith.constant 0 : i32
        %add3A_2139 = arith.addi %mul3A_2135, %add3A_2138 : i32
        %get3A_2140 = arith.constant 0 : i32
        %get3A_2141 = arith.index_cast %get3A_2140 : i32 to index
        %get3A_2142 = arith.index_cast %add3A_2139 : i32 to index
        %get3A_2143 = arith.constant 0 : index
        %get3A_2144 = tpu.vector_load %arg8[%get3A_2141, %get3A_2142, %get3A_2143] {strides = array<i32>} : memref<2x200x32xf32, #tpu.memory_space<vmem>>, vector<16xf32>,
        %bitcast3A_2145 = vector.bitcast %get3A_2144 : vector<16xf32> to vector<32xbf16>
        %add3A_2146 = arith.addf %broadcast_in_dim3A_2137, %bitcast3A_2145 : vector<32xbf16>
        %add3A_2147 = arith.constant 0 : i32
        %add3A_2148 = arith.addi %mul3A_2135, %add3A_2147 : i32
        %get3A_2149 = arith.constant 0 : i32
        %get3A_2150 = arith.index_cast %get3A_2149 : i32 to index
        %get3A_2151 = arith.index_cast %add3A_2148 : i32 to index
        %get3A_2152 = arith.constant 16 : index
        %get3A_2153 = tpu.vector_load %arg8[%get3A_2150, %get3A_2151, %get3A_2152] {strides = array<i32>} : memref<2x200x32xf32, #tpu.memory_space<vmem>>, vector<16xf32>,
        %bitcast3A_2154 = vector.bitcast %get3A_2153 : vector<16xf32> to vector<32xbf16>
        %add3A_2155 = arith.addf %broadcast_in_dim3A_2137, %bitcast3A_2154 : vector<32xbf16>
        %add3A_2156 = arith.constant 1 : i32
        %add3A_2157 = arith.addi %mul3A_2135, %add3A_2156 : i32
        %get3A_2158 = arith.constant 0 : i32
        %get3A_2159 = arith.index_cast %get3A_2158 : i32 to index
        %get3A_2160 = arith.index_cast %add3A_2157 : i32 to index
        %get3A_2161 = arith.constant 0 : index
        %get3A_2162 = tpu.vector_load %arg8[%get3A_2159, %get3A_2160, %get3A_2161] {strides = array<i32>} : memref<2x200x32xf32, #tpu.memory_space<vmem>>, vector<16xf32>,
        %bitcast3A_2163 = vector.bitcast %get3A_2162 : vector<16xf32> to vector<32xbf16>
        %add3A_2164 = arith.addf %add3A_2146, %bitcast3A_2163 : vector<32xbf16>
        %add3A_2165 = arith.constant 1 : i32
        %add3A_2166 = arith.addi %mul3A_2135, %add3A_2165 : i32
        %get3A_2167 = arith.constant 0 : i32
        %get3A_2168 = arith.index_cast %get3A_2167 : i32 to index
        %get3A_2169 = arith.index_cast %add3A_2166 : i32 to index
        %get3A_2170 = arith.constant 16 : index
        %get3A_2171 = tpu.vector_load %arg8[%get3A_2168, %get3A_2169, %get3A_2170] {strides = array<i32>} : memref<2x200x32xf32, #tpu.memory_space<vmem>>, vector<16xf32>,
        %bitcast3A_2172 = vector.bitcast %get3A_2171 : vector<16xf32> to vector<32xbf16>
        %add3A_2173 = arith.addf %add3A_2155, %bitcast3A_2172 : vector<32xbf16>
        %add3A_2174 = arith.constant 2 : i32
        %add3A_2175 = arith.addi %mul3A_2135, %add3A_2174 : i32
        %get3A_2176 = arith.constant 0 : i32
        %get3A_2177 = arith.index_cast %get3A_2176 : i32 to index
        %get3A_2178 = arith.index_cast %add3A_2175 : i32 to index
        %get3A_2179 = arith.constant 0 : index
        %get3A_2180 = tpu.vector_load %arg8[%get3A_2177, %get3A_2178, %get3A_2179] {strides = array<i32>} : memref<2x200x32xf32, #tpu.memory_space<vmem>>, vector<16xf32>,
        %bitcast3A_2181 = vector.bitcast %get3A_2180 : vector<16xf32> to vector<32xbf16>
        %add3A_2182 = arith.addf %add3A_2164, %bitcast3A_2181 : vector<32xbf16>
        %add3A_2183 = arith.constant 2 : i32
        %add3A_2184 = arith.addi %mul3A_2135, %add3A_2183 : i32
        %get3A_2185 = arith.constant 0 : i32
        %get3A_2186 = arith.index_cast %get3A_2185 : i32 to index
        %get3A_2187 = arith.index_cast %add3A_2184 : i32 to index
        %get3A_2188 = arith.constant 16 : index
        %get3A_2189 = tpu.vector_load %arg8[%get3A_2186, %get3A_2187, %get3A_2188] {strides = array<i32>} : memref<2x200x32xf32, #tpu.memory_space<vmem>>, vector<16xf32>,
        %bitcast3A_2190 = vector.bitcast %get3A_2189 : vector<16xf32> to vector<32xbf16>
        %add3A_2191 = arith.addf %add3A_2173, %bitcast3A_2190 : vector<32xbf16>
        %add3A_2192 = arith.constant 3 : i32
        %add3A_2193 = arith.addi %mul3A_2135, %add3A_2192 : i32
        %get3A_2194 = arith.constant 0 : i32
        %get3A_2195 = arith.index_cast %get3A_2194 : i32 to index
        %get3A_2196 = arith.index_cast %add3A_2193 : i32 to index
        %get3A_2197 = arith.constant 0 : index
        %get3A_2198 = tpu.vector_load %arg8[%get3A_2195, %get3A_2196, %get3A_2197] {strides = array<i32>} : memref<2x200x32xf32, #tpu.memory_space<vmem>>, vector<16xf32>,
        %bitcast3A_2199 = vector.bitcast %get3A_2198 : vector<16xf32> to vector<32xbf16>
        %add3A_2200 = arith.addf %add3A_2182, %bitcast3A_2199 : vector<32xbf16>
        %add3A_2201 = arith.constant 3 : i32
        %add3A_2202 = arith.addi %mul3A_2135, %add3A_2201 : i32
        %get3A_2203 = arith.constant 0 : i32
        %get3A_2204 = arith.index_cast %get3A_2203 : i32 to index
        %get3A_2205 = arith.index_cast %add3A_2202 : i32 to index
        %get3A_2206 = arith.constant 16 : index
        %get3A_2207 = tpu.vector_load %arg8[%get3A_2204, %get3A_2205, %get3A_2206] {strides = array<i32>} : memref<2x200x32xf32, #tpu.memory_space<vmem>>, vector<16xf32>,
        %bitcast3A_2208 = vector.bitcast %get3A_2207 : vector<16xf32> to vector<32xbf16>
        %add3A_2209 = arith.addf %add3A_2191, %bitcast3A_2208 : vector<32xbf16>
        %add3A_2210 = arith.constant 4 : i32
        %add3A_2211 = arith.addi %mul3A_2135, %add3A_2210 : i32
        %get3A_2212 = arith.constant 0 : i32
        %get3A_2213 = arith.index_cast %get3A_2212 : i32 to index
        %get3A_2214 = arith.index_cast %add3A_2211 : i32 to index
        %get3A_2215 = arith.constant 0 : index
        %get3A_2216 = tpu.vector_load %arg8[%get3A_2213, %get3A_2214, %get3A_2215] {strides = array<i32>} : memref<2x200x32xf32, #tpu.memory_space<vmem>>, vector<16xf32>,
        %bitcast3A_2217 = vector.bitcast %get3A_2216 : vector<16xf32> to vector<32xbf16>
        %add3A_2218 = arith.addf %add3A_2200, %bitcast3A_2217 : vector<32xbf16>
        %add3A_2219 = arith.constant 4 : i32
        %add3A_2220 = arith.addi %mul3A_2135, %add3A_2219 : i32
        %get3A_2221 = arith.constant 0 : i32
        %get3A_2222 = arith.index_cast %get3A_2221 : i32 to index
        %get3A_2223 = arith.index_cast %add3A_2220 : i32 to index
        %get3A_2224 = arith.constant 16 : index
        %get3A_2225 = tpu.vector_load %arg8[%get3A_2222, %get3A_2223, %get3A_2224] {strides = array<i32>} : memref<2x200x32xf32, #tpu.memory_space<vmem>>, vector<16xf32>,
        %bitcast3A_2226 = vector.bitcast %get3A_2225 : vector<16xf32> to vector<32xbf16>
        %add3A_2227 = arith.addf %add3A_2209, %bitcast3A_2226 : vector<32xbf16>
        %add3A_2228 = arith.constant 5 : i32
        %add3A_2229 = arith.addi %mul3A_2135, %add3A_2228 : i32
        %get3A_2230 = arith.constant 0 : i32
        %get3A_2231 = arith.index_cast %get3A_2230 : i32 to index
        %get3A_2232 = arith.index_cast %add3A_2229 : i32 to index
        %get3A_2233 = arith.constant 0 : index
        %get3A_2234 = tpu.vector_load %arg8[%get3A_2231, %get3A_2232, %get3A_2233] {strides = array<i32>} : memref<2x200x32xf32, #tpu.memory_space<vmem>>, vector<16xf32>,
        %bitcast3A_2235 = vector.bitcast %get3A_2234 : vector<16xf32> to vector<32xbf16>
        %add3A_2236 = arith.addf %add3A_2218, %bitcast3A_2235 : vector<32xbf16>
        %add3A_2237 = arith.constant 5 : i32
        %add3A_2238 = arith.addi %mul3A_2135, %add3A_2237 : i32
        %get3A_2239 = arith.constant 0 : i32
        %get3A_2240 = arith.index_cast %get3A_2239 : i32 to index
        %get3A_2241 = arith.index_cast %add3A_2238 : i32 to index
        %get3A_2242 = arith.constant 16 : index
        %get3A_2243 = tpu.vector_load %arg8[%get3A_2240, %get3A_2241, %get3A_2242] {strides = array<i32>} : memref<2x200x32xf32, #tpu.memory_space<vmem>>, vector<16xf32>,
        %bitcast3A_2244 = vector.bitcast %get3A_2243 : vector<16xf32> to vector<32xbf16>
        %add3A_2245 = arith.addf %add3A_2227, %bitcast3A_2244 : vector<32xbf16>
        %add3A_2246 = arith.constant 6 : i32
        %add3A_2247 = arith.addi %mul3A_2135, %add3A_2246 : i32
        %get3A_2248 = arith.constant 0 : i32
        %get3A_2249 = arith.index_cast %get3A_2248 : i32 to index
        %get3A_2250 = arith.index_cast %add3A_2247 : i32 to index
        %get3A_2251 = arith.constant 0 : index
        %get3A_2252 = tpu.vector_load %arg8[%get3A_2249, %get3A_2250, %get3A_2251] {strides = array<i32>} : memref<2x200x32xf32, #tpu.memory_space<vmem>>, vector<16xf32>,
        %bitcast3A_2253 = vector.bitcast %get3A_2252 : vector<16xf32> to vector<32xbf16>
        %add3A_2254 = arith.addf %add3A_2236, %bitcast3A_2253 : vector<32xbf16>
        %add3A_2255 = arith.constant 6 : i32
        %add3A_2256 = arith.addi %mul3A_2135, %add3A_2255 : i32
        %get3A_2257 = arith.constant 0 : i32
        %get3A_2258 = arith.index_cast %get3A_2257 : i32 to index
        %get3A_2259 = arith.index_cast %add3A_2256 : i32 to index
        %get3A_2260 = arith.constant 16 : index
        %get3A_2261 = tpu.vector_load %arg8[%get3A_2258, %get3A_2259, %get3A_2260] {strides = array<i32>} : memref<2x200x32xf32, #tpu.memory_space<vmem>>, vector<16xf32>,
        %bitcast3A_2262 = vector.bitcast %get3A_2261 : vector<16xf32> to vector<32xbf16>
        %add3A_2263 = arith.addf %add3A_2245, %bitcast3A_2262 : vector<32xbf16>
        %add3A_2264 = arith.constant 7 : i32
        %add3A_2265 = arith.addi %mul3A_2135, %add3A_2264 : i32
        %get3A_2266 = arith.constant 0 : i32
        %get3A_2267 = arith.index_cast %get3A_2266 : i32 to index
        %get3A_2268 = arith.index_cast %add3A_2265 : i32 to index
        %get3A_2269 = arith.constant 0 : index
        %get3A_2270 = tpu.vector_load %arg8[%get3A_2267, %get3A_2268, %get3A_2269] {strides = array<i32>} : memref<2x200x32xf32, #tpu.memory_space<vmem>>, vector<16xf32>,
        %bitcast3A_2271 = vector.bitcast %get3A_2270 : vector<16xf32> to vector<32xbf16>
        %add3A_2272 = arith.addf %add3A_2254, %bitcast3A_2271 : vector<32xbf16>
        %add3A_2273 = arith.constant 7 : i32
        %add3A_2274 = arith.addi %mul3A_2135, %add3A_2273 : i32
        %get3A_2275 = arith.constant 0 : i32
        %get3A_2276 = arith.index_cast %get3A_2275 : i32 to index
        %get3A_2277 = arith.index_cast %add3A_2274 : i32 to index
        %get3A_2278 = arith.constant 16 : index
        %get3A_2279 = tpu.vector_load %arg8[%get3A_2276, %get3A_2277, %get3A_2278] {strides = array<i32>} : memref<2x200x32xf32, #tpu.memory_space<vmem>>, vector<16xf32>,
        %bitcast3A_2280 = vector.bitcast %get3A_2279 : vector<16xf32> to vector<32xbf16>
        %add3A_2281 = arith.addf %add3A_2263, %bitcast3A_2280 : vector<32xbf16>
        %bitcast3A_2282 = vector.bitcast %add3A_2272 : vector<32xbf16> to vector<16xi32>
        %shift_left3A_2283 = arith.constant 16 : i32
        %shift_left3A_2284 = vector.broadcast %shift_left3A_2283 : i32 to vector<16xi32>
        %shift_left3A_2285 = arith.shli %bitcast3A_2282, %shift_left3A_2284 : vector<16xi32>
        %bitcast3A_2286 = vector.bitcast %shift_left3A_2285 : vector<16xi32> to vector<16xf32>
        %add3A_2287 = arith.addf %add3A_2117, %bitcast3A_2286 : vector<16xf32>
        %and3A_2288 = vector.broadcast %scan3A_1512 : i32 to vector<16xi32>
        %and3A_2289 = arith.andi %bitcast3A_2282, %and3A_2288 : vector<16xi32>
        %bitcast3A_2290 = vector.bitcast %and3A_2289 : vector<16xi32> to vector<16xf32>
        %add3A_2291 = arith.addf %add3A_2121, %bitcast3A_2290 : vector<16xf32>
        %bitcast3A_2292 = vector.bitcast %add3A_2281 : vector<32xbf16> to vector<16xi32>
        %shift_left3A_2293 = arith.constant 16 : i32
        %shift_left3A_2294 = vector.broadcast %shift_left3A_2293 : i32 to vector<16xi32>
        %shift_left3A_2295 = arith.shli %bitcast3A_2292, %shift_left3A_2294 : vector<16xi32>
        %bitcast3A_2296 = vector.bitcast %shift_left3A_2295 : vector<16xi32> to vector<16xf32>
        %add3A_2297 = arith.addf %add3A_2127, %bitcast3A_2296 : vector<16xf32>
        %and3A_2298 = vector.broadcast %scan3A_1512 : i32 to vector<16xi32>
        %and3A_2299 = arith.andi %bitcast3A_2292, %and3A_2298 : vector<16xi32>
        %bitcast3A_2300 = vector.bitcast %and3A_2299 : vector<16xi32> to vector<16xf32>
        %add3A_2301 = arith.addf %add3A_2131, %bitcast3A_2300 : vector<16xf32>
        scf.yield %add3A_2287, %add3A_2297, %add3A_2291, %add3A_2301 : vector<16xf32>, vector<16xf32>, vector<16xf32>, vector<16xf32>
      }
      %scan3A_1553 = arith.constant 24 : i32
      %scan3A_1554 = arith.addi %scan3A_1548, %scan3A_1553 : i32
      %mul3A_1555 = arith.constant 8 : i32
      %mul3A_1556 = arith.muli %scan3A_1554, %mul3A_1555 : i32
      %broadcast_in_dim3A = arith.constant 0.000000e+00 : bf16
      %broadcast_in_dim3A_1557 = vector.broadcast %broadcast_in_dim3A : bf16 to vector<32xbf16>
      %add3A_1558 = arith.constant 0 : i32
      %add3A_1559 = arith.addi %mul3A_1556, %add3A_1558 : i32
      %get3A_1560 = arith.constant 0 : i32
      %get3A_1561 = arith.index_cast %get3A_1560 : i32 to index
      %get3A_1562 = arith.index_cast %add3A_1559 : i32 to index
      %get3A_1563 = arith.constant 0 : index
      %get3A_1564 = tpu.vector_load %arg8[%get3A_1561, %get3A_1562, %get3A_1563] {strides = array<i32>} : memref<2x200x32xf32, #tpu.memory_space<vmem>>, vector<16xf32>,
      %bitcast3A = vector.bitcast %get3A_1564 : vector<16xf32> to vector<32xbf16>
      %add3A_1565 = arith.addf %broadcast_in_dim3A_1557, %bitcast3A : vector<32xbf16>
      %add3A_1566 = arith.constant 0 : i32
      %add3A_1567 = arith.addi %mul3A_1556, %add3A_1566 : i32
      %get3A_1568 = arith.constant 0 : i32
      %get3A_1569 = arith.index_cast %get3A_1568 : i32 to index
      %get3A_1570 = arith.index_cast %add3A_1567 : i32 to index
      %get3A_1571 = arith.constant 16 : index
      %get3A_1572 = tpu.vector_load %arg8[%get3A_1569, %get3A_1570, %get3A_1571] {strides = array<i32>} : memref<2x200x32xf32, #tpu.memory_space<vmem>>, vector<16xf32>,
      %bitcast3A_1573 = vector.bitcast %get3A_1572 : vector<16xf32> to vector<32xbf16>
      %add3A_1574 = arith.addf %broadcast_in_dim3A_1557, %bitcast3A_1573 : vector<32xbf16>
      %add3A_1575 = arith.constant 1 : i32
      %add3A_1576 = arith.addi %mul3A_1556, %add3A_1575 : i32
      %get3A_1577 = arith.constant 0 : i32
      %get3A_1578 = arith.index_cast %get3A_1577 : i32 to index
      %get3A_1579 = arith.index_cast %add3A_1576 : i32 to index
      %get3A_1580 = arith.constant 0 : index
      %get3A_1581 = tpu.vector_load %arg8[%get3A_1578, %get3A_1579, %get3A_1580] {strides = array<i32>} : memref<2x200x32xf32, #tpu.memory_space<vmem>>, vector<16xf32>,
      %bitcast3A_1582 = vector.bitcast %get3A_1581 : vector<16xf32> to vector<32xbf16>
      %add3A_1583 = arith.addf %add3A_1565, %bitcast3A_1582 : vector<32xbf16>
      %add3A_1584 = arith.constant 1 : i32
      %add3A_1585 = arith.addi %mul3A_1556, %add3A_1584 : i32
      %get3A_1586 = arith.constant 0 : i32
      %get3A_1587 = arith.index_cast %get3A_1586 : i32 to index
      %get3A_1588 = arith.index_cast %add3A_1585 : i32 to index
      %get3A_1589 = arith.constant 16 : index
      %get3A_1590 = tpu.vector_load %arg8[%get3A_1587, %get3A_1588, %get3A_1589] {strides = array<i32>} : memref<2x200x32xf32, #tpu.memory_space<vmem>>, vector<16xf32>,
      %bitcast3A_1591 = vector.bitcast %get3A_1590 : vector<16xf32> to vector<32xbf16>
      %add3A_1592 = arith.addf %add3A_1574, %bitcast3A_1591 : vector<32xbf16>
      %add3A_1593 = arith.constant 2 : i32
      %add3A_1594 = arith.addi %mul3A_1556, %add3A_1593 : i32
      %get3A_1595 = arith.constant 0 : i32
      %get3A_1596 = arith.index_cast %get3A_1595 : i32 to index
      %get3A_1597 = arith.index_cast %add3A_1594 : i32 to index
      %get3A_1598 = arith.constant 0 : index
      %get3A_1599 = tpu.vector_load %arg8[%get3A_1596, %get3A_1597, %get3A_1598] {strides = array<i32>} : memref<2x200x32xf32, #tpu.memory_space<vmem>>, vector<16xf32>,
      %bitcast3A_1600 = vector.bitcast %get3A_1599 : vector<16xf32> to vector<32xbf16>
      %add3A_1601 = arith.addf %add3A_1583, %bitcast3A_1600 : vector<32xbf16>
      %add3A_1602 = arith.constant 2 : i32
      %add3A_1603 = arith.addi %mul3A_1556, %add3A_1602 : i32
      %get3A_1604 = arith.constant 0 : i32
      %get3A_1605 = arith.index_cast %get3A_1604 : i32 to index
      %get3A_1606 = arith.index_cast %add3A_1603 : i32 to index
      %get3A_1607 = arith.constant 16 : index
      %get3A_1608 = tpu.vector_load %arg8[%get3A_1605, %get3A_1606, %get3A_1607] {strides = array<i32>} : memref<2x200x32xf32, #tpu.memory_space<vmem>>, vector<16xf32>,
      %bitcast3A_1609 = vector.bitcast %get3A_1608 : vector<16xf32> to vector<32xbf16>
      %add3A_1610 = arith.addf %add3A_1592, %bitcast3A_1609 : vector<32xbf16>
      %add3A_1611 = arith.constant 3 : i32
      %add3A_1612 = arith.addi %mul3A_1556, %add3A_1611 : i32
      %get3A_1613 = arith.constant 0 : i32
      %get3A_1614 = arith.index_cast %get3A_1613 : i32 to index
      %get3A_1615 = arith.index_cast %add3A_1612 : i32 to index
      %get3A_1616 = arith.constant 0 : index
      %get3A_1617 = tpu.vector_load %arg8[%get3A_1614, %get3A_1615, %get3A_1616] {strides = array<i32>} : memref<2x200x32xf32, #tpu.memory_space<vmem>>, vector<16xf32>,
      %bitcast3A_1618 = vector.bitcast %get3A_1617 : vector<16xf32> to vector<32xbf16>
      %add3A_1619 = arith.addf %add3A_1601, %bitcast3A_1618 : vector<32xbf16>
      %add3A_1620 = arith.constant 3 : i32
      %add3A_1621 = arith.addi %mul3A_1556, %add3A_1620 : i32
      %get3A_1622 = arith.constant 0 : i32
      %get3A_1623 = arith.index_cast %get3A_1622 : i32 to index
      %get3A_1624 = arith.index_cast %add3A_1621 : i32 to index
      %get3A_1625 = arith.constant 16 : index
      %get3A_1626 = tpu.vector_load %arg8[%get3A_1623, %get3A_1624, %get3A_1625] {strides = array<i32>} : memref<2x200x32xf32, #tpu.memory_space<vmem>>, vector<16xf32>,
      %bitcast3A_1627 = vector.bitcast %get3A_1626 : vector<16xf32> to vector<32xbf16>
      %add3A_1628 = arith.addf %add3A_1610, %bitcast3A_1627 : vector<32xbf16>
      %add3A_1629 = arith.constant 4 : i32
      %add3A_1630 = arith.addi %mul3A_1556, %add3A_1629 : i32
      %get3A_1631 = arith.constant 0 : i32
      %get3A_1632 = arith.index_cast %get3A_1631 : i32 to index
      %get3A_1633 = arith.index_cast %add3A_1630 : i32 to index
      %get3A_1634 = arith.constant 0 : index
      %get3A_1635 = tpu.vector_load %arg8[%get3A_1632, %get3A_1633, %get3A_1634] {strides = array<i32>} : memref<2x200x32xf32, #tpu.memory_space<vmem>>, vector<16xf32>,
      %bitcast3A_1636 = vector.bitcast %get3A_1635 : vector<16xf32> to vector<32xbf16>
      %add3A_1637 = arith.addf %add3A_1619, %bitcast3A_1636 : vector<32xbf16>
      %add3A_1638 = arith.constant 4 : i32
      %add3A_1639 = arith.addi %mul3A_1556, %add3A_1638 : i32
      %get3A_1640 = arith.constant 0 : i32
      %get3A_1641 = arith.index_cast %get3A_1640 : i32 to index
      %get3A_1642 = arith.index_cast %add3A_1639 : i32 to index
      %get3A_1643 = arith.constant 16 : index
      %get3A_1644 = tpu.vector_load %arg8[%get3A_1641, %get3A_1642, %get3A_1643] {strides = array<i32>} : memref<2x200x32xf32, #tpu.memory_space<vmem>>, vector<16xf32>,
      %bitcast3A_1645 = vector.bitcast %get3A_1644 : vector<16xf32> to vector<32xbf16>
      %add3A_1646 = arith.addf %add3A_1628, %bitcast3A_1645 : vector<32xbf16>
      %add3A_1647 = arith.constant 5 : i32
      %add3A_1648 = arith.addi %mul3A_1556, %add3A_1647 : i32
      %get3A_1649 = arith.constant 0 : i32
      %get3A_1650 = arith.index_cast %get3A_1649 : i32 to index
      %get3A_1651 = arith.index_cast %add3A_1648 : i32 to index
      %get3A_1652 = arith.constant 0 : index
      %get3A_1653 = tpu.vector_load %arg8[%get3A_1650, %get3A_1651, %get3A_1652] {strides = array<i32>} : memref<2x200x32xf32, #tpu.memory_space<vmem>>, vector<16xf32>,
      %bitcast3A_1654 = vector.bitcast %get3A_1653 : vector<16xf32> to vector<32xbf16>
      %add3A_1655 = arith.addf %add3A_1637, %bitcast3A_1654 : vector<32xbf16>
      %add3A_1656 = arith.constant 5 : i32
      %add3A_1657 = arith.addi %mul3A_1556, %add3A_1656 : i32
      %get3A_1658 = arith.constant 0 : i32
      %get3A_1659 = arith.index_cast %get3A_1658 : i32 to index
      %get3A_1660 = arith.index_cast %add3A_1657 : i32 to index
      %get3A_1661 = arith.constant 16 : index
      %get3A_1662 = tpu.vector_load %arg8[%get3A_1659, %get3A_1660, %get3A_1661] {strides = array<i32>} : memref<2x200x32xf32, #tpu.memory_space<vmem>>, vector<16xf32>,
      %bitcast3A_1663 = vector.bitcast %get3A_1662 : vector<16xf32> to vector<32xbf16>
      %add3A_1664 = arith.addf %add3A_1646, %bitcast3A_1663 : vector<32xbf16>
      %add3A_1665 = arith.constant 6 : i32
      %add3A_1666 = arith.addi %mul3A_1556, %add3A_1665 : i32
      %get3A_1667 = arith.constant 0 : i32
      %get3A_1668 = arith.index_cast %get3A_1667 : i32 to index
      %get3A_1669 = arith.index_cast %add3A_1666 : i32 to index
      %get3A_1670 = arith.constant 0 : index
      %get3A_1671 = tpu.vector_load %arg8[%get3A_1668, %get3A_1669, %get3A_1670] {strides = array<i32>} : memref<2x200x32xf32, #tpu.memory_space<vmem>>, vector<16xf32>,
      %bitcast3A_1672 = vector.bitcast %get3A_1671 : vector<16xf32> to vector<32xbf16>
      %add3A_1673 = arith.addf %add3A_1655, %bitcast3A_1672 : vector<32xbf16>
      %add3A_1674 = arith.constant 6 : i32
      %add3A_1675 = arith.addi %mul3A_1556, %add3A_1674 : i32
      %get3A_1676 = arith.constant 0 : i32
      %get3A_1677 = arith.index_cast %get3A_1676 : i32 to index
      %get3A_1678 = arith.index_cast %add3A_1675 : i32 to index
      %get3A_1679 = arith.constant 16 : index
      %get3A_1680 = tpu.vector_load %arg8[%get3A_1677, %get3A_1678, %get3A_1679] {strides = array<i32>} : memref<2x200x32xf32, #tpu.memory_space<vmem>>, vector<16xf32>,
      %bitcast3A_1681 = vector.bitcast %get3A_1680 : vector<16xf32> to vector<32xbf16>
      %add3A_1682 = arith.addf %add3A_1664, %bitcast3A_1681 : vector<32xbf16>
      %add3A_1683 = arith.constant 7 : i32
      %add3A_1684 = arith.addi %mul3A_1556, %add3A_1683 : i32
      %get3A_1685 = arith.constant 0 : i32
      %get3A_1686 = arith.index_cast %get3A_1685 : i32 to index
      %get3A_1687 = arith.index_cast %add3A_1684 : i32 to index
      %get3A_1688 = arith.constant 0 : index
      %get3A_1689 = tpu.vector_load %arg8[%get3A_1686, %get3A_1687, %get3A_1688] {strides = array<i32>} : memref<2x200x32xf32, #tpu.memory_space<vmem>>, vector<16xf32>,
      %bitcast3A_1690 = vector.bitcast %get3A_1689 : vector<16xf32> to vector<32xbf16>
      %add3A_1691 = arith.addf %add3A_1673, %bitcast3A_1690 : vector<32xbf16>
      %add3A_1692 = arith.constant 7 : i32
      %add3A_1693 = arith.addi %mul3A_1556, %add3A_1692 : i32
      %get3A_1694 = arith.constant 0 : i32
      %get3A_1695 = arith.index_cast %get3A_1694 : i32 to index
      %get3A_1696 = arith.index_cast %add3A_1693 : i32 to index
      %get3A_1697 = arith.constant 16 : index
      %get3A_1698 = tpu.vector_load %arg8[%get3A_1695, %get3A_1696, %get3A_1697] {strides = array<i32>} : memref<2x200x32xf32, #tpu.memory_space<vmem>>, vector<16xf32>,
      %bitcast3A_1699 = vector.bitcast %get3A_1698 : vector<16xf32> to vector<32xbf16>
      %add3A_1700 = arith.addf %add3A_1682, %bitcast3A_1699 : vector<32xbf16>
      %bitcast3A_1701 = vector.bitcast %add3A_1691 : vector<32xbf16> to vector<16xi32>
      %shift_left3A_1702 = arith.constant 16 : i32
      %shift_left3A_1703 = vector.broadcast %shift_left3A_1702 : i32 to vector<16xi32>
      %shift_left3A_1704 = arith.shli %bitcast3A_1701, %shift_left3A_1703 : vector<16xi32>
      %bitcast3A_1705 = vector.bitcast %shift_left3A_1704 : vector<16xi32> to vector<16xf32>
      %add3A_1706 = arith.addf %scan3A_1552#0, %bitcast3A_1705 : vector<16xf32>
      %and3A_1707 = vector.broadcast %scan3A_1512 : i32 to vector<16xi32>
      %and3A_1708 = arith.andi %bitcast3A_1701, %and3A_1707 : vector<16xi32>
      %bitcast3A_1709 = vector.bitcast %and3A_1708 : vector<16xi32> to vector<16xf32>
      %add3A_1710 = arith.addf %scan3A_1552#2, %bitcast3A_1709 : vector<16xf32>
      %bitcast3A_1711 = vector.bitcast %add3A_1700 : vector<32xbf16> to vector<16xi32>
      %shift_left3A_1712 = arith.constant 16 : i32
      %shift_left3A_1713 = vector.broadcast %shift_left3A_1712 : i32 to vector<16xi32>
      %shift_left3A_1714 = arith.shli %bitcast3A_1711, %shift_left3A_1713 : vector<16xi32>
      %bitcast3A_1715 = vector.bitcast %shift_left3A_1714 : vector<16xi32> to vector<16xf32>
      %add3A_1716 = arith.addf %scan3A_1552#1, %bitcast3A_1715 : vector<16xf32>
      %and3A_1717 = vector.broadcast %scan3A_1512 : i32 to vector<16xi32>
      %and3A_1718 = arith.andi %bitcast3A_1711, %and3A_1717 : vector<16xi32>
      %bitcast3A_1719 = vector.bitcast %and3A_1718 : vector<16xi32> to vector<16xf32>
      %add3A_1720 = arith.addf %scan3A_1552#3, %bitcast3A_1719 : vector<16xf32>
      %scan3A_1721 = arith.constant 25 : i32
      %swap3A_1722 = arith.index_cast %add3A_1524 : i32 to index
      %swap3A_1723 = arith.constant 0 : index
      %swap3A_1724 = tpu.vector_load %arg9[%swap3A_1722, %swap3A_1723] {strides = array<i32>} : memref<256x64xf32, #tpu.memory_space<vmem>>, vector<16xf32>,
      tpu.vector_store %arg9[%swap3A_1722, %swap3A_1723], %add3A_1706 {strides = array<i32>} : memref<256x64xf32, #tpu.memory_space<vmem>>, vector<16xf32>,
      %swap3A_1725 = arith.index_cast %add3A_1524 : i32 to index
      %swap3A_1726 = arith.constant 16 : index
      %swap3A_1727 = tpu.vector_load %arg9[%swap3A_1725, %swap3A_1726] {strides = array<i32>} : memref<256x64xf32, #tpu.memory_space<vmem>>, vector<16xf32>,
      tpu.vector_store %arg9[%swap3A_1725, %swap3A_1726], %add3A_1716 {strides = array<i32>} : memref<256x64xf32, #tpu.memory_space<vmem>>, vector<16xf32>,
      %swap3A_1728 = arith.index_cast %add3A_1524 : i32 to index
      %swap3A_1729 = arith.constant 32 : index
      %swap3A_1730 = tpu.vector_load %arg9[%swap3A_1728, %swap3A_1729] {strides = array<i32>} : memref<256x64xf32, #tpu.memory_space<vmem>>, vector<16xf32>,
      tpu.vector_store %arg9[%swap3A_1728, %swap3A_1729], %add3A_1710 {strides = array<i32>} : memref<256x64xf32, #tpu.memory_space<vmem>>, vector<16xf32>,
      %swap3A_1731 = arith.index_cast %add3A_1524 : i32 to index
      %swap3A_1732 = arith.constant 48 : index
      %swap3A_1733 = tpu.vector_load %arg9[%swap3A_1731, %swap3A_1732] {strides = array<i32>} : memref<256x64xf32, #tpu.memory_space<vmem>>, vector<16xf32>,
      tpu.vector_store %arg9[%swap3A_1731, %swap3A_1732], %add3A_1720 {strides = array<i32>} : memref<256x64xf32, #tpu.memory_space<vmem>>, vector<16xf32>,
      %add3A_1734 = arith.constant 2 : i32
      %add3A_1735 = arith.addi %add3A_1524, %add3A_1734 : i32
      %lt3A = arith.constant 256 : i32
      %lt3A_1736 = arith.cmpi slt, %add3A_1735, %lt3A : i32
      %convert_element_type3A = arith.extui %lt3A_1736 : i1 to i32
      %cond3A = arith.constant 0 : i32
      %cond3A_1737 = arith.cmpi ne, %convert_element_type3A, %cond3A : i32
      scf.if %cond3A_1737 {
        %add3A_1959 = arith.constant 2 : i32
        %add3A_1960 = arith.addi %add3A_1524, %add3A_1959 : i32
        %get3A_1961 = arith.index_cast %add3A_1960 : i32 to index
        %get3A_1962 = arith.constant 0 : index
        %get3A_1963 = tpu.vector_load %arg6[%get3A_1961, %get3A_1962] {strides = array<i32>} : memref<256x200xi32, #tpu.memory_space<vmem>>, vector<16xi32>,
        %not3A_1964 = arith.constant 16383 : i32
        %not3A_1965 = arith.constant -1 : i32
        %not3A_1966 = arith.xori %not3A_1964, %not3A_1965 : i32
        %and3A_1967 = vector.broadcast %not3A_1966 : i32 to vector<16xi32>
        %and3A_1968 = arith.andi %get3A_1963, %and3A_1967 : vector<16xi32>
        %and3A_1969 = arith.constant 4095 : i32
        %and3A_1970 = vector.broadcast %and3A_1969 : i32 to vector<16xi32>
        %and3A_1971 = arith.andi %get3A_1963, %and3A_1970 : vector<16xi32>
        %shift_left3A_1972 = arith.constant 2 : i32
        %shift_left3A_1973 = vector.broadcast %shift_left3A_1972 : i32 to vector<16xi32>
        %shift_left3A_1974 = arith.shli %and3A_1971, %shift_left3A_1973 : vector<16xi32>
        %or3A_1975 = arith.ori %and3A_1968, %shift_left3A_1974 : vector<16xi32>
        %shift_right_arithmetic3A_1976 = arith.constant 12 : i32
        %shift_right_arithmetic3A_1977 = vector.broadcast %shift_right_arithmetic3A_1976 : i32 to vector<16xi32>
        %shift_right_arithmetic3A_1978 = arith.shrsi %get3A_1963, %shift_right_arithmetic3A_1977 : vector<16xi32>
        %and3A_1979 = arith.constant 3 : i32
        %and3A_1980 = vector.broadcast %and3A_1979 : i32 to vector<16xi32>
        %and3A_1981 = arith.andi %shift_right_arithmetic3A_1978, %and3A_1980 : vector<16xi32>
        %or3A_1982 = arith.ori %or3A_1975, %and3A_1981 : vector<16xi32>
        %swap3A_1983 = arith.constant 0 : i32
        %swap3A_1984 = arith.index_cast %swap3A_1983 : i32 to index
        %swap3A_1985 = arith.constant 0 : index
        %swap3A_1986 = tpu.vector_load %arg7[%swap3A_1984, %swap3A_1985] {strides = array<i32>} : memref<2x200xi32, #tpu.memory_space<vmem>>, vector<16xi32>,
        tpu.vector_store %arg7[%swap3A_1984, %swap3A_1985], %or3A_1982 {strides = array<i32>} : memref<2x200xi32, #tpu.memory_space<vmem>>, vector<16xi32>,
        %get3A_1987 = arith.index_cast %add3A_1960 : i32 to index
        %get3A_1988 = arith.constant 16 : index
        %get3A_1989 = tpu.vector_load %arg6[%get3A_1987, %get3A_1988] {strides = array<i32>} : memref<256x200xi32, #tpu.memory_space<vmem>>, vector<16xi32>,
        %not3A_1990 = arith.constant 16383 : i32
        %not3A_1991 = arith.constant -1 : i32
        %not3A_1992 = arith.xori %not3A_1990, %not3A_1991 : i32
        %and3A_1993 = vector.broadcast %not3A_1992 : i32 to vector<16xi32>
        %and3A_1994 = arith.andi %get3A_1989, %and3A_1993 : vector<16xi32>
        %and3A_1995 = arith.constant 4095 : i32
        %and3A_1996 = vector.broadcast %and3A_1995 : i32 to vector<16xi32>
        %and3A_1997 = arith.andi %get3A_1989, %and3A_1996 : vector<16xi32>
        %shift_left3A_1998 = arith.constant 2 : i32
        %shift_left3A_1999 = vector.broadcast %shift_left3A_1998 : i32 to vector<16xi32>
        %shift_left3A_2000 = arith.shli %and3A_1997, %shift_left3A_1999 : vector<16xi32>
        %or3A_2001 = arith.ori %and3A_1994, %shift_left3A_2000 : vector<16xi32>
        %shift_right_arithmetic3A_2002 = arith.constant 12 : i32
        %shift_right_arithmetic3A_2003 = vector.broadcast %shift_right_arithmetic3A_2002 : i32 to vector<16xi32>
        %shift_right_arithmetic3A_2004 = arith.shrsi %get3A_1989, %shift_right_arithmetic3A_2003 : vector<16xi32>
        %and3A_2005 = arith.constant 3 : i32
        %and3A_2006 = vector.broadcast %and3A_2005 : i32 to vector<16xi32>
        %and3A_2007 = arith.andi %shift_right_arithmetic3A_2004, %and3A_2006 : vector<16xi32>
        %or3A_2008 = arith.ori %or3A_2001, %and3A_2007 : vector<16xi32>
        %swap3A_2009 = arith.constant 0 : i32
        %swap3A_2010 = arith.index_cast %swap3A_2009 : i32 to index
        %swap3A_2011 = arith.constant 16 : index
        %swap3A_2012 = tpu.vector_load %arg7[%swap3A_2010, %swap3A_2011] {strides = array<i32>} : memref<2x200xi32, #tpu.memory_space<vmem>>, vector<16xi32>,
        tpu.vector_store %arg7[%swap3A_2010, %swap3A_2011], %or3A_2008 {strides = array<i32>} : memref<2x200xi32, #tpu.memory_space<vmem>>, vector<16xi32>,
        %get3A_2013 = arith.index_cast %add3A_1960 : i32 to index
        %get3A_2014 = arith.constant 32 : index
        %get3A_2015 = tpu.vector_load %arg6[%get3A_2013, %get3A_2014] {strides = array<i32>} : memref<256x200xi32, #tpu.memory_space<vmem>>, vector<16xi32>,
        %not3A_2016 = arith.constant 16383 : i32
        %not3A_2017 = arith.constant -1 : i32
        %not3A_2018 = arith.xori %not3A_2016, %not3A_2017 : i32
        %and3A_2019 = vector.broadcast %not3A_2018 : i32 to vector<16xi32>
        %and3A_2020 = arith.andi %get3A_2015, %and3A_2019 : vector<16xi32>
        %and3A_2021 = arith.constant 4095 : i32
        %and3A_2022 = vector.broadcast %and3A_2021 : i32 to vector<16xi32>
        %and3A_2023 = arith.andi %get3A_2015, %and3A_2022 : vector<16xi32>
        %shift_left3A_2024 = arith.constant 2 : i32
        %shift_left3A_2025 = vector.broadcast %shift_left3A_2024 : i32 to vector<16xi32>
        %shift_left3A_2026 = arith.shli %and3A_2023, %shift_left3A_2025 : vector<16xi32>
        %or3A_2027 = arith.ori %and3A_2020, %shift_left3A_2026 : vector<16xi32>
        %shift_right_arithmetic3A_2028 = arith.constant 12 : i32
        %shift_right_arithmetic3A_2029 = vector.broadcast %shift_right_arithmetic3A_2028 : i32 to vector<16xi32>
        %shift_right_arithmetic3A_2030 = arith.shrsi %get3A_2015, %shift_right_arithmetic3A_2029 : vector<16xi32>
        %and3A_2031 = arith.constant 3 : i32
        %and3A_2032 = vector.broadcast %and3A_2031 : i32 to vector<16xi32>
        %and3A_2033 = arith.andi %shift_right_arithmetic3A_2030, %and3A_2032 : vector<16xi32>
        %or3A_2034 = arith.ori %or3A_2027, %and3A_2033 : vector<16xi32>
        %swap3A_2035 = arith.constant 0 : i32
        %swap3A_2036 = arith.index_cast %swap3A_2035 : i32 to index
        %swap3A_2037 = arith.constant 32 : index
        %swap3A_2038 = tpu.vector_load %arg7[%swap3A_2036, %swap3A_2037] {strides = array<i32>} : memref<2x200xi32, #tpu.memory_space<vmem>>, vector<16xi32>,
        tpu.vector_store %arg7[%swap3A_2036, %swap3A_2037], %or3A_2034 {strides = array<i32>} : memref<2x200xi32, #tpu.memory_space<vmem>>, vector<16xi32>,
        %get3A_2039 = arith.index_cast %add3A_1960 : i32 to index
        %get3A_2040 = arith.constant 48 : index
        %get3A_2041 = tpu.vector_load %arg6[%get3A_2039, %get3A_2040] {strides = array<i32>} : memref<256x200xi32, #tpu.memory_space<vmem>>, vector<16xi32>,
        %not3A_2042 = arith.constant 16383 : i32
        %not3A_2043 = arith.constant -1 : i32
        %not3A_2044 = arith.xori %not3A_2042, %not3A_2043 : i32
        %and3A_2045 = vector.broadcast %not3A_2044 : i32 to vector<16xi32>
        %and3A_2046 = arith.andi %get3A_2041, %and3A_2045 : vector<16xi32>
        %and3A_2047 = arith.constant 4095 : i32
        %and3A_2048 = vector.broadcast %and3A_2047 : i32 to vector<16xi32>
        %and3A_2049 = arith.andi %get3A_2041, %and3A_2048 : vector<16xi32>
        %shift_left3A_2050 = arith.constant 2 : i32
        %shift_left3A_2051 = vector.broadcast %shift_left3A_2050 : i32 to vector<16xi32>
        %shift_left3A_2052 = arith.shli %and3A_2049, %shift_left3A_2051 : vector<16xi32>
        %or3A_2053 = arith.ori %and3A_2046, %shift_left3A_2052 : vector<16xi32>
        %shift_right_arithmetic3A_2054 = arith.constant 12 : i32
        %shift_right_arithmetic3A_2055 = vector.broadcast %shift_right_arithmetic3A_2054 : i32 to vector<16xi32>
        %shift_right_arithmetic3A_2056 = arith.shrsi %get3A_2041, %shift_right_arithmetic3A_2055 : vector<16xi32>
        %and3A_2057 = arith.constant 3 : i32
        %and3A_2058 = vector.broadcast %and3A_2057 : i32 to vector<16xi32>
        %and3A_2059 = arith.andi %shift_right_arithmetic3A_2056, %and3A_2058 : vector<16xi32>
        %or3A_2060 = arith.ori %or3A_2053, %and3A_2059 : vector<16xi32>
        %swap3A_2061 = arith.constant 0 : i32
        %swap3A_2062 = arith.index_cast %swap3A_2061 : i32 to index
        %swap3A_2063 = arith.constant 48 : index
        %swap3A_2064 = tpu.vector_load %arg7[%swap3A_2062, %swap3A_2063] {strides = array<i32>} : memref<2x200xi32, #tpu.memory_space<vmem>>, vector<16xi32>,
        tpu.vector_store %arg7[%swap3A_2062, %swap3A_2063], %or3A_2060 {strides = array<i32>} : memref<2x200xi32, #tpu.memory_space<vmem>>, vector<16xi32>,
        %get3A_2065 = arith.index_cast %add3A_1960 : i32 to index
        %get3A_2066 = arith.constant 64 : index
        %get3A_2067 = tpu.vector_load %arg6[%get3A_2065, %get3A_2066] {strides = array<i32>} : memref<256x200xi32, #tpu.memory_space<vmem>>, vector<16xi32>,
        %not3A_2068 = arith.constant 16383 : i32
        %not3A_2069 = arith.constant -1 : i32
        %not3A_2070 = arith.xori %not3A_2068, %not3A_2069 : i32
        %and3A_2071 = vector.broadcast %not3A_2070 : i32 to vector<16xi32>
        %and3A_2072 = arith.andi %get3A_2067, %and3A_2071 : vector<16xi32>
        %and3A_2073 = arith.constant 4095 : i32
        %and3A_2074 = vector.broadcast %and3A_2073 : i32 to vector<16xi32>
        %and3A_2075 = arith.andi %get3A_2067, %and3A_2074 : vector<16xi32>
        %shift_left3A_2076 = arith.constant 2 : i32
        %shift_left3A_2077 = vector.broadcast %shift_left3A_2076 : i32 to vector<16xi32>
        %shift_left3A_2078 = arith.shli %and3A_2075, %shift_left3A_2077 : vector<16xi32>
        %or3A_2079 = arith.ori %and3A_2072, %shift_left3A_2078 : vector<16xi32>
        %shift_right_arithmetic3A_2080 = arith.constant 12 : i32
        %shift_right_arithmetic3A_2081 = vector.broadcast %shift_right_arithmetic3A_2080 : i32 to vector<16xi32>
        %shift_right_arithmetic3A_2082 = arith.shrsi %get3A_2067, %shift_right_arithmetic3A_2081 : vector<16xi32>
        %and3A_2083 = arith.constant 3 : i32
        %and3A_2084 = vector.broadcast %and3A_2083 : i32 to vector<16xi32>
        %and3A_2085 = arith.andi %shift_right_arithmetic3A_2082, %and3A_2084 : vector<16xi32>
        %or3A_2086 = arith.ori %or3A_2079, %and3A_2085 : vector<16xi32>
        %swap3A_2087 = arith.constant 0 : i32
        %swap3A_2088 = arith.index_cast %swap3A_2087 : i32 to index
        %swap3A_2089 = arith.constant 64 : index
        %swap3A_2090 = tpu.vector_load %arg7[%swap3A_2088, %swap3A_2089] {strides = array<i32>} : memref<2x200xi32, #tpu.memory_space<vmem>>, vector<16xi32>,
        tpu.vector_store %arg7[%swap3A_2088, %swap3A_2089], %or3A_2086 {strides = array<i32>} : memref<2x200xi32, #tpu.memory_space<vmem>>, vector<16xi32>,
        %get3A_2091 = arith.index_cast %add3A_1960 : i32 to index
        %get3A_2092 = arith.constant 80 : index
        %get3A_2093 = tpu.vector_load %arg6[%get3A_2091, %get3A_2092] {strides = array<i32>} : memref<256x200xi32, #tpu.memory_space<vmem>>, vector<16xi32>,
        %not3A_2094 = arith.constant 16383 : i32
        %not3A_2095 = arith.constant -1 : i32
        %not3A_2096 = arith.xori %not3A_2094, %not3A_2095 : i32
        %and3A_2097 = vector.broadcast %not3A_2096 : i32 to vector<16xi32>
        %and3A_2098 = arith.andi %get3A_2093, %and3A_2097 : vector<16xi32>
        %and3A_2099 = arith.constant 4095 : i32
        %and3A_2100 = vector.broadcast %and3A_2099 : i32 to vector<16xi32>
        %and3A_2101 = arith.andi %get3A_2093, %and3A_2100 : vector<16xi32>
        %shift_left3A_2102 = arith.constant 2 : i32
        %shift_left3A_2103 = vector.broadcast %shift_left3A_2102 : i32 to vector<16xi32>
        %shift_left3A_2104 = arith.shli %and3A_2101, %shift_left3A_2103 : vector<16xi32>
        %or3A_2105 = arith.ori %and3A_2098, %shift_left3A_2104 : vector<16xi32>
        %shift_right_arithmetic3A_2106 = arith.constant 12 : i32
        %shift_right_arithmetic3A_2107 = vector.broadcast %shift_right_arithmetic3A_2106 : i32 to vector<16xi32>
        %shift_right_arithmetic3A_2108 = arith.shrsi %get3A_2093, %shift_right_arithmetic3A_2107 : vector<16xi32>
        %and3A_2109 = arith.constant 3 : i32
        %and3A_2110 = vector.broadcast %and3A_2109 : i32 to vector<16xi32>
        %and3A_2111 = arith.andi %shift_right_arithmetic3A_2108, %and3A_2110 : vector<16xi32>
        %or3A_2112 = arith.ori %or3A_2105, %and3A_2111 : vector<16xi32>
        %swap3A_2113 = arith.constant 0 : i32
        %swap3A_2114 = arith.index_cast %swap3A_2113 : i32 to index
        %swap3A_2115 = arith.constant 80 : index
        %swap3A_2116 = tpu.vector_load %arg7[%swap3A_2114, %swap3A_2115] {strides = array<i32>} : memref<2x200xi32, #tpu.memory_space<vmem>>, vector<16xi32>,
        tpu.vector_store %arg7[%swap3A_2114, %swap3A_2115], %or3A_2112 {strides = array<i32>} : memref<2x200xi32, #tpu.memory_space<vmem>>, vector<16xi32>,
        %get3A_2117 = arith.index_cast %add3A_1960 : i32 to index
        %get3A_2118 = arith.constant 96 : index
        %get3A_2119 = tpu.vector_load %arg6[%get3A_2117, %get3A_2118] {strides = array<i32>} : memref<256x200xi32, #tpu.memory_space<vmem>>, vector<16xi32>,
        %not3A_2120 = arith.constant 16383 : i32
        %not3A_2121 = arith.constant -1 : i32
        %not3A_2122 = arith.xori %not3A_2120, %not3A_2121 : i32
        %and3A_2123 = vector.broadcast %not3A_2122 : i32 to vector<16xi32>
        %and3A_2124 = arith.andi %get3A_2119, %and3A_2123 : vector<16xi32>
        %and3A_2125 = arith.constant 4095 : i32
        %and3A_2126 = vector.broadcast %and3A_2125 : i32 to vector<16xi32>
        %and3A_2127 = arith.andi %get3A_2119, %and3A_2126 : vector<16xi32>
        %shift_left3A_2128 = arith.constant 2 : i32
        %shift_left3A_2129 = vector.broadcast %shift_left3A_2128 : i32 to vector<16xi32>
        %shift_left3A_2130 = arith.shli %and3A_2127, %shift_left3A_2129 : vector<16xi32>
        %or3A_2131 = arith.ori %and3A_2124, %shift_left3A_2130 : vector<16xi32>
        %shift_right_arithmetic3A_2132 = arith.constant 12 : i32
        %shift_right_arithmetic3A_2133 = vector.broadcast %shift_right_arithmetic3A_2132 : i32 to vector<16xi32>
        %shift_right_arithmetic3A_2134 = arith.shrsi %get3A_2119, %shift_right_arithmetic3A_2133 : vector<16xi32>
        %and3A_2135 = arith.constant 3 : i32
        %and3A_2136 = vector.broadcast %and3A_2135 : i32 to vector<16xi32>
        %and3A_2137 = arith.andi %shift_right_arithmetic3A_2134, %and3A_2136 : vector<16xi32>
        %or3A_2138 = arith.ori %or3A_2131, %and3A_2137 : vector<16xi32>
        %swap3A_2139 = arith.constant 0 : i32
        %swap3A_2140 = arith.index_cast %swap3A_2139 : i32 to index
        %swap3A_2141 = arith.constant 96 : index
        %swap3A_2142 = tpu.vector_load %arg7[%swap3A_2140, %swap3A_2141] {strides = array<i32>} : memref<2x200xi32, #tpu.memory_space<vmem>>, vector<16xi32>,
        tpu.vector_store %arg7[%swap3A_2140, %swap3A_2141], %or3A_2138 {strides = array<i32>} : memref<2x200xi32, #tpu.memory_space<vmem>>, vector<16xi32>,
        %get3A_2143 = arith.index_cast %add3A_1960 : i32 to index
        %get3A_2144 = arith.constant 112 : index
        %get3A_2145 = tpu.vector_load %arg6[%get3A_2143, %get3A_2144] {strides = array<i32>} : memref<256x200xi32, #tpu.memory_space<vmem>>, vector<16xi32>,
        %not3A_2146 = arith.constant 16383 : i32
        %not3A_2147 = arith.constant -1 : i32
        %not3A_2148 = arith.xori %not3A_2146, %not3A_2147 : i32
        %and3A_2149 = vector.broadcast %not3A_2148 : i32 to vector<16xi32>
        %and3A_2150 = arith.andi %get3A_2145, %and3A_2149 : vector<16xi32>
        %and3A_2151 = arith.constant 4095 : i32
        %and3A_2152 = vector.broadcast %and3A_2151 : i32 to vector<16xi32>
        %and3A_2153 = arith.andi %get3A_2145, %and3A_2152 : vector<16xi32>
        %shift_left3A_2154 = arith.constant 2 : i32
        %shift_left3A_2155 = vector.broadcast %shift_left3A_2154 : i32 to vector<16xi32>
        %shift_left3A_2156 = arith.shli %and3A_2153, %shift_left3A_2155 : vector<16xi32>
        %or3A_2157 = arith.ori %and3A_2150, %shift_left3A_2156 : vector<16xi32>
        %shift_right_arithmetic3A_2158 = arith.constant 12 : i32
        %shift_right_arithmetic3A_2159 = vector.broadcast %shift_right_arithmetic3A_2158 : i32 to vector<16xi32>
        %shift_right_arithmetic3A_2160 = arith.shrsi %get3A_2145, %shift_right_arithmetic3A_2159 : vector<16xi32>
        %and3A_2161 = arith.constant 3 : i32
        %and3A_2162 = vector.broadcast %and3A_2161 : i32 to vector<16xi32>
        %and3A_2163 = arith.andi %shift_right_arithmetic3A_2160, %and3A_2162 : vector<16xi32>
        %or3A_2164 = arith.ori %or3A_2157, %and3A_2163 : vector<16xi32>
        %swap3A_2165 = arith.constant 0 : i32
        %swap3A_2166 = arith.index_cast %swap3A_2165 : i32 to index
        %swap3A_2167 = arith.constant 112 : index
        %swap3A_2168 = tpu.vector_load %arg7[%swap3A_2166, %swap3A_2167] {strides = array<i32>} : memref<2x200xi32, #tpu.memory_space<vmem>>, vector<16xi32>,
        tpu.vector_store %arg7[%swap3A_2166, %swap3A_2167], %or3A_2164 {strides = array<i32>} : memref<2x200xi32, #tpu.memory_space<vmem>>, vector<16xi32>,
        %get3A_2169 = arith.index_cast %add3A_1960 : i32 to index
        %get3A_2170 = arith.constant 128 : index
        %get3A_2171 = tpu.vector_load %arg6[%get3A_2169, %get3A_2170] {strides = array<i32>} : memref<256x200xi32, #tpu.memory_space<vmem>>, vector<16xi32>,
        %not3A_2172 = arith.constant 16383 : i32
        %not3A_2173 = arith.constant -1 : i32
        %not3A_2174 = arith.xori %not3A_2172, %not3A_2173 : i32
        %and3A_2175 = vector.broadcast %not3A_2174 : i32 to vector<16xi32>
        %and3A_2176 = arith.andi %get3A_2171, %and3A_2175 : vector<16xi32>
        %and3A_2177 = arith.constant 4095 : i32
        %and3A_2178 = vector.broadcast %and3A_2177 : i32 to vector<16xi32>
        %and3A_2179 = arith.andi %get3A_2171, %and3A_2178 : vector<16xi32>
        %shift_left3A_2180 = arith.constant 2 : i32
        %shift_left3A_2181 = vector.broadcast %shift_left3A_2180 : i32 to vector<16xi32>
        %shift_left3A_2182 = arith.shli %and3A_2179, %shift_left3A_2181 : vector<16xi32>
        %or3A_2183 = arith.ori %and3A_2176, %shift_left3A_2182 : vector<16xi32>
        %shift_right_arithmetic3A_2184 = arith.constant 12 : i32
        %shift_right_arithmetic3A_2185 = vector.broadcast %shift_right_arithmetic3A_2184 : i32 to vector<16xi32>
        %shift_right_arithmetic3A_2186 = arith.shrsi %get3A_2171, %shift_right_arithmetic3A_2185 : vector<16xi32>
        %and3A_2187 = arith.constant 3 : i32
        %and3A_2188 = vector.broadcast %and3A_2187 : i32 to vector<16xi32>
        %and3A_2189 = arith.andi %shift_right_arithmetic3A_2186, %and3A_2188 : vector<16xi32>
        %or3A_2190 = arith.ori %or3A_2183, %and3A_2189 : vector<16xi32>
        %swap3A_2191 = arith.constant 0 : i32
        %swap3A_2192 = arith.index_cast %swap3A_2191 : i32 to index
        %swap3A_2193 = arith.constant 128 : index
        %swap3A_2194 = tpu.vector_load %arg7[%swap3A_2192, %swap3A_2193] {strides = array<i32>} : memref<2x200xi32, #tpu.memory_space<vmem>>, vector<16xi32>,
        tpu.vector_store %arg7[%swap3A_2192, %swap3A_2193], %or3A_2190 {strides = array<i32>} : memref<2x200xi32, #tpu.memory_space<vmem>>, vector<16xi32>,
        %get3A_2195 = arith.index_cast %add3A_1960 : i32 to index
        %get3A_2196 = arith.constant 144 : index
        %get3A_2197 = tpu.vector_load %arg6[%get3A_2195, %get3A_2196] {strides = array<i32>} : memref<256x200xi32, #tpu.memory_space<vmem>>, vector<16xi32>,
        %not3A_2198 = arith.constant 16383 : i32
        %not3A_2199 = arith.constant -1 : i32
        %not3A_2200 = arith.xori %not3A_2198, %not3A_2199 : i32
        %and3A_2201 = vector.broadcast %not3A_2200 : i32 to vector<16xi32>
        %and3A_2202 = arith.andi %get3A_2197, %and3A_2201 : vector<16xi32>
        %and3A_2203 = arith.constant 4095 : i32
        %and3A_2204 = vector.broadcast %and3A_2203 : i32 to vector<16xi32>
        %and3A_2205 = arith.andi %get3A_2197, %and3A_2204 : vector<16xi32>
        %shift_left3A_2206 = arith.constant 2 : i32
        %shift_left3A_2207 = vector.broadcast %shift_left3A_2206 : i32 to vector<16xi32>
        %shift_left3A_2208 = arith.shli %and3A_2205, %shift_left3A_2207 : vector<16xi32>
        %or3A_2209 = arith.ori %and3A_2202, %shift_left3A_2208 : vector<16xi32>
        %shift_right_arithmetic3A_2210 = arith.constant 12 : i32
        %shift_right_arithmetic3A_2211 = vector.broadcast %shift_right_arithmetic3A_2210 : i32 to vector<16xi32>
        %shift_right_arithmetic3A_2212 = arith.shrsi %get3A_2197, %shift_right_arithmetic3A_2211 : vector<16xi32>
        %and3A_2213 = arith.constant 3 : i32
        %and3A_2214 = vector.broadcast %and3A_2213 : i32 to vector<16xi32>
        %and3A_2215 = arith.andi %shift_right_arithmetic3A_2212, %and3A_2214 : vector<16xi32>
        %or3A_2216 = arith.ori %or3A_2209, %and3A_2215 : vector<16xi32>
        %swap3A_2217 = arith.constant 0 : i32
        %swap3A_2218 = arith.index_cast %swap3A_2217 : i32 to index
        %swap3A_2219 = arith.constant 144 : index
        %swap3A_2220 = tpu.vector_load %arg7[%swap3A_2218, %swap3A_2219] {strides = array<i32>} : memref<2x200xi32, #tpu.memory_space<vmem>>, vector<16xi32>,
        tpu.vector_store %arg7[%swap3A_2218, %swap3A_2219], %or3A_2216 {strides = array<i32>} : memref<2x200xi32, #tpu.memory_space<vmem>>, vector<16xi32>,
        %get3A_2221 = arith.index_cast %add3A_1960 : i32 to index
        %get3A_2222 = arith.constant 160 : index
        %get3A_2223 = tpu.vector_load %arg6[%get3A_2221, %get3A_2222] {strides = array<i32>} : memref<256x200xi32, #tpu.memory_space<vmem>>, vector<16xi32>,
        %not3A_2224 = arith.constant 16383 : i32
        %not3A_2225 = arith.constant -1 : i32
        %not3A_2226 = arith.xori %not3A_2224, %not3A_2225 : i32
        %and3A_2227 = vector.broadcast %not3A_2226 : i32 to vector<16xi32>
        %and3A_2228 = arith.andi %get3A_2223, %and3A_2227 : vector<16xi32>
        %and3A_2229 = arith.constant 4095 : i32
        %and3A_2230 = vector.broadcast %and3A_2229 : i32 to vector<16xi32>
        %and3A_2231 = arith.andi %get3A_2223, %and3A_2230 : vector<16xi32>
        %shift_left3A_2232 = arith.constant 2 : i32
        %shift_left3A_2233 = vector.broadcast %shift_left3A_2232 : i32 to vector<16xi32>
        %shift_left3A_2234 = arith.shli %and3A_2231, %shift_left3A_2233 : vector<16xi32>
        %or3A_2235 = arith.ori %and3A_2228, %shift_left3A_2234 : vector<16xi32>
        %shift_right_arithmetic3A_2236 = arith.constant 12 : i32
        %shift_right_arithmetic3A_2237 = vector.broadcast %shift_right_arithmetic3A_2236 : i32 to vector<16xi32>
        %shift_right_arithmetic3A_2238 = arith.shrsi %get3A_2223, %shift_right_arithmetic3A_2237 : vector<16xi32>
        %and3A_2239 = arith.constant 3 : i32
        %and3A_2240 = vector.broadcast %and3A_2239 : i32 to vector<16xi32>
        %and3A_2241 = arith.andi %shift_right_arithmetic3A_2238, %and3A_2240 : vector<16xi32>
        %or3A_2242 = arith.ori %or3A_2235, %and3A_2241 : vector<16xi32>
        %swap3A_2243 = arith.constant 0 : i32
        %swap3A_2244 = arith.index_cast %swap3A_2243 : i32 to index
        %swap3A_2245 = arith.constant 160 : index
        %swap3A_2246 = tpu.vector_load %arg7[%swap3A_2244, %swap3A_2245] {strides = array<i32>} : memref<2x200xi32, #tpu.memory_space<vmem>>, vector<16xi32>,
        tpu.vector_store %arg7[%swap3A_2244, %swap3A_2245], %or3A_2242 {strides = array<i32>} : memref<2x200xi32, #tpu.memory_space<vmem>>, vector<16xi32>,
        %get3A_2247 = arith.index_cast %add3A_1960 : i32 to index
        %get3A_2248 = arith.constant 176 : index
        %get3A_2249 = tpu.vector_load %arg6[%get3A_2247, %get3A_2248] {strides = array<i32>} : memref<256x200xi32, #tpu.memory_space<vmem>>, vector<16xi32>,
        %not3A_2250 = arith.constant 16383 : i32
        %not3A_2251 = arith.constant -1 : i32
        %not3A_2252 = arith.xori %not3A_2250, %not3A_2251 : i32
        %and3A_2253 = vector.broadcast %not3A_2252 : i32 to vector<16xi32>
        %and3A_2254 = arith.andi %get3A_2249, %and3A_2253 : vector<16xi32>
        %and3A_2255 = arith.constant 4095 : i32
        %and3A_2256 = vector.broadcast %and3A_2255 : i32 to vector<16xi32>
        %and3A_2257 = arith.andi %get3A_2249, %and3A_2256 : vector<16xi32>
        %shift_left3A_2258 = arith.constant 2 : i32
        %shift_left3A_2259 = vector.broadcast %shift_left3A_2258 : i32 to vector<16xi32>
        %shift_left3A_2260 = arith.shli %and3A_2257, %shift_left3A_2259 : vector<16xi32>
        %or3A_2261 = arith.ori %and3A_2254, %shift_left3A_2260 : vector<16xi32>
        %shift_right_arithmetic3A_2262 = arith.constant 12 : i32
        %shift_right_arithmetic3A_2263 = vector.broadcast %shift_right_arithmetic3A_2262 : i32 to vector<16xi32>
        %shift_right_arithmetic3A_2264 = arith.shrsi %get3A_2249, %shift_right_arithmetic3A_2263 : vector<16xi32>
        %and3A_2265 = arith.constant 3 : i32
        %and3A_2266 = vector.broadcast %and3A_2265 : i32 to vector<16xi32>
        %and3A_2267 = arith.andi %shift_right_arithmetic3A_2264, %and3A_2266 : vector<16xi32>
        %or3A_2268 = arith.ori %or3A_2261, %and3A_2267 : vector<16xi32>
        %swap3A_2269 = arith.constant 0 : i32
        %swap3A_2270 = arith.index_cast %swap3A_2269 : i32 to index
        %swap3A_2271 = arith.constant 176 : index
        %swap3A_2272 = tpu.vector_load %arg7[%swap3A_2270, %swap3A_2271] {strides = array<i32>} : memref<2x200xi32, #tpu.memory_space<vmem>>, vector<16xi32>,
        tpu.vector_store %arg7[%swap3A_2270, %swap3A_2271], %or3A_2268 {strides = array<i32>} : memref<2x200xi32, #tpu.memory_space<vmem>>, vector<16xi32>,
        %get3A_2273 = arith.index_cast %add3A_1960 : i32 to index
        %get3A_2274 = arith.constant 184 : index
        %get3A_2275 = tpu.vector_load %arg6[%get3A_2273, %get3A_2274] {strides = array<i32>} : memref<256x200xi32, #tpu.memory_space<vmem>>, vector<16xi32>,
        %not3A_2276 = arith.constant 16383 : i32
        %not3A_2277 = arith.constant -1 : i32
        %not3A_2278 = arith.xori %not3A_2276, %not3A_2277 : i32
        %and3A_2279 = vector.broadcast %not3A_2278 : i32 to vector<16xi32>
        %and3A_2280 = arith.andi %get3A_2275, %and3A_2279 : vector<16xi32>
        %and3A_2281 = arith.constant 4095 : i32
        %and3A_2282 = vector.broadcast %and3A_2281 : i32 to vector<16xi32>
        %and3A_2283 = arith.andi %get3A_2275, %and3A_2282 : vector<16xi32>
        %shift_left3A_2284 = arith.constant 2 : i32
        %shift_left3A_2285 = vector.broadcast %shift_left3A_2284 : i32 to vector<16xi32>
        %shift_left3A_2286 = arith.shli %and3A_2283, %shift_left3A_2285 : vector<16xi32>
        %or3A_2287 = arith.ori %and3A_2280, %shift_left3A_2286 : vector<16xi32>
        %shift_right_arithmetic3A_2288 = arith.constant 12 : i32
        %shift_right_arithmetic3A_2289 = vector.broadcast %shift_right_arithmetic3A_2288 : i32 to vector<16xi32>
        %shift_right_arithmetic3A_2290 = arith.shrsi %get3A_2275, %shift_right_arithmetic3A_2289 : vector<16xi32>
        %and3A_2291 = arith.constant 3 : i32
        %and3A_2292 = vector.broadcast %and3A_2291 : i32 to vector<16xi32>
        %and3A_2293 = arith.andi %shift_right_arithmetic3A_2290, %and3A_2292 : vector<16xi32>
        %or3A_2294 = arith.ori %or3A_2287, %and3A_2293 : vector<16xi32>
        %swap3A_2295 = arith.constant 0 : i32
        %swap3A_2296 = arith.index_cast %swap3A_2295 : i32 to index
        %swap3A_2297 = arith.constant 184 : index
        %swap3A_2298 = tpu.vector_load %arg7[%swap3A_2296, %swap3A_2297] {strides = array<i32>} : memref<2x200xi32, #tpu.memory_space<vmem>>, vector<16xi32>,
        tpu.vector_store %arg7[%swap3A_2296, %swap3A_2297], %or3A_2294 {strides = array<i32>} : memref<2x200xi32, #tpu.memory_space<vmem>>, vector<16xi32>,
        %dma_start3A_2299 = arith.constant 0 : i32
        %dma_start3A_2300 = arith.constant 0 : i32
        %dma_start3A_2301 = arith.constant 0 : i32
        %dma_start3A_2302 = arith.constant 0 : i32
        %dma_start3A_2303 = tpu.memref_slice %arg8[%dma_start3A_2300, %dma_start3A_2301, %dma_start3A_2302] : memref<2x200x32xf32, #tpu.memory_space<vmem>> -> memref<1x128x32xf32, #tpu.memory_space<vmem>>
        %dma_start3A_2304 = tpu.memref_squeeze %dma_start3A_2303 : memref<1x128x32xf32, #tpu.memory_space<vmem>> -> memref<128x32xf32, #tpu.memory_space<vmem>>
        %dma_start3A_2305 = arith.constant 0 : i32
        %dma_start3A_2306 = tpu.memref_slice %arg7[%dma_start3A_2299, %dma_start3A_2305] : memref<2x200xi32, #tpu.memory_space<vmem>> -> memref<1x128xi32, #tpu.memory_space<vmem>>
        %dma_start3A_2307 = tpu.memref_squeeze %dma_start3A_2306 : memref<1x128xi32, #tpu.memory_space<vmem>> -> memref<128xi32, #tpu.memory_space<vmem>>
        %dma_start3A_2308 = arith.constant 0 : i32
        %dma_start3A_2309 = arith.constant 0 : i32
        %dma_start3A_2310 = tpu.memref_slice %arg3[%dma_start3A_2308, %dma_start3A_2309] : memref<1015808x32xf32, #tpu.memory_space<hbm>> -> memref<1015808x32xf32, #tpu.memory_space<hbm>>
        tpu.enqueue_indirect_dma source(%dma_start3A_2310 : memref<1015808x32xf32, #tpu.memory_space<hbm>>) target(%dma_start3A_2304 : memref<128x32xf32, #tpu.memory_space<vmem>>) offsets(%dma_start3A_2307 : memref<128xi32, #tpu.memory_space<vmem>>) semaphore(%arg11 : memref<!tpu.dma_semaphore, #tpu.memory_space<semaphore_mem>>)
        %dma_start3A_2311 = arith.constant 0 : i32
        %dma_start3A_2312 = arith.constant 0 : i32
        %dma_start3A_2313 = arith.constant 128 : i32
        %dma_start3A_2314 = arith.constant 0 : i32
        %dma_start3A_2315 = tpu.memref_slice %arg8[%dma_start3A_2312, %dma_start3A_2313, %dma_start3A_2314] : memref<2x200x32xf32, #tpu.memory_space<vmem>> -> memref<1x72x32xf32, #tpu.memory_space<vmem>>
        %dma_start3A_2316 = tpu.memref_squeeze %dma_start3A_2315 : memref<1x72x32xf32, #tpu.memory_space<vmem>> -> memref<72x32xf32, #tpu.memory_space<vmem>>
        %dma_start3A_2317 = arith.constant 128 : i32
        %dma_start3A_2318 = tpu.memref_slice %arg7[%dma_start3A_2311, %dma_start3A_2317] : memref<2x200xi32, #tpu.memory_space<vmem>> -> memref<1x72xi32, #tpu.memory_space<vmem>>
        %dma_start3A_2319 = tpu.memref_squeeze %dma_start3A_2318 : memref<1x72xi32, #tpu.memory_space<vmem>> -> memref<72xi32, #tpu.memory_space<vmem>>
        %dma_start3A_2320 = arith.constant 0 : i32
        %dma_start3A_2321 = arith.constant 0 : i32
        %dma_start3A_2322 = tpu.memref_slice %arg3[%dma_start3A_2320, %dma_start3A_2321] : memref<1015808x32xf32, #tpu.memory_space<hbm>> -> memref<1015808x32xf32, #tpu.memory_space<hbm>>
        tpu.enqueue_indirect_dma source(%dma_start3A_2322 : memref<1015808x32xf32, #tpu.memory_space<hbm>>) target(%dma_start3A_2316 : memref<72x32xf32, #tpu.memory_space<vmem>>) offsets(%dma_start3A_2319 : memref<72xi32, #tpu.memory_space<vmem>>) semaphore(%arg11 : memref<!tpu.dma_semaphore, #tpu.memory_space<semaphore_mem>>)
      } else {
      }
      %add3A_1738 = arith.constant 1 : i32
      %add3A_1739 = arith.addi %add3A_1522, %add3A_1738 : i32
      %dma_wait3A_1740 = arith.constant 1 : i32
      %dma_wait3A_1741 = arith.constant 1 : i32
      %dma_wait3A_1742 = arith.constant 0 : i32
      %dma_wait3A_1743 = arith.constant 0 : i32
      %dma_wait3A_1744 = tpu.memref_slice %arg8[%dma_wait3A_1741, %dma_wait3A_1742, %dma_wait3A_1743] : memref<2x200x32xf32, #tpu.memory_space<vmem>> -> memref<1x128x32xf32, #tpu.memory_space<vmem>>
      %dma_wait3A_1745 = tpu.memref_squeeze %dma_wait3A_1744 : memref<1x128x32xf32, #tpu.memory_space<vmem>> -> memref<128x32xf32, #tpu.memory_space<vmem>>
      %dma_wait3A_1746 = arith.constant 0 : i32
      %dma_wait3A_1747 = tpu.memref_slice %arg7[%dma_wait3A_1740, %dma_wait3A_1746] : memref<2x200xi32, #tpu.memory_space<vmem>> -> memref<1x128xi32, #tpu.memory_space<vmem>>
      %dma_wait3A_1748 = tpu.memref_squeeze %dma_wait3A_1747 : memref<1x128xi32, #tpu.memory_space<vmem>> -> memref<128xi32, #tpu.memory_space<vmem>>
      %dma_wait3A_1749 = arith.constant 0 : i32
      %dma_wait3A_1750 = arith.constant 0 : i32
      %dma_wait3A_1751 = tpu.memref_slice %arg3[%dma_wait3A_1749, %dma_wait3A_1750] : memref<1015808x32xf32, #tpu.memory_space<hbm>> -> memref<1015808x32xf32, #tpu.memory_space<hbm>>
      tpu.wait_indirect_dma semaphore(%arg12 : memref<!tpu.dma_semaphore, #tpu.memory_space<semaphore_mem>>) src(%dma_wait3A_1751 : memref<1015808x32xf32, #tpu.memory_space<hbm>>) dst(%dma_wait3A_1745 : memref<128x32xf32, #tpu.memory_space<vmem>>)
      %dma_wait3A_1752 = arith.constant 1 : i32
      %dma_wait3A_1753 = arith.constant 1 : i32
      %dma_wait3A_1754 = arith.constant 128 : i32
      %dma_wait3A_1755 = arith.constant 0 : i32
      %dma_wait3A_1756 = tpu.memref_slice %arg8[%dma_wait3A_1753, %dma_wait3A_1754, %dma_wait3A_1755] : memref<2x200x32xf32, #tpu.memory_space<vmem>> -> memref<1x72x32xf32, #tpu.memory_space<vmem>>
      %dma_wait3A_1757 = tpu.memref_squeeze %dma_wait3A_1756 : memref<1x72x32xf32, #tpu.memory_space<vmem>> -> memref<72x32xf32, #tpu.memory_space<vmem>>
      %dma_wait3A_1758 = arith.constant 128 : i32
      %dma_wait3A_1759 = tpu.memref_slice %arg7[%dma_wait3A_1752, %dma_wait3A_1758] : memref<2x200xi32, #tpu.memory_space<vmem>> -> memref<1x72xi32, #tpu.memory_space<vmem>>
      %dma_wait3A_1760 = tpu.memref_squeeze %dma_wait3A_1759 : memref<1x72xi32, #tpu.memory_space<vmem>> -> memref<72xi32, #tpu.memory_space<vmem>>
      %dma_wait3A_1761 = arith.constant 0 : i32
      %dma_wait3A_1762 = arith.constant 0 : i32
      %dma_wait3A_1763 = tpu.memref_slice %arg3[%dma_wait3A_1761, %dma_wait3A_1762] : memref<1015808x32xf32, #tpu.memory_space<hbm>> -> memref<1015808x32xf32, #tpu.memory_space<hbm>>
      tpu.wait_indirect_dma semaphore(%arg12 : memref<!tpu.dma_semaphore, #tpu.memory_space<semaphore_mem>>) src(%dma_wait3A_1763 : memref<1015808x32xf32, #tpu.memory_space<hbm>>) dst(%dma_wait3A_1757 : memref<72x32xf32, #tpu.memory_space<vmem>>)
      %scan3A_1764 = arith.constant 0 : i32
      %scan3A_1765 = arith.constant 24 : i32
      %scan3A_1766 = arith.addi %scan3A_1764, %scan3A_1765 : i32
      %scan3A_1767 = arith.constant 2 : i32
      %scan3A_1768:4 = scf.for %scan3A_1959 = %scan3A_1764 to %scan3A_1766 step %scan3A_1767 iter_args(%scan3A_1960 = %get3A_3, %scan3A_1961 = %get3A_5, %scan3A_1962 = %get3A_7, %scan3A_1963 = %get3A_9) -> (vector<16xf32>, vector<16xf32>, vector<16xf32>, vector<16xf32>)  : i32 {
        %mul3A_1964 = arith.constant 8 : i32
        %mul3A_1965 = arith.muli %scan3A_1959, %mul3A_1964 : i32
        %broadcast_in_dim3A_1966 = arith.constant 0.000000e+00 : bf16
        %broadcast_in_dim3A_1967 = vector.broadcast %broadcast_in_dim3A_1966 : bf16 to vector<32xbf16>
        %add3A_1968 = arith.constant 0 : i32
        %add3A_1969 = arith.addi %mul3A_1965, %add3A_1968 : i32
        %get3A_1970 = arith.constant 1 : i32
        %get3A_1971 = arith.index_cast %get3A_1970 : i32 to index
        %get3A_1972 = arith.index_cast %add3A_1969 : i32 to index
        %get3A_1973 = arith.constant 0 : index
        %get3A_1974 = tpu.vector_load %arg8[%get3A_1971, %get3A_1972, %get3A_1973] {strides = array<i32>} : memref<2x200x32xf32, #tpu.memory_space<vmem>>, vector<16xf32>,
        %bitcast3A_1975 = vector.bitcast %get3A_1974 : vector<16xf32> to vector<32xbf16>
        %add3A_1976 = arith.addf %broadcast_in_dim3A_1967, %bitcast3A_1975 : vector<32xbf16>
        %add3A_1977 = arith.constant 0 : i32
        %add3A_1978 = arith.addi %mul3A_1965, %add3A_1977 : i32
        %get3A_1979 = arith.constant 1 : i32
        %get3A_1980 = arith.index_cast %get3A_1979 : i32 to index
        %get3A_1981 = arith.index_cast %add3A_1978 : i32 to index
        %get3A_1982 = arith.constant 16 : index
        %get3A_1983 = tpu.vector_load %arg8[%get3A_1980, %get3A_1981, %get3A_1982] {strides = array<i32>} : memref<2x200x32xf32, #tpu.memory_space<vmem>>, vector<16xf32>,
        %bitcast3A_1984 = vector.bitcast %get3A_1983 : vector<16xf32> to vector<32xbf16>
        %add3A_1985 = arith.addf %broadcast_in_dim3A_1967, %bitcast3A_1984 : vector<32xbf16>
        %add3A_1986 = arith.constant 1 : i32
        %add3A_1987 = arith.addi %mul3A_1965, %add3A_1986 : i32
        %get3A_1988 = arith.constant 1 : i32
        %get3A_1989 = arith.index_cast %get3A_1988 : i32 to index
        %get3A_1990 = arith.index_cast %add3A_1987 : i32 to index
        %get3A_1991 = arith.constant 0 : index
        %get3A_1992 = tpu.vector_load %arg8[%get3A_1989, %get3A_1990, %get3A_1991] {strides = array<i32>} : memref<2x200x32xf32, #tpu.memory_space<vmem>>, vector<16xf32>,
        %bitcast3A_1993 = vector.bitcast %get3A_1992 : vector<16xf32> to vector<32xbf16>
        %add3A_1994 = arith.addf %add3A_1976, %bitcast3A_1993 : vector<32xbf16>
        %add3A_1995 = arith.constant 1 : i32
        %add3A_1996 = arith.addi %mul3A_1965, %add3A_1995 : i32
        %get3A_1997 = arith.constant 1 : i32
        %get3A_1998 = arith.index_cast %get3A_1997 : i32 to index
        %get3A_1999 = arith.index_cast %add3A_1996 : i32 to index
        %get3A_2000 = arith.constant 16 : index
        %get3A_2001 = tpu.vector_load %arg8[%get3A_1998, %get3A_1999, %get3A_2000] {strides = array<i32>} : memref<2x200x32xf32, #tpu.memory_space<vmem>>, vector<16xf32>,
        %bitcast3A_2002 = vector.bitcast %get3A_2001 : vector<16xf32> to vector<32xbf16>
        %add3A_2003 = arith.addf %add3A_1985, %bitcast3A_2002 : vector<32xbf16>
        %add3A_2004 = arith.constant 2 : i32
        %add3A_2005 = arith.addi %mul3A_1965, %add3A_2004 : i32
        %get3A_2006 = arith.constant 1 : i32
        %get3A_2007 = arith.index_cast %get3A_2006 : i32 to index
        %get3A_2008 = arith.index_cast %add3A_2005 : i32 to index
        %get3A_2009 = arith.constant 0 : index
        %get3A_2010 = tpu.vector_load %arg8[%get3A_2007, %get3A_2008, %get3A_2009] {strides = array<i32>} : memref<2x200x32xf32, #tpu.memory_space<vmem>>, vector<16xf32>,
        %bitcast3A_2011 = vector.bitcast %get3A_2010 : vector<16xf32> to vector<32xbf16>
        %add3A_2012 = arith.addf %add3A_1994, %bitcast3A_2011 : vector<32xbf16>
        %add3A_2013 = arith.constant 2 : i32
        %add3A_2014 = arith.addi %mul3A_1965, %add3A_2013 : i32
        %get3A_2015 = arith.constant 1 : i32
        %get3A_2016 = arith.index_cast %get3A_2015 : i32 to index
        %get3A_2017 = arith.index_cast %add3A_2014 : i32 to index
        %get3A_2018 = arith.constant 16 : index
        %get3A_2019 = tpu.vector_load %arg8[%get3A_2016, %get3A_2017, %get3A_2018] {strides = array<i32>} : memref<2x200x32xf32, #tpu.memory_space<vmem>>, vector<16xf32>,
        %bitcast3A_2020 = vector.bitcast %get3A_2019 : vector<16xf32> to vector<32xbf16>
        %add3A_2021 = arith.addf %add3A_2003, %bitcast3A_2020 : vector<32xbf16>
        %add3A_2022 = arith.constant 3 : i32
        %add3A_2023 = arith.addi %mul3A_1965, %add3A_2022 : i32
        %get3A_2024 = arith.constant 1 : i32
        %get3A_2025 = arith.index_cast %get3A_2024 : i32 to index
        %get3A_2026 = arith.index_cast %add3A_2023 : i32 to index
        %get3A_2027 = arith.constant 0 : index
        %get3A_2028 = tpu.vector_load %arg8[%get3A_2025, %get3A_2026, %get3A_2027] {strides = array<i32>} : memref<2x200x32xf32, #tpu.memory_space<vmem>>, vector<16xf32>,
        %bitcast3A_2029 = vector.bitcast %get3A_2028 : vector<16xf32> to vector<32xbf16>
        %add3A_2030 = arith.addf %add3A_2012, %bitcast3A_2029 : vector<32xbf16>
        %add3A_2031 = arith.constant 3 : i32
        %add3A_2032 = arith.addi %mul3A_1965, %add3A_2031 : i32
        %get3A_2033 = arith.constant 1 : i32
        %get3A_2034 = arith.index_cast %get3A_2033 : i32 to index
        %get3A_2035 = arith.index_cast %add3A_2032 : i32 to index
        %get3A_2036 = arith.constant 16 : index
        %get3A_2037 = tpu.vector_load %arg8[%get3A_2034, %get3A_2035, %get3A_2036] {strides = array<i32>} : memref<2x200x32xf32, #tpu.memory_space<vmem>>, vector<16xf32>,
        %bitcast3A_2038 = vector.bitcast %get3A_2037 : vector<16xf32> to vector<32xbf16>
        %add3A_2039 = arith.addf %add3A_2021, %bitcast3A_2038 : vector<32xbf16>
        %add3A_2040 = arith.constant 4 : i32
        %add3A_2041 = arith.addi %mul3A_1965, %add3A_2040 : i32
        %get3A_2042 = arith.constant 1 : i32
        %get3A_2043 = arith.index_cast %get3A_2042 : i32 to index
        %get3A_2044 = arith.index_cast %add3A_2041 : i32 to index
        %get3A_2045 = arith.constant 0 : index
        %get3A_2046 = tpu.vector_load %arg8[%get3A_2043, %get3A_2044, %get3A_2045] {strides = array<i32>} : memref<2x200x32xf32, #tpu.memory_space<vmem>>, vector<16xf32>,
        %bitcast3A_2047 = vector.bitcast %get3A_2046 : vector<16xf32> to vector<32xbf16>
        %add3A_2048 = arith.addf %add3A_2030, %bitcast3A_2047 : vector<32xbf16>
        %add3A_2049 = arith.constant 4 : i32
        %add3A_2050 = arith.addi %mul3A_1965, %add3A_2049 : i32
        %get3A_2051 = arith.constant 1 : i32
        %get3A_2052 = arith.index_cast %get3A_2051 : i32 to index
        %get3A_2053 = arith.index_cast %add3A_2050 : i32 to index
        %get3A_2054 = arith.constant 16 : index
        %get3A_2055 = tpu.vector_load %arg8[%get3A_2052, %get3A_2053, %get3A_2054] {strides = array<i32>} : memref<2x200x32xf32, #tpu.memory_space<vmem>>, vector<16xf32>,
        %bitcast3A_2056 = vector.bitcast %get3A_2055 : vector<16xf32> to vector<32xbf16>
        %add3A_2057 = arith.addf %add3A_2039, %bitcast3A_2056 : vector<32xbf16>
        %add3A_2058 = arith.constant 5 : i32
        %add3A_2059 = arith.addi %mul3A_1965, %add3A_2058 : i32
        %get3A_2060 = arith.constant 1 : i32
        %get3A_2061 = arith.index_cast %get3A_2060 : i32 to index
        %get3A_2062 = arith.index_cast %add3A_2059 : i32 to index
        %get3A_2063 = arith.constant 0 : index
        %get3A_2064 = tpu.vector_load %arg8[%get3A_2061, %get3A_2062, %get3A_2063] {strides = array<i32>} : memref<2x200x32xf32, #tpu.memory_space<vmem>>, vector<16xf32>,
        %bitcast3A_2065 = vector.bitcast %get3A_2064 : vector<16xf32> to vector<32xbf16>
        %add3A_2066 = arith.addf %add3A_2048, %bitcast3A_2065 : vector<32xbf16>
        %add3A_2067 = arith.constant 5 : i32
        %add3A_2068 = arith.addi %mul3A_1965, %add3A_2067 : i32
        %get3A_2069 = arith.constant 1 : i32
        %get3A_2070 = arith.index_cast %get3A_2069 : i32 to index
        %get3A_2071 = arith.index_cast %add3A_2068 : i32 to index
        %get3A_2072 = arith.constant 16 : index
        %get3A_2073 = tpu.vector_load %arg8[%get3A_2070, %get3A_2071, %get3A_2072] {strides = array<i32>} : memref<2x200x32xf32, #tpu.memory_space<vmem>>, vector<16xf32>,
        %bitcast3A_2074 = vector.bitcast %get3A_2073 : vector<16xf32> to vector<32xbf16>
        %add3A_2075 = arith.addf %add3A_2057, %bitcast3A_2074 : vector<32xbf16>
        %add3A_2076 = arith.constant 6 : i32
        %add3A_2077 = arith.addi %mul3A_1965, %add3A_2076 : i32
        %get3A_2078 = arith.constant 1 : i32
        %get3A_2079 = arith.index_cast %get3A_2078 : i32 to index
        %get3A_2080 = arith.index_cast %add3A_2077 : i32 to index
        %get3A_2081 = arith.constant 0 : index
        %get3A_2082 = tpu.vector_load %arg8[%get3A_2079, %get3A_2080, %get3A_2081] {strides = array<i32>} : memref<2x200x32xf32, #tpu.memory_space<vmem>>, vector<16xf32>,
        %bitcast3A_2083 = vector.bitcast %get3A_2082 : vector<16xf32> to vector<32xbf16>
        %add3A_2084 = arith.addf %add3A_2066, %bitcast3A_2083 : vector<32xbf16>
        %add3A_2085 = arith.constant 6 : i32
        %add3A_2086 = arith.addi %mul3A_1965, %add3A_2085 : i32
        %get3A_2087 = arith.constant 1 : i32
        %get3A_2088 = arith.index_cast %get3A_2087 : i32 to index
        %get3A_2089 = arith.index_cast %add3A_2086 : i32 to index
        %get3A_2090 = arith.constant 16 : index
        %get3A_2091 = tpu.vector_load %arg8[%get3A_2088, %get3A_2089, %get3A_2090] {strides = array<i32>} : memref<2x200x32xf32, #tpu.memory_space<vmem>>, vector<16xf32>,
        %bitcast3A_2092 = vector.bitcast %get3A_2091 : vector<16xf32> to vector<32xbf16>
        %add3A_2093 = arith.addf %add3A_2075, %bitcast3A_2092 : vector<32xbf16>
        %add3A_2094 = arith.constant 7 : i32
        %add3A_2095 = arith.addi %mul3A_1965, %add3A_2094 : i32
        %get3A_2096 = arith.constant 1 : i32
        %get3A_2097 = arith.index_cast %get3A_2096 : i32 to index
        %get3A_2098 = arith.index_cast %add3A_2095 : i32 to index
        %get3A_2099 = arith.constant 0 : index
        %get3A_2100 = tpu.vector_load %arg8[%get3A_2097, %get3A_2098, %get3A_2099] {strides = array<i32>} : memref<2x200x32xf32, #tpu.memory_space<vmem>>, vector<16xf32>,
        %bitcast3A_2101 = vector.bitcast %get3A_2100 : vector<16xf32> to vector<32xbf16>
        %add3A_2102 = arith.addf %add3A_2084, %bitcast3A_2101 : vector<32xbf16>
        %add3A_2103 = arith.constant 7 : i32
        %add3A_2104 = arith.addi %mul3A_1965, %add3A_2103 : i32
        %get3A_2105 = arith.constant 1 : i32
        %get3A_2106 = arith.index_cast %get3A_2105 : i32 to index
        %get3A_2107 = arith.index_cast %add3A_2104 : i32 to index
        %get3A_2108 = arith.constant 16 : index
        %get3A_2109 = tpu.vector_load %arg8[%get3A_2106, %get3A_2107, %get3A_2108] {strides = array<i32>} : memref<2x200x32xf32, #tpu.memory_space<vmem>>, vector<16xf32>,
        %bitcast3A_2110 = vector.bitcast %get3A_2109 : vector<16xf32> to vector<32xbf16>
        %add3A_2111 = arith.addf %add3A_2093, %bitcast3A_2110 : vector<32xbf16>
        %bitcast3A_2112 = vector.bitcast %add3A_2102 : vector<32xbf16> to vector<16xi32>
        %shift_left3A_2113 = arith.constant 16 : i32
        %shift_left3A_2114 = vector.broadcast %shift_left3A_2113 : i32 to vector<16xi32>
        %shift_left3A_2115 = arith.shli %bitcast3A_2112, %shift_left3A_2114 : vector<16xi32>
        %bitcast3A_2116 = vector.bitcast %shift_left3A_2115 : vector<16xi32> to vector<16xf32>
        %add3A_2117 = arith.addf %scan3A_1960, %bitcast3A_2116 : vector<16xf32>
        %and3A_2118 = vector.broadcast %scan3A_1512 : i32 to vector<16xi32>
        %and3A_2119 = arith.andi %bitcast3A_2112, %and3A_2118 : vector<16xi32>
        %bitcast3A_2120 = vector.bitcast %and3A_2119 : vector<16xi32> to vector<16xf32>
        %add3A_2121 = arith.addf %scan3A_1962, %bitcast3A_2120 : vector<16xf32>
        %bitcast3A_2122 = vector.bitcast %add3A_2111 : vector<32xbf16> to vector<16xi32>
        %shift_left3A_2123 = arith.constant 16 : i32
        %shift_left3A_2124 = vector.broadcast %shift_left3A_2123 : i32 to vector<16xi32>
        %shift_left3A_2125 = arith.shli %bitcast3A_2122, %shift_left3A_2124 : vector<16xi32>
        %bitcast3A_2126 = vector.bitcast %shift_left3A_2125 : vector<16xi32> to vector<16xf32>
        %add3A_2127 = arith.addf %scan3A_1961, %bitcast3A_2126 : vector<16xf32>
        %and3A_2128 = vector.broadcast %scan3A_1512 : i32 to vector<16xi32>
        %and3A_2129 = arith.andi %bitcast3A_2122, %and3A_2128 : vector<16xi32>
        %bitcast3A_2130 = vector.bitcast %and3A_2129 : vector<16xi32> to vector<16xf32>
        %add3A_2131 = arith.addf %scan3A_1963, %bitcast3A_2130 : vector<16xf32>
        %scan3A_2132 = arith.constant 1 : i32
        %scan3A_2133 = arith.addi %scan3A_1959, %scan3A_2132 : i32
        %mul3A_2134 = arith.constant 8 : i32
        %mul3A_2135 = arith.muli %scan3A_2133, %mul3A_2134 : i32
        %broadcast_in_dim3A_2136 = arith.constant 0.000000e+00 : bf16
        %broadcast_in_dim3A_2137 = vector.broadcast %broadcast_in_dim3A_2136 : bf16 to vector<32xbf16>
        %add3A_2138 = arith.constant 0 : i32
        %add3A_2139 = arith.addi %mul3A_2135, %add3A_2138 : i32
        %get3A_2140 = arith.constant 1 : i32
        %get3A_2141 = arith.index_cast %get3A_2140 : i32 to index
        %get3A_2142 = arith.index_cast %add3A_2139 : i32 to index
        %get3A_2143 = arith.constant 0 : index
        %get3A_2144 = tpu.vector_load %arg8[%get3A_2141, %get3A_2142, %get3A_2143] {strides = array<i32>} : memref<2x200x32xf32, #tpu.memory_space<vmem>>, vector<16xf32>,
        %bitcast3A_2145 = vector.bitcast %get3A_2144 : vector<16xf32> to vector<32xbf16>
        %add3A_2146 = arith.addf %broadcast_in_dim3A_2137, %bitcast3A_2145 : vector<32xbf16>
        %add3A_2147 = arith.constant 0 : i32
        %add3A_2148 = arith.addi %mul3A_2135, %add3A_2147 : i32
        %get3A_2149 = arith.constant 1 : i32
        %get3A_2150 = arith.index_cast %get3A_2149 : i32 to index
        %get3A_2151 = arith.index_cast %add3A_2148 : i32 to index
        %get3A_2152 = arith.constant 16 : index
        %get3A_2153 = tpu.vector_load %arg8[%get3A_2150, %get3A_2151, %get3A_2152] {strides = array<i32>} : memref<2x200x32xf32, #tpu.memory_space<vmem>>, vector<16xf32>,
        %bitcast3A_2154 = vector.bitcast %get3A_2153 : vector<16xf32> to vector<32xbf16>
        %add3A_2155 = arith.addf %broadcast_in_dim3A_2137, %bitcast3A_2154 : vector<32xbf16>
        %add3A_2156 = arith.constant 1 : i32
        %add3A_2157 = arith.addi %mul3A_2135, %add3A_2156 : i32
        %get3A_2158 = arith.constant 1 : i32
        %get3A_2159 = arith.index_cast %get3A_2158 : i32 to index
        %get3A_2160 = arith.index_cast %add3A_2157 : i32 to index
        %get3A_2161 = arith.constant 0 : index
        %get3A_2162 = tpu.vector_load %arg8[%get3A_2159, %get3A_2160, %get3A_2161] {strides = array<i32>} : memref<2x200x32xf32, #tpu.memory_space<vmem>>, vector<16xf32>,
        %bitcast3A_2163 = vector.bitcast %get3A_2162 : vector<16xf32> to vector<32xbf16>
        %add3A_2164 = arith.addf %add3A_2146, %bitcast3A_2163 : vector<32xbf16>
        %add3A_2165 = arith.constant 1 : i32
        %add3A_2166 = arith.addi %mul3A_2135, %add3A_2165 : i32
        %get3A_2167 = arith.constant 1 : i32
        %get3A_2168 = arith.index_cast %get3A_2167 : i32 to index
        %get3A_2169 = arith.index_cast %add3A_2166 : i32 to index
        %get3A_2170 = arith.constant 16 : index
        %get3A_2171 = tpu.vector_load %arg8[%get3A_2168, %get3A_2169, %get3A_2170] {strides = array<i32>} : memref<2x200x32xf32, #tpu.memory_space<vmem>>, vector<16xf32>,
        %bitcast3A_2172 = vector.bitcast %get3A_2171 : vector<16xf32> to vector<32xbf16>
        %add3A_2173 = arith.addf %add3A_2155, %bitcast3A_2172 : vector<32xbf16>
        %add3A_2174 = arith.constant 2 : i32
        %add3A_2175 = arith.addi %mul3A_2135, %add3A_2174 : i32
        %get3A_2176 = arith.constant 1 : i32
        %get3A_2177 = arith.index_cast %get3A_2176 : i32 to index
        %get3A_2178 = arith.index_cast %add3A_2175 : i32 to index
        %get3A_2179 = arith.constant 0 : index
        %get3A_2180 = tpu.vector_load %arg8[%get3A_2177, %get3A_2178, %get3A_2179] {strides = array<i32>} : memref<2x200x32xf32, #tpu.memory_space<vmem>>, vector<16xf32>,
        %bitcast3A_2181 = vector.bitcast %get3A_2180 : vector<16xf32> to vector<32xbf16>
        %add3A_2182 = arith.addf %add3A_2164, %bitcast3A_2181 : vector<32xbf16>
        %add3A_2183 = arith.constant 2 : i32
        %add3A_2184 = arith.addi %mul3A_2135, %add3A_2183 : i32
        %get3A_2185 = arith.constant 1 : i32
        %get3A_2186 = arith.index_cast %get3A_2185 : i32 to index
        %get3A_2187 = arith.index_cast %add3A_2184 : i32 to index
        %get3A_2188 = arith.constant 16 : index
        %get3A_2189 = tpu.vector_load %arg8[%get3A_2186, %get3A_2187, %get3A_2188] {strides = array<i32>} : memref<2x200x32xf32, #tpu.memory_space<vmem>>, vector<16xf32>,
        %bitcast3A_2190 = vector.bitcast %get3A_2189 : vector<16xf32> to vector<32xbf16>
        %add3A_2191 = arith.addf %add3A_2173, %bitcast3A_2190 : vector<32xbf16>
        %add3A_2192 = arith.constant 3 : i32
        %add3A_2193 = arith.addi %mul3A_2135, %add3A_2192 : i32
        %get3A_2194 = arith.constant 1 : i32
        %get3A_2195 = arith.index_cast %get3A_2194 : i32 to index
        %get3A_2196 = arith.index_cast %add3A_2193 : i32 to index
        %get3A_2197 = arith.constant 0 : index
        %get3A_2198 = tpu.vector_load %arg8[%get3A_2195, %get3A_2196, %get3A_2197] {strides = array<i32>} : memref<2x200x32xf32, #tpu.memory_space<vmem>>, vector<16xf32>,
        %bitcast3A_2199 = vector.bitcast %get3A_2198 : vector<16xf32> to vector<32xbf16>
        %add3A_2200 = arith.addf %add3A_2182, %bitcast3A_2199 : vector<32xbf16>
        %add3A_2201 = arith.constant 3 : i32
        %add3A_2202 = arith.addi %mul3A_2135, %add3A_2201 : i32
        %get3A_2203 = arith.constant 1 : i32
        %get3A_2204 = arith.index_cast %get3A_2203 : i32 to index
        %get3A_2205 = arith.index_cast %add3A_2202 : i32 to index
        %get3A_2206 = arith.constant 16 : index
        %get3A_2207 = tpu.vector_load %arg8[%get3A_2204, %get3A_2205, %get3A_2206] {strides = array<i32>} : memref<2x200x32xf32, #tpu.memory_space<vmem>>, vector<16xf32>,
        %bitcast3A_2208 = vector.bitcast %get3A_2207 : vector<16xf32> to vector<32xbf16>
        %add3A_2209 = arith.addf %add3A_2191, %bitcast3A_2208 : vector<32xbf16>
        %add3A_2210 = arith.constant 4 : i32
        %add3A_2211 = arith.addi %mul3A_2135, %add3A_2210 : i32
        %get3A_2212 = arith.constant 1 : i32
        %get3A_2213 = arith.index_cast %get3A_2212 : i32 to index
        %get3A_2214 = arith.index_cast %add3A_2211 : i32 to index
        %get3A_2215 = arith.constant 0 : index
        %get3A_2216 = tpu.vector_load %arg8[%get3A_2213, %get3A_2214, %get3A_2215] {strides = array<i32>} : memref<2x200x32xf32, #tpu.memory_space<vmem>>, vector<16xf32>,
        %bitcast3A_2217 = vector.bitcast %get3A_2216 : vector<16xf32> to vector<32xbf16>
        %add3A_2218 = arith.addf %add3A_2200, %bitcast3A_2217 : vector<32xbf16>
        %add3A_2219 = arith.constant 4 : i32
        %add3A_2220 = arith.addi %mul3A_2135, %add3A_2219 : i32
        %get3A_2221 = arith.constant 1 : i32
        %get3A_2222 = arith.index_cast %get3A_2221 : i32 to index
        %get3A_2223 = arith.index_cast %add3A_2220 : i32 to index
        %get3A_2224 = arith.constant 16 : index
        %get3A_2225 = tpu.vector_load %arg8[%get3A_2222, %get3A_2223, %get3A_2224] {strides = array<i32>} : memref<2x200x32xf32, #tpu.memory_space<vmem>>, vector<16xf32>,
        %bitcast3A_2226 = vector.bitcast %get3A_2225 : vector<16xf32> to vector<32xbf16>
        %add3A_2227 = arith.addf %add3A_2209, %bitcast3A_2226 : vector<32xbf16>
        %add3A_2228 = arith.constant 5 : i32
        %add3A_2229 = arith.addi %mul3A_2135, %add3A_2228 : i32
        %get3A_2230 = arith.constant 1 : i32
        %get3A_2231 = arith.index_cast %get3A_2230 : i32 to index
        %get3A_2232 = arith.index_cast %add3A_2229 : i32 to index
        %get3A_2233 = arith.constant 0 : index
        %get3A_2234 = tpu.vector_load %arg8[%get3A_2231, %get3A_2232, %get3A_2233] {strides = array<i32>} : memref<2x200x32xf32, #tpu.memory_space<vmem>>, vector<16xf32>,
        %bitcast3A_2235 = vector.bitcast %get3A_2234 : vector<16xf32> to vector<32xbf16>
        %add3A_2236 = arith.addf %add3A_2218, %bitcast3A_2235 : vector<32xbf16>
        %add3A_2237 = arith.constant 5 : i32
        %add3A_2238 = arith.addi %mul3A_2135, %add3A_2237 : i32
        %get3A_2239 = arith.constant 1 : i32
        %get3A_2240 = arith.index_cast %get3A_2239 : i32 to index
        %get3A_2241 = arith.index_cast %add3A_2238 : i32 to index
        %get3A_2242 = arith.constant 16 : index
        %get3A_2243 = tpu.vector_load %arg8[%get3A_2240, %get3A_2241, %get3A_2242] {strides = array<i32>} : memref<2x200x32xf32, #tpu.memory_space<vmem>>, vector<16xf32>,
        %bitcast3A_2244 = vector.bitcast %get3A_2243 : vector<16xf32> to vector<32xbf16>
        %add3A_2245 = arith.addf %add3A_2227, %bitcast3A_2244 : vector<32xbf16>
        %add3A_2246 = arith.constant 6 : i32
        %add3A_2247 = arith.addi %mul3A_2135, %add3A_2246 : i32
        %get3A_2248 = arith.constant 1 : i32
        %get3A_2249 = arith.index_cast %get3A_2248 : i32 to index
        %get3A_2250 = arith.index_cast %add3A_2247 : i32 to index
        %get3A_2251 = arith.constant 0 : index
        %get3A_2252 = tpu.vector_load %arg8[%get3A_2249, %get3A_2250, %get3A_2251] {strides = array<i32>} : memref<2x200x32xf32, #tpu.memory_space<vmem>>, vector<16xf32>,
        %bitcast3A_2253 = vector.bitcast %get3A_2252 : vector<16xf32> to vector<32xbf16>
        %add3A_2254 = arith.addf %add3A_2236, %bitcast3A_2253 : vector<32xbf16>
        %add3A_2255 = arith.constant 6 : i32
        %add3A_2256 = arith.addi %mul3A_2135, %add3A_2255 : i32
        %get3A_2257 = arith.constant 1 : i32
        %get3A_2258 = arith.index_cast %get3A_2257 : i32 to index
        %get3A_2259 = arith.index_cast %add3A_2256 : i32 to index
        %get3A_2260 = arith.constant 16 : index
        %get3A_2261 = tpu.vector_load %arg8[%get3A_2258, %get3A_2259, %get3A_2260] {strides = array<i32>} : memref<2x200x32xf32, #tpu.memory_space<vmem>>, vector<16xf32>,
        %bitcast3A_2262 = vector.bitcast %get3A_2261 : vector<16xf32> to vector<32xbf16>
        %add3A_2263 = arith.addf %add3A_2245, %bitcast3A_2262 : vector<32xbf16>
        %add3A_2264 = arith.constant 7 : i32
        %add3A_2265 = arith.addi %mul3A_2135, %add3A_2264 : i32
        %get3A_2266 = arith.constant 1 : i32
        %get3A_2267 = arith.index_cast %get3A_2266 : i32 to index
        %get3A_2268 = arith.index_cast %add3A_2265 : i32 to index
        %get3A_2269 = arith.constant 0 : index
        %get3A_2270 = tpu.vector_load %arg8[%get3A_2267, %get3A_2268, %get3A_2269] {strides = array<i32>} : memref<2x200x32xf32, #tpu.memory_space<vmem>>, vector<16xf32>,
        %bitcast3A_2271 = vector.bitcast %get3A_2270 : vector<16xf32> to vector<32xbf16>
        %add3A_2272 = arith.addf %add3A_2254, %bitcast3A_2271 : vector<32xbf16>
        %add3A_2273 = arith.constant 7 : i32
        %add3A_2274 = arith.addi %mul3A_2135, %add3A_2273 : i32
        %get3A_2275 = arith.constant 1 : i32
        %get3A_2276 = arith.index_cast %get3A_2275 : i32 to index
        %get3A_2277 = arith.index_cast %add3A_2274 : i32 to index
        %get3A_2278 = arith.constant 16 : index
        %get3A_2279 = tpu.vector_load %arg8[%get3A_2276, %get3A_2277, %get3A_2278] {strides = array<i32>} : memref<2x200x32xf32, #tpu.memory_space<vmem>>, vector<16xf32>,
        %bitcast3A_2280 = vector.bitcast %get3A_2279 : vector<16xf32> to vector<32xbf16>
        %add3A_2281 = arith.addf %add3A_2263, %bitcast3A_2280 : vector<32xbf16>
        %bitcast3A_2282 = vector.bitcast %add3A_2272 : vector<32xbf16> to vector<16xi32>
        %shift_left3A_2283 = arith.constant 16 : i32
        %shift_left3A_2284 = vector.broadcast %shift_left3A_2283 : i32 to vector<16xi32>
        %shift_left3A_2285 = arith.shli %bitcast3A_2282, %shift_left3A_2284 : vector<16xi32>
        %bitcast3A_2286 = vector.bitcast %shift_left3A_2285 : vector<16xi32> to vector<16xf32>
        %add3A_2287 = arith.addf %add3A_2117, %bitcast3A_2286 : vector<16xf32>
        %and3A_2288 = vector.broadcast %scan3A_1512 : i32 to vector<16xi32>
        %and3A_2289 = arith.andi %bitcast3A_2282, %and3A_2288 : vector<16xi32>
        %bitcast3A_2290 = vector.bitcast %and3A_2289 : vector<16xi32> to vector<16xf32>
        %add3A_2291 = arith.addf %add3A_2121, %bitcast3A_2290 : vector<16xf32>
        %bitcast3A_2292 = vector.bitcast %add3A_2281 : vector<32xbf16> to vector<16xi32>
        %shift_left3A_2293 = arith.constant 16 : i32
        %shift_left3A_2294 = vector.broadcast %shift_left3A_2293 : i32 to vector<16xi32>
        %shift_left3A_2295 = arith.shli %bitcast3A_2292, %shift_left3A_2294 : vector<16xi32>
        %bitcast3A_2296 = vector.bitcast %shift_left3A_2295 : vector<16xi32> to vector<16xf32>
        %add3A_2297 = arith.addf %add3A_2127, %bitcast3A_2296 : vector<16xf32>
        %and3A_2298 = vector.broadcast %scan3A_1512 : i32 to vector<16xi32>
        %and3A_2299 = arith.andi %bitcast3A_2292, %and3A_2298 : vector<16xi32>
        %bitcast3A_2300 = vector.bitcast %and3A_2299 : vector<16xi32> to vector<16xf32>
        %add3A_2301 = arith.addf %add3A_2131, %bitcast3A_2300 : vector<16xf32>
        scf.yield %add3A_2287, %add3A_2297, %add3A_2291, %add3A_2301 : vector<16xf32>, vector<16xf32>, vector<16xf32>, vector<16xf32>
      }
      %scan3A_1769 = arith.constant 24 : i32
      %scan3A_1770 = arith.addi %scan3A_1764, %scan3A_1769 : i32
      %mul3A_1771 = arith.constant 8 : i32
      %mul3A_1772 = arith.muli %scan3A_1770, %mul3A_1771 : i32
      %broadcast_in_dim3A_1773 = arith.constant 0.000000e+00 : bf16
      %broadcast_in_dim3A_1774 = vector.broadcast %broadcast_in_dim3A_1773 : bf16 to vector<32xbf16>
      %add3A_1775 = arith.constant 0 : i32
      %add3A_1776 = arith.addi %mul3A_1772, %add3A_1775 : i32
      %get3A_1777 = arith.constant 1 : i32
      %get3A_1778 = arith.index_cast %get3A_1777 : i32 to index
      %get3A_1779 = arith.index_cast %add3A_1776 : i32 to index
      %get3A_1780 = arith.constant 0 : index
      %get3A_1781 = tpu.vector_load %arg8[%get3A_1778, %get3A_1779, %get3A_1780] {strides = array<i32>} : memref<2x200x32xf32, #tpu.memory_space<vmem>>, vector<16xf32>,
      %bitcast3A_1782 = vector.bitcast %get3A_1781 : vector<16xf32> to vector<32xbf16>
      %add3A_1783 = arith.addf %broadcast_in_dim3A_1774, %bitcast3A_1782 : vector<32xbf16>
      %add3A_1784 = arith.constant 0 : i32
      %add3A_1785 = arith.addi %mul3A_1772, %add3A_1784 : i32
      %get3A_1786 = arith.constant 1 : i32
      %get3A_1787 = arith.index_cast %get3A_1786 : i32 to index
      %get3A_1788 = arith.index_cast %add3A_1785 : i32 to index
      %get3A_1789 = arith.constant 16 : index
      %get3A_1790 = tpu.vector_load %arg8[%get3A_1787, %get3A_1788, %get3A_1789] {strides = array<i32>} : memref<2x200x32xf32, #tpu.memory_space<vmem>>, vector<16xf32>,
      %bitcast3A_1791 = vector.bitcast %get3A_1790 : vector<16xf32> to vector<32xbf16>
      %add3A_1792 = arith.addf %broadcast_in_dim3A_1774, %bitcast3A_1791 : vector<32xbf16>
      %add3A_1793 = arith.constant 1 : i32
      %add3A_1794 = arith.addi %mul3A_1772, %add3A_1793 : i32
      %get3A_1795 = arith.constant 1 : i32
      %get3A_1796 = arith.index_cast %get3A_1795 : i32 to index
      %get3A_1797 = arith.index_cast %add3A_1794 : i32 to index
      %get3A_1798 = arith.constant 0 : index
      %get3A_1799 = tpu.vector_load %arg8[%get3A_1796, %get3A_1797, %get3A_1798] {strides = array<i32>} : memref<2x200x32xf32, #tpu.memory_space<vmem>>, vector<16xf32>,
      %bitcast3A_1800 = vector.bitcast %get3A_1799 : vector<16xf32> to vector<32xbf16>
      %add3A_1801 = arith.addf %add3A_1783, %bitcast3A_1800 : vector<32xbf16>
      %add3A_1802 = arith.constant 1 : i32
      %add3A_1803 = arith.addi %mul3A_1772, %add3A_1802 : i32
      %get3A_1804 = arith.constant 1 : i32
      %get3A_1805 = arith.index_cast %get3A_1804 : i32 to index
      %get3A_1806 = arith.index_cast %add3A_1803 : i32 to index
      %get3A_1807 = arith.constant 16 : index
      %get3A_1808 = tpu.vector_load %arg8[%get3A_1805, %get3A_1806, %get3A_1807] {strides = array<i32>} : memref<2x200x32xf32, #tpu.memory_space<vmem>>, vector<16xf32>,
      %bitcast3A_1809 = vector.bitcast %get3A_1808 : vector<16xf32> to vector<32xbf16>
      %add3A_1810 = arith.addf %add3A_1792, %bitcast3A_1809 : vector<32xbf16>
      %add3A_1811 = arith.constant 2 : i32
      %add3A_1812 = arith.addi %mul3A_1772, %add3A_1811 : i32
      %get3A_1813 = arith.constant 1 : i32
      %get3A_1814 = arith.index_cast %get3A_1813 : i32 to index
      %get3A_1815 = arith.index_cast %add3A_1812 : i32 to index
      %get3A_1816 = arith.constant 0 : index
      %get3A_1817 = tpu.vector_load %arg8[%get3A_1814, %get3A_1815, %get3A_1816] {strides = array<i32>} : memref<2x200x32xf32, #tpu.memory_space<vmem>>, vector<16xf32>,
      %bitcast3A_1818 = vector.bitcast %get3A_1817 : vector<16xf32> to vector<32xbf16>
      %add3A_1819 = arith.addf %add3A_1801, %bitcast3A_1818 : vector<32xbf16>
      %add3A_1820 = arith.constant 2 : i32
      %add3A_1821 = arith.addi %mul3A_1772, %add3A_1820 : i32
      %get3A_1822 = arith.constant 1 : i32
      %get3A_1823 = arith.index_cast %get3A_1822 : i32 to index
      %get3A_1824 = arith.index_cast %add3A_1821 : i32 to index
      %get3A_1825 = arith.constant 16 : index
      %get3A_1826 = tpu.vector_load %arg8[%get3A_1823, %get3A_1824, %get3A_1825] {strides = array<i32>} : memref<2x200x32xf32, #tpu.memory_space<vmem>>, vector<16xf32>,
      %bitcast3A_1827 = vector.bitcast %get3A_1826 : vector<16xf32> to vector<32xbf16>
      %add3A_1828 = arith.addf %add3A_1810, %bitcast3A_1827 : vector<32xbf16>
      %add3A_1829 = arith.constant 3 : i32
      %add3A_1830 = arith.addi %mul3A_1772, %add3A_1829 : i32
      %get3A_1831 = arith.constant 1 : i32
      %get3A_1832 = arith.index_cast %get3A_1831 : i32 to index
      %get3A_1833 = arith.index_cast %add3A_1830 : i32 to index
      %get3A_1834 = arith.constant 0 : index
      %get3A_1835 = tpu.vector_load %arg8[%get3A_1832, %get3A_1833, %get3A_1834] {strides = array<i32>} : memref<2x200x32xf32, #tpu.memory_space<vmem>>, vector<16xf32>,
      %bitcast3A_1836 = vector.bitcast %get3A_1835 : vector<16xf32> to vector<32xbf16>
      %add3A_1837 = arith.addf %add3A_1819, %bitcast3A_1836 : vector<32xbf16>
      %add3A_1838 = arith.constant 3 : i32
      %add3A_1839 = arith.addi %mul3A_1772, %add3A_1838 : i32
      %get3A_1840 = arith.constant 1 : i32
      %get3A_1841 = arith.index_cast %get3A_1840 : i32 to index
      %get3A_1842 = arith.index_cast %add3A_1839 : i32 to index
      %get3A_1843 = arith.constant 16 : index
      %get3A_1844 = tpu.vector_load %arg8[%get3A_1841, %get3A_1842, %get3A_1843] {strides = array<i32>} : memref<2x200x32xf32, #tpu.memory_space<vmem>>, vector<16xf32>,
      %bitcast3A_1845 = vector.bitcast %get3A_1844 : vector<16xf32> to vector<32xbf16>
      %add3A_1846 = arith.addf %add3A_1828, %bitcast3A_1845 : vector<32xbf16>
      %add3A_1847 = arith.constant 4 : i32
      %add3A_1848 = arith.addi %mul3A_1772, %add3A_1847 : i32
      %get3A_1849 = arith.constant 1 : i32
      %get3A_1850 = arith.index_cast %get3A_1849 : i32 to index
      %get3A_1851 = arith.index_cast %add3A_1848 : i32 to index
      %get3A_1852 = arith.constant 0 : index
      %get3A_1853 = tpu.vector_load %arg8[%get3A_1850, %get3A_1851, %get3A_1852] {strides = array<i32>} : memref<2x200x32xf32, #tpu.memory_space<vmem>>, vector<16xf32>,
      %bitcast3A_1854 = vector.bitcast %get3A_1853 : vector<16xf32> to vector<32xbf16>
      %add3A_1855 = arith.addf %add3A_1837, %bitcast3A_1854 : vector<32xbf16>
      %add3A_1856 = arith.constant 4 : i32
      %add3A_1857 = arith.addi %mul3A_1772, %add3A_1856 : i32
      %get3A_1858 = arith.constant 1 : i32
      %get3A_1859 = arith.index_cast %get3A_1858 : i32 to index
      %get3A_1860 = arith.index_cast %add3A_1857 : i32 to index
      %get3A_1861 = arith.constant 16 : index
      %get3A_1862 = tpu.vector_load %arg8[%get3A_1859, %get3A_1860, %get3A_1861] {strides = array<i32>} : memref<2x200x32xf32, #tpu.memory_space<vmem>>, vector<16xf32>,
      %bitcast3A_1863 = vector.bitcast %get3A_1862 : vector<16xf32> to vector<32xbf16>
      %add3A_1864 = arith.addf %add3A_1846, %bitcast3A_1863 : vector<32xbf16>
      %add3A_1865 = arith.constant 5 : i32
      %add3A_1866 = arith.addi %mul3A_1772, %add3A_1865 : i32
      %get3A_1867 = arith.constant 1 : i32
      %get3A_1868 = arith.index_cast %get3A_1867 : i32 to index
      %get3A_1869 = arith.index_cast %add3A_1866 : i32 to index
      %get3A_1870 = arith.constant 0 : index
      %get3A_1871 = tpu.vector_load %arg8[%get3A_1868, %get3A_1869, %get3A_1870] {strides = array<i32>} : memref<2x200x32xf32, #tpu.memory_space<vmem>>, vector<16xf32>,
      %bitcast3A_1872 = vector.bitcast %get3A_1871 : vector<16xf32> to vector<32xbf16>
      %add3A_1873 = arith.addf %add3A_1855, %bitcast3A_1872 : vector<32xbf16>
      %add3A_1874 = arith.constant 5 : i32
      %add3A_1875 = arith.addi %mul3A_1772, %add3A_1874 : i32
      %get3A_1876 = arith.constant 1 : i32
      %get3A_1877 = arith.index_cast %get3A_1876 : i32 to index
      %get3A_1878 = arith.index_cast %add3A_1875 : i32 to index
      %get3A_1879 = arith.constant 16 : index
      %get3A_1880 = tpu.vector_load %arg8[%get3A_1877, %get3A_1878, %get3A_1879] {strides = array<i32>} : memref<2x200x32xf32, #tpu.memory_space<vmem>>, vector<16xf32>,
      %bitcast3A_1881 = vector.bitcast %get3A_1880 : vector<16xf32> to vector<32xbf16>
      %add3A_1882 = arith.addf %add3A_1864, %bitcast3A_1881 : vector<32xbf16>
      %add3A_1883 = arith.constant 6 : i32
      %add3A_1884 = arith.addi %mul3A_1772, %add3A_1883 : i32
      %get3A_1885 = arith.constant 1 : i32
      %get3A_1886 = arith.index_cast %get3A_1885 : i32 to index
      %get3A_1887 = arith.index_cast %add3A_1884 : i32 to index
      %get3A_1888 = arith.constant 0 : index
      %get3A_1889 = tpu.vector_load %arg8[%get3A_1886, %get3A_1887, %get3A_1888] {strides = array<i32>} : memref<2x200x32xf32, #tpu.memory_space<vmem>>, vector<16xf32>,
      %bitcast3A_1890 = vector.bitcast %get3A_1889 : vector<16xf32> to vector<32xbf16>
      %add3A_1891 = arith.addf %add3A_1873, %bitcast3A_1890 : vector<32xbf16>
      %add3A_1892 = arith.constant 6 : i32
      %add3A_1893 = arith.addi %mul3A_1772, %add3A_1892 : i32
      %get3A_1894 = arith.constant 1 : i32
      %get3A_1895 = arith.index_cast %get3A_1894 : i32 to index
      %get3A_1896 = arith.index_cast %add3A_1893 : i32 to index
      %get3A_1897 = arith.constant 16 : index
      %get3A_1898 = tpu.vector_load %arg8[%get3A_1895, %get3A_1896, %get3A_1897] {strides = array<i32>} : memref<2x200x32xf32, #tpu.memory_space<vmem>>, vector<16xf32>,
      %bitcast3A_1899 = vector.bitcast %get3A_1898 : vector<16xf32> to vector<32xbf16>
      %add3A_1900 = arith.addf %add3A_1882, %bitcast3A_1899 : vector<32xbf16>
      %add3A_1901 = arith.constant 7 : i32
      %add3A_1902 = arith.addi %mul3A_1772, %add3A_1901 : i32
      %get3A_1903 = arith.constant 1 : i32
      %get3A_1904 = arith.index_cast %get3A_1903 : i32 to index
      %get3A_1905 = arith.index_cast %add3A_1902 : i32 to index
      %get3A_1906 = arith.constant 0 : index
      %get3A_1907 = tpu.vector_load %arg8[%get3A_1904, %get3A_1905, %get3A_1906] {strides = array<i32>} : memref<2x200x32xf32, #tpu.memory_space<vmem>>, vector<16xf32>,
      %bitcast3A_1908 = vector.bitcast %get3A_1907 : vector<16xf32> to vector<32xbf16>
      %add3A_1909 = arith.addf %add3A_1891, %bitcast3A_1908 : vector<32xbf16>
      %add3A_1910 = arith.constant 7 : i32
      %add3A_1911 = arith.addi %mul3A_1772, %add3A_1910 : i32
      %get3A_1912 = arith.constant 1 : i32
      %get3A_1913 = arith.index_cast %get3A_1912 : i32 to index
      %get3A_1914 = arith.index_cast %add3A_1911 : i32 to index
      %get3A_1915 = arith.constant 16 : index
      %get3A_1916 = tpu.vector_load %arg8[%get3A_1913, %get3A_1914, %get3A_1915] {strides = array<i32>} : memref<2x200x32xf32, #tpu.memory_space<vmem>>, vector<16xf32>,
      %bitcast3A_1917 = vector.bitcast %get3A_1916 : vector<16xf32> to vector<32xbf16>
      %add3A_1918 = arith.addf %add3A_1900, %bitcast3A_1917 : vector<32xbf16>
      %bitcast3A_1919 = vector.bitcast %add3A_1909 : vector<32xbf16> to vector<16xi32>
      %shift_left3A_1920 = arith.constant 16 : i32
      %shift_left3A_1921 = vector.broadcast %shift_left3A_1920 : i32 to vector<16xi32>
      %shift_left3A_1922 = arith.shli %bitcast3A_1919, %shift_left3A_1921 : vector<16xi32>
      %bitcast3A_1923 = vector.bitcast %shift_left3A_1922 : vector<16xi32> to vector<16xf32>
      %add3A_1924 = arith.addf %scan3A_1768#0, %bitcast3A_1923 : vector<16xf32>
      %and3A_1925 = vector.broadcast %scan3A_1512 : i32 to vector<16xi32>
      %and3A_1926 = arith.andi %bitcast3A_1919, %and3A_1925 : vector<16xi32>
      %bitcast3A_1927 = vector.bitcast %and3A_1926 : vector<16xi32> to vector<16xf32>
      %add3A_1928 = arith.addf %scan3A_1768#2, %bitcast3A_1927 : vector<16xf32>
      %bitcast3A_1929 = vector.bitcast %add3A_1918 : vector<32xbf16> to vector<16xi32>
      %shift_left3A_1930 = arith.constant 16 : i32
      %shift_left3A_1931 = vector.broadcast %shift_left3A_1930 : i32 to vector<16xi32>
      %shift_left3A_1932 = arith.shli %bitcast3A_1929, %shift_left3A_1931 : vector<16xi32>
      %bitcast3A_1933 = vector.bitcast %shift_left3A_1932 : vector<16xi32> to vector<16xf32>
      %add3A_1934 = arith.addf %scan3A_1768#1, %bitcast3A_1933 : vector<16xf32>
      %and3A_1935 = vector.broadcast %scan3A_1512 : i32 to vector<16xi32>
      %and3A_1936 = arith.andi %bitcast3A_1929, %and3A_1935 : vector<16xi32>
      %bitcast3A_1937 = vector.bitcast %and3A_1936 : vector<16xi32> to vector<16xf32>
      %add3A_1938 = arith.addf %scan3A_1768#3, %bitcast3A_1937 : vector<16xf32>
      %scan3A_1939 = arith.constant 25 : i32
      %swap3A_1940 = arith.index_cast %add3A_1739 : i32 to index
      %swap3A_1941 = arith.constant 0 : index
      %swap3A_1942 = tpu.vector_load %arg9[%swap3A_1940, %swap3A_1941] {strides = array<i32>} : memref<256x64xf32, #tpu.memory_space<vmem>>, vector<16xf32>,
      tpu.vector_store %arg9[%swap3A_1940, %swap3A_1941], %add3A_1924 {strides = array<i32>} : memref<256x64xf32, #tpu.memory_space<vmem>>, vector<16xf32>,
      %swap3A_1943 = arith.index_cast %add3A_1739 : i32 to index
      %swap3A_1944 = arith.constant 16 : index
      %swap3A_1945 = tpu.vector_load %arg9[%swap3A_1943, %swap3A_1944] {strides = array<i32>} : memref<256x64xf32, #tpu.memory_space<vmem>>, vector<16xf32>,
      tpu.vector_store %arg9[%swap3A_1943, %swap3A_1944], %add3A_1934 {strides = array<i32>} : memref<256x64xf32, #tpu.memory_space<vmem>>, vector<16xf32>,
      %swap3A_1946 = arith.index_cast %add3A_1739 : i32 to index
      %swap3A_1947 = arith.constant 32 : index
      %swap3A_1948 = tpu.vector_load %arg9[%swap3A_1946, %swap3A_1947] {strides = array<i32>} : memref<256x64xf32, #tpu.memory_space<vmem>>, vector<16xf32>,
      tpu.vector_store %arg9[%swap3A_1946, %swap3A_1947], %add3A_1928 {strides = array<i32>} : memref<256x64xf32, #tpu.memory_space<vmem>>, vector<16xf32>,
      %swap3A_1949 = arith.index_cast %add3A_1739 : i32 to index
      %swap3A_1950 = arith.constant 48 : index
      %swap3A_1951 = tpu.vector_load %arg9[%swap3A_1949, %swap3A_1950] {strides = array<i32>} : memref<256x64xf32, #tpu.memory_space<vmem>>, vector<16xf32>,
      tpu.vector_store %arg9[%swap3A_1949, %swap3A_1950], %add3A_1938 {strides = array<i32>} : memref<256x64xf32, #tpu.memory_space<vmem>>, vector<16xf32>,
      %add3A_1952 = arith.constant 2 : i32
      %add3A_1953 = arith.addi %add3A_1739, %add3A_1952 : i32
      %lt3A_1954 = arith.constant 256 : i32
      %lt3A_1955 = arith.cmpi slt, %add3A_1953, %lt3A_1954 : i32
      %convert_element_type3A_1956 = arith.extui %lt3A_1955 : i1 to i32
      %cond3A_1957 = arith.constant 0 : i32
      %cond3A_1958 = arith.cmpi ne, %convert_element_type3A_1956, %cond3A_1957 : i32
      scf.if %cond3A_1958 {
        %add3A_1959 = arith.constant 2 : i32
        %add3A_1960 = arith.addi %add3A_1739, %add3A_1959 : i32
        %get3A_1961 = arith.index_cast %add3A_1960 : i32 to index
        %get3A_1962 = arith.constant 0 : index
        %get3A_1963 = tpu.vector_load %arg6[%get3A_1961, %get3A_1962] {strides = array<i32>} : memref<256x200xi32, #tpu.memory_space<vmem>>, vector<16xi32>,
        %not3A_1964 = arith.constant 16383 : i32
        %not3A_1965 = arith.constant -1 : i32
        %not3A_1966 = arith.xori %not3A_1964, %not3A_1965 : i32
        %and3A_1967 = vector.broadcast %not3A_1966 : i32 to vector<16xi32>
        %and3A_1968 = arith.andi %get3A_1963, %and3A_1967 : vector<16xi32>
        %and3A_1969 = arith.constant 4095 : i32
        %and3A_1970 = vector.broadcast %and3A_1969 : i32 to vector<16xi32>
        %and3A_1971 = arith.andi %get3A_1963, %and3A_1970 : vector<16xi32>
        %shift_left3A_1972 = arith.constant 2 : i32
        %shift_left3A_1973 = vector.broadcast %shift_left3A_1972 : i32 to vector<16xi32>
        %shift_left3A_1974 = arith.shli %and3A_1971, %shift_left3A_1973 : vector<16xi32>
        %or3A_1975 = arith.ori %and3A_1968, %shift_left3A_1974 : vector<16xi32>
        %shift_right_arithmetic3A_1976 = arith.constant 12 : i32
        %shift_right_arithmetic3A_1977 = vector.broadcast %shift_right_arithmetic3A_1976 : i32 to vector<16xi32>
        %shift_right_arithmetic3A_1978 = arith.shrsi %get3A_1963, %shift_right_arithmetic3A_1977 : vector<16xi32>
        %and3A_1979 = arith.constant 3 : i32
        %and3A_1980 = vector.broadcast %and3A_1979 : i32 to vector<16xi32>
        %and3A_1981 = arith.andi %shift_right_arithmetic3A_1978, %and3A_1980 : vector<16xi32>
        %or3A_1982 = arith.ori %or3A_1975, %and3A_1981 : vector<16xi32>
        %swap3A_1983 = arith.constant 1 : i32
        %swap3A_1984 = arith.index_cast %swap3A_1983 : i32 to index
        %swap3A_1985 = arith.constant 0 : index
        %swap3A_1986 = tpu.vector_load %arg7[%swap3A_1984, %swap3A_1985] {strides = array<i32>} : memref<2x200xi32, #tpu.memory_space<vmem>>, vector<16xi32>,
        tpu.vector_store %arg7[%swap3A_1984, %swap3A_1985], %or3A_1982 {strides = array<i32>} : memref<2x200xi32, #tpu.memory_space<vmem>>, vector<16xi32>,
        %get3A_1987 = arith.index_cast %add3A_1960 : i32 to index
        %get3A_1988 = arith.constant 16 : index
        %get3A_1989 = tpu.vector_load %arg6[%get3A_1987, %get3A_1988] {strides = array<i32>} : memref<256x200xi32, #tpu.memory_space<vmem>>, vector<16xi32>,
        %not3A_1990 = arith.constant 16383 : i32
        %not3A_1991 = arith.constant -1 : i32
        %not3A_1992 = arith.xori %not3A_1990, %not3A_1991 : i32
        %and3A_1993 = vector.broadcast %not3A_1992 : i32 to vector<16xi32>
        %and3A_1994 = arith.andi %get3A_1989, %and3A_1993 : vector<16xi32>
        %and3A_1995 = arith.constant 4095 : i32
        %and3A_1996 = vector.broadcast %and3A_1995 : i32 to vector<16xi32>
        %and3A_1997 = arith.andi %get3A_1989, %and3A_1996 : vector<16xi32>
        %shift_left3A_1998 = arith.constant 2 : i32
        %shift_left3A_1999 = vector.broadcast %shift_left3A_1998 : i32 to vector<16xi32>
        %shift_left3A_2000 = arith.shli %and3A_1997, %shift_left3A_1999 : vector<16xi32>
        %or3A_2001 = arith.ori %and3A_1994, %shift_left3A_2000 : vector<16xi32>
        %shift_right_arithmetic3A_2002 = arith.constant 12 : i32
        %shift_right_arithmetic3A_2003 = vector.broadcast %shift_right_arithmetic3A_2002 : i32 to vector<16xi32>
        %shift_right_arithmetic3A_2004 = arith.shrsi %get3A_1989, %shift_right_arithmetic3A_2003 : vector<16xi32>
        %and3A_2005 = arith.constant 3 : i32
        %and3A_2006 = vector.broadcast %and3A_2005 : i32 to vector<16xi32>
        %and3A_2007 = arith.andi %shift_right_arithmetic3A_2004, %and3A_2006 : vector<16xi32>
        %or3A_2008 = arith.ori %or3A_2001, %and3A_2007 : vector<16xi32>
        %swap3A_2009 = arith.constant 1 : i32
        %swap3A_2010 = arith.index_cast %swap3A_2009 : i32 to index
        %swap3A_2011 = arith.constant 16 : index
        %swap3A_2012 = tpu.vector_load %arg7[%swap3A_2010, %swap3A_2011] {strides = array<i32>} : memref<2x200xi32, #tpu.memory_space<vmem>>, vector<16xi32>,
        tpu.vector_store %arg7[%swap3A_2010, %swap3A_2011], %or3A_2008 {strides = array<i32>} : memref<2x200xi32, #tpu.memory_space<vmem>>, vector<16xi32>,
        %get3A_2013 = arith.index_cast %add3A_1960 : i32 to index
        %get3A_2014 = arith.constant 32 : index
        %get3A_2015 = tpu.vector_load %arg6[%get3A_2013, %get3A_2014] {strides = array<i32>} : memref<256x200xi32, #tpu.memory_space<vmem>>, vector<16xi32>,
        %not3A_2016 = arith.constant 16383 : i32
        %not3A_2017 = arith.constant -1 : i32
        %not3A_2018 = arith.xori %not3A_2016, %not3A_2017 : i32
        %and3A_2019 = vector.broadcast %not3A_2018 : i32 to vector<16xi32>
        %and3A_2020 = arith.andi %get3A_2015, %and3A_2019 : vector<16xi32>
        %and3A_2021 = arith.constant 4095 : i32
        %and3A_2022 = vector.broadcast %and3A_2021 : i32 to vector<16xi32>
        %and3A_2023 = arith.andi %get3A_2015, %and3A_2022 : vector<16xi32>
        %shift_left3A_2024 = arith.constant 2 : i32
        %shift_left3A_2025 = vector.broadcast %shift_left3A_2024 : i32 to vector<16xi32>
        %shift_left3A_2026 = arith.shli %and3A_2023, %shift_left3A_2025 : vector<16xi32>
        %or3A_2027 = arith.ori %and3A_2020, %shift_left3A_2026 : vector<16xi32>
        %shift_right_arithmetic3A_2028 = arith.constant 12 : i32
        %shift_right_arithmetic3A_2029 = vector.broadcast %shift_right_arithmetic3A_2028 : i32 to vector<16xi32>
        %shift_right_arithmetic3A_2030 = arith.shrsi %get3A_2015, %shift_right_arithmetic3A_2029 : vector<16xi32>
        %and3A_2031 = arith.constant 3 : i32
        %and3A_2032 = vector.broadcast %and3A_2031 : i32 to vector<16xi32>
        %and3A_2033 = arith.andi %shift_right_arithmetic3A_2030, %and3A_2032 : vector<16xi32>
        %or3A_2034 = arith.ori %or3A_2027, %and3A_2033 : vector<16xi32>
        %swap3A_2035 = arith.constant 1 : i32
        %swap3A_2036 = arith.index_cast %swap3A_2035 : i32 to index
        %swap3A_2037 = arith.constant 32 : index
        %swap3A_2038 = tpu.vector_load %arg7[%swap3A_2036, %swap3A_2037] {strides = array<i32>} : memref<2x200xi32, #tpu.memory_space<vmem>>, vector<16xi32>,
        tpu.vector_store %arg7[%swap3A_2036, %swap3A_2037], %or3A_2034 {strides = array<i32>} : memref<2x200xi32, #tpu.memory_space<vmem>>, vector<16xi32>,
        %get3A_2039 = arith.index_cast %add3A_1960 : i32 to index
        %get3A_2040 = arith.constant 48 : index
        %get3A_2041 = tpu.vector_load %arg6[%get3A_2039, %get3A_2040] {strides = array<i32>} : memref<256x200xi32, #tpu.memory_space<vmem>>, vector<16xi32>,
        %not3A_2042 = arith.constant 16383 : i32
        %not3A_2043 = arith.constant -1 : i32
        %not3A_2044 = arith.xori %not3A_2042, %not3A_2043 : i32
        %and3A_2045 = vector.broadcast %not3A_2044 : i32 to vector<16xi32>
        %and3A_2046 = arith.andi %get3A_2041, %and3A_2045 : vector<16xi32>
        %and3A_2047 = arith.constant 4095 : i32
        %and3A_2048 = vector.broadcast %and3A_2047 : i32 to vector<16xi32>
        %and3A_2049 = arith.andi %get3A_2041, %and3A_2048 : vector<16xi32>
        %shift_left3A_2050 = arith.constant 2 : i32
        %shift_left3A_2051 = vector.broadcast %shift_left3A_2050 : i32 to vector<16xi32>
        %shift_left3A_2052 = arith.shli %and3A_2049, %shift_left3A_2051 : vector<16xi32>
        %or3A_2053 = arith.ori %and3A_2046, %shift_left3A_2052 : vector<16xi32>
        %shift_right_arithmetic3A_2054 = arith.constant 12 : i32
        %shift_right_arithmetic3A_2055 = vector.broadcast %shift_right_arithmetic3A_2054 : i32 to vector<16xi32>
        %shift_right_arithmetic3A_2056 = arith.shrsi %get3A_2041, %shift_right_arithmetic3A_2055 : vector<16xi32>
        %and3A_2057 = arith.constant 3 : i32
        %and3A_2058 = vector.broadcast %and3A_2057 : i32 to vector<16xi32>
        %and3A_2059 = arith.andi %shift_right_arithmetic3A_2056, %and3A_2058 : vector<16xi32>
        %or3A_2060 = arith.ori %or3A_2053, %and3A_2059 : vector<16xi32>
        %swap3A_2061 = arith.constant 1 : i32
        %swap3A_2062 = arith.index_cast %swap3A_2061 : i32 to index
        %swap3A_2063 = arith.constant 48 : index
        %swap3A_2064 = tpu.vector_load %arg7[%swap3A_2062, %swap3A_2063] {strides = array<i32>} : memref<2x200xi32, #tpu.memory_space<vmem>>, vector<16xi32>,
        tpu.vector_store %arg7[%swap3A_2062, %swap3A_2063], %or3A_2060 {strides = array<i32>} : memref<2x200xi32, #tpu.memory_space<vmem>>, vector<16xi32>,
        %get3A_2065 = arith.index_cast %add3A_1960 : i32 to index
        %get3A_2066 = arith.constant 64 : index
        %get3A_2067 = tpu.vector_load %arg6[%get3A_2065, %get3A_2066] {strides = array<i32>} : memref<256x200xi32, #tpu.memory_space<vmem>>, vector<16xi32>,
        %not3A_2068 = arith.constant 16383 : i32
        %not3A_2069 = arith.constant -1 : i32
        %not3A_2070 = arith.xori %not3A_2068, %not3A_2069 : i32
        %and3A_2071 = vector.broadcast %not3A_2070 : i32 to vector<16xi32>
        %and3A_2072 = arith.andi %get3A_2067, %and3A_2071 : vector<16xi32>
        %and3A_2073 = arith.constant 4095 : i32
        %and3A_2074 = vector.broadcast %and3A_2073 : i32 to vector<16xi32>
        %and3A_2075 = arith.andi %get3A_2067, %and3A_2074 : vector<16xi32>
        %shift_left3A_2076 = arith.constant 2 : i32
        %shift_left3A_2077 = vector.broadcast %shift_left3A_2076 : i32 to vector<16xi32>
        %shift_left3A_2078 = arith.shli %and3A_2075, %shift_left3A_2077 : vector<16xi32>
        %or3A_2079 = arith.ori %and3A_2072, %shift_left3A_2078 : vector<16xi32>
        %shift_right_arithmetic3A_2080 = arith.constant 12 : i32
        %shift_right_arithmetic3A_2081 = vector.broadcast %shift_right_arithmetic3A_2080 : i32 to vector<16xi32>
        %shift_right_arithmetic3A_2082 = arith.shrsi %get3A_2067, %shift_right_arithmetic3A_2081 : vector<16xi32>
        %and3A_2083 = arith.constant 3 : i32
        %and3A_2084 = vector.broadcast %and3A_2083 : i32 to vector<16xi32>
        %and3A_2085 = arith.andi %shift_right_arithmetic3A_2082, %and3A_2084 : vector<16xi32>
        %or3A_2086 = arith.ori %or3A_2079, %and3A_2085 : vector<16xi32>
        %swap3A_2087 = arith.constant 1 : i32
        %swap3A_2088 = arith.index_cast %swap3A_2087 : i32 to index
        %swap3A_2089 = arith.constant 64 : index
        %swap3A_2090 = tpu.vector_load %arg7[%swap3A_2088, %swap3A_2089] {strides = array<i32>} : memref<2x200xi32, #tpu.memory_space<vmem>>, vector<16xi32>,
        tpu.vector_store %arg7[%swap3A_2088, %swap3A_2089], %or3A_2086 {strides = array<i32>} : memref<2x200xi32, #tpu.memory_space<vmem>>, vector<16xi32>,
        %get3A_2091 = arith.index_cast %add3A_1960 : i32 to index
        %get3A_2092 = arith.constant 80 : index
        %get3A_2093 = tpu.vector_load %arg6[%get3A_2091, %get3A_2092] {strides = array<i32>} : memref<256x200xi32, #tpu.memory_space<vmem>>, vector<16xi32>,
        %not3A_2094 = arith.constant 16383 : i32
        %not3A_2095 = arith.constant -1 : i32
        %not3A_2096 = arith.xori %not3A_2094, %not3A_2095 : i32
        %and3A_2097 = vector.broadcast %not3A_2096 : i32 to vector<16xi32>
        %and3A_2098 = arith.andi %get3A_2093, %and3A_2097 : vector<16xi32>
        %and3A_2099 = arith.constant 4095 : i32
        %and3A_2100 = vector.broadcast %and3A_2099 : i32 to vector<16xi32>
        %and3A_2101 = arith.andi %get3A_2093, %and3A_2100 : vector<16xi32>
        %shift_left3A_2102 = arith.constant 2 : i32
        %shift_left3A_2103 = vector.broadcast %shift_left3A_2102 : i32 to vector<16xi32>
        %shift_left3A_2104 = arith.shli %and3A_2101, %shift_left3A_2103 : vector<16xi32>
        %or3A_2105 = arith.ori %and3A_2098, %shift_left3A_2104 : vector<16xi32>
        %shift_right_arithmetic3A_2106 = arith.constant 12 : i32
        %shift_right_arithmetic3A_2107 = vector.broadcast %shift_right_arithmetic3A_2106 : i32 to vector<16xi32>
        %shift_right_arithmetic3A_2108 = arith.shrsi %get3A_2093, %shift_right_arithmetic3A_2107 : vector<16xi32>
        %and3A_2109 = arith.constant 3 : i32
        %and3A_2110 = vector.broadcast %and3A_2109 : i32 to vector<16xi32>
        %and3A_2111 = arith.andi %shift_right_arithmetic3A_2108, %and3A_2110 : vector<16xi32>
        %or3A_2112 = arith.ori %or3A_2105, %and3A_2111 : vector<16xi32>
        %swap3A_2113 = arith.constant 1 : i32
        %swap3A_2114 = arith.index_cast %swap3A_2113 : i32 to index
        %swap3A_2115 = arith.constant 80 : index
        %swap3A_2116 = tpu.vector_load %arg7[%swap3A_2114, %swap3A_2115] {strides = array<i32>} : memref<2x200xi32, #tpu.memory_space<vmem>>, vector<16xi32>,
        tpu.vector_store %arg7[%swap3A_2114, %swap3A_2115], %or3A_2112 {strides = array<i32>} : memref<2x200xi32, #tpu.memory_space<vmem>>, vector<16xi32>,
        %get3A_2117 = arith.index_cast %add3A_1960 : i32 to index
        %get3A_2118 = arith.constant 96 : index
        %get3A_2119 = tpu.vector_load %arg6[%get3A_2117, %get3A_2118] {strides = array<i32>} : memref<256x200xi32, #tpu.memory_space<vmem>>, vector<16xi32>,
        %not3A_2120 = arith.constant 16383 : i32
        %not3A_2121 = arith.constant -1 : i32
        %not3A_2122 = arith.xori %not3A_2120, %not3A_2121 : i32
        %and3A_2123 = vector.broadcast %not3A_2122 : i32 to vector<16xi32>
        %and3A_2124 = arith.andi %get3A_2119, %and3A_2123 : vector<16xi32>
        %and3A_2125 = arith.constant 4095 : i32
        %and3A_2126 = vector.broadcast %and3A_2125 : i32 to vector<16xi32>
        %and3A_2127 = arith.andi %get3A_2119, %and3A_2126 : vector<16xi32>
        %shift_left3A_2128 = arith.constant 2 : i32
        %shift_left3A_2129 = vector.broadcast %shift_left3A_2128 : i32 to vector<16xi32>
        %shift_left3A_2130 = arith.shli %and3A_2127, %shift_left3A_2129 : vector<16xi32>
        %or3A_2131 = arith.ori %and3A_2124, %shift_left3A_2130 : vector<16xi32>
        %shift_right_arithmetic3A_2132 = arith.constant 12 : i32
        %shift_right_arithmetic3A_2133 = vector.broadcast %shift_right_arithmetic3A_2132 : i32 to vector<16xi32>
        %shift_right_arithmetic3A_2134 = arith.shrsi %get3A_2119, %shift_right_arithmetic3A_2133 : vector<16xi32>
        %and3A_2135 = arith.constant 3 : i32
        %and3A_2136 = vector.broadcast %and3A_2135 : i32 to vector<16xi32>
        %and3A_2137 = arith.andi %shift_right_arithmetic3A_2134, %and3A_2136 : vector<16xi32>
        %or3A_2138 = arith.ori %or3A_2131, %and3A_2137 : vector<16xi32>
        %swap3A_2139 = arith.constant 1 : i32
        %swap3A_2140 = arith.index_cast %swap3A_2139 : i32 to index
        %swap3A_2141 = arith.constant 96 : index
        %swap3A_2142 = tpu.vector_load %arg7[%swap3A_2140, %swap3A_2141] {strides = array<i32>} : memref<2x200xi32, #tpu.memory_space<vmem>>, vector<16xi32>,
        tpu.vector_store %arg7[%swap3A_2140, %swap3A_2141], %or3A_2138 {strides = array<i32>} : memref<2x200xi32, #tpu.memory_space<vmem>>, vector<16xi32>,
        %get3A_2143 = arith.index_cast %add3A_1960 : i32 to index
        %get3A_2144 = arith.constant 112 : index
        %get3A_2145 = tpu.vector_load %arg6[%get3A_2143, %get3A_2144] {strides = array<i32>} : memref<256x200xi32, #tpu.memory_space<vmem>>, vector<16xi32>,
        %not3A_2146 = arith.constant 16383 : i32
        %not3A_2147 = arith.constant -1 : i32
        %not3A_2148 = arith.xori %not3A_2146, %not3A_2147 : i32
        %and3A_2149 = vector.broadcast %not3A_2148 : i32 to vector<16xi32>
        %and3A_2150 = arith.andi %get3A_2145, %and3A_2149 : vector<16xi32>
        %and3A_2151 = arith.constant 4095 : i32
        %and3A_2152 = vector.broadcast %and3A_2151 : i32 to vector<16xi32>
        %and3A_2153 = arith.andi %get3A_2145, %and3A_2152 : vector<16xi32>
        %shift_left3A_2154 = arith.constant 2 : i32
        %shift_left3A_2155 = vector.broadcast %shift_left3A_2154 : i32 to vector<16xi32>
        %shift_left3A_2156 = arith.shli %and3A_2153, %shift_left3A_2155 : vector<16xi32>
        %or3A_2157 = arith.ori %and3A_2150, %shift_left3A_2156 : vector<16xi32>
        %shift_right_arithmetic3A_2158 = arith.constant 12 : i32
        %shift_right_arithmetic3A_2159 = vector.broadcast %shift_right_arithmetic3A_2158 : i32 to vector<16xi32>
        %shift_right_arithmetic3A_2160 = arith.shrsi %get3A_2145, %shift_right_arithmetic3A_2159 : vector<16xi32>
        %and3A_2161 = arith.constant 3 : i32
        %and3A_2162 = vector.broadcast %and3A_2161 : i32 to vector<16xi32>
        %and3A_2163 = arith.andi %shift_right_arithmetic3A_2160, %and3A_2162 : vector<16xi32>
        %or3A_2164 = arith.ori %or3A_2157, %and3A_2163 : vector<16xi32>
        %swap3A_2165 = arith.constant 1 : i32
        %swap3A_2166 = arith.index_cast %swap3A_2165 : i32 to index
        %swap3A_2167 = arith.constant 112 : index
        %swap3A_2168 = tpu.vector_load %arg7[%swap3A_2166, %swap3A_2167] {strides = array<i32>} : memref<2x200xi32, #tpu.memory_space<vmem>>, vector<16xi32>,
        tpu.vector_store %arg7[%swap3A_2166, %swap3A_2167], %or3A_2164 {strides = array<i32>} : memref<2x200xi32, #tpu.memory_space<vmem>>, vector<16xi32>,
        %get3A_2169 = arith.index_cast %add3A_1960 : i32 to index
        %get3A_2170 = arith.constant 128 : index
        %get3A_2171 = tpu.vector_load %arg6[%get3A_2169, %get3A_2170] {strides = array<i32>} : memref<256x200xi32, #tpu.memory_space<vmem>>, vector<16xi32>,
        %not3A_2172 = arith.constant 16383 : i32
        %not3A_2173 = arith.constant -1 : i32
        %not3A_2174 = arith.xori %not3A_2172, %not3A_2173 : i32
        %and3A_2175 = vector.broadcast %not3A_2174 : i32 to vector<16xi32>
        %and3A_2176 = arith.andi %get3A_2171, %and3A_2175 : vector<16xi32>
        %and3A_2177 = arith.constant 4095 : i32
        %and3A_2178 = vector.broadcast %and3A_2177 : i32 to vector<16xi32>
        %and3A_2179 = arith.andi %get3A_2171, %and3A_2178 : vector<16xi32>
        %shift_left3A_2180 = arith.constant 2 : i32
        %shift_left3A_2181 = vector.broadcast %shift_left3A_2180 : i32 to vector<16xi32>
        %shift_left3A_2182 = arith.shli %and3A_2179, %shift_left3A_2181 : vector<16xi32>
        %or3A_2183 = arith.ori %and3A_2176, %shift_left3A_2182 : vector<16xi32>
        %shift_right_arithmetic3A_2184 = arith.constant 12 : i32
        %shift_right_arithmetic3A_2185 = vector.broadcast %shift_right_arithmetic3A_2184 : i32 to vector<16xi32>
        %shift_right_arithmetic3A_2186 = arith.shrsi %get3A_2171, %shift_right_arithmetic3A_2185 : vector<16xi32>
        %and3A_2187 = arith.constant 3 : i32
        %and3A_2188 = vector.broadcast %and3A_2187 : i32 to vector<16xi32>
        %and3A_2189 = arith.andi %shift_right_arithmetic3A_2186, %and3A_2188 : vector<16xi32>
        %or3A_2190 = arith.ori %or3A_2183, %and3A_2189 : vector<16xi32>
        %swap3A_2191 = arith.constant 1 : i32
        %swap3A_2192 = arith.index_cast %swap3A_2191 : i32 to index
        %swap3A_2193 = arith.constant 128 : index
        %swap3A_2194 = tpu.vector_load %arg7[%swap3A_2192, %swap3A_2193] {strides = array<i32>} : memref<2x200xi32, #tpu.memory_space<vmem>>, vector<16xi32>,
        tpu.vector_store %arg7[%swap3A_2192, %swap3A_2193], %or3A_2190 {strides = array<i32>} : memref<2x200xi32, #tpu.memory_space<vmem>>, vector<16xi32>,
        %get3A_2195 = arith.index_cast %add3A_1960 : i32 to index
        %get3A_2196 = arith.constant 144 : index
        %get3A_2197 = tpu.vector_load %arg6[%get3A_2195, %get3A_2196] {strides = array<i32>} : memref<256x200xi32, #tpu.memory_space<vmem>>, vector<16xi32>,
        %not3A_2198 = arith.constant 16383 : i32
        %not3A_2199 = arith.constant -1 : i32
        %not3A_2200 = arith.xori %not3A_2198, %not3A_2199 : i32
        %and3A_2201 = vector.broadcast %not3A_2200 : i32 to vector<16xi32>
        %and3A_2202 = arith.andi %get3A_2197, %and3A_2201 : vector<16xi32>
        %and3A_2203 = arith.constant 4095 : i32
        %and3A_2204 = vector.broadcast %and3A_2203 : i32 to vector<16xi32>
        %and3A_2205 = arith.andi %get3A_2197, %and3A_2204 : vector<16xi32>
        %shift_left3A_2206 = arith.constant 2 : i32
        %shift_left3A_2207 = vector.broadcast %shift_left3A_2206 : i32 to vector<16xi32>
        %shift_left3A_2208 = arith.shli %and3A_2205, %shift_left3A_2207 : vector<16xi32>
        %or3A_2209 = arith.ori %and3A_2202, %shift_left3A_2208 : vector<16xi32>
        %shift_right_arithmetic3A_2210 = arith.constant 12 : i32
        %shift_right_arithmetic3A_2211 = vector.broadcast %shift_right_arithmetic3A_2210 : i32 to vector<16xi32>
        %shift_right_arithmetic3A_2212 = arith.shrsi %get3A_2197, %shift_right_arithmetic3A_2211 : vector<16xi32>
        %and3A_2213 = arith.constant 3 : i32
        %and3A_2214 = vector.broadcast %and3A_2213 : i32 to vector<16xi32>
        %and3A_2215 = arith.andi %shift_right_arithmetic3A_2212, %and3A_2214 : vector<16xi32>
        %or3A_2216 = arith.ori %or3A_2209, %and3A_2215 : vector<16xi32>
        %swap3A_2217 = arith.constant 1 : i32
        %swap3A_2218 = arith.index_cast %swap3A_2217 : i32 to index
        %swap3A_2219 = arith.constant 144 : index
        %swap3A_2220 = tpu.vector_load %arg7[%swap3A_2218, %swap3A_2219] {strides = array<i32>} : memref<2x200xi32, #tpu.memory_space<vmem>>, vector<16xi32>,
        tpu.vector_store %arg7[%swap3A_2218, %swap3A_2219], %or3A_2216 {strides = array<i32>} : memref<2x200xi32, #tpu.memory_space<vmem>>, vector<16xi32>,
        %get3A_2221 = arith.index_cast %add3A_1960 : i32 to index
        %get3A_2222 = arith.constant 160 : index
        %get3A_2223 = tpu.vector_load %arg6[%get3A_2221, %get3A_2222] {strides = array<i32>} : memref<256x200xi32, #tpu.memory_space<vmem>>, vector<16xi32>,
        %not3A_2224 = arith.constant 16383 : i32
        %not3A_2225 = arith.constant -1 : i32
        %not3A_2226 = arith.xori %not3A_2224, %not3A_2225 : i32
        %and3A_2227 = vector.broadcast %not3A_2226 : i32 to vector<16xi32>
        %and3A_2228 = arith.andi %get3A_2223, %and3A_2227 : vector<16xi32>
        %and3A_2229 = arith.constant 4095 : i32
        %and3A_2230 = vector.broadcast %and3A_2229 : i32 to vector<16xi32>
        %and3A_2231 = arith.andi %get3A_2223, %and3A_2230 : vector<16xi32>
        %shift_left3A_2232 = arith.constant 2 : i32
        %shift_left3A_2233 = vector.broadcast %shift_left3A_2232 : i32 to vector<16xi32>
        %shift_left3A_2234 = arith.shli %and3A_2231, %shift_left3A_2233 : vector<16xi32>
        %or3A_2235 = arith.ori %and3A_2228, %shift_left3A_2234 : vector<16xi32>
        %shift_right_arithmetic3A_2236 = arith.constant 12 : i32
        %shift_right_arithmetic3A_2237 = vector.broadcast %shift_right_arithmetic3A_2236 : i32 to vector<16xi32>
        %shift_right_arithmetic3A_2238 = arith.shrsi %get3A_2223, %shift_right_arithmetic3A_2237 : vector<16xi32>
        %and3A_2239 = arith.constant 3 : i32
        %and3A_2240 = vector.broadcast %and3A_2239 : i32 to vector<16xi32>
        %and3A_2241 = arith.andi %shift_right_arithmetic3A_2238, %and3A_2240 : vector<16xi32>
        %or3A_2242 = arith.ori %or3A_2235, %and3A_2241 : vector<16xi32>
        %swap3A_2243 = arith.constant 1 : i32
        %swap3A_2244 = arith.index_cast %swap3A_2243 : i32 to index
        %swap3A_2245 = arith.constant 160 : index
        %swap3A_2246 = tpu.vector_load %arg7[%swap3A_2244, %swap3A_2245] {strides = array<i32>} : memref<2x200xi32, #tpu.memory_space<vmem>>, vector<16xi32>,
        tpu.vector_store %arg7[%swap3A_2244, %swap3A_2245], %or3A_2242 {strides = array<i32>} : memref<2x200xi32, #tpu.memory_space<vmem>>, vector<16xi32>,
        %get3A_2247 = arith.index_cast %add3A_1960 : i32 to index
        %get3A_2248 = arith.constant 176 : index
        %get3A_2249 = tpu.vector_load %arg6[%get3A_2247, %get3A_2248] {strides = array<i32>} : memref<256x200xi32, #tpu.memory_space<vmem>>, vector<16xi32>,
        %not3A_2250 = arith.constant 16383 : i32
        %not3A_2251 = arith.constant -1 : i32
        %not3A_2252 = arith.xori %not3A_2250, %not3A_2251 : i32
        %and3A_2253 = vector.broadcast %not3A_2252 : i32 to vector<16xi32>
        %and3A_2254 = arith.andi %get3A_2249, %and3A_2253 : vector<16xi32>
        %and3A_2255 = arith.constant 4095 : i32
        %and3A_2256 = vector.broadcast %and3A_2255 : i32 to vector<16xi32>
        %and3A_2257 = arith.andi %get3A_2249, %and3A_2256 : vector<16xi32>
        %shift_left3A_2258 = arith.constant 2 : i32
        %shift_left3A_2259 = vector.broadcast %shift_left3A_2258 : i32 to vector<16xi32>
        %shift_left3A_2260 = arith.shli %and3A_2257, %shift_left3A_2259 : vector<16xi32>
        %or3A_2261 = arith.ori %and3A_2254, %shift_left3A_2260 : vector<16xi32>
        %shift_right_arithmetic3A_2262 = arith.constant 12 : i32
        %shift_right_arithmetic3A_2263 = vector.broadcast %shift_right_arithmetic3A_2262 : i32 to vector<16xi32>
        %shift_right_arithmetic3A_2264 = arith.shrsi %get3A_2249, %shift_right_arithmetic3A_2263 : vector<16xi32>
        %and3A_2265 = arith.constant 3 : i32
        %and3A_2266 = vector.broadcast %and3A_2265 : i32 to vector<16xi32>
        %and3A_2267 = arith.andi %shift_right_arithmetic3A_2264, %and3A_2266 : vector<16xi32>
        %or3A_2268 = arith.ori %or3A_2261, %and3A_2267 : vector<16xi32>
        %swap3A_2269 = arith.constant 1 : i32
        %swap3A_2270 = arith.index_cast %swap3A_2269 : i32 to index
        %swap3A_2271 = arith.constant 176 : index
        %swap3A_2272 = tpu.vector_load %arg7[%swap3A_2270, %swap3A_2271] {strides = array<i32>} : memref<2x200xi32, #tpu.memory_space<vmem>>, vector<16xi32>,
        tpu.vector_store %arg7[%swap3A_2270, %swap3A_2271], %or3A_2268 {strides = array<i32>} : memref<2x200xi32, #tpu.memory_space<vmem>>, vector<16xi32>,
        %get3A_2273 = arith.index_cast %add3A_1960 : i32 to index
        %get3A_2274 = arith.constant 184 : index
        %get3A_2275 = tpu.vector_load %arg6[%get3A_2273, %get3A_2274] {strides = array<i32>} : memref<256x200xi32, #tpu.memory_space<vmem>>, vector<16xi32>,
        %not3A_2276 = arith.constant 16383 : i32
        %not3A_2277 = arith.constant -1 : i32
        %not3A_2278 = arith.xori %not3A_2276, %not3A_2277 : i32
        %and3A_2279 = vector.broadcast %not3A_2278 : i32 to vector<16xi32>
        %and3A_2280 = arith.andi %get3A_2275, %and3A_2279 : vector<16xi32>
        %and3A_2281 = arith.constant 4095 : i32
        %and3A_2282 = vector.broadcast %and3A_2281 : i32 to vector<16xi32>
        %and3A_2283 = arith.andi %get3A_2275, %and3A_2282 : vector<16xi32>
        %shift_left3A_2284 = arith.constant 2 : i32
        %shift_left3A_2285 = vector.broadcast %shift_left3A_2284 : i32 to vector<16xi32>
        %shift_left3A_2286 = arith.shli %and3A_2283, %shift_left3A_2285 : vector<16xi32>
        %or3A_2287 = arith.ori %and3A_2280, %shift_left3A_2286 : vector<16xi32>
        %shift_right_arithmetic3A_2288 = arith.constant 12 : i32
        %shift_right_arithmetic3A_2289 = vector.broadcast %shift_right_arithmetic3A_2288 : i32 to vector<16xi32>
        %shift_right_arithmetic3A_2290 = arith.shrsi %get3A_2275, %shift_right_arithmetic3A_2289 : vector<16xi32>
        %and3A_2291 = arith.constant 3 : i32
        %and3A_2292 = vector.broadcast %and3A_2291 : i32 to vector<16xi32>
        %and3A_2293 = arith.andi %shift_right_arithmetic3A_2290, %and3A_2292 : vector<16xi32>
        %or3A_2294 = arith.ori %or3A_2287, %and3A_2293 : vector<16xi32>
        %swap3A_2295 = arith.constant 1 : i32
        %swap3A_2296 = arith.index_cast %swap3A_2295 : i32 to index
        %swap3A_2297 = arith.constant 184 : index
        %swap3A_2298 = tpu.vector_load %arg7[%swap3A_2296, %swap3A_2297] {strides = array<i32>} : memref<2x200xi32, #tpu.memory_space<vmem>>, vector<16xi32>,
        tpu.vector_store %arg7[%swap3A_2296, %swap3A_2297], %or3A_2294 {strides = array<i32>} : memref<2x200xi32, #tpu.memory_space<vmem>>, vector<16xi32>,
        %dma_start3A_2299 = arith.constant 1 : i32
        %dma_start3A_2300 = arith.constant 1 : i32
        %dma_start3A_2301 = arith.constant 0 : i32
        %dma_start3A_2302 = arith.constant 0 : i32
        %dma_start3A_2303 = tpu.memref_slice %arg8[%dma_start3A_2300, %dma_start3A_2301, %dma_start3A_2302] : memref<2x200x32xf32, #tpu.memory_space<vmem>> -> memref<1x128x32xf32, #tpu.memory_space<vmem>>
        %dma_start3A_2304 = tpu.memref_squeeze %dma_start3A_2303 : memref<1x128x32xf32, #tpu.memory_space<vmem>> -> memref<128x32xf32, #tpu.memory_space<vmem>>
        %dma_start3A_2305 = arith.constant 0 : i32
        %dma_start3A_2306 = tpu.memref_slice %arg7[%dma_start3A_2299, %dma_start3A_2305] : memref<2x200xi32, #tpu.memory_space<vmem>> -> memref<1x128xi32, #tpu.memory_space<vmem>>
        %dma_start3A_2307 = tpu.memref_squeeze %dma_start3A_2306 : memref<1x128xi32, #tpu.memory_space<vmem>> -> memref<128xi32, #tpu.memory_space<vmem>>
        %dma_start3A_2308 = arith.constant 0 : i32
        %dma_start3A_2309 = arith.constant 0 : i32
        %dma_start3A_2310 = tpu.memref_slice %arg3[%dma_start3A_2308, %dma_start3A_2309] : memref<1015808x32xf32, #tpu.memory_space<hbm>> -> memref<1015808x32xf32, #tpu.memory_space<hbm>>
        tpu.enqueue_indirect_dma source(%dma_start3A_2310 : memref<1015808x32xf32, #tpu.memory_space<hbm>>) target(%dma_start3A_2304 : memref<128x32xf32, #tpu.memory_space<vmem>>) offsets(%dma_start3A_2307 : memref<128xi32, #tpu.memory_space<vmem>>) semaphore(%arg12 : memref<!tpu.dma_semaphore, #tpu.memory_space<semaphore_mem>>)
        %dma_start3A_2311 = arith.constant 1 : i32
        %dma_start3A_2312 = arith.constant 1 : i32
        %dma_start3A_2313 = arith.constant 128 : i32
        %dma_start3A_2314 = arith.constant 0 : i32
        %dma_start3A_2315 = tpu.memref_slice %arg8[%dma_start3A_2312, %dma_start3A_2313, %dma_start3A_2314] : memref<2x200x32xf32, #tpu.memory_space<vmem>> -> memref<1x72x32xf32, #tpu.memory_space<vmem>>
        %dma_start3A_2316 = tpu.memref_squeeze %dma_start3A_2315 : memref<1x72x32xf32, #tpu.memory_space<vmem>> -> memref<72x32xf32, #tpu.memory_space<vmem>>
        %dma_start3A_2317 = arith.constant 128 : i32
        %dma_start3A_2318 = tpu.memref_slice %arg7[%dma_start3A_2311, %dma_start3A_2317] : memref<2x200xi32, #tpu.memory_space<vmem>> -> memref<1x72xi32, #tpu.memory_space<vmem>>
        %dma_start3A_2319 = tpu.memref_squeeze %dma_start3A_2318 : memref<1x72xi32, #tpu.memory_space<vmem>> -> memref<72xi32, #tpu.memory_space<vmem>>
        %dma_start3A_2320 = arith.constant 0 : i32
        %dma_start3A_2321 = arith.constant 0 : i32
        %dma_start3A_2322 = tpu.memref_slice %arg3[%dma_start3A_2320, %dma_start3A_2321] : memref<1015808x32xf32, #tpu.memory_space<hbm>> -> memref<1015808x32xf32, #tpu.memory_space<hbm>>
        tpu.enqueue_indirect_dma source(%dma_start3A_2322 : memref<1015808x32xf32, #tpu.memory_space<hbm>>) target(%dma_start3A_2316 : memref<72x32xf32, #tpu.memory_space<vmem>>) offsets(%dma_start3A_2319 : memref<72xi32, #tpu.memory_space<vmem>>) semaphore(%arg12 : memref<!tpu.dma_semaphore, #tpu.memory_space<semaphore_mem>>)
      } else {
      }
    }
    %scan3A_1517 = arith.constant 128 : i32
    "tpu.region"() ({
      %run_scoped3A = tpu.sem_alloc : memref<!tpu.dma_semaphore, #tpu.memory_space<semaphore_mem>>
      %dma_start3A_1518 = arith.constant 0 : i32
      %dma_start3A_1519 = tpu.memref_slice %arg5[%add3A_761, %dma_start3A_1518] : memref<16384x64xf32, #tpu.memory_space<hbm>> -> memref<256x64xf32, #tpu.memory_space<hbm>>
      %dma_start3A_1520 = arith.constant 0 : i32
      %dma_start3A_1521 = tpu.memref_slice %arg5[%add3A_761, %dma_start3A_1520] : memref<16384x64xf32, #tpu.memory_space<hbm>> -> memref<256x64xf32, #tpu.memory_space<hbm>>
      tpu.enqueue_dma source(%arg9 : memref<256x64xf32, #tpu.memory_space<vmem>>) target(%dma_start3A_1521 : memref<256x64xf32, #tpu.memory_space<hbm>>) target_semaphore(%run_scoped3A : memref<!tpu.dma_semaphore, #tpu.memory_space<semaphore_mem>>)
      %dma_wait3A = arith.constant 0 : i32
      %dma_wait3A_1522 = tpu.memref_slice %arg5[%add3A_761, %dma_wait3A] : memref<16384x64xf32, #tpu.memory_space<hbm>> -> memref<256x64xf32, #tpu.memory_space<hbm>>
      %dma_wait3A_1523 = arith.constant 0 : i32
      %dma_wait3A_1524 = tpu.memref_slice %arg5[%add3A_761, %dma_wait3A_1523] : memref<16384x64xf32, #tpu.memory_space<hbm>> -> memref<256x64xf32, #tpu.memory_space<hbm>>
      tpu.wait_dma2 semaphore(%run_scoped3A : memref<!tpu.dma_semaphore, #tpu.memory_space<semaphore_mem>>) src(%arg9 : memref<256x64xf32, #tpu.memory_space<vmem>>) dst(%dma_wait3A_1524 : memref<256x64xf32, #tpu.memory_space<hbm>>)
      tpu.yield
    }) : () -> ()
    return
  }
}

module attributes {stable_mosaic.version = 14 : i64} {
  func.func @body(%arg0: i32, %arg1: memref<64x16384xf32, #tpu.memory_space<vmem>>, %arg2: memref<64x4096xf32, #tpu.memory_space<vmem>>, %arg3: memref<64x64xf32, #tpu.memory_space<vmem>>, %arg4: memref<4096x128xf32, #tpu.memory_space<vmem>>) attributes {dimension_semantics = [#tpu.dimension_semantics<arbitrary>], iteration_bounds = array<i64: 62>, scalar_prefetch = 0 : i64, scratch_operands = 0 : i64, tpu.core_type = #tpu.core_type<tc>, window_params = [{transform_indices = @transform_0, window_bounds = array<i64: 64, 16384>}, {pipeline_mode = #tpu.pipeline_mode<synchronous>, transform_indices = @transform_1, window_bounds = array<i64: 64, 4096>}, {pipeline_mode = #tpu.pipeline_mode<synchronous>, transform_indices = @transform_2, window_bounds = array<i64: 64, 64>}, {transform_indices = @transform_3, window_bounds = array<i64: 4096, 128>}]} {
    %get3A = arith.constant 0 : index
    %get3A_0 = arith.constant 0 : index
    %get3A_1 = vector.load %arg1[%get3A, %get3A_0] : memref<64x16384xf32, #tpu.memory_space<vmem>>, vector<64x4096xf32>
    %get3A_2 = arith.constant 0 : index
    %get3A_3 = arith.constant 0 : index
    %get3A_4 = vector.load %arg3[%get3A_2, %get3A_3] : memref<64x64xf32, #tpu.memory_space<vmem>>, vector<64x64xf32>
    %dot_general3A = arith.constant dense<0.000000e+00> : vector<4096x64xf32>
    %dot_general3A_5 = tpu.matmul %get3A_1, %get3A_4, %dot_general3A {dimension_numbers = #tpu.dot_dimension_numbers<[0], [0], [1], [1], [0, 1, 1, 1], [], []>, transpose_lhs_hint = false} : vector<64x4096xf32>, vector<64x64xf32>, vector<4096x64xf32> -> vector<4096x64xf32>
    %slice3A = vector.extract_strided_slice %dot_general3A_5 {offsets = [0, 0], sizes = [4096, 32], strides = [1, 1]} : vector<4096x64xf32> to vector<4096x32xf32>
    %convert_element_type3A = arith.truncf %slice3A : vector<4096x32xf32> to vector<4096x32xbf16>
    %bitcast_convert_type3A = tpu.bitcast %convert_element_type3A : vector<4096x32xbf16> -> vector<4096x32xi16>
    %convert_element_type3A_6 = arith.extui %bitcast_convert_type3A : vector<4096x32xi16> to vector<4096x32xi32>
    %slice3A_7 = vector.extract_strided_slice %dot_general3A_5 {offsets = [0, 32], sizes = [4096, 32], strides = [1, 1]} : vector<4096x64xf32> to vector<4096x32xf32>
    %convert_element_type3A_8 = arith.truncf %slice3A_7 : vector<4096x32xf32> to vector<4096x32xbf16>
    %bitcast_convert_type3A_9 = tpu.bitcast %convert_element_type3A_8 : vector<4096x32xbf16> -> vector<4096x32xi16>
    %convert_element_type3A_10 = arith.extui %bitcast_convert_type3A_9 : vector<4096x32xi16> to vector<4096x32xi32>
    %shift_left3A = arith.constant 16 : i32
    %shift_left3A_11 = vector.broadcast %shift_left3A : i32 to vector<4096x32xi32>
    %shift_left3A_12 = arith.shli %convert_element_type3A_10, %shift_left3A_11 : vector<4096x32xi32>
    %or3A = arith.ori %convert_element_type3A_6, %shift_left3A_12 : vector<4096x32xi32>
    %bitcast_convert_type3A_13 = tpu.bitcast %or3A : vector<4096x32xi32> -> vector<4096x32xf32>
    %swap3A = arith.constant 0 : index
    %swap3A_14 = arith.constant 0 : index
    %swap3A_15 = vector.load %arg4[%swap3A, %swap3A_14] : memref<4096x128xf32, #tpu.memory_space<vmem>>, vector<4096x32xf32>
    tpu.vector_store %arg4[%swap3A, %swap3A_14], %bitcast_convert_type3A_13 {strides = array<i32>} : memref<4096x128xf32, #tpu.memory_space<vmem>>, vector<4096x32xf32>,
    %get3A_16 = arith.constant 0 : index
    %get3A_17 = arith.constant 4096 : index
    %get3A_18 = vector.load %arg1[%get3A_16, %get3A_17] : memref<64x16384xf32, #tpu.memory_space<vmem>>, vector<64x4096xf32>
    %get3A_19 = arith.constant 0 : index
    %get3A_20 = arith.constant 0 : index
    %get3A_21 = vector.load %arg3[%get3A_19, %get3A_20] : memref<64x64xf32, #tpu.memory_space<vmem>>, vector<64x64xf32>
    %dot_general3A_22 = arith.constant dense<0.000000e+00> : vector<4096x64xf32>
    %dot_general3A_23 = tpu.matmul %get3A_18, %get3A_21, %dot_general3A_22 {dimension_numbers = #tpu.dot_dimension_numbers<[0], [0], [1], [1], [0, 1, 1, 1], [], []>, transpose_lhs_hint = false} : vector<64x4096xf32>, vector<64x64xf32>, vector<4096x64xf32> -> vector<4096x64xf32>
    %slice3A_24 = vector.extract_strided_slice %dot_general3A_23 {offsets = [0, 0], sizes = [4096, 32], strides = [1, 1]} : vector<4096x64xf32> to vector<4096x32xf32>
    %convert_element_type3A_25 = arith.truncf %slice3A_24 : vector<4096x32xf32> to vector<4096x32xbf16>
    %bitcast_convert_type3A_26 = tpu.bitcast %convert_element_type3A_25 : vector<4096x32xbf16> -> vector<4096x32xi16>
    %convert_element_type3A_27 = arith.extui %bitcast_convert_type3A_26 : vector<4096x32xi16> to vector<4096x32xi32>
    %slice3A_28 = vector.extract_strided_slice %dot_general3A_23 {offsets = [0, 32], sizes = [4096, 32], strides = [1, 1]} : vector<4096x64xf32> to vector<4096x32xf32>
    %convert_element_type3A_29 = arith.truncf %slice3A_28 : vector<4096x32xf32> to vector<4096x32xbf16>
    %bitcast_convert_type3A_30 = tpu.bitcast %convert_element_type3A_29 : vector<4096x32xbf16> -> vector<4096x32xi16>
    %convert_element_type3A_31 = arith.extui %bitcast_convert_type3A_30 : vector<4096x32xi16> to vector<4096x32xi32>
    %shift_left3A_32 = arith.constant 16 : i32
    %shift_left3A_33 = vector.broadcast %shift_left3A_32 : i32 to vector<4096x32xi32>
    %shift_left3A_34 = arith.shli %convert_element_type3A_31, %shift_left3A_33 : vector<4096x32xi32>
    %or3A_35 = arith.ori %convert_element_type3A_27, %shift_left3A_34 : vector<4096x32xi32>
    %bitcast_convert_type3A_36 = tpu.bitcast %or3A_35 : vector<4096x32xi32> -> vector<4096x32xf32>
    %swap3A_37 = arith.constant 0 : index
    %swap3A_38 = arith.constant 32 : index
    %swap3A_39 = vector.load %arg4[%swap3A_37, %swap3A_38] : memref<4096x128xf32, #tpu.memory_space<vmem>>, vector<4096x32xf32>
    tpu.vector_store %arg4[%swap3A_37, %swap3A_38], %bitcast_convert_type3A_36 {strides = array<i32>} : memref<4096x128xf32, #tpu.memory_space<vmem>>, vector<4096x32xf32>,
    %get3A_40 = arith.constant 0 : index
    %get3A_41 = arith.constant 8192 : index
    %get3A_42 = vector.load %arg1[%get3A_40, %get3A_41] : memref<64x16384xf32, #tpu.memory_space<vmem>>, vector<64x4096xf32>
    %get3A_43 = arith.constant 0 : index
    %get3A_44 = arith.constant 0 : index
    %get3A_45 = vector.load %arg3[%get3A_43, %get3A_44] : memref<64x64xf32, #tpu.memory_space<vmem>>, vector<64x64xf32>
    %dot_general3A_46 = arith.constant dense<0.000000e+00> : vector<4096x64xf32>
    %dot_general3A_47 = tpu.matmul %get3A_42, %get3A_45, %dot_general3A_46 {dimension_numbers = #tpu.dot_dimension_numbers<[0], [0], [1], [1], [0, 1, 1, 1], [], []>, transpose_lhs_hint = false} : vector<64x4096xf32>, vector<64x64xf32>, vector<4096x64xf32> -> vector<4096x64xf32>
    %slice3A_48 = vector.extract_strided_slice %dot_general3A_47 {offsets = [0, 0], sizes = [4096, 32], strides = [1, 1]} : vector<4096x64xf32> to vector<4096x32xf32>
    %convert_element_type3A_49 = arith.truncf %slice3A_48 : vector<4096x32xf32> to vector<4096x32xbf16>
    %bitcast_convert_type3A_50 = tpu.bitcast %convert_element_type3A_49 : vector<4096x32xbf16> -> vector<4096x32xi16>
    %convert_element_type3A_51 = arith.extui %bitcast_convert_type3A_50 : vector<4096x32xi16> to vector<4096x32xi32>
    %slice3A_52 = vector.extract_strided_slice %dot_general3A_47 {offsets = [0, 32], sizes = [4096, 32], strides = [1, 1]} : vector<4096x64xf32> to vector<4096x32xf32>
    %convert_element_type3A_53 = arith.truncf %slice3A_52 : vector<4096x32xf32> to vector<4096x32xbf16>
    %bitcast_convert_type3A_54 = tpu.bitcast %convert_element_type3A_53 : vector<4096x32xbf16> -> vector<4096x32xi16>
    %convert_element_type3A_55 = arith.extui %bitcast_convert_type3A_54 : vector<4096x32xi16> to vector<4096x32xi32>
    %shift_left3A_56 = arith.constant 16 : i32
    %shift_left3A_57 = vector.broadcast %shift_left3A_56 : i32 to vector<4096x32xi32>
    %shift_left3A_58 = arith.shli %convert_element_type3A_55, %shift_left3A_57 : vector<4096x32xi32>
    %or3A_59 = arith.ori %convert_element_type3A_51, %shift_left3A_58 : vector<4096x32xi32>
    %bitcast_convert_type3A_60 = tpu.bitcast %or3A_59 : vector<4096x32xi32> -> vector<4096x32xf32>
    %swap3A_61 = arith.constant 0 : index
    %swap3A_62 = arith.constant 64 : index
    %swap3A_63 = vector.load %arg4[%swap3A_61, %swap3A_62] : memref<4096x128xf32, #tpu.memory_space<vmem>>, vector<4096x32xf32>
    tpu.vector_store %arg4[%swap3A_61, %swap3A_62], %bitcast_convert_type3A_60 {strides = array<i32>} : memref<4096x128xf32, #tpu.memory_space<vmem>>, vector<4096x32xf32>,
    %get3A_64 = arith.constant 0 : index
    %get3A_65 = arith.constant 12288 : index
    %get3A_66 = vector.load %arg1[%get3A_64, %get3A_65] : memref<64x16384xf32, #tpu.memory_space<vmem>>, vector<64x4096xf32>
    %get3A_67 = arith.constant 0 : index
    %get3A_68 = arith.constant 0 : index
    %get3A_69 = vector.load %arg3[%get3A_67, %get3A_68] : memref<64x64xf32, #tpu.memory_space<vmem>>, vector<64x64xf32>
    %dot_general3A_70 = arith.constant dense<0.000000e+00> : vector<4096x64xf32>
    %dot_general3A_71 = tpu.matmul %get3A_66, %get3A_69, %dot_general3A_70 {dimension_numbers = #tpu.dot_dimension_numbers<[0], [0], [1], [1], [0, 1, 1, 1], [], []>, transpose_lhs_hint = false} : vector<64x4096xf32>, vector<64x64xf32>, vector<4096x64xf32> -> vector<4096x64xf32>
    %slice3A_72 = vector.extract_strided_slice %dot_general3A_71 {offsets = [0, 0], sizes = [4096, 32], strides = [1, 1]} : vector<4096x64xf32> to vector<4096x32xf32>
    %convert_element_type3A_73 = arith.truncf %slice3A_72 : vector<4096x32xf32> to vector<4096x32xbf16>
    %bitcast_convert_type3A_74 = tpu.bitcast %convert_element_type3A_73 : vector<4096x32xbf16> -> vector<4096x32xi16>
    %convert_element_type3A_75 = arith.extui %bitcast_convert_type3A_74 : vector<4096x32xi16> to vector<4096x32xi32>
    %slice3A_76 = vector.extract_strided_slice %dot_general3A_71 {offsets = [0, 32], sizes = [4096, 32], strides = [1, 1]} : vector<4096x64xf32> to vector<4096x32xf32>
    %convert_element_type3A_77 = arith.truncf %slice3A_76 : vector<4096x32xf32> to vector<4096x32xbf16>
    %bitcast_convert_type3A_78 = tpu.bitcast %convert_element_type3A_77 : vector<4096x32xbf16> -> vector<4096x32xi16>
    %convert_element_type3A_79 = arith.extui %bitcast_convert_type3A_78 : vector<4096x32xi16> to vector<4096x32xi32>
    %shift_left3A_80 = arith.constant 16 : i32
    %shift_left3A_81 = vector.broadcast %shift_left3A_80 : i32 to vector<4096x32xi32>
    %shift_left3A_82 = arith.shli %convert_element_type3A_79, %shift_left3A_81 : vector<4096x32xi32>
    %or3A_83 = arith.ori %convert_element_type3A_75, %shift_left3A_82 : vector<4096x32xi32>
    %bitcast_convert_type3A_84 = tpu.bitcast %or3A_83 : vector<4096x32xi32> -> vector<4096x32xf32>
    %swap3A_85 = arith.constant 0 : index
    %swap3A_86 = arith.constant 96 : index
    %swap3A_87 = vector.load %arg4[%swap3A_85, %swap3A_86] : memref<4096x128xf32, #tpu.memory_space<vmem>>, vector<4096x32xf32>
    tpu.vector_store %arg4[%swap3A_85, %swap3A_86], %bitcast_convert_type3A_84 {strides = array<i32>} : memref<4096x128xf32, #tpu.memory_space<vmem>>, vector<4096x32xf32>,
    %eq3A = arith.constant 61 : i32
    %eq3A_88 = arith.cmpi eq, %arg0, %eq3A : i32
    %convert_element_type3A_89 = arith.extui %eq3A_88 : i1 to i32
    %cond3A = arith.constant 0 : i32
    %cond3A_90 = arith.cmpi ne, %convert_element_type3A_89, %cond3A : i32
    scf.if %cond3A_90 {
      %get3A_91 = arith.constant 0 : index
      %get3A_92 = arith.constant 0 : index
      %get3A_93 = vector.load %arg2[%get3A_91, %get3A_92] : memref<64x4096xf32, #tpu.memory_space<vmem>>, vector<64x4096xf32>
      %get3A_94 = arith.constant 0 : index
      %get3A_95 = arith.constant 0 : index
      %get3A_96 = vector.load %arg3[%get3A_94, %get3A_95] : memref<64x64xf32, #tpu.memory_space<vmem>>, vector<64x64xf32>
      %dot_general3A_97 = arith.constant dense<0.000000e+00> : vector<4096x64xf32>
      %dot_general3A_98 = tpu.matmul %get3A_93, %get3A_96, %dot_general3A_97 {dimension_numbers = #tpu.dot_dimension_numbers<[0], [0], [1], [1], [0, 1, 1, 1], [], []>, transpose_lhs_hint = false} : vector<64x4096xf32>, vector<64x64xf32>, vector<4096x64xf32> -> vector<4096x64xf32>
      %slice3A_99 = vector.extract_strided_slice %dot_general3A_98 {offsets = [0, 0], sizes = [4096, 32], strides = [1, 1]} : vector<4096x64xf32> to vector<4096x32xf32>
      %convert_element_type3A_100 = arith.truncf %slice3A_99 : vector<4096x32xf32> to vector<4096x32xbf16>
      %bitcast_convert_type3A_101 = tpu.bitcast %convert_element_type3A_100 : vector<4096x32xbf16> -> vector<4096x32xi16>
      %convert_element_type3A_102 = arith.extui %bitcast_convert_type3A_101 : vector<4096x32xi16> to vector<4096x32xi32>
      %slice3A_103 = vector.extract_strided_slice %dot_general3A_98 {offsets = [0, 32], sizes = [4096, 32], strides = [1, 1]} : vector<4096x64xf32> to vector<4096x32xf32>
      %convert_element_type3A_104 = arith.truncf %slice3A_103 : vector<4096x32xf32> to vector<4096x32xbf16>
      %bitcast_convert_type3A_105 = tpu.bitcast %convert_element_type3A_104 : vector<4096x32xbf16> -> vector<4096x32xi16>
      %convert_element_type3A_106 = arith.extui %bitcast_convert_type3A_105 : vector<4096x32xi16> to vector<4096x32xi32>
      %shift_left3A_107 = arith.constant 16 : i32
      %shift_left3A_108 = vector.broadcast %shift_left3A_107 : i32 to vector<4096x32xi32>
      %shift_left3A_109 = arith.shli %convert_element_type3A_106, %shift_left3A_108 : vector<4096x32xi32>
      %or3A_110 = arith.ori %convert_element_type3A_102, %shift_left3A_109 : vector<4096x32xi32>
      %bitcast_convert_type3A_111 = tpu.bitcast %or3A_110 : vector<4096x32xi32> -> vector<4096x32xf32>
      %slice3A_112 = vector.extract_strided_slice %bitcast_convert_type3A_111 {offsets = [3520, 0], sizes = [576, 32], strides = [1, 1]} : vector<4096x32xf32> to vector<576x32xf32>
      %swap3A_113 = arith.constant 0 : index
      %swap3A_114 = arith.constant 0 : index
      %swap3A_115 = vector.load %arg4[%swap3A_113, %swap3A_114] : memref<4096x128xf32, #tpu.memory_space<vmem>>, vector<576x32xf32>
      tpu.vector_store %arg4[%swap3A_113, %swap3A_114], %slice3A_112 {strides = array<i32>} : memref<4096x128xf32, #tpu.memory_space<vmem>>, vector<576x32xf32>,
    } else {
    }
    return
  }
  func.func @transform_0(%arg0: i32) -> (i32, i32) {
    %c0_i32 = arith.constant 0 : i32
    %c0_i32_0 = arith.constant 0 : i32
    return %c0_i32, %arg0 : i32, i32
  }
  func.func @transform_1(%arg0: i32) -> (i32, i32) {
    %c0_i32 = arith.constant 0 : i32
    %c0_i32_0 = arith.constant 0 : i32
    %c0_i32_1 = arith.constant 0 : i32
    return %c0_i32, %c0_i32_0 : i32, i32
  }
  func.func @transform_2(%arg0: i32) -> (i32, i32) {
    %c0_i32 = arith.constant 0 : i32
    %c0_i32_0 = arith.constant 0 : i32
    %c0_i32_1 = arith.constant 0 : i32
    return %c0_i32, %c0_i32_0 : i32, i32
  }
  func.func @transform_3(%arg0: i32) -> (i32, i32) {
    %c0_i32 = arith.constant 0 : i32
    %c0_i32_0 = arith.constant 0 : i32
    return %arg0, %c0_i32 : i32, i32
  }
}

</mosaic_0001>

<sc_bundles>
// kernel: kernel.4.cloned.1.call-start
scs
__scs_entry_jumppad:
0x0: {  	(pc) =	sbr.rel $0x88, $3  }
0x1: {  	(tag) =	ssettag $0x0;
	lr =	simm.s32 $0x1  }
0x2: {  	[smem:$0x3F9D] =	sst lr;
	_ =	strace $0xD0000000  }
0x3: {  	_ = 	snop  }
0x4: {  	_ = 	snop  }
0x5: {  	_ = 	snop  }
0x6: {  	_ = 	snop  }
0x7: {  	_ = 	snop  }
__scs_overlays_trampoline_lowered:
0x8: {  	[smem:$0x3FAC] =	sst s0  }
0x9: {  	[smem:$0x3FAD] =	sst s1  }
0xa: {  	[smem:$0x3FAE] =	sst s2  }
0xb: {  	[smem:$0x3FAF] =	sst s3  }
0xc: {  	[smem:$0x3FB0] =	sst s4  }
0xd: {  	[smem:$0x3FB1] =	sst s5  }
0xe: {  	[smem:$0x3FB2] =	sst s6  }
0xf: {  	[smem:$0x3FB3] =	sst s7  }
0x10: {  	[smem:$0x3FB4] =	sst s8  }
0x11: {  	[smem:$0x3FB5] =	sst s9;
	s0 =	simm.s32 @!p0 $0x0  }
0x12: {  	s1 =	sld [smem:$0x3F9B];
	s0 =	simm.s32 @p0 $0x1  }
0x13: {  	[smem:$0x3FB6] =	sst s0;
	s0 =	simm.s32 @!p1 $0x0  }
0x14: {  	s2 =	sld [smem:$0x3F9A];
	s0 =	simm.s32 @p1 $0x1  }
0x15: {  	[smem:$0x3FB7] =	sst s0;
	s0 =	simm.s32 @!p2 $0x0  }
0x16: {  	s3 =	sld [smem:$0x3FDB];
	s0 =	simm.s32 @p2 $0x1  }
0x17: {  	s4 =	simm.s32 $0x1BF5;
	[smem:$0x3FB9] =	sst s0  }
0x18: {  	s0 =	sld [smem:$0x3F9C];
	_ =	swait.ge [sflag:s4], $0x0  }
0x19: {  	s7 =	sld [smem:$0x3F9D]  }
0x1a: {  	s8 =	sadd.s32 $0xFFFFE003, lr  }
0x1b: {  	s9 =	sadd.s32 $0xFFFFFEF7, lr;
	s5 =	simm.s32 $0xFFFFFFFF;
	p2 =	slt.u32 s8, $0xFFFFF086  }
0x1c: {  	p1 =	slt.u32 s9, $0xF7A;
	s5 =	simm.s32 @!p2 $0x0  }
0x1d: {  	s5 =	simm.s32 @p1 $0x1;
	p0 =	seq.s32 s7, s2  }
0x1e: {  	s7 =	smul.u32 @!p0 $0xF7A, s2;
	p2 =	seq.s32 @!p0 s5, $0x0  }
0x1f: {  	s9 =	smul.u32 $0xF7A, s1;
	s8 =	simm.s32 @!p0 $0x1BF5;
	p2 =	por !p2, p0  }
0x20: {  	[sflag:s8] =	ssyncset.s32 @!p0 $0xFFFFF086;
	s6 =	sadd.s32 @!p0 s3, s7;
	s7 =	simm.s32 @!p0 $0x108  }
0x21: {  	s3 =	sadd.s32 s3, s9;
	s6 =	sadd.s32 @!p0 $0x88, s6;
	s7 =	simm.s32 @p2 $0x1082  }
0x22: {  	[simem:s7], [sflag:s8] =	dma.local @!p0 [hbm:s6], $0xF7A  }
0x23: {  	s9 =	sor.u32 $0xD0000000, s2;
	s6 =	simm.s32 $0x108;
	_ =	swait.ge @!p0 [sflag:s8], $0x0  }
0x24: {  	s3 =	sadd.s32 $0x88, s3;
	s6 =	simm.s32 @!p1 $0x1082;
	[sflag:s4] =	ssyncset.s32 $0xFFFFF086  }
0x25: {  	[simem:s6], [sflag:s4] =	dma.local [hbm:s3], $0xF7A  }
0x26: {  	[smem:$0x3F9D] =	sst s1;
	(tag) =	ssettag s2;
	_ =	strace s9  }
0x27: {  	s1 =	sld [smem:$0x3FAD]  }
0x28: {  	s2 =	sld [smem:$0x3FAE]  }
0x29: {  	s4 =	sld [smem:$0x3FB0]  }
0x2a: {  	p0 =	seq.s32 s5, $0x0;
	s5 =	sld [smem:$0x3FB1]  }
0x2b: {  	s6 =	sld [smem:$0x3FB2]  }
0x2c: {  	s7 =	sld [smem:$0x3FB3]  }
0x2d: {  	s3 =	simm.s32 $0x108;
	s8 =	sld [smem:$0x3FB4]  }
0x2e: {  	s3 =	simm.s32 @!p0 $0x1082;
	s9 =	sld [smem:$0x3FB5]  }
0x2f: {  	lr =	sadd.s32 s0, s3;
	s0 =	sld [smem:$0x3FAC]  }
0x30: {  	s3 =	sld [smem:$0x3FAF]  }
0x31: {  	[smem:$0x3FB8] =	sst s10  }
0x32: {  	s10 =	sld [smem:$0x3FB6];
	_ =	sdelay $0x3  }
0x33: {  	p0 =	seq.s32 s10, $0x1;
	s10 =	sld [smem:$0x3FB8];
	_ =	sdelay $0x3  }
0x34: {  	[smem:$0x3FB8] =	sst s10  }
0x35: {  	s10 =	sld [smem:$0x3FB7];
	_ =	sdelay $0x3  }
0x36: {  	p1 =	seq.s32 s10, $0x1;
	s10 =	sld [smem:$0x3FB8];
	_ =	sdelay $0x3  }
0x37: {  	[smem:$0x3FB8] =	sst s10  }
0x38: {  	s10 =	sld [smem:$0x3FB9]  }
0x39: {  	_ = 	snop;
	(pc) =	sbr.ind lr, $3  }
0x3a: {  	_ = 	snop  }
0x3b: {  	_ = 	snop  }
0x3c: {  	p2 =	seq.s32 s10, $0x1;
	s10 =	sld [smem:$0x3FB8]  }
0x3d: {  	_ =	shalt  }
0x3e: {  	_ =	shalt  }
0x3f: {  	_ =	shalt  }
0x40: {  	_ =	shalt  }
0x41: {  	_ =	shalt  }
0x42: {  	_ =	shalt  }
0x43: {  	_ =	shalt  }
0x44: {  	_ =	shalt  }
0x45: {  	_ =	shalt  }
0x46: {  	_ =	shalt  }
0x47: {  	_ =	shalt  }
0x48: {  	_ =	shalt  }
0x49: {  	_ =	shalt  }
0x4a: {  	_ =	shalt  }
0x4b: {  	_ =	shalt  }
0x4c: {  	_ =	shalt  }
0x4d: {  	_ =	shalt  }
0x4e: {  	_ =	shalt  }
0x4f: {  	_ =	shalt  }
0x50: {  	_ =	shalt  }
0x51: {  	_ =	shalt  }
0x52: {  	_ =	shalt  }
0x53: {  	_ =	shalt  }
0x54: {  	_ =	shalt  }
0x55: {  	_ =	shalt  }
0x56: {  	_ =	shalt  }
0x57: {  	_ =	shalt  }
0x58: {  	_ =	shalt  }
0x59: {  	_ =	shalt  }
0x5a: {  	_ =	shalt  }
0x5b: {  	_ =	shalt  }
0x5c: {  	_ =	shalt  }
0x5d: {  	_ =	shalt  }
0x5e: {  	_ =	shalt  }
0x5f: {  	_ =	shalt  }
0x60: {  	_ =	shalt  }
0x61: {  	_ =	shalt  }
0x62: {  	_ =	shalt  }
0x63: {  	_ =	shalt  }
0x64: {  	_ =	shalt  }
0x65: {  	_ =	shalt  }
0x66: {  	_ =	shalt  }
0x67: {  	_ =	shalt  }
0x68: {  	_ =	shalt  }
0x69: {  	_ =	shalt  }
0x6a: {  	_ =	shalt  }
0x6b: {  	_ =	shalt  }
0x6c: {  	_ =	shalt  }
0x6d: {  	_ =	shalt  }
0x6e: {  	_ =	shalt  }
0x6f: {  	_ =	shalt  }
0x70: {  	_ =	shalt  }
0x71: {  	_ =	shalt  }
0x72: {  	_ =	shalt  }
0x73: {  	_ =	shalt  }
0x74: {  	_ =	shalt  }
0x75: {  	_ =	shalt  }
0x76: {  	_ =	shalt  }
0x77: {  	_ =	shalt  }
0x78: {  	_ =	shalt  }
0x79: {  	_ =	shalt  }
0x7a: {  	_ =	shalt  }
0x7b: {  	_ =	shalt  }
0x7c: {  	_ =	shalt  }
0x7d: {  	_ =	shalt  }
0x7e: {  	_ =	shalt  }
0x7f: {  	_ =	shalt  }
0x80: {  	_ =	shalt  }
0x81: {  	_ =	shalt  }
0x82: {  	_ =	shalt  }
0x83: {  	_ =	shalt  }
0x84: {  	_ =	shalt  }
0x85: {  	_ =	shalt  }
0x86: {  	_ =	shalt  }
0x87: {  	_ =	shalt  }
.Lfunc_end0:
.L_simem_size_0:
called_computation_lowered:
.L_overlay_start_0:
0x88: {  	s2 =	sld [smem:$0x3FD9]  }
0x89: {  	s3 =	sld [smem:$0x3FFE];
	_ =	sdelay $0x1  }
0x8a: {  	s1 =	srdreg.scid  }
0x8b: {  	s0 =	sand.u32 $0x1, s1  }
0x8c: {  	s17 =	sshll.u32 s0, $0xA;
	s2 =	sadd.s32 s3, s2  }
0x8d: {  	s2 =	sadd.s32 s2, s17  }
0x8e: {  	[smem:$0x3FC4] =	sst s2  }
0x8f: {  	_ = 	snop  }
0x90: {  	s2 =	sld [smem:$0x3FC6]  }
0x91: {  	s18 =	sld [smem:$0x3FD0];
	(tm) =	ssettm $0x1  }
0x92: {  	s4 =	sld [smem:$0x3FFB];
	_ =	sdelay $0x3  }
0x93: {  	_ =	strace s4  }
0x94: {  	s4 =	sld [smem:$0x3FFC];
	_ =	sdelay $0x3  }
0x95: {  	_ =	strace s4  }
0x96: {  	s4 =	sld [smem:$0x3FFD];
	_ =	sdelay $0x3  }
0x97: {  	_ =	strace s4  }
0x98: {  	_ =	strace $0x8FFFFFFF  }
0x99: {  	s19 =	sld [smem:$0x3FDB];
	_ =	sdelay $0x1  }
0x9a: {  	s5 =	simm.s32 $_scs_section_size  }
0x9b: {  	s6 =	simm.s32 $_size__tile_overlayer_lowered;
	s7 =	simm.s32 $_tile_overlayer_lowered  }
0x9c: {  	s22 =	simm.s32 $0x1BFF;
	s21 =	sshll.u32 s7, $0x1;
	s4 =	sadd.s32 s5, s19  }
0x9d: {  	s8 =	simm.s32 $0x0;
	s20 =	sshll.u32 s6, $0x1;
	s6 =	sadd.s32 s21, s4  }
0x9e: {  	[timem:s8], [sflag:s22] =	dma.local [hbm:s6], s20  }
0x9f: {  	_ =	swait.ge [sflag:s22], s20  }
0xa0: {  	s5 =	ssub.s32 $0x0, s20;
	[sflag:s22] =	ssyncset.done $0x0  }
0xa1: {  	[sflag:s22] =	ssyncadd.s32 s5;
	_ =	sdelay $0x1  }
0xa2: {  	s23 =	simm.s32 $0x1B8B  }
0xa3: {  	_ =	swait.ge [sflag:s23], $0x1  }
0xa4: {  	[sflag:s23] =	ssyncset.done $0x0  }
0xa5: {  	s25 =	simm.s32 $0x1B8E;
	s24 =	sld [smem:$0x3FFE];
	[sflag:s23] =	ssyncadd.s32 $0xFFFFFFFF  }
0xa6: {  	s26 =	simm.s32 $execute0_lowered;
	[smem:$0x3FD2] =	sst s25  }
0xa7: {  	s6 =	sshll.u32 s26, $0x1;
	_ =	strace $0x80000046;
	[dreg:$0x1] =	wrdreg $0xFFFFFFFF  }
0xa8: {  	s28 =	simm.s32 $_size_execute0_lowered;
	s4 =	sadd.s32 s4, s6;
	[dreg:$0x0] =	wrdreg $0x0  }
0xa9: {  	s6 =	sshll.u32 s28, $0x1;
	[dreg:$0x2] =	wrdreg s4  }
0xaa: {  	[dreg:$0x3] =	wrdreg s6  }
0xab: {  	[dreg:$0x4] =	wrdreg $0xC0  }
0xac: {  	_ =	task [dreg:s8], $0x5FFFF  }
0xad: {  	[dreg:$0x1] =	wrdreg $0xFFFFFFFF  }
0xae: {  	[dreg:$0x0] =	wrdreg $0x60  }
0xaf: {  	[dreg:$0x2] =	wrdreg s24  }
0xb0: {  	[dreg:$0x3] =	wrdreg s2  }
0xb1: {  	[dreg:$0x4] =	wrdreg s18  }
0xb2: {  	[dreg:$0x5] =	wrdreg $0x9  }
0xb3: {  	_ =	task.clear_ibuf [dreg:s8], $0x6FFFF;
	_ =	strace $0x90000046  }
0xb4: {  	s29 =	simm.s32 $0x9;
	_ =	strace $0x80000048  }
0xb5: {  	_ =	swait.ge [sflag:s29], $0x1  }
0xb6: {  	[sflag:s29] =	ssyncadd.s32 $0xFFFFFFFF  }
0xb7: {  	_ =	strace $0x90000048  }
0xb8: {  	_ =	sfence  }
0xb9: {  	s30 =	sld [smem:$0x0];
	_ =	sdelay $0x2  }
0xba: {  	s31 =	sshll.u32 s1, $0xD;
	s1 =	sshrl.u32 s1, $0x2  }
0xbb: {  	s3 =	sand.u32 $0x4000, s31;
	s1 =	sadd.s32 s1, s30  }
0xbc: {  	s0 =	sor.u32 s3, s0;
	s1 =	sshll.u32 s1, $0x11  }
0xbd: {  	s0 =	sor.u32 s1, s0  }
0xbe: {  	s0 =	sadd.s32 $0x8F2B, s0  }
0xbf: {  	[sflag:s0] =	ssyncadd.remote.s32 $0x1  }
0xc0: {  	_ =	sfence.sel $0xFFFF  }
0xc1: {  	[dreg:$0x0] =	wrdreg $0xFFFFFFFF;
	(pc) =	sbr.abs _section_cstart, $3  }
0xc2: {  	[dreg:$0x1] =	wrdreg $0xFFFFFFFF  }
0xc3: {  	_ =	task.clear_ibuf [dreg:s8], $0x2FFFF;
	_ =	strace $0x9FFFFFFF  }
0xc4: {  	(tm) =	ssettm $0x7FFFFFFF  }
0xc5: {  	_ =	shalt  }
tec
execute0_lowered:
.L_overlay_start_1:
0x0: {  	(tag) =	ssettag $0x1  }
0x1: {  	s4 =	rddreg [dreg:$0x0]  }
0x2: {  	s1 =	rddreg [dreg:$0x1]  }
0x3: {  	s8 =	rddreg [dreg:$0x2]  }
0x4: {  	s0 =	rddreg [dreg:$0x3];
	s5 =	srdreg.scid;
	s3 =	simm.s32 $0x0  }
0x5: {  	s2 =	stileid.u32;
	s13 =	simm.s32 $0xC800;
	s14 =	simm.s32 $0xC990  }
0x6: {  	s15 =	simm.s32 $0x48;
	s16 =	simm.s32 $0xC880;
	s17 =	simm.s32 $0xD990  }
0x7: {  	s18 =	simm.s32 $0xC8C8;
	s19 =	simm.s32 $0xE290;
	s20 =	simm.s32 $0xC948  }
0x8: {  	s21 =	simm.s32 $0xF290;
	s22 =	simm.s32 $0x1;
	s23 =	simm.s32 $0x2  }
0x9: {  	s24 =	simm.s32 $0xFB90;
	s25 =	simm.s32 $0x0;
	s5 =	sand.u32 $0x1, s5  }
0xa: {  	[smem:$0x7FF] =	sst s3;
	s6 =	sshll.u32 s2, $0xA;
	s7 =	sshll.u32 s5, $0x9  }
0xb: {  	s9 =	sadd.s32 $0x400, s4;
	s4 =	sadd.s32 $0x64400, s4;
	s6 =	sor.u32 s7, s6  }
0xc: {  	_ =	strace $0x80000047;
	s5 =	ssub.s32 $0x2, s5;
	s7 =	smul.u32 $0x19, s6  }
.Ltmp0:
0xd: {  	s11 =	sshrl.u32 s5, $0x1;
	s10 =	sor.u32 $0x100, s6;
	(pc) =	sbr.rel .LBB2_1-.Ltmp0, $4  }
0xe: {  	s11 =	ssub.s32 s5, s11;
	s6 =	sshll.u32 s6, $0x3;
	s12 =	smul.u32 $0x19, s10  }
0xf: {  	s6 =	sadd.s32 s8, s6;
	s31 =	sshll.u32 s10, $0x3;
	s10 =	simm.s32 $0x13B90  }
0x10: {  	s5 =	sadd.s32 s9, s7;
	s8 =	sadd.s32 s8, s31;
	s7 =	sadd.s32 s9, s12  }
0x11: {  	v0 =	vimm.bf16 $0.0e+00;
	s9 =	smax.u32 s11, $0x1;
	s11 =	simm.s32 $0x3;
	s12 =	simm.s32 $0x80  }
.LBB2_19:
0x12: {  	s25 =	sadd.s32 $0x1, s25  }
0x13: {  	p0 =	sne.s32 s25, s9  }
.Ltmp1:
0x14: {  	_ = 	snop;
	(pc) =	sbr.rel @!p0 .LBB2_20-.Ltmp1, $4  }
0x15: {  	[hbm4b:s8+s3] =	stream.linear.scatter [tilespmem:s24], [sflag:$0x3], $0x4000, $0x38;
	[tilespmem:$0x13BD0] =	vst v63  }
0x16: {  	_ =	swait.ge [sflag:s11], $0x4000  }
0x17: {  	[sflag:s11] =	ssyncset.done $0x0  }
0x18: {  	[sflag:s11] =	ssyncadd.s32 $0xFFFFC000  }
.LBB2_1:
0x19: {  	[tilespmem:s10], [sflag:$0x3] =	stream.linear.gather [hbm4b:s1+s3], $0x40, $0x38;
	[tilespmem:$0x13BD0] =	vst v63  }
0x1a: {  	_ =	swait.ge [sflag:s11], $0x40  }
0x1b: {  	[sflag:s11] =	ssyncset.done $0x0  }
0x1c: {  	[sflag:s11] =	ssyncadd.s32 $0xFFFFFFC0  }
0x1d: {  	v1 =	vld [tilespmem:$0x13B90]  }
0x1e: {  	v2 =	vld [tilespmem:$0x13BA0]  }
0x1f: {  	v3 =	vld [tilespmem:$0x13BB0]  }
0x20: {  	v4 =	vld [tilespmem:$0x13BC0];
	[tilespmem:s3], [sflag:$0x3] =	stream.linear.gather [hbm4b:s5+s3], $0xC800, $0x38  }
0x21: {  	_ =	swait.ge [sflag:s11], $0xC800  }
0x22: {  	[sflag:s11] =	ssyncset.done $0x0  }
0x23: {  	[sflag:s11] =	ssyncadd.s32 $0xFFFF3800  }
0x24: {  	v5 =	vld [tilespmem:$0x0]  }
0x25: {  	v6 =	vld [tilespmem:$0x10]  }
0x26: {  	v8 =	vld [tilespmem:$0x20]  }
0x27: {  	v10 =	vld [tilespmem:$0x30]  }
0x28: {  	v38 =	vld [tilespmem:$0x40]  }
0x29: {  	v12 =	vld [tilespmem:$0x50]  }
0x2a: {  	v13 =	vld [tilespmem:$0x60]  }
0x2b: {  	v44 =	vld [tilespmem:$0x70]  }
0x2c: {  	v15 =	vld [tilespmem:$0x80];
	v7 =	vshll.u32 v5, $0x2;
	v9 =	vand.u32 $0xFFFFC000, v5;
	v5 =	vshrl.u32 v5, $0xC  }
0x2d: {  	v16 =	vld [tilespmem:$0x90];
	v37 =	vshll.u32 v6, $0x2;
	v11 =	vand.u32 $0xFFFFC000, v6;
	v6 =	vshrl.u32 v6, $0xC  }
0x2e: {  	v53 =	vld [tilespmem:$0xA0];
	v39 =	vand.u32 $0xFFFFC000, v8;
	v40 =	vshll.u32 v10, $0x2;
	v41 =	vand.u32 $0xFFFFC000, v10  }
0x2f: {  	v60 =	vld [tilespmem:$0xB8];
	v42 =	vshrl.u32 v10, $0xC;
	v43 =	vshll.u32 v38, $0x2;
	v14 =	vand.u32 $0xFFFFC000, v38  }
0x30: {  	v46 =	vshll.u32 v12, $0x2;
	v47 =	vand.u32 $0xFFFFC000, v12;
	v12 =	vshrl.u32 v12, $0xC  }
0x31: {  	v49 =	vshll.u32 v13, $0x2;
	v50 =	vand.u32 $0xFFFFC000, v13;
	v51 =	vshrl.u32 v13, $0xC  }
0x32: {  	v52 =	vshll.u32 v44, $0x2;
	v17 =	vand.u32 $0xFFFFC000, v44;
	v55 =	vshll.u32 v15, $0x2  }
0x33: {  	v56 =	vshrl.u32 v15, $0xC;
	v57 =	vshll.u32 v16, $0x2;
	v59 =	vshll.u32 v53, $0x2  }
0x34: {  	v58 =	vld [tilespmem:$0xB0];
	v61 =	vand.u32 $0xFFFFC000, v53;
	v62 =	vshrl.u32 v53, $0xC;
	v19 =	vshll.u32 v60, $0x2  }
0x35: {  	v20 =	vshrl.u32 v60, $0xC;
	v7 =	vand.u32 $0x3FFC, v7;
	v5 =	vand.u32 $0x3, v5  }
0x36: {  	v6 =	vand.u32 $0x3, v6;
	v10 =	vand.u32 $0x3FFC, v43;
	v48 =	vand.u32 $0x3, v12  }
0x37: {  	v12 =	vand.u32 $0x3FFC, v49;
	v13 =	vand.u32 $0x3FFC, v52;
	v63 =	vand.u32 $0x3, v62  }
0x38: {  	v7 =	vor.u32 v9, v7;
	v9 =	vand.u32 $0x3FFC, v37;
	v10 =	vor.u32 v14, v10  }
0x39: {  	v14 =	vshrl.u32 v44, $0xC;
	v13 =	vor.u32 v17, v13;
	v17 =	vshrl.u32 v58, $0xC  }
0x3a: {  	v9 =	vor.u32 v11, v9;
	v5 =	vor.u32 v5, v7;
	v7 =	vshll.u32 v8, $0x2  }
0x3b: {  	v8 =	vshrl.u32 v8, $0xC;
	v11 =	vshrl.u32 v38, $0xC;
	v14 =	vand.u32 $0x3, v14  }
0x3c: {  	v18 =	vand.u32 $0x3, v17;
	v6 =	vor.u32 v6, v9;
	v7 =	vand.u32 $0x3FFC, v7  }
0x3d: {  	v8 =	vand.u32 $0x3, v8;
	v9 =	vand.u32 $0x3FFC, v40;
	v11 =	vand.u32 $0x3, v11  }
0x3e: {  	v54 =	vor.u32 v14, v13;
	[tilespmem:$0xC800] =	vst v5;
	v5 =	vand.u32 $0xFFFFC000, v15;
	v13 =	vand.u32 $0x3FFC, v55  }
0x3f: {  	v15 =	vshll.u32 v58, $0x2;
	v7 =	vor.u32 v39, v7;
	v45 =	vor.u32 v11, v10  }
0x40: {  	v10 =	vand.u32 $0x3FFC, v46;
	v11 =	vor.u32 v50, v12;
	v12 =	vand.u32 $0x3, v51;
	[tilespmem:$0xC810] =	vst v6  }
0x41: {  	v5 =	vor.u32 v5, v13;
	v6 =	vand.u32 $0x3, v56;
	[tilespmem:$0xC870] =	vst v54;
	v7 =	vor.u32 v8, v7  }
0x42: {  	v8 =	vor.u32 v41, v9;
	v9 =	vand.u32 $0x3, v42;
	v10 =	vor.u32 v47, v10;
	[tilespmem:$0xC840] =	vst v45  }
0x43: {  	v11 =	vor.u32 v12, v11;
	v5 =	vor.u32 v6, v5;
	v6 =	vand.u32 $0xFFFFC000, v16;
	[tilespmem:$0xC820] =	vst v7  }
0x44: {  	v8 =	vor.u32 v9, v8;
	v10 =	vor.u32 v48, v10;
	v7 =	vand.u32 $0x3FFC, v57;
	[tilespmem:$0xC860] =	vst v11  }
0x45: {  	[tilespmem:$0xC830] =	vst v8;
	v6 =	vor.u32 v6, v7;
	v7 =	vshrl.u32 v16, $0xC;
	v8 =	vand.u32 $0x3FFC, v59  }
0x46: {  	[tilespmem:$0xC880] =	vst v5;
	v16 =	vand.u32 $0xFFFFC000, v58;
	v7 =	vand.u32 $0x3, v7;
	v8 =	vor.u32 v61, v8  }
0x47: {  	[tilespmem:$0xC850] =	vst v10;
	v6 =	vor.u32 v7, v6;
	v7 =	vor.u32 v63, v8;
	v8 =	vand.u32 $0x3FFC, v15  }
0x48: {  	v9 =	vand.u32 $0x3FFC, v19;
	v5 =	vor.u32 v16, v8;
	[tilespmem:$0xC890] =	vst v6;
	v6 =	vand.u32 $0xFFFFC000, v60  }
0x49: {  	[tilespmem:$0xC8A0] =	vst v7;
	v7 =	vand.u32 $0x3, v20;
	v5 =	vor.u32 v18, v5;
	v6 =	vor.u32 v6, v9  }
0x4a: {  	[tilespmem:$0xC8B0] =	vst v5;
	v5 =	vor.u32 v7, v6  }
0x4b: {  	[tilespmem:$0xC8B8] =	vst v5  }
0x4c: {  	[tilespmem:s14], [sflag:$0x1] =	stream.indirect.gather [hbm4b:s4+s12], $0x20, s13, s12, $0xb8;
	[tilespmem:$0x13BD0] =	vst v63  }
0x4d: {  	_ = 	snop  }
0x4e: {  	[tilespmem:s17], [sflag:$0x1] =	stream.indirect.gather [hbm4b:s4+s15], $0x20, s16, s15, $0xb8;
	[tilespmem:$0x13BD0] =	vst v63  }
0x4f: {  	v5 =	vld [tilespmem:$0xC8]  }
0x50: {  	v6 =	vld [tilespmem:$0xD8]  }
0x51: {  	v21 =	vld [tilespmem:$0xE8]  }
0x52: {  	v24 =	vld [tilespmem:$0xF8]  }
0x53: {  	v26 =	vld [tilespmem:$0x108]  }
0x54: {  	v29 =	vld [tilespmem:$0x118]  }
0x55: {  	v33 =	vld [tilespmem:$0x128]  }
0x56: {  	v35 =	vld [tilespmem:$0x138];
	v7 =	vshll.u32 v5, $0x2;
	v22 =	vand.u32 $0xFFFFC000, v5;
	v5 =	vshrl.u32 v5, $0xC  }
0x57: {  	v41 =	vld [tilespmem:$0x148];
	v23 =	vshll.u32 v6, $0x2;
	v25 =	vand.u32 $0xFFFFC000, v6;
	v6 =	vshrl.u32 v6, $0xC  }
0x58: {  	v45 =	vld [tilespmem:$0x158];
	v27 =	vand.u32 $0xFFFFC000, v21;
	v8 =	vshrl.u32 v21, $0xC;
	v28 =	vshll.u32 v24, $0x2  }
0x59: {  	v47 =	vld [tilespmem:$0x168];
	v30 =	vand.u32 $0xFFFFC000, v24;
	v31 =	vshrl.u32 v24, $0xC;
	v32 =	vshll.u32 v26, $0x2  }
0x5a: {  	v52 =	vld [tilespmem:$0x178];
	v34 =	vand.u32 $0xFFFFC000, v26;
	v11 =	vshrl.u32 v26, $0xC;
	v37 =	vshll.u32 v29, $0x2  }
0x5b: {  	v54 =	vld [tilespmem:$0x180];
	v38 =	vand.u32 $0xFFFFC000, v29;
	v12 =	vshrl.u32 v29, $0xC;
	v40 =	vshll.u32 v33, $0x2  }
0x5c: {  	v42 =	vand.u32 $0xFFFFC000, v33;
	v43 =	vshrl.u32 v33, $0xC;
	v44 =	vshll.u32 v35, $0x2  }
0x5d: {  	v46 =	vand.u32 $0xFFFFC000, v35;
	v14 =	vshrl.u32 v35, $0xC;
	v49 =	vshll.u32 v41, $0x2  }
0x5e: {  	v50 =	vshrl.u32 v41, $0xC;
	v51 =	vshll.u32 v45, $0x2;
	v53 =	vshll.u32 v47, $0x2  }
0x5f: {  	v55 =	vand.u32 $0xFFFFC000, v47;
	v56 =	vshrl.u32 v47, $0xC;
	v58 =	vshll.u32 v52, $0x2  }
0x60: {  	v59 =	vand.u32 $0xFFFFC000, v52;
	v60 =	vshrl.u32 v52, $0xC;
	v62 =	vshll.u32 v54, $0x2  }
0x61: {  	v63 =	vshrl.u32 v54, $0xC;
	v7 =	vand.u32 $0x3FFC, v7;
	v9 =	vand.u32 $0x3FFC, v23  }
0x62: {  	v5 =	vand.u32 $0x3, v5;
	v6 =	vand.u32 $0x3, v6;
	v8 =	vand.u32 $0x3, v8  }
0x63: {  	v10 =	vand.u32 $0x3FFC, v32;
	v11 =	vand.u32 $0x3, v11;
	v39 =	vand.u32 $0x3, v12  }
0x64: {  	v12 =	vand.u32 $0x3FFC, v40;
	v13 =	vand.u32 $0x3FFC, v44;
	v14 =	vand.u32 $0x3, v14  }
0x65: {  	v57 =	vand.u32 $0x3, v56;
	v7 =	vor.u32 v22, v7;
	v9 =	vor.u32 v25, v9  }
0x66: {  	v10 =	vor.u32 v34, v10;
	v13 =	vor.u32 v46, v13;
	v5 =	vor.u32 v5, v7  }
0x67: {  	v6 =	vor.u32 v6, v9;
	v7 =	vshll.u32 v21, $0x2;
	v9 =	vand.u32 $0x3FFC, v28  }
0x68: {  	v36 =	vor.u32 v11, v10;
	v10 =	vand.u32 $0x3FFC, v37;
	v11 =	vor.u32 v42, v12  }
0x69: {  	v12 =	vand.u32 $0x3, v43;
	v48 =	vor.u32 v14, v13;
	v13 =	vand.u32 $0x3FFC, v49;
	[tilespmem:$0xC8C8] =	vst v5  }
0x6a: {  	v7 =	vand.u32 $0x3FFC, v7;
	v10 =	vor.u32 v38, v10;
	v11 =	vor.u32 v12, v11;
	[tilespmem:$0xC8D8] =	vst v6  }
0x6b: {  	v5 =	vand.u32 $0xFFFFC000, v41;
	v6 =	vand.u32 $0x3, v50;
	[tilespmem:$0xC908] =	vst v36;
	v7 =	vor.u32 v27, v7  }
0x6c: {  	[tilespmem:$0xC938] =	vst v48;
	v10 =	vor.u32 v39, v10;
	v5 =	vor.u32 v5, v13;
	v7 =	vor.u32 v8, v7  }
0x6d: {  	[tilespmem:$0xC928] =	vst v11;
	v8 =	vor.u32 v30, v9;
	v9 =	vand.u32 $0x3, v31;
	v5 =	vor.u32 v6, v5  }
0x6e: {  	v6 =	vand.u32 $0xFFFFC000, v45;
	v8 =	vor.u32 v9, v8;
	[tilespmem:$0xC8E8] =	vst v7;
	v7 =	vand.u32 $0x3FFC, v51  }
0x6f: {  	[tilespmem:$0xC8F8] =	vst v8;
	v6 =	vor.u32 v6, v7;
	v7 =	vshrl.u32 v45, $0xC;
	v8 =	vand.u32 $0x3FFC, v53  }
0x70: {  	v61 =	vand.u32 $0x3, v60;
	[tilespmem:$0xC918] =	vst v10;
	v8 =	vor.u32 v55, v8;
	v7 =	vand.u32 $0x3, v7  }
0x71: {  	[tilespmem:$0xC948] =	vst v5;
	v6 =	vor.u32 v7, v6;
	v7 =	vor.u32 v57, v8;
	v8 =	vand.u32 $0x3FFC, v58  }
0x72: {  	v9 =	vand.u32 $0x3FFC, v62;
	v5 =	vor.u32 v59, v8;
	[tilespmem:$0xC958] =	vst v6;
	v6 =	vand.u32 $0xFFFFC000, v54  }
0x73: {  	[tilespmem:$0xC968] =	vst v7;
	v7 =	vand.u32 $0x3, v63;
	v5 =	vor.u32 v61, v5;
	v6 =	vor.u32 v6, v9  }
0x74: {  	[tilespmem:$0xC978] =	vst v5;
	v5 =	vor.u32 v7, v6  }
0x75: {  	[tilespmem:$0xC980] =	vst v5  }
0x76: {  	[tilespmem:s19], [sflag:$0x2] =	stream.indirect.gather [hbm4b:s4+s12], $0x20, s18, s12, $0xb8;
	[tilespmem:$0x13BD0] =	vst v63  }
0x77: {  	s26 =	simm.s32 $0x0  }
0x78: {  	[tilespmem:s21], [sflag:$0x2] =	stream.indirect.gather [hbm4b:s4+s15], $0x20, s20, s15, $0xb8;
	[tilespmem:$0x13BD0] =	vst v63  }
.LBB2_2:
0x79: {  	_ =	swait.ge [sflag:s22], $0x1000  }
0x7a: {  	[sflag:s22] =	ssyncset.done $0x0  }
0x7b: {  	[sflag:s22] =	ssyncadd.s32 $0xFFFFF000  }
0x7c: {  	_ =	swait.ge [sflag:s22], $0x900  }
0x7d: {  	[sflag:s22] =	ssyncset.done $0x0  }
0x7e: {  	s29 =	simm.s32 $0xCA90;
	[sflag:s22] =	ssyncadd.s32 $0xFFFFF700  }
0x7f: {  	v5 =	vld [tilespmem:s29+$0xE0]  }
0x80: {  	v6 =	vld [tilespmem:s29+$0xFFFFFFE0]  }
0x81: {  	v8 =	vld [tilespmem:s29+$0xC0]  }
0x82: {  	v7 =	vld [tilespmem:s29+$0xFFFFFFC0]  }
0x83: {  	v9 =	vld [tilespmem:s29+$0xA0]  }
0x84: {  	v11 =	vld [tilespmem:s29+$0x80]  }
0x85: {  	v13 =	vld [tilespmem:s29+$0x60]  }
0x86: {  	v14 =	vld [tilespmem:s29+$0xFFFFFF60]  }
0x87: {  	v15 =	vld [tilespmem:s29+$0x40]  }
0x88: {  	v16 =	vld [tilespmem:s29+$0xFFFFFF40]  }
0x89: {  	v17 =	vld [tilespmem:s29+$0x20]  }
0x8a: {  	v18 =	vld [tilespmem:s29+$0xFFFFFF20]  }
0x8b: {  	v19 =	vld [tilespmem:s29+$0x0]  }
0x8c: {  	v20 =	vld [tilespmem:s29+$0xFFFFFF00]  }
0x8d: {  	v21 =	vld [tilespmem:s29+$0xFFFFFF10]  }
0x8e: {  	v22 =	vld [tilespmem:s29+$0x10]  }
0x8f: {  	v23 =	vld [tilespmem:s29+$0xFFFFFF30]  }
0x90: {  	v24 =	vld [tilespmem:s29+$0x30]  }
0x91: {  	v25 =	vld [tilespmem:s29+$0xFFFFFF50]  }
0x92: {  	v26 =	vld [tilespmem:s29+$0x50];
	v19 =	vadd.bf16 v0, v19;
	v20 =	vadd.bf16 v0, v20  }
0x93: {  	v27 =	vld [tilespmem:s29+$0xFFFFFF70];
	v21 =	vadd.bf16 v0, v21;
	v22 =	vadd.bf16 v0, v22  }
0x94: {  	v17 =	vadd.bf16 v17, v19;
	v18 =	vadd.bf16 v18, v20;
	v20 =	vld [tilespmem:s29+$0x70]  }
0x95: {  	v12 =	vld [tilespmem:s29+$0xFFFFFF80];
	v19 =	vadd.bf16 v23, v21;
	v22 =	vadd.bf16 v24, v22  }
0x96: {  	v21 =	vld [tilespmem:s29+$0xFFFFFF90];
	v15 =	vadd.bf16 v15, v17;
	v16 =	vadd.bf16 v16, v18  }
0x97: {  	v17 =	vadd.bf16 v25, v19;
	v18 =	vld [tilespmem:s29+$0x90];
	v19 =	vadd.bf16 v26, v22  }
0x98: {  	v10 =	vld [tilespmem:s29+$0xFFFFFFA0];
	v13 =	vadd.bf16 v13, v15;
	v15 =	vadd.bf16 v14, v16  }
0x99: {  	v23 =	vld [tilespmem:s29+$0xFFFFFFB0];
	v16 =	vadd.bf16 v27, v17;
	v19 =	vadd.bf16 v20, v19  }
0x9a: {  	v17 =	vld [tilespmem:s29+$0xB0];
	v11 =	vadd.bf16 v11, v13;
	v12 =	vadd.bf16 v12, v15  }
0x9b: {  	v14 =	vld [tilespmem:s29+$0xFFFFFFD0]  }
0x9c: {  	v15 =	vadd.bf16 v21, v16;
	v16 =	vld [tilespmem:s29+$0xD0];
	v21 =	vadd.bf16 v18, v19  }
0x9d: {  	v13 =	vld [tilespmem:s29+$0xFFFFFFF0];
	v20 =	vadd.bf16 v9, v11;
	v19 =	vadd.bf16 v10, v12  }
0x9e: {  	s28 =	simm.s32 $0x0;
	v18 =	vadd.bf16 v23, v15;
	v15 =	vld [tilespmem:s29+$0xF0];
	s29 =	simm.s32 $0xCC90;
	v10 =	vmovc v2;
	v9 =	vmovc v4;
	v12 =	vmov v1;
	v11 =	vmov v3  }
.LBB2_3:
0x9f: {  	v22 =	vld [tilespmem:s29+$0xE0];
	v17 =	vadd.bf16 v17, v21;
	v20 =	vadd.bf16 v8, v20  }
0xa0: {  	v21 =	vld [tilespmem:s29+$0xFFFFFFE0];
	v19 =	vadd.bf16 v7, v19;
	v14 =	vadd.bf16 v14, v18  }
0xa1: {  	v8 =	vld [tilespmem:s29+$0xC0];
	v16 =	vadd.bf16 v16, v17;
	v23 =	vadd.bf16 v5, v20  }
0xa2: {  	v7 =	vld [tilespmem:s29+$0xFFFFFFC0];
	v24 =	vadd.bf16 v6, v19;
	v13 =	vadd.bf16 v13, v14  }
0xa3: {  	v18 =	vld [tilespmem:s29+$0xA0];
	v14 =	vadd.bf16 v15, v16;
	v15 =	vshll.u32 v23, $0x10;
	v16 =	vand.u32 $0xFFFF0000, v23  }
0xa4: {  	v19 =	vld [tilespmem:s29+$0xFFFFFFA0];
	v17 =	vshll.u32 v24, $0x10;
	v23 =	vand.u32 $0xFFFF0000, v24;
	v20 =	vshll.u32 v13, $0x10;
	v5 =	vmovc v22  }
0xa5: {  	v13 =	vand.u32 $0xFFFF0000, v13;
	v22 =	vld [tilespmem:s29+$0x80];
	v12 =	vadd.f32 v17, v12;
	v11 =	vadd.f32 v23, v11;
	v6 =	vmovc v21  }
0xa6: {  	v10 =	vadd.f32 v20, v10;
	v9 =	vadd.f32 v13, v9;
	v13 =	vshll.u32 v14, $0x10;
	v21 =	vld [tilespmem:s29+$0xFFFFFF80]  }
0xa7: {  	v14 =	vand.u32 $0xFFFF0000, v14;
	v17 =	vld [tilespmem:s29+$0x60];
	v12 =	vadd.f32 v15, v12;
	v11 =	vadd.f32 v16, v11  }
0xa8: {  	v10 =	vadd.f32 v13, v10;
	v9 =	vadd.f32 v14, v9;
	v15 =	vld [tilespmem:s29+$0xFFFFFF60]  }
0xa9: {  	v13 =	vld [tilespmem:s29+$0x40]  }
0xaa: {  	v14 =	vld [tilespmem:s29+$0xFFFFFF40]  }
0xab: {  	v16 =	vld [tilespmem:s29+$0x20]  }
0xac: {  	v20 =	vld [tilespmem:s29+$0xFFFFFF20]  }
0xad: {  	v23 =	vld [tilespmem:s29+$0x0]  }
0xae: {  	v24 =	vld [tilespmem:s29+$0xFFFFFF00]  }
0xaf: {  	v25 =	vld [tilespmem:s29+$0xFFFFFF10]  }
0xb0: {  	s28 =	sadd.s32 $0x2, s28;
	v26 =	vld [tilespmem:s29+$0x10]  }
0xb1: {  	p0 =	slt.u32 s28, $0x16;
	v27 =	vld [tilespmem:s29+$0xFFFFFF30]  }
0xb2: {  	v28 =	vld [tilespmem:s29+$0x30]  }
0xb3: {  	v23 =	vadd.bf16 v0, v23;
	v29 =	vld [tilespmem:s29+$0xFFFFFF50]  }
0xb4: {  	v24 =	vadd.bf16 v0, v24;
	v25 =	vadd.bf16 v0, v25;
	v30 =	vld [tilespmem:s29+$0x50]  }
0xb5: {  	v16 =	vadd.bf16 v16, v23;
	v31 =	vld [tilespmem:s29+$0xFFFFFF70];
	v26 =	vadd.bf16 v0, v26  }
0xb6: {  	v20 =	vadd.bf16 v20, v24;
	v23 =	vadd.bf16 v27, v25;
	v24 =	vld [tilespmem:s29+$0x70]  }
0xb7: {  	v13 =	vadd.bf16 v13, v16;
	v25 =	vld [tilespmem:s29+$0xFFFFFF90];
	v26 =	vadd.bf16 v28, v26  }
0xb8: {  	v14 =	vadd.bf16 v14, v20;
	v16 =	vadd.bf16 v29, v23;
	v20 =	vld [tilespmem:s29+$0x90]  }
0xb9: {  	v13 =	vadd.bf16 v17, v13;
	v23 =	vld [tilespmem:s29+$0xFFFFFFB0];
	v26 =	vadd.bf16 v30, v26  }
.Ltmp2:
0xba: {  	v15 =	vadd.bf16 v15, v14;
	v16 =	vadd.bf16 v31, v16;
	v17 =	vld [tilespmem:s29+$0xB0];
	(pc) =	sbr.rel @p0 .LBB2_3-.Ltmp2, $4  }
0xbb: {  	v22 =	vadd.bf16 v22, v13;
	v14 =	vld [tilespmem:s29+$0xFFFFFFD0];
	v24 =	vadd.bf16 v24, v26  }
0xbc: {  	v15 =	vadd.bf16 v21, v15;
	v25 =	vadd.bf16 v25, v16;
	v16 =	vld [tilespmem:s29+$0xD0]  }
0xbd: {  	v13 =	vld [tilespmem:s29+$0xFFFFFFF0];
	v21 =	vadd.bf16 v20, v24;
	v20 =	vadd.bf16 v18, v22  }
0xbe: {  	v19 =	vadd.bf16 v19, v15;
	v18 =	vadd.bf16 v23, v25;
	v15 =	vld [tilespmem:s29+$0xF0];
	s29 =	sadd.s32 $0x200, s29  }
0xbf: {  	v22 =	vld [tilespmem:$0xE190]  }
0xc0: {  	v23 =	vld [tilespmem:$0xE1A0]  }
0xc1: {  	v24 =	vld [tilespmem:$0xE1B0]  }
0xc2: {  	v25 =	vld [tilespmem:$0xE1C0]  }
0xc3: {  	v26 =	vld [tilespmem:$0xE1D0]  }
0xc4: {  	v27 =	vld [tilespmem:$0xE1E0];
	v22 =	vadd.bf16 v0, v22  }
0xc5: {  	v17 =	vadd.bf16 v17, v21;
	v41 =	vld [tilespmem:$0xE1F0];
	v40 =	vadd.bf16 v0, v23  }
0xc6: {  	v8 =	vadd.bf16 v8, v20;
	v43 =	vld [tilespmem:$0xE200];
	v42 =	vadd.bf16 v24, v22  }
0xc7: {  	v45 =	vld [tilespmem:$0xE210];
	v7 =	vadd.bf16 v7, v19;
	v44 =	vadd.bf16 v25, v40  }
0xc8: {  	v47 =	vld [tilespmem:$0xE220];
	v14 =	vadd.bf16 v14, v18;
	v46 =	vadd.bf16 v26, v42  }
0xc9: {  	v49 =	vld [tilespmem:$0xE230];
	v16 =	vadd.bf16 v16, v17;
	v48 =	vadd.bf16 v27, v44  }
0xca: {  	v51 =	vld [tilespmem:$0xE240];
	v5 =	vadd.bf16 v5, v8;
	v50 =	vadd.bf16 v41, v46  }
0xcb: {  	v52 =	vld [tilespmem:$0xE250];
	v6 =	vadd.bf16 v6, v7;
	v7 =	vadd.bf16 v43, v48  }
0xcc: {  	v53 =	vld [tilespmem:$0xE260];
	v13 =	vadd.bf16 v13, v14;
	v8 =	vadd.bf16 v45, v50  }
0xcd: {  	v54 =	vld [tilespmem:$0xE270];
	v15 =	vadd.bf16 v15, v16;
	v7 =	vadd.bf16 v47, v7  }
0xce: {  	v57 =	vld [tilespmem:$0xE280];
	v55 =	vshll.u32 v5, $0x10;
	v56 =	vshll.u32 v6, $0x10;
	v8 =	vadd.bf16 v49, v8  }
0xcf: {  	v6 =	vand.u32 $0xFFFF0000, v6;
	v12 =	vadd.f32 v56, v12;
	v7 =	vadd.bf16 v51, v7  }
0xd0: {  	v58 =	vshll.u32 v13, $0x10;
	v6 =	vadd.f32 v6, v11;
	v8 =	vadd.bf16 v52, v8  }
0xd1: {  	v59 =	vand.u32 $0xFFFF0000, v13;
	v10 =	vadd.f32 v58, v10;
	v7 =	vadd.bf16 v53, v7  }
0xd2: {  	v5 =	vand.u32 $0xFFFF0000, v5;
	v9 =	vadd.f32 v59, v9;
	v8 =	vadd.bf16 v54, v8  }
0xd3: {  	v60 =	vshll.u32 v15, $0x10;
	v12 =	vadd.f32 v55, v12;
	v7 =	vadd.bf16 v57, v7  }
0xd4: {  	v5 =	vadd.f32 v5, v6;
	v6 =	vadd.f32 v60, v10;
	v61 =	vshll.u32 v8, $0x10  }
0xd5: {  	s28 =	sshll.u32 s26, $0x7;
	p0 =	seq.s32 s26, $0x7F;
	v62 =	vand.u32 $0xFFFF0000, v15;
	v63 =	vshll.u32 v7, $0x10;
	v10 =	vadd.f32 v61, v12  }
.Ltmp3:
0xd6: {  	s28 =	sand.u32 $0x3FFFFF80, s28;
	v9 =	vadd.f32 v62, v9;
	v8 =	vand.u32 $0xFFFF0000, v8;
	v6 =	vadd.f32 v63, v6;
	(pc) =	sbr.rel @p0 .LBB2_6-.Ltmp3, $4  }
0xd7: {  	v7 =	vand.u32 $0xFFFF0000, v7;
	v5 =	vadd.f32 v8, v5;
	[tilespmem:s28+$0xFB90] =	vst v10  }
0xd8: {  	v7 =	vadd.f32 v7, v9;
	[tilespmem:s28+$0xFBA0] =	vst v6  }
0xd9: {  	[tilespmem:s28+$0xFBB0] =	vst v5  }
0xda: {  	[tilespmem:s28+$0xFBC0] =	vst v7  }
0xdb: {  	s29 =	smul.u32 $0x640, s26;
	_ =	sdelay $0x1  }
0xdc: {  	s29 =	sshra.s32 s29, $0x2  }
0xdd: {  	v5 =	vld [tilespmem:s29+$0x190];
	_ =	sdelay $0x4  }
0xde: {  	v6 =	vshll.u32 v5, $0x2  }
0xdf: {  	v7 =	vand.u32 $0xFFFFC000, v5;
	v5 =	vshrl.u32 v5, $0xC;
	v6 =	vand.u32 $0x3FFC, v6  }
0xe0: {  	v5 =	vand.u32 $0x3, v5;
	v6 =	vor.u32 v7, v6  }
0xe1: {  	v5 =	vor.u32 v5, v6  }
0xe2: {  	[tilespmem:$0xC800] =	vst v5  }
0xe3: {  	v5 =	vld [tilespmem:s29+$0x1A0];
	_ =	sdelay $0x4  }
0xe4: {  	v6 =	vshll.u32 v5, $0x2  }
0xe5: {  	v7 =	vand.u32 $0xFFFFC000, v5;
	v5 =	vshrl.u32 v5, $0xC;
	v6 =	vand.u32 $0x3FFC, v6  }
0xe6: {  	v5 =	vand.u32 $0x3, v5;
	v6 =	vor.u32 v7, v6  }
0xe7: {  	v5 =	vor.u32 v5, v6  }
0xe8: {  	[tilespmem:$0xC810] =	vst v5  }
0xe9: {  	v5 =	vld [tilespmem:s29+$0x1B0];
	_ =	sdelay $0x4  }
0xea: {  	v6 =	vshll.u32 v5, $0x2  }
0xeb: {  	v7 =	vand.u32 $0xFFFFC000, v5;
	v5 =	vshrl.u32 v5, $0xC;
	v6 =	vand.u32 $0x3FFC, v6  }
0xec: {  	v5 =	vand.u32 $0x3, v5;
	v6 =	vor.u32 v7, v6  }
0xed: {  	v5 =	vor.u32 v5, v6  }
0xee: {  	[tilespmem:$0xC820] =	vst v5  }
0xef: {  	v5 =	vld [tilespmem:s29+$0x1C0];
	_ =	sdelay $0x4  }
0xf0: {  	v6 =	vshll.u32 v5, $0x2  }
0xf1: {  	v7 =	vand.u32 $0xFFFFC000, v5;
	v5 =	vshrl.u32 v5, $0xC;
	v6 =	vand.u32 $0x3FFC, v6  }
0xf2: {  	v5 =	vand.u32 $0x3, v5;
	v6 =	vor.u32 v7, v6  }
0xf3: {  	v5 =	vor.u32 v5, v6  }
0xf4: {  	[tilespmem:$0xC830] =	vst v5  }
0xf5: {  	v5 =	vld [tilespmem:s29+$0x1D0];
	_ =	sdelay $0x4  }
0xf6: {  	v6 =	vshll.u32 v5, $0x2  }
0xf7: {  	v7 =	vand.u32 $0xFFFFC000, v5;
	v5 =	vshrl.u32 v5, $0xC;
	v6 =	vand.u32 $0x3FFC, v6  }
0xf8: {  	v5 =	vand.u32 $0x3, v5;
	v6 =	vor.u32 v7, v6  }
0xf9: {  	v5 =	vor.u32 v5, v6  }
0xfa: {  	[tilespmem:$0xC840] =	vst v5  }
0xfb: {  	v5 =	vld [tilespmem:s29+$0x1E0];
	_ =	sdelay $0x4  }
0xfc: {  	v6 =	vshll.u32 v5, $0x2  }
0xfd: {  	v7 =	vand.u32 $0xFFFFC000, v5;
	v5 =	vshrl.u32 v5, $0xC;
	v6 =	vand.u32 $0x3FFC, v6  }
0xfe: {  	v5 =	vand.u32 $0x3, v5;
	v6 =	vor.u32 v7, v6  }
0xff: {  	v5 =	vor.u32 v5, v6  }
0x100: {  	[tilespmem:$0xC850] =	vst v5  }
0x101: {  	v5 =	vld [tilespmem:s29+$0x1F0];
	_ =	sdelay $0x4  }
0x102: {  	v6 =	vshll.u32 v5, $0x2  }
0x103: {  	v7 =	vand.u32 $0xFFFFC000, v5;
	v5 =	vshrl.u32 v5, $0xC;
	v6 =	vand.u32 $0x3FFC, v6  }
0x104: {  	v5 =	vand.u32 $0x3, v5;
	v6 =	vor.u32 v7, v6  }
0x105: {  	v5 =	vor.u32 v5, v6  }
0x106: {  	[tilespmem:$0xC860] =	vst v5  }
0x107: {  	v5 =	vld [tilespmem:s29+$0x200];
	_ =	sdelay $0x4  }
0x108: {  	v6 =	vshll.u32 v5, $0x2  }
0x109: {  	v7 =	vand.u32 $0xFFFFC000, v5;
	v5 =	vshrl.u32 v5, $0xC;
	v6 =	vand.u32 $0x3FFC, v6  }
0x10a: {  	v5 =	vand.u32 $0x3, v5;
	v6 =	vor.u32 v7, v6  }
0x10b: {  	v5 =	vor.u32 v5, v6  }
0x10c: {  	[tilespmem:$0xC870] =	vst v5  }
0x10d: {  	v5 =	vld [tilespmem:s29+$0x210];
	_ =	sdelay $0x4  }
0x10e: {  	v6 =	vshll.u32 v5, $0x2  }
0x10f: {  	v7 =	vand.u32 $0xFFFFC000, v5;
	v5 =	vshrl.u32 v5, $0xC;
	v6 =	vand.u32 $0x3FFC, v6  }
0x110: {  	v5 =	vand.u32 $0x3, v5;
	v6 =	vor.u32 v7, v6  }
0x111: {  	v5 =	vor.u32 v5, v6  }
0x112: {  	[tilespmem:$0xC880] =	vst v5  }
0x113: {  	v5 =	vld [tilespmem:s29+$0x220];
	_ =	sdelay $0x4  }
0x114: {  	v6 =	vshll.u32 v5, $0x2  }
0x115: {  	v7 =	vand.u32 $0xFFFFC000, v5;
	v5 =	vshrl.u32 v5, $0xC;
	v6 =	vand.u32 $0x3FFC, v6  }
0x116: {  	v5 =	vand.u32 $0x3, v5;
	v6 =	vor.u32 v7, v6  }
0x117: {  	v5 =	vor.u32 v5, v6  }
0x118: {  	[tilespmem:$0xC890] =	vst v5  }
0x119: {  	v5 =	vld [tilespmem:s29+$0x230];
	_ =	sdelay $0x4  }
0x11a: {  	v6 =	vshll.u32 v5, $0x2  }
0x11b: {  	v7 =	vand.u32 $0xFFFFC000, v5;
	v5 =	vshrl.u32 v5, $0xC;
	v6 =	vand.u32 $0x3FFC, v6  }
0x11c: {  	v5 =	vand.u32 $0x3, v5;
	v6 =	vor.u32 v7, v6  }
0x11d: {  	v5 =	vor.u32 v5, v6  }
0x11e: {  	[tilespmem:$0xC8A0] =	vst v5  }
0x11f: {  	v5 =	vld [tilespmem:s29+$0x240];
	_ =	sdelay $0x4  }
0x120: {  	v6 =	vshll.u32 v5, $0x2  }
0x121: {  	v7 =	vand.u32 $0xFFFFC000, v5;
	v5 =	vshrl.u32 v5, $0xC;
	v6 =	vand.u32 $0x3FFC, v6  }
0x122: {  	v5 =	vand.u32 $0x3, v5;
	v6 =	vor.u32 v7, v6  }
0x123: {  	v5 =	vor.u32 v5, v6  }
0x124: {  	[tilespmem:$0xC8B0] =	vst v5  }
0x125: {  	v5 =	vld [tilespmem:s29+$0x248];
	_ =	sdelay $0x4  }
0x126: {  	v6 =	vshll.u32 v5, $0x2  }
0x127: {  	v7 =	vand.u32 $0xFFFFC000, v5;
	v5 =	vshrl.u32 v5, $0xC;
	v6 =	vand.u32 $0x3FFC, v6  }
0x128: {  	v5 =	vand.u32 $0x3, v5;
	v6 =	vor.u32 v7, v6  }
0x129: {  	v5 =	vor.u32 v5, v6  }
0x12a: {  	[tilespmem:$0xC8B8] =	vst v5  }
0x12b: {  	[tilespmem:s14], [sflag:$0x1] =	stream.indirect.gather [hbm4b:s4+s12], $0x20, s13, s12, $0xb8;
	[tilespmem:$0x13BD0] =	vst v63  }
0x12c: {  	_ = 	snop  }
0x12d: {  	[tilespmem:s17], [sflag:$0x1] =	stream.indirect.gather [hbm4b:s4+s15], $0x20, s16, s15, $0xb8;
	[tilespmem:$0x13BD0] =	vst v63  }
.LBB2_6:
0x12e: {  	_ =	swait.ge [sflag:s23], $0x1000  }
0x12f: {  	[sflag:s23] =	ssyncset.done $0x0  }
0x130: {  	[sflag:s23] =	ssyncadd.s32 $0xFFFFF000  }
0x131: {  	_ =	swait.ge [sflag:s23], $0x900  }
0x132: {  	[sflag:s23] =	ssyncset.done $0x0  }
0x133: {  	s30 =	simm.s32 $0xE480;
	[sflag:s23] =	ssyncadd.s32 $0xFFFFF700  }
0x134: {  	v5 =	vld [tilespmem:s30+$0xFFFFFFF0]  }
0x135: {  	v6 =	vld [tilespmem:s30+$0xFFFFFEF0]  }
0x136: {  	v8 =	vld [tilespmem:s30+$0xFFFFFFD0]  }
0x137: {  	v7 =	vld [tilespmem:s30+$0xFFFFFED0]  }
0x138: {  	v9 =	vld [tilespmem:s30+$0xFFFFFFB0]  }
0x139: {  	v11 =	vld [tilespmem:s30+$0xFFFFFF90]  }
0x13a: {  	v13 =	vld [tilespmem:s30+$0xFFFFFF70]  }
0x13b: {  	v14 =	vld [tilespmem:s30+$0xFFFFFE70]  }
0x13c: {  	v15 =	vld [tilespmem:s30+$0xFFFFFF50]  }
0x13d: {  	v16 =	vld [tilespmem:s30+$0xFFFFFE50]  }
0x13e: {  	v17 =	vld [tilespmem:s30+$0xFFFFFF30]  }
0x13f: {  	v18 =	vld [tilespmem:s30+$0xFFFFFE30]  }
0x140: {  	v19 =	vld [tilespmem:s30+$0xFFFFFF10]  }
0x141: {  	v20 =	vld [tilespmem:s30+$0xFFFFFE10]  }
0x142: {  	v21 =	vld [tilespmem:s30+$0xFFFFFE20]  }
0x143: {  	v22 =	vld [tilespmem:s30+$0xFFFFFF20]  }
0x144: {  	v23 =	vld [tilespmem:s30+$0xFFFFFE40]  }
0x145: {  	v24 =	vld [tilespmem:s30+$0xFFFFFF40]  }
0x146: {  	v25 =	vld [tilespmem:s30+$0xFFFFFE60]  }
0x147: {  	v26 =	vld [tilespmem:s30+$0xFFFFFF60];
	v19 =	vadd.bf16 v0, v19;
	v20 =	vadd.bf16 v0, v20  }
0x148: {  	v27 =	vld [tilespmem:s30+$0xFFFFFE80];
	v21 =	vadd.bf16 v0, v21;
	v22 =	vadd.bf16 v0, v22  }
0x149: {  	v17 =	vadd.bf16 v17, v19;
	v18 =	vadd.bf16 v18, v20;
	v20 =	vld [tilespmem:s30+$0xFFFFFF80]  }
0x14a: {  	v12 =	vld [tilespmem:s30+$0xFFFFFE90];
	v19 =	vadd.bf16 v23, v21;
	v22 =	vadd.bf16 v24, v22  }
0x14b: {  	v21 =	vld [tilespmem:s30+$0xFFFFFEA0];
	v15 =	vadd.bf16 v15, v17;
	v16 =	vadd.bf16 v16, v18  }
0x14c: {  	v17 =	vadd.bf16 v25, v19;
	v18 =	vld [tilespmem:s30+$0xFFFFFFA0];
	v19 =	vadd.bf16 v26, v22  }
0x14d: {  	v10 =	vld [tilespmem:s30+$0xFFFFFEB0];
	v13 =	vadd.bf16 v13, v15;
	v15 =	vadd.bf16 v14, v16  }
0x14e: {  	v23 =	vld [tilespmem:s30+$0xFFFFFEC0];
	v16 =	vadd.bf16 v27, v17;
	v19 =	vadd.bf16 v20, v19  }
0x14f: {  	v17 =	vld [tilespmem:s30+$0xFFFFFFC0];
	v11 =	vadd.bf16 v11, v13;
	v12 =	vadd.bf16 v12, v15  }
0x150: {  	v14 =	vld [tilespmem:s30+$0xFFFFFEE0]  }
0x151: {  	v15 =	vadd.bf16 v21, v16;
	v16 =	vld [tilespmem:s30+$0xFFFFFFE0];
	v21 =	vadd.bf16 v18, v19  }
0x152: {  	v13 =	vld [tilespmem:s30+$0xFFFFFF00];
	v20 =	vadd.bf16 v9, v11;
	v19 =	vadd.bf16 v10, v12  }
0x153: {  	s29 =	simm.s32 $0x0;
	v18 =	vadd.bf16 v23, v15;
	v15 =	vld [tilespmem:s30+$0x0];
	s30 =	simm.s32 $0xE680;
	v10 =	vmovc v2;
	v9 =	vmovc v4;
	v12 =	vmov v1;
	v11 =	vmov v3  }
.LBB2_7:
0x154: {  	v22 =	vld [tilespmem:s30+$0xFFFFFFF0];
	v17 =	vadd.bf16 v17, v21;
	v20 =	vadd.bf16 v8, v20  }
0x155: {  	v21 =	vld [tilespmem:s30+$0xFFFFFEF0];
	v19 =	vadd.bf16 v7, v19;
	v14 =	vadd.bf16 v14, v18  }
0x156: {  	v8 =	vld [tilespmem:s30+$0xFFFFFFD0];
	v16 =	vadd.bf16 v16, v17;
	v23 =	vadd.bf16 v5, v20  }
0x157: {  	v7 =	vld [tilespmem:s30+$0xFFFFFED0];
	v24 =	vadd.bf16 v6, v19;
	v13 =	vadd.bf16 v13, v14  }
0x158: {  	v18 =	vld [tilespmem:s30+$0xFFFFFFB0];
	v14 =	vadd.bf16 v15, v16;
	v15 =	vshll.u32 v23, $0x10;
	v16 =	vand.u32 $0xFFFF0000, v23  }
0x159: {  	v19 =	vld [tilespmem:s30+$0xFFFFFEB0];
	v17 =	vshll.u32 v24, $0x10;
	v23 =	vand.u32 $0xFFFF0000, v24;
	v20 =	vshll.u32 v13, $0x10;
	v5 =	vmovc v22  }
0x15a: {  	v13 =	vand.u32 $0xFFFF0000, v13;
	v22 =	vld [tilespmem:s30+$0xFFFFFF90];
	v12 =	vadd.f32 v17, v12;
	v11 =	vadd.f32 v23, v11;
	v6 =	vmovc v21  }
0x15b: {  	v10 =	vadd.f32 v20, v10;
	v9 =	vadd.f32 v13, v9;
	v13 =	vshll.u32 v14, $0x10;
	v21 =	vld [tilespmem:s30+$0xFFFFFE90]  }
0x15c: {  	v14 =	vand.u32 $0xFFFF0000, v14;
	v17 =	vld [tilespmem:s30+$0xFFFFFF70];
	v12 =	vadd.f32 v15, v12;
	v11 =	vadd.f32 v16, v11  }
0x15d: {  	v10 =	vadd.f32 v13, v10;
	v9 =	vadd.f32 v14, v9;
	v15 =	vld [tilespmem:s30+$0xFFFFFE70]  }
0x15e: {  	v13 =	vld [tilespmem:s30+$0xFFFFFF50]  }
0x15f: {  	v14 =	vld [tilespmem:s30+$0xFFFFFE50]  }
0x160: {  	v16 =	vld [tilespmem:s30+$0xFFFFFF30]  }
0x161: {  	v20 =	vld [tilespmem:s30+$0xFFFFFE30]  }
0x162: {  	v23 =	vld [tilespmem:s30+$0xFFFFFF10]  }
0x163: {  	v24 =	vld [tilespmem:s30+$0xFFFFFE10]  }
0x164: {  	v25 =	vld [tilespmem:s30+$0xFFFFFE20]  }
0x165: {  	s29 =	sadd.s32 $0x2, s29;
	v26 =	vld [tilespmem:s30+$0xFFFFFF20]  }
0x166: {  	p1 =	slt.u32 s29, $0x16;
	v27 =	vld [tilespmem:s30+$0xFFFFFE40]  }
0x167: {  	v28 =	vld [tilespmem:s30+$0xFFFFFF40]  }
0x168: {  	v23 =	vadd.bf16 v0, v23;
	v29 =	vld [tilespmem:s30+$0xFFFFFE60]  }
0x169: {  	v24 =	vadd.bf16 v0, v24;
	v25 =	vadd.bf16 v0, v25;
	v30 =	vld [tilespmem:s30+$0xFFFFFF60]  }
0x16a: {  	v16 =	vadd.bf16 v16, v23;
	v31 =	vld [tilespmem:s30+$0xFFFFFE80];
	v26 =	vadd.bf16 v0, v26  }
0x16b: {  	v20 =	vadd.bf16 v20, v24;
	v23 =	vadd.bf16 v27, v25;
	v24 =	vld [tilespmem:s30+$0xFFFFFF80]  }
0x16c: {  	v13 =	vadd.bf16 v13, v16;
	v25 =	vld [tilespmem:s30+$0xFFFFFEA0];
	v26 =	vadd.bf16 v28, v26  }
0x16d: {  	v14 =	vadd.bf16 v14, v20;
	v16 =	vadd.bf16 v29, v23;
	v20 =	vld [tilespmem:s30+$0xFFFFFFA0]  }
0x16e: {  	v13 =	vadd.bf16 v17, v13;
	v23 =	vld [tilespmem:s30+$0xFFFFFEC0];
	v26 =	vadd.bf16 v30, v26  }
.Ltmp4:
0x16f: {  	v15 =	vadd.bf16 v15, v14;
	v16 =	vadd.bf16 v31, v16;
	v17 =	vld [tilespmem:s30+$0xFFFFFFC0];
	(pc) =	sbr.rel @p1 .LBB2_7-.Ltmp4, $4  }
0x170: {  	v22 =	vadd.bf16 v22, v13;
	v14 =	vld [tilespmem:s30+$0xFFFFFEE0];
	v24 =	vadd.bf16 v24, v26  }
0x171: {  	v15 =	vadd.bf16 v21, v15;
	v25 =	vadd.bf16 v25, v16;
	v16 =	vld [tilespmem:s30+$0xFFFFFFE0]  }
0x172: {  	v13 =	vld [tilespmem:s30+$0xFFFFFF00];
	v21 =	vadd.bf16 v20, v24;
	v20 =	vadd.bf16 v18, v22  }
0x173: {  	v19 =	vadd.bf16 v19, v15;
	v18 =	vadd.bf16 v23, v25;
	v15 =	vld [tilespmem:s30+$0x0];
	s30 =	sadd.s32 $0x200, s30  }
0x174: {  	v22 =	vld [tilespmem:$0xFA90]  }
0x175: {  	v23 =	vld [tilespmem:$0xFAA0]  }
0x176: {  	v24 =	vld [tilespmem:$0xFAB0]  }
0x177: {  	v25 =	vld [tilespmem:$0xFAC0]  }
0x178: {  	v26 =	vld [tilespmem:$0xFAD0]  }
0x179: {  	v27 =	vld [tilespmem:$0xFAE0];
	v22 =	vadd.bf16 v0, v22  }
0x17a: {  	v17 =	vadd.bf16 v17, v21;
	v41 =	vld [tilespmem:$0xFAF0];
	v40 =	vadd.bf16 v0, v23  }
0x17b: {  	v8 =	vadd.bf16 v8, v20;
	v43 =	vld [tilespmem:$0xFB00];
	v42 =	vadd.bf16 v24, v22  }
0x17c: {  	v45 =	vld [tilespmem:$0xFB10];
	v7 =	vadd.bf16 v7, v19;
	v44 =	vadd.bf16 v25, v40  }
0x17d: {  	v47 =	vld [tilespmem:$0xFB20];
	v14 =	vadd.bf16 v14, v18;
	v46 =	vadd.bf16 v26, v42  }
0x17e: {  	v49 =	vld [tilespmem:$0xFB30];
	v16 =	vadd.bf16 v16, v17;
	v48 =	vadd.bf16 v27, v44  }
0x17f: {  	v51 =	vld [tilespmem:$0xFB40];
	v5 =	vadd.bf16 v5, v8;
	v50 =	vadd.bf16 v41, v46  }
0x180: {  	v52 =	vld [tilespmem:$0xFB50];
	v6 =	vadd.bf16 v6, v7;
	v7 =	vadd.bf16 v43, v48  }
0x181: {  	v53 =	vld [tilespmem:$0xFB60];
	v13 =	vadd.bf16 v13, v14;
	v8 =	vadd.bf16 v45, v50  }
0x182: {  	v54 =	vld [tilespmem:$0xFB70];
	v15 =	vadd.bf16 v15, v16;
	v7 =	vadd.bf16 v47, v7  }
0x183: {  	v57 =	vld [tilespmem:$0xFB80];
	v55 =	vshll.u32 v5, $0x10;
	v56 =	vshll.u32 v6, $0x10;
	v8 =	vadd.bf16 v49, v8  }
0x184: {  	v6 =	vand.u32 $0xFFFF0000, v6;
	v12 =	vadd.f32 v56, v12;
	v7 =	vadd.bf16 v51, v7  }
0x185: {  	v58 =	vshll.u32 v13, $0x10;
	v6 =	vadd.f32 v6, v11;
	v8 =	vadd.bf16 v52, v8  }
0x186: {  	v59 =	vand.u32 $0xFFFF0000, v13;
	v10 =	vadd.f32 v58, v10;
	v7 =	vadd.bf16 v53, v7  }
0x187: {  	v5 =	vand.u32 $0xFFFF0000, v5;
	v9 =	vadd.f32 v59, v9;
	v8 =	vadd.bf16 v54, v8  }
0x188: {  	v60 =	vshll.u32 v15, $0x10;
	v12 =	vadd.f32 v55, v12;
	v7 =	vadd.bf16 v57, v7  }
0x189: {  	v5 =	vadd.f32 v5, v6;
	v6 =	vadd.f32 v60, v10;
	v61 =	vshll.u32 v8, $0x10  }
0x18a: {  	v62 =	vand.u32 $0xFFFF0000, v15;
	v63 =	vshll.u32 v7, $0x10;
	v10 =	vadd.f32 v61, v12  }
.Ltmp5:
0x18b: {  	v9 =	vadd.f32 v62, v9;
	v8 =	vand.u32 $0xFFFF0000, v8;
	v6 =	vadd.f32 v63, v6;
	(pc) =	sbr.rel @p0 .LBB2_10-.Ltmp5, $4  }
0x18c: {  	v7 =	vand.u32 $0xFFFF0000, v7;
	v5 =	vadd.f32 v8, v5;
	[tilespmem:s28+$0xFBD0] =	vst v10  }
0x18d: {  	v7 =	vadd.f32 v7, v9;
	[tilespmem:s28+$0xFBE0] =	vst v6  }
0x18e: {  	[tilespmem:s28+$0xFBF0] =	vst v5  }
0x18f: {  	[tilespmem:s28+$0xFC00] =	vst v7  }
0x190: {  	s28 =	smul.u32 $0x640, s26;
	_ =	sdelay $0x1  }
0x191: {  	s28 =	sshra.s32 s28, $0x2  }
0x192: {  	v5 =	vld [tilespmem:s28+$0x258];
	_ =	sdelay $0x4  }
0x193: {  	v6 =	vshll.u32 v5, $0x2  }
0x194: {  	v7 =	vand.u32 $0xFFFFC000, v5;
	v5 =	vshrl.u32 v5, $0xC;
	v6 =	vand.u32 $0x3FFC, v6  }
0x195: {  	v5 =	vand.u32 $0x3, v5;
	v6 =	vor.u32 v7, v6  }
0x196: {  	v5 =	vor.u32 v5, v6  }
0x197: {  	[tilespmem:$0xC8C8] =	vst v5  }
0x198: {  	v5 =	vld [tilespmem:s28+$0x268];
	_ =	sdelay $0x4  }
0x199: {  	v6 =	vshll.u32 v5, $0x2  }
0x19a: {  	v7 =	vand.u32 $0xFFFFC000, v5;
	v5 =	vshrl.u32 v5, $0xC;
	v6 =	vand.u32 $0x3FFC, v6  }
0x19b: {  	v5 =	vand.u32 $0x3, v5;
	v6 =	vor.u32 v7, v6  }
0x19c: {  	v5 =	vor.u32 v5, v6  }
0x19d: {  	[tilespmem:$0xC8D8] =	vst v5  }
0x19e: {  	v5 =	vld [tilespmem:s28+$0x278];
	_ =	sdelay $0x4  }
0x19f: {  	v6 =	vshll.u32 v5, $0x2  }
0x1a0: {  	v7 =	vand.u32 $0xFFFFC000, v5;
	v5 =	vshrl.u32 v5, $0xC;
	v6 =	vand.u32 $0x3FFC, v6  }
0x1a1: {  	v5 =	vand.u32 $0x3, v5;
	v6 =	vor.u32 v7, v6  }
0x1a2: {  	v5 =	vor.u32 v5, v6  }
0x1a3: {  	[tilespmem:$0xC8E8] =	vst v5  }
0x1a4: {  	v5 =	vld [tilespmem:s28+$0x288];
	_ =	sdelay $0x4  }
0x1a5: {  	v6 =	vshll.u32 v5, $0x2  }
0x1a6: {  	v7 =	vand.u32 $0xFFFFC000, v5;
	v5 =	vshrl.u32 v5, $0xC;
	v6 =	vand.u32 $0x3FFC, v6  }
0x1a7: {  	v5 =	vand.u32 $0x3, v5;
	v6 =	vor.u32 v7, v6  }
0x1a8: {  	v5 =	vor.u32 v5, v6  }
0x1a9: {  	[tilespmem:$0xC8F8] =	vst v5  }
0x1aa: {  	v5 =	vld [tilespmem:s28+$0x298];
	_ =	sdelay $0x4  }
0x1ab: {  	v6 =	vshll.u32 v5, $0x2  }
0x1ac: {  	v7 =	vand.u32 $0xFFFFC000, v5;
	v5 =	vshrl.u32 v5, $0xC;
	v6 =	vand.u32 $0x3FFC, v6  }
0x1ad: {  	v5 =	vand.u32 $0x3, v5;
	v6 =	vor.u32 v7, v6  }
0x1ae: {  	v5 =	vor.u32 v5, v6  }
0x1af: {  	[tilespmem:$0xC908] =	vst v5  }
0x1b0: {  	v5 =	vld [tilespmem:s28+$0x2A8];
	_ =	sdelay $0x4  }
0x1b1: {  	v6 =	vshll.u32 v5, $0x2  }
0x1b2: {  	v7 =	vand.u32 $0xFFFFC000, v5;
	v5 =	vshrl.u32 v5, $0xC;
	v6 =	vand.u32 $0x3FFC, v6  }
0x1b3: {  	v5 =	vand.u32 $0x3, v5;
	v6 =	vor.u32 v7, v6  }
0x1b4: {  	v5 =	vor.u32 v5, v6  }
0x1b5: {  	[tilespmem:$0xC918] =	vst v5  }
0x1b6: {  	v5 =	vld [tilespmem:s28+$0x2B8];
	_ =	sdelay $0x4  }
0x1b7: {  	v6 =	vshll.u32 v5, $0x2  }
0x1b8: {  	v7 =	vand.u32 $0xFFFFC000, v5;
	v5 =	vshrl.u32 v5, $0xC;
	v6 =	vand.u32 $0x3FFC, v6  }
0x1b9: {  	v5 =	vand.u32 $0x3, v5;
	v6 =	vor.u32 v7, v6  }
0x1ba: {  	v5 =	vor.u32 v5, v6  }
0x1bb: {  	[tilespmem:$0xC928] =	vst v5  }
0x1bc: {  	v5 =	vld [tilespmem:s28+$0x2C8];
	_ =	sdelay $0x4  }
0x1bd: {  	v6 =	vshll.u32 v5, $0x2  }
0x1be: {  	v7 =	vand.u32 $0xFFFFC000, v5;
	v5 =	vshrl.u32 v5, $0xC;
	v6 =	vand.u32 $0x3FFC, v6  }
0x1bf: {  	v5 =	vand.u32 $0x3, v5;
	v6 =	vor.u32 v7, v6  }
0x1c0: {  	v5 =	vor.u32 v5, v6  }
0x1c1: {  	[tilespmem:$0xC938] =	vst v5  }
0x1c2: {  	v5 =	vld [tilespmem:s28+$0x2D8];
	_ =	sdelay $0x4  }
0x1c3: {  	v6 =	vshll.u32 v5, $0x2  }
0x1c4: {  	v7 =	vand.u32 $0xFFFFC000, v5;
	v5 =	vshrl.u32 v5, $0xC;
	v6 =	vand.u32 $0x3FFC, v6  }
0x1c5: {  	v5 =	vand.u32 $0x3, v5;
	v6 =	vor.u32 v7, v6  }
0x1c6: {  	v5 =	vor.u32 v5, v6  }
0x1c7: {  	[tilespmem:$0xC948] =	vst v5  }
0x1c8: {  	v5 =	vld [tilespmem:s28+$0x2E8];
	_ =	sdelay $0x4  }
0x1c9: {  	v6 =	vshll.u32 v5, $0x2  }
0x1ca: {  	v7 =	vand.u32 $0xFFFFC000, v5;
	v5 =	vshrl.u32 v5, $0xC;
	v6 =	vand.u32 $0x3FFC, v6  }
0x1cb: {  	v5 =	vand.u32 $0x3, v5;
	v6 =	vor.u32 v7, v6  }
0x1cc: {  	v5 =	vor.u32 v5, v6  }
0x1cd: {  	[tilespmem:$0xC958] =	vst v5  }
0x1ce: {  	v5 =	vld [tilespmem:s28+$0x2F8];
	_ =	sdelay $0x4  }
0x1cf: {  	v6 =	vshll.u32 v5, $0x2  }
0x1d0: {  	v7 =	vand.u32 $0xFFFFC000, v5;
	v5 =	vshrl.u32 v5, $0xC;
	v6 =	vand.u32 $0x3FFC, v6  }
0x1d1: {  	v5 =	vand.u32 $0x3, v5;
	v6 =	vor.u32 v7, v6  }
0x1d2: {  	v5 =	vor.u32 v5, v6  }
0x1d3: {  	[tilespmem:$0xC968] =	vst v5  }
0x1d4: {  	v5 =	vld [tilespmem:s28+$0x308];
	_ =	sdelay $0x4  }
0x1d5: {  	v6 =	vshll.u32 v5, $0x2  }
0x1d6: {  	v7 =	vand.u32 $0xFFFFC000, v5;
	v5 =	vshrl.u32 v5, $0xC;
	v6 =	vand.u32 $0x3FFC, v6  }
0x1d7: {  	v5 =	vand.u32 $0x3, v5;
	v6 =	vor.u32 v7, v6  }
0x1d8: {  	v5 =	vor.u32 v5, v6  }
0x1d9: {  	[tilespmem:$0xC978] =	vst v5  }
0x1da: {  	v5 =	vld [tilespmem:s28+$0x310];
	_ =	sdelay $0x4  }
0x1db: {  	v6 =	vshll.u32 v5, $0x2  }
0x1dc: {  	v7 =	vand.u32 $0xFFFFC000, v5;
	v5 =	vshrl.u32 v5, $0xC;
	v6 =	vand.u32 $0x3FFC, v6  }
0x1dd: {  	v5 =	vand.u32 $0x3, v5;
	v6 =	vor.u32 v7, v6  }
.Ltmp6:
0x1de: {  	v5 =	vor.u32 v5, v6;
	(pc) =	sbr.rel .LBB2_2-.Ltmp6, $4  }
0x1df: {  	[tilespmem:$0xC980] =	vst v5  }
0x1e0: {  	[tilespmem:s19], [sflag:$0x2] =	stream.indirect.gather [hbm4b:s4+s12], $0x20, s18, s12, $0xb8;
	[tilespmem:$0x13BD0] =	vst v63  }
0x1e1: {  	s26 =	sadd.s32 $0x1, s26  }
0x1e2: {  	[tilespmem:s21], [sflag:$0x2] =	stream.indirect.gather [hbm4b:s4+s15], $0x20, s20, s15, $0xb8;
	[tilespmem:$0x13BD0] =	vst v63  }
.LBB2_10:
0x1e3: {  	s26 =	simm.s32 $0x0  }
0x1e4: {  	[hbm4b:s6+s26] =	stream.linear.scatter [tilespmem:s24], [sflag:$0x3], $0x4000, $0x38;
	[tilespmem:$0x13BD0] =	vst v63  }
0x1e5: {  	_ =	swait.ge [sflag:s11], $0x4000  }
0x1e6: {  	[sflag:s11] =	ssyncset.done $0x0  }
0x1e7: {  	[sflag:s11] =	ssyncadd.s32 $0xFFFFC000  }
0x1e8: {  	[tilespmem:s26], [sflag:$0x3] =	stream.linear.gather [hbm4b:s7+s26], $0xC800, $0x38;
	[tilespmem:$0x13BD0] =	vst v63  }
0x1e9: {  	_ =	swait.ge [sflag:s11], $0xC800  }
0x1ea: {  	[sflag:s11] =	ssyncset.done $0x0  }
0x1eb: {  	[sflag:s11] =	ssyncadd.s32 $0xFFFF3800  }
0x1ec: {  	v5 =	vld [tilespmem:$0x0]  }
0x1ed: {  	v6 =	vld [tilespmem:$0x10]  }
0x1ee: {  	v8 =	vld [tilespmem:$0x20]  }
0x1ef: {  	v10 =	vld [tilespmem:$0x30]  }
0x1f0: {  	v38 =	vld [tilespmem:$0x40]  }
0x1f1: {  	v12 =	vld [tilespmem:$0x50]  }
0x1f2: {  	v13 =	vld [tilespmem:$0x60]  }
0x1f3: {  	v44 =	vld [tilespmem:$0x70]  }
0x1f4: {  	v15 =	vld [tilespmem:$0x80];
	v7 =	vshll.u32 v5, $0x2;
	v9 =	vand.u32 $0xFFFFC000, v5;
	v5 =	vshrl.u32 v5, $0xC  }
0x1f5: {  	v16 =	vld [tilespmem:$0x90];
	v37 =	vshll.u32 v6, $0x2;
	v11 =	vand.u32 $0xFFFFC000, v6;
	v6 =	vshrl.u32 v6, $0xC  }
0x1f6: {  	v53 =	vld [tilespmem:$0xA0];
	v39 =	vand.u32 $0xFFFFC000, v8;
	v40 =	vshll.u32 v10, $0x2;
	v41 =	vand.u32 $0xFFFFC000, v10  }
0x1f7: {  	v60 =	vld [tilespmem:$0xB8];
	v42 =	vshrl.u32 v10, $0xC;
	v43 =	vshll.u32 v38, $0x2;
	v14 =	vand.u32 $0xFFFFC000, v38  }
0x1f8: {  	v46 =	vshll.u32 v12, $0x2;
	v47 =	vand.u32 $0xFFFFC000, v12;
	v12 =	vshrl.u32 v12, $0xC  }
0x1f9: {  	v49 =	vshll.u32 v13, $0x2;
	v50 =	vand.u32 $0xFFFFC000, v13;
	v51 =	vshrl.u32 v13, $0xC  }
0x1fa: {  	v52 =	vshll.u32 v44, $0x2;
	v17 =	vand.u32 $0xFFFFC000, v44;
	v55 =	vshll.u32 v15, $0x2  }
0x1fb: {  	v56 =	vshrl.u32 v15, $0xC;
	v57 =	vshll.u32 v16, $0x2;
	v59 =	vshll.u32 v53, $0x2  }
0x1fc: {  	v58 =	vld [tilespmem:$0xB0];
	v61 =	vand.u32 $0xFFFFC000, v53;
	v62 =	vshrl.u32 v53, $0xC;
	v19 =	vshll.u32 v60, $0x2  }
0x1fd: {  	v20 =	vshrl.u32 v60, $0xC;
	v7 =	vand.u32 $0x3FFC, v7;
	v5 =	vand.u32 $0x3, v5  }
0x1fe: {  	v6 =	vand.u32 $0x3, v6;
	v10 =	vand.u32 $0x3FFC, v43;
	v48 =	vand.u32 $0x3, v12  }
0x1ff: {  	v12 =	vand.u32 $0x3FFC, v49;
	v13 =	vand.u32 $0x3FFC, v52;
	v63 =	vand.u32 $0x3, v62  }
0x200: {  	v7 =	vor.u32 v9, v7;
	v9 =	vand.u32 $0x3FFC, v37;
	v10 =	vor.u32 v14, v10  }
0x201: {  	v14 =	vshrl.u32 v44, $0xC;
	v13 =	vor.u32 v17, v13;
	v17 =	vshrl.u32 v58, $0xC  }
0x202: {  	v9 =	vor.u32 v11, v9;
	v5 =	vor.u32 v5, v7;
	v7 =	vshll.u32 v8, $0x2  }
0x203: {  	v8 =	vshrl.u32 v8, $0xC;
	v11 =	vshrl.u32 v38, $0xC;
	v14 =	vand.u32 $0x3, v14  }
0x204: {  	v18 =	vand.u32 $0x3, v17;
	v6 =	vor.u32 v6, v9;
	v7 =	vand.u32 $0x3FFC, v7  }
0x205: {  	v8 =	vand.u32 $0x3, v8;
	v9 =	vand.u32 $0x3FFC, v40;
	v11 =	vand.u32 $0x3, v11  }
0x206: {  	v54 =	vor.u32 v14, v13;
	[tilespmem:$0xC800] =	vst v5;
	v5 =	vand.u32 $0xFFFFC000, v15;
	v13 =	vand.u32 $0x3FFC, v55  }
0x207: {  	v15 =	vshll.u32 v58, $0x2;
	v7 =	vor.u32 v39, v7;
	v45 =	vor.u32 v11, v10  }
0x208: {  	v10 =	vand.u32 $0x3FFC, v46;
	v11 =	vor.u32 v50, v12;
	v12 =	vand.u32 $0x3, v51;
	[tilespmem:$0xC810] =	vst v6  }
0x209: {  	v5 =	vor.u32 v5, v13;
	v6 =	vand.u32 $0x3, v56;
	[tilespmem:$0xC870] =	vst v54;
	v7 =	vor.u32 v8, v7  }
0x20a: {  	v8 =	vor.u32 v41, v9;
	v9 =	vand.u32 $0x3, v42;
	v10 =	vor.u32 v47, v10;
	[tilespmem:$0xC840] =	vst v45  }
0x20b: {  	v11 =	vor.u32 v12, v11;
	v5 =	vor.u32 v6, v5;
	v6 =	vand.u32 $0xFFFFC000, v16;
	[tilespmem:$0xC820] =	vst v7  }
0x20c: {  	v8 =	vor.u32 v9, v8;
	v10 =	vor.u32 v48, v10;
	v7 =	vand.u32 $0x3FFC, v57;
	[tilespmem:$0xC860] =	vst v11  }
0x20d: {  	[tilespmem:$0xC830] =	vst v8;
	v6 =	vor.u32 v6, v7;
	v7 =	vshrl.u32 v16, $0xC;
	v8 =	vand.u32 $0x3FFC, v59  }
0x20e: {  	[tilespmem:$0xC880] =	vst v5;
	v16 =	vand.u32 $0xFFFFC000, v58;
	v7 =	vand.u32 $0x3, v7;
	v8 =	vor.u32 v61, v8  }
0x20f: {  	[tilespmem:$0xC850] =	vst v10;
	v6 =	vor.u32 v7, v6;
	v7 =	vor.u32 v63, v8;
	v8 =	vand.u32 $0x3FFC, v15  }
0x210: {  	v9 =	vand.u32 $0x3FFC, v19;
	v5 =	vor.u32 v16, v8;
	[tilespmem:$0xC890] =	vst v6;
	v6 =	vand.u32 $0xFFFFC000, v60  }
0x211: {  	[tilespmem:$0xC8A0] =	vst v7;
	v7 =	vand.u32 $0x3, v20;
	v5 =	vor.u32 v18, v5;
	v6 =	vor.u32 v6, v9  }
0x212: {  	[tilespmem:$0xC8B0] =	vst v5;
	v5 =	vor.u32 v7, v6  }
0x213: {  	[tilespmem:$0xC8B8] =	vst v5  }
0x214: {  	[tilespmem:s14], [sflag:$0x1] =	stream.indirect.gather [hbm4b:s4+s12], $0x20, s13, s12, $0xb8;
	[tilespmem:$0x13BD0] =	vst v63  }
0x215: {  	_ = 	snop  }
0x216: {  	[tilespmem:s17], [sflag:$0x1] =	stream.indirect.gather [hbm4b:s4+s15], $0x20, s16, s15, $0xb8;
	[tilespmem:$0x13BD0] =	vst v63  }
0x217: {  	v5 =	vld [tilespmem:$0xC8]  }
0x218: {  	v6 =	vld [tilespmem:$0xD8]  }
0x219: {  	v21 =	vld [tilespmem:$0xE8]  }
0x21a: {  	v24 =	vld [tilespmem:$0xF8]  }
0x21b: {  	v26 =	vld [tilespmem:$0x108]  }
0x21c: {  	v29 =	vld [tilespmem:$0x118]  }
0x21d: {  	v33 =	vld [tilespmem:$0x128]  }
0x21e: {  	v35 =	vld [tilespmem:$0x138];
	v7 =	vshll.u32 v5, $0x2;
	v22 =	vand.u32 $0xFFFFC000, v5;
	v5 =	vshrl.u32 v5, $0xC  }
0x21f: {  	v41 =	vld [tilespmem:$0x148];
	v23 =	vshll.u32 v6, $0x2;
	v25 =	vand.u32 $0xFFFFC000, v6;
	v6 =	vshrl.u32 v6, $0xC  }
0x220: {  	v45 =	vld [tilespmem:$0x158];
	v27 =	vand.u32 $0xFFFFC000, v21;
	v8 =	vshrl.u32 v21, $0xC;
	v28 =	vshll.u32 v24, $0x2  }
0x221: {  	v47 =	vld [tilespmem:$0x168];
	v30 =	vand.u32 $0xFFFFC000, v24;
	v31 =	vshrl.u32 v24, $0xC;
	v32 =	vshll.u32 v26, $0x2  }
0x222: {  	v52 =	vld [tilespmem:$0x178];
	v34 =	vand.u32 $0xFFFFC000, v26;
	v11 =	vshrl.u32 v26, $0xC;
	v37 =	vshll.u32 v29, $0x2  }
0x223: {  	v54 =	vld [tilespmem:$0x180];
	v38 =	vand.u32 $0xFFFFC000, v29;
	v12 =	vshrl.u32 v29, $0xC;
	v40 =	vshll.u32 v33, $0x2  }
0x224: {  	v42 =	vand.u32 $0xFFFFC000, v33;
	v43 =	vshrl.u32 v33, $0xC;
	v44 =	vshll.u32 v35, $0x2  }
0x225: {  	v46 =	vand.u32 $0xFFFFC000, v35;
	v14 =	vshrl.u32 v35, $0xC;
	v49 =	vshll.u32 v41, $0x2  }
0x226: {  	v50 =	vshrl.u32 v41, $0xC;
	v51 =	vshll.u32 v45, $0x2;
	v53 =	vshll.u32 v47, $0x2  }
0x227: {  	v55 =	vand.u32 $0xFFFFC000, v47;
	v56 =	vshrl.u32 v47, $0xC;
	v58 =	vshll.u32 v52, $0x2  }
0x228: {  	v59 =	vand.u32 $0xFFFFC000, v52;
	v60 =	vshrl.u32 v52, $0xC;
	v62 =	vshll.u32 v54, $0x2  }
0x229: {  	v63 =	vshrl.u32 v54, $0xC;
	v7 =	vand.u32 $0x3FFC, v7;
	v9 =	vand.u32 $0x3FFC, v23  }
0x22a: {  	v5 =	vand.u32 $0x3, v5;
	v6 =	vand.u32 $0x3, v6;
	v8 =	vand.u32 $0x3, v8  }
0x22b: {  	v10 =	vand.u32 $0x3FFC, v32;
	v11 =	vand.u32 $0x3, v11;
	v39 =	vand.u32 $0x3, v12  }
0x22c: {  	v12 =	vand.u32 $0x3FFC, v40;
	v13 =	vand.u32 $0x3FFC, v44;
	v14 =	vand.u32 $0x3, v14  }
0x22d: {  	v57 =	vand.u32 $0x3, v56;
	v7 =	vor.u32 v22, v7;
	v9 =	vor.u32 v25, v9  }
0x22e: {  	v10 =	vor.u32 v34, v10;
	v13 =	vor.u32 v46, v13;
	v5 =	vor.u32 v5, v7  }
0x22f: {  	v6 =	vor.u32 v6, v9;
	v7 =	vshll.u32 v21, $0x2;
	v9 =	vand.u32 $0x3FFC, v28  }
0x230: {  	v36 =	vor.u32 v11, v10;
	v10 =	vand.u32 $0x3FFC, v37;
	v11 =	vor.u32 v42, v12  }
0x231: {  	v12 =	vand.u32 $0x3, v43;
	v48 =	vor.u32 v14, v13;
	v13 =	vand.u32 $0x3FFC, v49;
	[tilespmem:$0xC8C8] =	vst v5  }
0x232: {  	v7 =	vand.u32 $0x3FFC, v7;
	v10 =	vor.u32 v38, v10;
	v11 =	vor.u32 v12, v11;
	[tilespmem:$0xC8D8] =	vst v6  }
0x233: {  	v5 =	vand.u32 $0xFFFFC000, v41;
	v6 =	vand.u32 $0x3, v50;
	[tilespmem:$0xC908] =	vst v36;
	v7 =	vor.u32 v27, v7  }
0x234: {  	[tilespmem:$0xC938] =	vst v48;
	v10 =	vor.u32 v39, v10;
	v5 =	vor.u32 v5, v13;
	v7 =	vor.u32 v8, v7  }
0x235: {  	[tilespmem:$0xC928] =	vst v11;
	v8 =	vor.u32 v30, v9;
	v9 =	vand.u32 $0x3, v31;
	v5 =	vor.u32 v6, v5  }
0x236: {  	v6 =	vand.u32 $0xFFFFC000, v45;
	v8 =	vor.u32 v9, v8;
	[tilespmem:$0xC8E8] =	vst v7;
	v7 =	vand.u32 $0x3FFC, v51  }
0x237: {  	[tilespmem:$0xC8F8] =	vst v8;
	v6 =	vor.u32 v6, v7;
	v7 =	vshrl.u32 v45, $0xC;
	v8 =	vand.u32 $0x3FFC, v53  }
0x238: {  	v61 =	vand.u32 $0x3, v60;
	[tilespmem:$0xC918] =	vst v10;
	v8 =	vor.u32 v55, v8;
	v7 =	vand.u32 $0x3, v7  }
0x239: {  	[tilespmem:$0xC948] =	vst v5;
	v6 =	vor.u32 v7, v6;
	v7 =	vor.u32 v57, v8;
	v8 =	vand.u32 $0x3FFC, v58  }
0x23a: {  	v9 =	vand.u32 $0x3FFC, v62;
	v5 =	vor.u32 v59, v8;
	[tilespmem:$0xC958] =	vst v6;
	v6 =	vand.u32 $0xFFFFC000, v54  }
0x23b: {  	[tilespmem:$0xC968] =	vst v7;
	v7 =	vand.u32 $0x3, v63;
	v5 =	vor.u32 v61, v5;
	v6 =	vor.u32 v6, v9  }
0x23c: {  	[tilespmem:$0xC978] =	vst v5;
	v5 =	vor.u32 v7, v6  }
0x23d: {  	[tilespmem:$0xC980] =	vst v5  }
0x23e: {  	[tilespmem:s19], [sflag:$0x2] =	stream.indirect.gather [hbm4b:s4+s12], $0x20, s18, s12, $0xb8;
	[tilespmem:$0x13BD0] =	vst v63  }
0x23f: {  	_ = 	snop  }
0x240: {  	[tilespmem:s21], [sflag:$0x2] =	stream.indirect.gather [hbm4b:s4+s15], $0x20, s20, s15, $0xb8;
	[tilespmem:$0x13BD0] =	vst v63  }
.LBB2_11:
0x241: {  	_ =	swait.ge [sflag:s22], $0x1000  }
0x242: {  	[sflag:s22] =	ssyncset.done $0x0  }
0x243: {  	[sflag:s22] =	ssyncadd.s32 $0xFFFFF000  }
0x244: {  	_ =	swait.ge [sflag:s22], $0x900  }
0x245: {  	[sflag:s22] =	ssyncset.done $0x0  }
0x246: {  	s29 =	simm.s32 $0xCA90;
	[sflag:s22] =	ssyncadd.s32 $0xFFFFF700  }
0x247: {  	v5 =	vld [tilespmem:s29+$0xE0]  }
0x248: {  	v6 =	vld [tilespmem:s29+$0xFFFFFFE0]  }
0x249: {  	v8 =	vld [tilespmem:s29+$0xC0]  }
0x24a: {  	v7 =	vld [tilespmem:s29+$0xFFFFFFC0]  }
0x24b: {  	v9 =	vld [tilespmem:s29+$0xA0]  }
0x24c: {  	v11 =	vld [tilespmem:s29+$0x80]  }
0x24d: {  	v13 =	vld [tilespmem:s29+$0x60]  }
0x24e: {  	v14 =	vld [tilespmem:s29+$0xFFFFFF60]  }
0x24f: {  	v15 =	vld [tilespmem:s29+$0x40]  }
0x250: {  	v16 =	vld [tilespmem:s29+$0xFFFFFF40]  }
0x251: {  	v17 =	vld [tilespmem:s29+$0x20]  }
0x252: {  	v18 =	vld [tilespmem:s29+$0xFFFFFF20]  }
0x253: {  	v19 =	vld [tilespmem:s29+$0x0]  }
0x254: {  	v20 =	vld [tilespmem:s29+$0xFFFFFF00]  }
0x255: {  	v21 =	vld [tilespmem:s29+$0xFFFFFF10]  }
0x256: {  	v22 =	vld [tilespmem:s29+$0x10]  }
0x257: {  	v23 =	vld [tilespmem:s29+$0xFFFFFF30]  }
0x258: {  	v24 =	vld [tilespmem:s29+$0x30]  }
0x259: {  	v25 =	vld [tilespmem:s29+$0xFFFFFF50]  }
0x25a: {  	v26 =	vld [tilespmem:s29+$0x50];
	v19 =	vadd.bf16 v0, v19;
	v20 =	vadd.bf16 v0, v20  }
0x25b: {  	v27 =	vld [tilespmem:s29+$0xFFFFFF70];
	v21 =	vadd.bf16 v0, v21;
	v22 =	vadd.bf16 v0, v22  }
0x25c: {  	v17 =	vadd.bf16 v17, v19;
	v18 =	vadd.bf16 v18, v20;
	v20 =	vld [tilespmem:s29+$0x70]  }
0x25d: {  	v12 =	vld [tilespmem:s29+$0xFFFFFF80];
	v19 =	vadd.bf16 v23, v21;
	v22 =	vadd.bf16 v24, v22  }
0x25e: {  	v21 =	vld [tilespmem:s29+$0xFFFFFF90];
	v15 =	vadd.bf16 v15, v17;
	v16 =	vadd.bf16 v16, v18  }
0x25f: {  	v17 =	vadd.bf16 v25, v19;
	v18 =	vld [tilespmem:s29+$0x90];
	v19 =	vadd.bf16 v26, v22  }
0x260: {  	v10 =	vld [tilespmem:s29+$0xFFFFFFA0];
	v13 =	vadd.bf16 v13, v15;
	v15 =	vadd.bf16 v14, v16  }
0x261: {  	v23 =	vld [tilespmem:s29+$0xFFFFFFB0];
	v16 =	vadd.bf16 v27, v17;
	v19 =	vadd.bf16 v20, v19  }
0x262: {  	v17 =	vld [tilespmem:s29+$0xB0];
	v11 =	vadd.bf16 v11, v13;
	v12 =	vadd.bf16 v12, v15  }
0x263: {  	v14 =	vld [tilespmem:s29+$0xFFFFFFD0]  }
0x264: {  	v15 =	vadd.bf16 v21, v16;
	v16 =	vld [tilespmem:s29+$0xD0];
	v21 =	vadd.bf16 v18, v19  }
0x265: {  	v13 =	vld [tilespmem:s29+$0xFFFFFFF0];
	v20 =	vadd.bf16 v9, v11;
	v19 =	vadd.bf16 v10, v12  }
0x266: {  	s28 =	simm.s32 $0x0;
	v18 =	vadd.bf16 v23, v15;
	v15 =	vld [tilespmem:s29+$0xF0];
	s29 =	simm.s32 $0xCC90;
	v10 =	vmovc v2;
	v9 =	vmovc v4;
	v12 =	vmov v1;
	v11 =	vmov v3  }
.LBB2_12:
0x267: {  	v22 =	vld [tilespmem:s29+$0xE0];
	v17 =	vadd.bf16 v17, v21;
	v20 =	vadd.bf16 v8, v20  }
0x268: {  	v21 =	vld [tilespmem:s29+$0xFFFFFFE0];
	v19 =	vadd.bf16 v7, v19;
	v14 =	vadd.bf16 v14, v18  }
0x269: {  	v8 =	vld [tilespmem:s29+$0xC0];
	v16 =	vadd.bf16 v16, v17;
	v23 =	vadd.bf16 v5, v20  }
0x26a: {  	v7 =	vld [tilespmem:s29+$0xFFFFFFC0];
	v24 =	vadd.bf16 v6, v19;
	v13 =	vadd.bf16 v13, v14  }
0x26b: {  	v18 =	vld [tilespmem:s29+$0xA0];
	v14 =	vadd.bf16 v15, v16;
	v15 =	vshll.u32 v23, $0x10;
	v16 =	vand.u32 $0xFFFF0000, v23  }
0x26c: {  	v19 =	vld [tilespmem:s29+$0xFFFFFFA0];
	v17 =	vshll.u32 v24, $0x10;
	v23 =	vand.u32 $0xFFFF0000, v24;
	v20 =	vshll.u32 v13, $0x10;
	v5 =	vmovc v22  }
0x26d: {  	v13 =	vand.u32 $0xFFFF0000, v13;
	v22 =	vld [tilespmem:s29+$0x80];
	v12 =	vadd.f32 v17, v12;
	v11 =	vadd.f32 v23, v11;
	v6 =	vmovc v21  }
0x26e: {  	v10 =	vadd.f32 v20, v10;
	v9 =	vadd.f32 v13, v9;
	v13 =	vshll.u32 v14, $0x10;
	v21 =	vld [tilespmem:s29+$0xFFFFFF80]  }
0x26f: {  	v14 =	vand.u32 $0xFFFF0000, v14;
	v17 =	vld [tilespmem:s29+$0x60];
	v12 =	vadd.f32 v15, v12;
	v11 =	vadd.f32 v16, v11  }
0x270: {  	v10 =	vadd.f32 v13, v10;
	v9 =	vadd.f32 v14, v9;
	v15 =	vld [tilespmem:s29+$0xFFFFFF60]  }
0x271: {  	v13 =	vld [tilespmem:s29+$0x40]  }
0x272: {  	v14 =	vld [tilespmem:s29+$0xFFFFFF40]  }
0x273: {  	v16 =	vld [tilespmem:s29+$0x20]  }
0x274: {  	v20 =	vld [tilespmem:s29+$0xFFFFFF20]  }
0x275: {  	v23 =	vld [tilespmem:s29+$0x0]  }
0x276: {  	v24 =	vld [tilespmem:s29+$0xFFFFFF00]  }
0x277: {  	v25 =	vld [tilespmem:s29+$0xFFFFFF10]  }
0x278: {  	s28 =	sadd.s32 $0x2, s28;
	v26 =	vld [tilespmem:s29+$0x10]  }
0x279: {  	p0 =	slt.u32 s28, $0x16;
	v27 =	vld [tilespmem:s29+$0xFFFFFF30]  }
0x27a: {  	v28 =	vld [tilespmem:s29+$0x30]  }
0x27b: {  	v23 =	vadd.bf16 v0, v23;
	v29 =	vld [tilespmem:s29+$0xFFFFFF50]  }
0x27c: {  	v24 =	vadd.bf16 v0, v24;
	v25 =	vadd.bf16 v0, v25;
	v30 =	vld [tilespmem:s29+$0x50]  }
0x27d: {  	v16 =	vadd.bf16 v16, v23;
	v31 =	vld [tilespmem:s29+$0xFFFFFF70];
	v26 =	vadd.bf16 v0, v26  }
0x27e: {  	v20 =	vadd.bf16 v20, v24;
	v23 =	vadd.bf16 v27, v25;
	v24 =	vld [tilespmem:s29+$0x70]  }
0x27f: {  	v13 =	vadd.bf16 v13, v16;
	v25 =	vld [tilespmem:s29+$0xFFFFFF90];
	v26 =	vadd.bf16 v28, v26  }
0x280: {  	v14 =	vadd.bf16 v14, v20;
	v16 =	vadd.bf16 v29, v23;
	v20 =	vld [tilespmem:s29+$0x90]  }
0x281: {  	v13 =	vadd.bf16 v17, v13;
	v23 =	vld [tilespmem:s29+$0xFFFFFFB0];
	v26 =	vadd.bf16 v30, v26  }
.Ltmp7:
0x282: {  	v15 =	vadd.bf16 v15, v14;
	v16 =	vadd.bf16 v31, v16;
	v17 =	vld [tilespmem:s29+$0xB0];
	(pc) =	sbr.rel @p0 .LBB2_12-.Ltmp7, $4  }
0x283: {  	v22 =	vadd.bf16 v22, v13;
	v14 =	vld [tilespmem:s29+$0xFFFFFFD0];
	v24 =	vadd.bf16 v24, v26  }
0x284: {  	v15 =	vadd.bf16 v21, v15;
	v25 =	vadd.bf16 v25, v16;
	v16 =	vld [tilespmem:s29+$0xD0]  }
0x285: {  	v13 =	vld [tilespmem:s29+$0xFFFFFFF0];
	v21 =	vadd.bf16 v20, v24;
	v20 =	vadd.bf16 v18, v22  }
0x286: {  	v19 =	vadd.bf16 v19, v15;
	v18 =	vadd.bf16 v23, v25;
	v15 =	vld [tilespmem:s29+$0xF0];
	s29 =	sadd.s32 $0x200, s29  }
0x287: {  	v22 =	vld [tilespmem:$0xE190]  }
0x288: {  	v23 =	vld [tilespmem:$0xE1A0]  }
0x289: {  	v24 =	vld [tilespmem:$0xE1B0]  }
0x28a: {  	v25 =	vld [tilespmem:$0xE1C0]  }
0x28b: {  	v26 =	vld [tilespmem:$0xE1D0]  }
0x28c: {  	v27 =	vld [tilespmem:$0xE1E0];
	v22 =	vadd.bf16 v0, v22  }
0x28d: {  	v17 =	vadd.bf16 v17, v21;
	v41 =	vld [tilespmem:$0xE1F0];
	v40 =	vadd.bf16 v0, v23  }
0x28e: {  	v8 =	vadd.bf16 v8, v20;
	v43 =	vld [tilespmem:$0xE200];
	v42 =	vadd.bf16 v24, v22  }
0x28f: {  	v45 =	vld [tilespmem:$0xE210];
	v7 =	vadd.bf16 v7, v19;
	v44 =	vadd.bf16 v25, v40  }
0x290: {  	v47 =	vld [tilespmem:$0xE220];
	v14 =	vadd.bf16 v14, v18;
	v46 =	vadd.bf16 v26, v42  }
0x291: {  	v49 =	vld [tilespmem:$0xE230];
	v16 =	vadd.bf16 v16, v17;
	v48 =	vadd.bf16 v27, v44  }
0x292: {  	v51 =	vld [tilespmem:$0xE240];
	v5 =	vadd.bf16 v5, v8;
	v50 =	vadd.bf16 v41, v46  }
0x293: {  	v52 =	vld [tilespmem:$0xE250];
	v6 =	vadd.bf16 v6, v7;
	v7 =	vadd.bf16 v43, v48  }
0x294: {  	v53 =	vld [tilespmem:$0xE260];
	v13 =	vadd.bf16 v13, v14;
	v8 =	vadd.bf16 v45, v50  }
0x295: {  	v54 =	vld [tilespmem:$0xE270];
	v15 =	vadd.bf16 v15, v16;
	v7 =	vadd.bf16 v47, v7  }
0x296: {  	v57 =	vld [tilespmem:$0xE280];
	v55 =	vshll.u32 v5, $0x10;
	v56 =	vshll.u32 v6, $0x10;
	v8 =	vadd.bf16 v49, v8  }
0x297: {  	v6 =	vand.u32 $0xFFFF0000, v6;
	v12 =	vadd.f32 v56, v12;
	v7 =	vadd.bf16 v51, v7  }
0x298: {  	v58 =	vshll.u32 v13, $0x10;
	v6 =	vadd.f32 v6, v11;
	v8 =	vadd.bf16 v52, v8  }
0x299: {  	v59 =	vand.u32 $0xFFFF0000, v13;
	v10 =	vadd.f32 v58, v10;
	v7 =	vadd.bf16 v53, v7  }
0x29a: {  	v5 =	vand.u32 $0xFFFF0000, v5;
	v9 =	vadd.f32 v59, v9;
	v8 =	vadd.bf16 v54, v8  }
0x29b: {  	v60 =	vshll.u32 v15, $0x10;
	v12 =	vadd.f32 v55, v12;
	v7 =	vadd.bf16 v57, v7  }
0x29c: {  	v5 =	vadd.f32 v5, v6;
	v6 =	vadd.f32 v60, v10;
	v61 =	vshll.u32 v8, $0x10  }
0x29d: {  	s28 =	sshll.u32 s26, $0x7;
	p0 =	seq.s32 s26, $0x7F;
	v62 =	vand.u32 $0xFFFF0000, v15;
	v63 =	vshll.u32 v7, $0x10;
	v10 =	vadd.f32 v61, v12  }
.Ltmp8:
0x29e: {  	s28 =	sand.u32 $0x3FFFFF80, s28;
	v9 =	vadd.f32 v62, v9;
	v8 =	vand.u32 $0xFFFF0000, v8;
	v6 =	vadd.f32 v63, v6;
	(pc) =	sbr.rel @p0 .LBB2_15-.Ltmp8, $4  }
0x29f: {  	v7 =	vand.u32 $0xFFFF0000, v7;
	v5 =	vadd.f32 v8, v5;
	[tilespmem:s28+$0xFB90] =	vst v10  }
0x2a0: {  	v7 =	vadd.f32 v7, v9;
	[tilespmem:s28+$0xFBA0] =	vst v6  }
0x2a1: {  	[tilespmem:s28+$0xFBB0] =	vst v5  }
0x2a2: {  	[tilespmem:s28+$0xFBC0] =	vst v7  }
0x2a3: {  	s29 =	smul.u32 $0x640, s26;
	_ =	sdelay $0x1  }
0x2a4: {  	s29 =	sshra.s32 s29, $0x2  }
0x2a5: {  	v5 =	vld [tilespmem:s29+$0x190];
	_ =	sdelay $0x4  }
0x2a6: {  	v6 =	vshll.u32 v5, $0x2  }
0x2a7: {  	v7 =	vand.u32 $0xFFFFC000, v5;
	v5 =	vshrl.u32 v5, $0xC;
	v6 =	vand.u32 $0x3FFC, v6  }
0x2a8: {  	v5 =	vand.u32 $0x3, v5;
	v6 =	vor.u32 v7, v6  }
0x2a9: {  	v5 =	vor.u32 v5, v6  }
0x2aa: {  	[tilespmem:$0xC800] =	vst v5  }
0x2ab: {  	v5 =	vld [tilespmem:s29+$0x1A0];
	_ =	sdelay $0x4  }
0x2ac: {  	v6 =	vshll.u32 v5, $0x2  }
0x2ad: {  	v7 =	vand.u32 $0xFFFFC000, v5;
	v5 =	vshrl.u32 v5, $0xC;
	v6 =	vand.u32 $0x3FFC, v6  }
0x2ae: {  	v5 =	vand.u32 $0x3, v5;
	v6 =	vor.u32 v7, v6  }
0x2af: {  	v5 =	vor.u32 v5, v6  }
0x2b0: {  	[tilespmem:$0xC810] =	vst v5  }
0x2b1: {  	v5 =	vld [tilespmem:s29+$0x1B0];
	_ =	sdelay $0x4  }
0x2b2: {  	v6 =	vshll.u32 v5, $0x2  }
0x2b3: {  	v7 =	vand.u32 $0xFFFFC000, v5;
	v5 =	vshrl.u32 v5, $0xC;
	v6 =	vand.u32 $0x3FFC, v6  }
0x2b4: {  	v5 =	vand.u32 $0x3, v5;
	v6 =	vor.u32 v7, v6  }
0x2b5: {  	v5 =	vor.u32 v5, v6  }
0x2b6: {  	[tilespmem:$0xC820] =	vst v5  }
0x2b7: {  	v5 =	vld [tilespmem:s29+$0x1C0];
	_ =	sdelay $0x4  }
0x2b8: {  	v6 =	vshll.u32 v5, $0x2  }
0x2b9: {  	v7 =	vand.u32 $0xFFFFC000, v5;
	v5 =	vshrl.u32 v5, $0xC;
	v6 =	vand.u32 $0x3FFC, v6  }
0x2ba: {  	v5 =	vand.u32 $0x3, v5;
	v6 =	vor.u32 v7, v6  }
0x2bb: {  	v5 =	vor.u32 v5, v6  }
0x2bc: {  	[tilespmem:$0xC830] =	vst v5  }
0x2bd: {  	v5 =	vld [tilespmem:s29+$0x1D0];
	_ =	sdelay $0x4  }
0x2be: {  	v6 =	vshll.u32 v5, $0x2  }
0x2bf: {  	v7 =	vand.u32 $0xFFFFC000, v5;
	v5 =	vshrl.u32 v5, $0xC;
	v6 =	vand.u32 $0x3FFC, v6  }
0x2c0: {  	v5 =	vand.u32 $0x3, v5;
	v6 =	vor.u32 v7, v6  }
0x2c1: {  	v5 =	vor.u32 v5, v6  }
0x2c2: {  	[tilespmem:$0xC840] =	vst v5  }
0x2c3: {  	v5 =	vld [tilespmem:s29+$0x1E0];
	_ =	sdelay $0x4  }
0x2c4: {  	v6 =	vshll.u32 v5, $0x2  }
0x2c5: {  	v7 =	vand.u32 $0xFFFFC000, v5;
	v5 =	vshrl.u32 v5, $0xC;
	v6 =	vand.u32 $0x3FFC, v6  }
0x2c6: {  	v5 =	vand.u32 $0x3, v5;
	v6 =	vor.u32 v7, v6  }
0x2c7: {  	v5 =	vor.u32 v5, v6  }
0x2c8: {  	[tilespmem:$0xC850] =	vst v5  }
0x2c9: {  	v5 =	vld [tilespmem:s29+$0x1F0];
	_ =	sdelay $0x4  }
0x2ca: {  	v6 =	vshll.u32 v5, $0x2  }
0x2cb: {  	v7 =	vand.u32 $0xFFFFC000, v5;
	v5 =	vshrl.u32 v5, $0xC;
	v6 =	vand.u32 $0x3FFC, v6  }
0x2cc: {  	v5 =	vand.u32 $0x3, v5;
	v6 =	vor.u32 v7, v6  }
0x2cd: {  	v5 =	vor.u32 v5, v6  }
0x2ce: {  	[tilespmem:$0xC860] =	vst v5  }
0x2cf: {  	v5 =	vld [tilespmem:s29+$0x200];
	_ =	sdelay $0x4  }
0x2d0: {  	v6 =	vshll.u32 v5, $0x2  }
0x2d1: {  	v7 =	vand.u32 $0xFFFFC000, v5;
	v5 =	vshrl.u32 v5, $0xC;
	v6 =	vand.u32 $0x3FFC, v6  }
0x2d2: {  	v5 =	vand.u32 $0x3, v5;
	v6 =	vor.u32 v7, v6  }
0x2d3: {  	v5 =	vor.u32 v5, v6  }
0x2d4: {  	[tilespmem:$0xC870] =	vst v5  }
0x2d5: {  	v5 =	vld [tilespmem:s29+$0x210];
	_ =	sdelay $0x4  }
0x2d6: {  	v6 =	vshll.u32 v5, $0x2  }
0x2d7: {  	v7 =	vand.u32 $0xFFFFC000, v5;
	v5 =	vshrl.u32 v5, $0xC;
	v6 =	vand.u32 $0x3FFC, v6  }
0x2d8: {  	v5 =	vand.u32 $0x3, v5;
	v6 =	vor.u32 v7, v6  }
0x2d9: {  	v5 =	vor.u32 v5, v6  }
0x2da: {  	[tilespmem:$0xC880] =	vst v5  }
0x2db: {  	v5 =	vld [tilespmem:s29+$0x220];
	_ =	sdelay $0x4  }
0x2dc: {  	v6 =	vshll.u32 v5, $0x2  }
0x2dd: {  	v7 =	vand.u32 $0xFFFFC000, v5;
	v5 =	vshrl.u32 v5, $0xC;
	v6 =	vand.u32 $0x3FFC, v6  }
0x2de: {  	v5 =	vand.u32 $0x3, v5;
	v6 =	vor.u32 v7, v6  }
0x2df: {  	v5 =	vor.u32 v5, v6  }
0x2e0: {  	[tilespmem:$0xC890] =	vst v5  }
0x2e1: {  	v5 =	vld [tilespmem:s29+$0x230];
	_ =	sdelay $0x4  }
0x2e2: {  	v6 =	vshll.u32 v5, $0x2  }
0x2e3: {  	v7 =	vand.u32 $0xFFFFC000, v5;
	v5 =	vshrl.u32 v5, $0xC;
	v6 =	vand.u32 $0x3FFC, v6  }
0x2e4: {  	v5 =	vand.u32 $0x3, v5;
	v6 =	vor.u32 v7, v6  }
0x2e5: {  	v5 =	vor.u32 v5, v6  }
0x2e6: {  	[tilespmem:$0xC8A0] =	vst v5  }
0x2e7: {  	v5 =	vld [tilespmem:s29+$0x240];
	_ =	sdelay $0x4  }
0x2e8: {  	v6 =	vshll.u32 v5, $0x2  }
0x2e9: {  	v7 =	vand.u32 $0xFFFFC000, v5;
	v5 =	vshrl.u32 v5, $0xC;
	v6 =	vand.u32 $0x3FFC, v6  }
0x2ea: {  	v5 =	vand.u32 $0x3, v5;
	v6 =	vor.u32 v7, v6  }
0x2eb: {  	v5 =	vor.u32 v5, v6  }
0x2ec: {  	[tilespmem:$0xC8B0] =	vst v5  }
0x2ed: {  	v5 =	vld [tilespmem:s29+$0x248];
	_ =	sdelay $0x4  }
0x2ee: {  	v6 =	vshll.u32 v5, $0x2  }
0x2ef: {  	v7 =	vand.u32 $0xFFFFC000, v5;
	v5 =	vshrl.u32 v5, $0xC;
	v6 =	vand.u32 $0x3FFC, v6  }
0x2f0: {  	v5 =	vand.u32 $0x3, v5;
	v6 =	vor.u32 v7, v6  }
0x2f1: {  	v5 =	vor.u32 v5, v6  }
0x2f2: {  	[tilespmem:$0xC8B8] =	vst v5  }
0x2f3: {  	[tilespmem:s14], [sflag:$0x1] =	stream.indirect.gather [hbm4b:s4+s12], $0x20, s13, s12, $0xb8;
	[tilespmem:$0x13BD0] =	vst v63  }
0x2f4: {  	_ = 	snop  }
0x2f5: {  	[tilespmem:s17], [sflag:$0x1] =	stream.indirect.gather [hbm4b:s4+s15], $0x20, s16, s15, $0xb8;
	[tilespmem:$0x13BD0] =	vst v63  }
.LBB2_15:
0x2f6: {  	_ =	swait.ge [sflag:s23], $0x1000  }
0x2f7: {  	[sflag:s23] =	ssyncset.done $0x0  }
0x2f8: {  	[sflag:s23] =	ssyncadd.s32 $0xFFFFF000  }
0x2f9: {  	_ =	swait.ge [sflag:s23], $0x900  }
0x2fa: {  	[sflag:s23] =	ssyncset.done $0x0  }
0x2fb: {  	s30 =	simm.s32 $0xE480;
	[sflag:s23] =	ssyncadd.s32 $0xFFFFF700  }
0x2fc: {  	v5 =	vld [tilespmem:s30+$0xFFFFFFF0]  }
0x2fd: {  	v6 =	vld [tilespmem:s30+$0xFFFFFEF0]  }
0x2fe: {  	v8 =	vld [tilespmem:s30+$0xFFFFFFD0]  }
0x2ff: {  	v7 =	vld [tilespmem:s30+$0xFFFFFED0]  }
0x300: {  	v9 =	vld [tilespmem:s30+$0xFFFFFFB0]  }
0x301: {  	v11 =	vld [tilespmem:s30+$0xFFFFFF90]  }
0x302: {  	v13 =	vld [tilespmem:s30+$0xFFFFFF70]  }
0x303: {  	v14 =	vld [tilespmem:s30+$0xFFFFFE70]  }
0x304: {  	v15 =	vld [tilespmem:s30+$0xFFFFFF50]  }
0x305: {  	v16 =	vld [tilespmem:s30+$0xFFFFFE50]  }
0x306: {  	v17 =	vld [tilespmem:s30+$0xFFFFFF30]  }
0x307: {  	v18 =	vld [tilespmem:s30+$0xFFFFFE30]  }
0x308: {  	v19 =	vld [tilespmem:s30+$0xFFFFFF10]  }
0x309: {  	v20 =	vld [tilespmem:s30+$0xFFFFFE10]  }
0x30a: {  	v21 =	vld [tilespmem:s30+$0xFFFFFE20]  }
0x30b: {  	v22 =	vld [tilespmem:s30+$0xFFFFFF20]  }
0x30c: {  	v23 =	vld [tilespmem:s30+$0xFFFFFE40]  }
0x30d: {  	v24 =	vld [tilespmem:s30+$0xFFFFFF40]  }
0x30e: {  	v25 =	vld [tilespmem:s30+$0xFFFFFE60]  }
0x30f: {  	v26 =	vld [tilespmem:s30+$0xFFFFFF60];
	v19 =	vadd.bf16 v0, v19;
	v20 =	vadd.bf16 v0, v20  }
0x310: {  	v27 =	vld [tilespmem:s30+$0xFFFFFE80];
	v21 =	vadd.bf16 v0, v21;
	v22 =	vadd.bf16 v0, v22  }
0x311: {  	v17 =	vadd.bf16 v17, v19;
	v18 =	vadd.bf16 v18, v20;
	v20 =	vld [tilespmem:s30+$0xFFFFFF80]  }
0x312: {  	v12 =	vld [tilespmem:s30+$0xFFFFFE90];
	v19 =	vadd.bf16 v23, v21;
	v22 =	vadd.bf16 v24, v22  }
0x313: {  	v21 =	vld [tilespmem:s30+$0xFFFFFEA0];
	v15 =	vadd.bf16 v15, v17;
	v16 =	vadd.bf16 v16, v18  }
0x314: {  	v17 =	vadd.bf16 v25, v19;
	v18 =	vld [tilespmem:s30+$0xFFFFFFA0];
	v19 =	vadd.bf16 v26, v22  }
0x315: {  	v10 =	vld [tilespmem:s30+$0xFFFFFEB0];
	v13 =	vadd.bf16 v13, v15;
	v15 =	vadd.bf16 v14, v16  }
0x316: {  	v23 =	vld [tilespmem:s30+$0xFFFFFEC0];
	v16 =	vadd.bf16 v27, v17;
	v19 =	vadd.bf16 v20, v19  }
0x317: {  	v17 =	vld [tilespmem:s30+$0xFFFFFFC0];
	v11 =	vadd.bf16 v11, v13;
	v12 =	vadd.bf16 v12, v15  }
0x318: {  	v14 =	vld [tilespmem:s30+$0xFFFFFEE0]  }
0x319: {  	v15 =	vadd.bf16 v21, v16;
	v16 =	vld [tilespmem:s30+$0xFFFFFFE0];
	v21 =	vadd.bf16 v18, v19  }
0x31a: {  	v13 =	vld [tilespmem:s30+$0xFFFFFF00];
	v20 =	vadd.bf16 v9, v11;
	v19 =	vadd.bf16 v10, v12  }
0x31b: {  	s29 =	simm.s32 $0x0;
	v18 =	vadd.bf16 v23, v15;
	v15 =	vld [tilespmem:s30+$0x0];
	s30 =	simm.s32 $0xE680;
	v10 =	vmovc v2;
	v9 =	vmovc v4;
	v12 =	vmov v1;
	v11 =	vmov v3  }
.LBB2_16:
0x31c: {  	v22 =	vld [tilespmem:s30+$0xFFFFFFF0];
	v17 =	vadd.bf16 v17, v21;
	v20 =	vadd.bf16 v8, v20  }
0x31d: {  	v21 =	vld [tilespmem:s30+$0xFFFFFEF0];
	v19 =	vadd.bf16 v7, v19;
	v14 =	vadd.bf16 v14, v18  }
0x31e: {  	v8 =	vld [tilespmem:s30+$0xFFFFFFD0];
	v16 =	vadd.bf16 v16, v17;
	v23 =	vadd.bf16 v5, v20  }
0x31f: {  	v7 =	vld [tilespmem:s30+$0xFFFFFED0];
	v24 =	vadd.bf16 v6, v19;
	v13 =	vadd.bf16 v13, v14  }
0x320: {  	v18 =	vld [tilespmem:s30+$0xFFFFFFB0];
	v14 =	vadd.bf16 v15, v16;
	v15 =	vshll.u32 v23, $0x10;
	v16 =	vand.u32 $0xFFFF0000, v23  }
0x321: {  	v19 =	vld [tilespmem:s30+$0xFFFFFEB0];
	v17 =	vshll.u32 v24, $0x10;
	v23 =	vand.u32 $0xFFFF0000, v24;
	v20 =	vshll.u32 v13, $0x10;
	v5 =	vmovc v22  }
0x322: {  	v13 =	vand.u32 $0xFFFF0000, v13;
	v22 =	vld [tilespmem:s30+$0xFFFFFF90];
	v12 =	vadd.f32 v17, v12;
	v11 =	vadd.f32 v23, v11;
	v6 =	vmovc v21  }
0x323: {  	v10 =	vadd.f32 v20, v10;
	v9 =	vadd.f32 v13, v9;
	v13 =	vshll.u32 v14, $0x10;
	v21 =	vld [tilespmem:s30+$0xFFFFFE90]  }
0x324: {  	v14 =	vand.u32 $0xFFFF0000, v14;
	v17 =	vld [tilespmem:s30+$0xFFFFFF70];
	v12 =	vadd.f32 v15, v12;
	v11 =	vadd.f32 v16, v11  }
0x325: {  	v10 =	vadd.f32 v13, v10;
	v9 =	vadd.f32 v14, v9;
	v15 =	vld [tilespmem:s30+$0xFFFFFE70]  }
0x326: {  	v13 =	vld [tilespmem:s30+$0xFFFFFF50]  }
0x327: {  	v14 =	vld [tilespmem:s30+$0xFFFFFE50]  }
0x328: {  	v16 =	vld [tilespmem:s30+$0xFFFFFF30]  }
0x329: {  	v20 =	vld [tilespmem:s30+$0xFFFFFE30]  }
0x32a: {  	v23 =	vld [tilespmem:s30+$0xFFFFFF10]  }
0x32b: {  	v24 =	vld [tilespmem:s30+$0xFFFFFE10]  }
0x32c: {  	v25 =	vld [tilespmem:s30+$0xFFFFFE20]  }
0x32d: {  	s29 =	sadd.s32 $0x2, s29;
	v26 =	vld [tilespmem:s30+$0xFFFFFF20]  }
0x32e: {  	p1 =	slt.u32 s29, $0x16;
	v27 =	vld [tilespmem:s30+$0xFFFFFE40]  }
0x32f: {  	v28 =	vld [tilespmem:s30+$0xFFFFFF40]  }
0x330: {  	v23 =	vadd.bf16 v0, v23;
	v29 =	vld [tilespmem:s30+$0xFFFFFE60]  }
0x331: {  	v24 =	vadd.bf16 v0, v24;
	v25 =	vadd.bf16 v0, v25;
	v30 =	vld [tilespmem:s30+$0xFFFFFF60]  }
0x332: {  	v16 =	vadd.bf16 v16, v23;
	v31 =	vld [tilespmem:s30+$0xFFFFFE80];
	v26 =	vadd.bf16 v0, v26  }
0x333: {  	v20 =	vadd.bf16 v20, v24;
	v23 =	vadd.bf16 v27, v25;
	v24 =	vld [tilespmem:s30+$0xFFFFFF80]  }
0x334: {  	v13 =	vadd.bf16 v13, v16;
	v25 =	vld [tilespmem:s30+$0xFFFFFEA0];
	v26 =	vadd.bf16 v28, v26  }
0x335: {  	v14 =	vadd.bf16 v14, v20;
	v16 =	vadd.bf16 v29, v23;
	v20 =	vld [tilespmem:s30+$0xFFFFFFA0]  }
0x336: {  	v13 =	vadd.bf16 v17, v13;
	v23 =	vld [tilespmem:s30+$0xFFFFFEC0];
	v26 =	vadd.bf16 v30, v26  }
.Ltmp9:
0x337: {  	v15 =	vadd.bf16 v15, v14;
	v16 =	vadd.bf16 v31, v16;
	v17 =	vld [tilespmem:s30+$0xFFFFFFC0];
	(pc) =	sbr.rel @p1 .LBB2_16-.Ltmp9, $4  }
0x338: {  	v22 =	vadd.bf16 v22, v13;
	v14 =	vld [tilespmem:s30+$0xFFFFFEE0];
	v24 =	vadd.bf16 v24, v26  }
0x339: {  	v15 =	vadd.bf16 v21, v15;
	v25 =	vadd.bf16 v25, v16;
	v16 =	vld [tilespmem:s30+$0xFFFFFFE0]  }
0x33a: {  	v13 =	vld [tilespmem:s30+$0xFFFFFF00];
	v21 =	vadd.bf16 v20, v24;
	v20 =	vadd.bf16 v18, v22  }
0x33b: {  	v19 =	vadd.bf16 v19, v15;
	v18 =	vadd.bf16 v23, v25;
	v15 =	vld [tilespmem:s30+$0x0];
	s30 =	sadd.s32 $0x200, s30  }
0x33c: {  	v22 =	vld [tilespmem:$0xFA90]  }
0x33d: {  	v23 =	vld [tilespmem:$0xFAA0]  }
0x33e: {  	v24 =	vld [tilespmem:$0xFAB0]  }
0x33f: {  	v25 =	vld [tilespmem:$0xFAC0]  }
0x340: {  	v26 =	vld [tilespmem:$0xFAD0]  }
0x341: {  	v27 =	vld [tilespmem:$0xFAE0];
	v22 =	vadd.bf16 v0, v22  }
0x342: {  	v17 =	vadd.bf16 v17, v21;
	v41 =	vld [tilespmem:$0xFAF0];
	v40 =	vadd.bf16 v0, v23  }
0x343: {  	v8 =	vadd.bf16 v8, v20;
	v43 =	vld [tilespmem:$0xFB00];
	v42 =	vadd.bf16 v24, v22  }
0x344: {  	v45 =	vld [tilespmem:$0xFB10];
	v7 =	vadd.bf16 v7, v19;
	v44 =	vadd.bf16 v25, v40  }
0x345: {  	v47 =	vld [tilespmem:$0xFB20];
	v14 =	vadd.bf16 v14, v18;
	v46 =	vadd.bf16 v26, v42  }
0x346: {  	v49 =	vld [tilespmem:$0xFB30];
	v16 =	vadd.bf16 v16, v17;
	v48 =	vadd.bf16 v27, v44  }
0x347: {  	v51 =	vld [tilespmem:$0xFB40];
	v5 =	vadd.bf16 v5, v8;
	v50 =	vadd.bf16 v41, v46  }
0x348: {  	v52 =	vld [tilespmem:$0xFB50];
	v6 =	vadd.bf16 v6, v7;
	v7 =	vadd.bf16 v43, v48  }
0x349: {  	v53 =	vld [tilespmem:$0xFB60];
	v13 =	vadd.bf16 v13, v14;
	v8 =	vadd.bf16 v45, v50  }
0x34a: {  	v54 =	vld [tilespmem:$0xFB70];
	v15 =	vadd.bf16 v15, v16;
	v7 =	vadd.bf16 v47, v7  }
0x34b: {  	v57 =	vld [tilespmem:$0xFB80];
	v55 =	vshll.u32 v5, $0x10;
	v56 =	vshll.u32 v6, $0x10;
	v8 =	vadd.bf16 v49, v8  }
0x34c: {  	v6 =	vand.u32 $0xFFFF0000, v6;
	v12 =	vadd.f32 v56, v12;
	v7 =	vadd.bf16 v51, v7  }
0x34d: {  	v58 =	vshll.u32 v13, $0x10;
	v6 =	vadd.f32 v6, v11;
	v8 =	vadd.bf16 v52, v8  }
0x34e: {  	v59 =	vand.u32 $0xFFFF0000, v13;
	v10 =	vadd.f32 v58, v10;
	v7 =	vadd.bf16 v53, v7  }
0x34f: {  	v5 =	vand.u32 $0xFFFF0000, v5;
	v9 =	vadd.f32 v59, v9;
	v8 =	vadd.bf16 v54, v8  }
0x350: {  	v60 =	vshll.u32 v15, $0x10;
	v12 =	vadd.f32 v55, v12;
	v7 =	vadd.bf16 v57, v7  }
0x351: {  	v5 =	vadd.f32 v5, v6;
	v6 =	vadd.f32 v60, v10;
	v61 =	vshll.u32 v8, $0x10  }
0x352: {  	v62 =	vand.u32 $0xFFFF0000, v15;
	v63 =	vshll.u32 v7, $0x10;
	v10 =	vadd.f32 v61, v12  }
.Ltmp10:
0x353: {  	v9 =	vadd.f32 v62, v9;
	v8 =	vand.u32 $0xFFFF0000, v8;
	v6 =	vadd.f32 v63, v6;
	(pc) =	sbr.rel @p0 .LBB2_19-.Ltmp10, $4  }
0x354: {  	v7 =	vand.u32 $0xFFFF0000, v7;
	v5 =	vadd.f32 v8, v5;
	[tilespmem:s28+$0xFBD0] =	vst v10  }
0x355: {  	v7 =	vadd.f32 v7, v9;
	[tilespmem:s28+$0xFBE0] =	vst v6  }
0x356: {  	[tilespmem:s28+$0xFBF0] =	vst v5  }
0x357: {  	[tilespmem:s28+$0xFC00] =	vst v7  }
0x358: {  	s28 =	smul.u32 $0x640, s26;
	_ =	sdelay $0x1  }
0x359: {  	s28 =	sshra.s32 s28, $0x2  }
0x35a: {  	v5 =	vld [tilespmem:s28+$0x258];
	_ =	sdelay $0x4  }
0x35b: {  	v6 =	vshll.u32 v5, $0x2  }
0x35c: {  	v7 =	vand.u32 $0xFFFFC000, v5;
	v5 =	vshrl.u32 v5, $0xC;
	v6 =	vand.u32 $0x3FFC, v6  }
0x35d: {  	v5 =	vand.u32 $0x3, v5;
	v6 =	vor.u32 v7, v6  }
0x35e: {  	v5 =	vor.u32 v5, v6  }
0x35f: {  	[tilespmem:$0xC8C8] =	vst v5  }
0x360: {  	v5 =	vld [tilespmem:s28+$0x268];
	_ =	sdelay $0x4  }
0x361: {  	v6 =	vshll.u32 v5, $0x2  }
0x362: {  	v7 =	vand.u32 $0xFFFFC000, v5;
	v5 =	vshrl.u32 v5, $0xC;
	v6 =	vand.u32 $0x3FFC, v6  }
0x363: {  	v5 =	vand.u32 $0x3, v5;
	v6 =	vor.u32 v7, v6  }
0x364: {  	v5 =	vor.u32 v5, v6  }
0x365: {  	[tilespmem:$0xC8D8] =	vst v5  }
0x366: {  	v5 =	vld [tilespmem:s28+$0x278];
	_ =	sdelay $0x4  }
0x367: {  	v6 =	vshll.u32 v5, $0x2  }
0x368: {  	v7 =	vand.u32 $0xFFFFC000, v5;
	v5 =	vshrl.u32 v5, $0xC;
	v6 =	vand.u32 $0x3FFC, v6  }
0x369: {  	v5 =	vand.u32 $0x3, v5;
	v6 =	vor.u32 v7, v6  }
0x36a: {  	v5 =	vor.u32 v5, v6  }
0x36b: {  	[tilespmem:$0xC8E8] =	vst v5  }
0x36c: {  	v5 =	vld [tilespmem:s28+$0x288];
	_ =	sdelay $0x4  }
0x36d: {  	v6 =	vshll.u32 v5, $0x2  }
0x36e: {  	v7 =	vand.u32 $0xFFFFC000, v5;
	v5 =	vshrl.u32 v5, $0xC;
	v6 =	vand.u32 $0x3FFC, v6  }
0x36f: {  	v5 =	vand.u32 $0x3, v5;
	v6 =	vor.u32 v7, v6  }
0x370: {  	v5 =	vor.u32 v5, v6  }
0x371: {  	[tilespmem:$0xC8F8] =	vst v5  }
0x372: {  	v5 =	vld [tilespmem:s28+$0x298];
	_ =	sdelay $0x4  }
0x373: {  	v6 =	vshll.u32 v5, $0x2  }
0x374: {  	v7 =	vand.u32 $0xFFFFC000, v5;
	v5 =	vshrl.u32 v5, $0xC;
	v6 =	vand.u32 $0x3FFC, v6  }
0x375: {  	v5 =	vand.u32 $0x3, v5;
	v6 =	vor.u32 v7, v6  }
0x376: {  	v5 =	vor.u32 v5, v6  }
0x377: {  	[tilespmem:$0xC908] =	vst v5  }
0x378: {  	v5 =	vld [tilespmem:s28+$0x2A8];
	_ =	sdelay $0x4  }
0x379: {  	v6 =	vshll.u32 v5, $0x2  }
0x37a: {  	v7 =	vand.u32 $0xFFFFC000, v5;
	v5 =	vshrl.u32 v5, $0xC;
	v6 =	vand.u32 $0x3FFC, v6  }
0x37b: {  	v5 =	vand.u32 $0x3, v5;
	v6 =	vor.u32 v7, v6  }
0x37c: {  	v5 =	vor.u32 v5, v6  }
0x37d: {  	[tilespmem:$0xC918] =	vst v5  }
0x37e: {  	v5 =	vld [tilespmem:s28+$0x2B8];
	_ =	sdelay $0x4  }
0x37f: {  	v6 =	vshll.u32 v5, $0x2  }
0x380: {  	v7 =	vand.u32 $0xFFFFC000, v5;
	v5 =	vshrl.u32 v5, $0xC;
	v6 =	vand.u32 $0x3FFC, v6  }
0x381: {  	v5 =	vand.u32 $0x3, v5;
	v6 =	vor.u32 v7, v6  }
0x382: {  	v5 =	vor.u32 v5, v6  }
0x383: {  	[tilespmem:$0xC928] =	vst v5  }
0x384: {  	v5 =	vld [tilespmem:s28+$0x2C8];
	_ =	sdelay $0x4  }
0x385: {  	v6 =	vshll.u32 v5, $0x2  }
0x386: {  	v7 =	vand.u32 $0xFFFFC000, v5;
	v5 =	vshrl.u32 v5, $0xC;
	v6 =	vand.u32 $0x3FFC, v6  }
0x387: {  	v5 =	vand.u32 $0x3, v5;
	v6 =	vor.u32 v7, v6  }
0x388: {  	v5 =	vor.u32 v5, v6  }
0x389: {  	[tilespmem:$0xC938] =	vst v5  }
0x38a: {  	v5 =	vld [tilespmem:s28+$0x2D8];
	_ =	sdelay $0x4  }
0x38b: {  	v6 =	vshll.u32 v5, $0x2  }
0x38c: {  	v7 =	vand.u32 $0xFFFFC000, v5;
	v5 =	vshrl.u32 v5, $0xC;
	v6 =	vand.u32 $0x3FFC, v6  }
0x38d: {  	v5 =	vand.u32 $0x3, v5;
	v6 =	vor.u32 v7, v6  }
0x38e: {  	v5 =	vor.u32 v5, v6  }
0x38f: {  	[tilespmem:$0xC948] =	vst v5  }
0x390: {  	v5 =	vld [tilespmem:s28+$0x2E8];
	_ =	sdelay $0x4  }
0x391: {  	v6 =	vshll.u32 v5, $0x2  }
0x392: {  	v7 =	vand.u32 $0xFFFFC000, v5;
	v5 =	vshrl.u32 v5, $0xC;
	v6 =	vand.u32 $0x3FFC, v6  }
0x393: {  	v5 =	vand.u32 $0x3, v5;
	v6 =	vor.u32 v7, v6  }
0x394: {  	v5 =	vor.u32 v5, v6  }
0x395: {  	[tilespmem:$0xC958] =	vst v5  }
0x396: {  	v5 =	vld [tilespmem:s28+$0x2F8];
	_ =	sdelay $0x4  }
0x397: {  	v6 =	vshll.u32 v5, $0x2  }
0x398: {  	v7 =	vand.u32 $0xFFFFC000, v5;
	v5 =	vshrl.u32 v5, $0xC;
	v6 =	vand.u32 $0x3FFC, v6  }
0x399: {  	v5 =	vand.u32 $0x3, v5;
	v6 =	vor.u32 v7, v6  }
0x39a: {  	v5 =	vor.u32 v5, v6  }
0x39b: {  	[tilespmem:$0xC968] =	vst v5  }
0x39c: {  	v5 =	vld [tilespmem:s28+$0x308];
	_ =	sdelay $0x4  }
0x39d: {  	v6 =	vshll.u32 v5, $0x2  }
0x39e: {  	v7 =	vand.u32 $0xFFFFC000, v5;
	v5 =	vshrl.u32 v5, $0xC;
	v6 =	vand.u32 $0x3FFC, v6  }
0x39f: {  	v5 =	vand.u32 $0x3, v5;
	v6 =	vor.u32 v7, v6  }
0x3a0: {  	v5 =	vor.u32 v5, v6  }
0x3a1: {  	[tilespmem:$0xC978] =	vst v5  }
0x3a2: {  	v5 =	vld [tilespmem:s28+$0x310];
	_ =	sdelay $0x4  }
0x3a3: {  	v6 =	vshll.u32 v5, $0x2  }
0x3a4: {  	v7 =	vand.u32 $0xFFFFC000, v5;
	v5 =	vshrl.u32 v5, $0xC;
	v6 =	vand.u32 $0x3FFC, v6  }
0x3a5: {  	v5 =	vand.u32 $0x3, v5;
	v6 =	vor.u32 v7, v6  }
.Ltmp11:
0x3a6: {  	v5 =	vor.u32 v5, v6;
	(pc) =	sbr.rel .LBB2_11-.Ltmp11, $4  }
0x3a7: {  	[tilespmem:$0xC980] =	vst v5  }
0x3a8: {  	[tilespmem:s19], [sflag:$0x2] =	stream.indirect.gather [hbm4b:s4+s12], $0x20, s18, s12, $0xb8;
	[tilespmem:$0x13BD0] =	vst v63  }
0x3a9: {  	s26 =	sadd.s32 $0x1, s26  }
0x3aa: {  	[tilespmem:s21], [sflag:$0x2] =	stream.indirect.gather [hbm4b:s4+s15], $0x20, s20, s15, $0xb8;
	[tilespmem:$0x13BD0] =	vst v63  }
.LBB2_20:
0x3ab: {  	_ =	sfence.sel $0x180000  }
0x3ac: {  	[bflag:$0x0] =	sbarrier.arrive $0xFFFF  }
0x3ad: {  	p0 =	sne.s32 s2, $0x0;
	_ =	strace $0x90000047  }
0x3ae: {  	s0 =	sadd.s32 @!p0 $0x100000, s0;
	[bflag:$0x2] =	sbarrier.arrive $0xFFFF  }
0x3af: {  	[sflag:s0] =	ssyncadd.tile.s32 @!p0 $0x1;
	_ =	shalt  }
.Lfunc_end2:
_tile_overlayer_lowered:
.L_overlay_start_2:
0x3b0: {  	(tag) =	ssettag $0x2  }
0x3b1: {  	s0 =	rddreg [dreg:$0x0];
	s2 =	stileid.u32  }
0x3b2: {  	s1 =	rddreg [dreg:$0x1];
	p0 =	sne.s32 s2, $0x0  }
0x3b3: {  	s3 =	rddreg [dreg:$0x2];
	[bflag:$0x3] =	sbarrier.arrive $0xFFFF;
	s2 =	simm.s32 @!p0 $0x1C03  }
0x3b4: {  	[timem:s3], [sflag:s2] =	dma.local @!p0 [hbm:s0], s1  }
0x3b5: {  	s0 =	simm.s32 @!p0 $0x3  }
0x3b6: {  	_ =	swait.ge @!p0 [sflag:s0], s1  }
0x3b7: {  	s1 =	ssub.s32 @!p0 $0x0, s1;
	[sflag:s0] =	ssyncset.done @!p0 $0x0  }
0x3b8: {  	[sflag:s0] =	ssyncadd.s32 @!p0 s1  }
0x3b9: {  	[bflag:$0x3] =	sbarrier.arrive $0xFFFF  }
0x3ba: {  	_ =	shalt  }

</sc_bundles>
